<compile_context>
chip_gen: v7x
topology: tpu7x:2x2x1
jax: 0.10.2.dev20260603
libtpu: 0.0.44.dev20260713+nightly
codegen_flags: <defaults>
</compile_context>

<pallas_src>
import functools

import jax
import jax.numpy as jnp
from jax import lax
from jax.experimental import pallas as pl
from jax.experimental.pallas import tpu as pltpu
from jax.experimental.pallas import tpu_sc as plsc

B = 1048576
NUM_DICE = 5
SIDES = 6
L = 16

NC = 2
NS = 16
NW = NC * NS

COLS_PER_W = B // NW
CW = 4096
NCHUNK = COLS_PER_W // CW
NBUF = 2


def _tec_body(dice_hbm, out_hbm, *refs):
    din = refs[0:NBUF]
    dout = refs[NBUF:2 * NBUF]
    sin = refs[2 * NBUF:3 * NBUF]
    sout = refs[3 * NBUF:4 * NBUF]
    wid = lax.axis_index("s") * NC + lax.axis_index("c")
    col0 = wid * COLS_PER_W

    def in_copy(c):
        return pltpu.make_async_copy(
            dice_hbm.at[:, pl.ds(col0 + c * CW, CW)], din[c % NBUF], sin[c % NBUF])

    def out_copy(c):
        return pltpu.make_async_copy(
            dout[c % NBUF], out_hbm.at[:, pl.ds(col0 + c * CW, CW)], sout[c % NBUF])

    for c in range(NBUF - 1):
        in_copy(c).start()
    for c in range(NCHUNK):
        b = c % NBUF
        if c + NBUF - 1 < NCHUNK:
            in_copy(c + NBUF - 1).start()
        in_copy(c).wait()

        if c >= NBUF:
            out_copy(c - NBUF).wait()

        @plsc.parallel_loop(0, CW, step=L, unroll=8)
        def group(b0):
            acc = jnp.zeros((L,), jnp.int32)
            for i in range(NUM_DICE):
                d = din[b][i, pl.ds(b0, L)]
                acc = acc + (jnp.full((L,), 1, jnp.int32) << (d * 3))
            for s in range(SIDES):
                dout[b][s, pl.ds(b0, L)] = ((acc >> (3 * s)) & 7).astype(jnp.float32)

        out_copy(c).start()
    for c in range(NCHUNK - NBUF, NCHUNK):
        out_copy(c).wait()


def kernel(dice_state, src):
    del src
    mesh = plsc.VectorSubcoreMesh(core_axis_name="c", subcore_axis_name="s")
    k = functools.partial(
        pl.kernel,
        mesh=mesh,
        compiler_params=pltpu.CompilerParams(
            needs_layout_passes=False,
            use_tc_tiling_on_sc=True,
        ),
        out_type=jax.ShapeDtypeStruct((SIDES, B), jnp.float32),
        scratch_types=(
            [pltpu.VMEM((NUM_DICE, CW), jnp.int32) for _ in range(NBUF)]
            + [pltpu.VMEM((SIDES, CW), jnp.float32) for _ in range(NBUF)]
            + [pltpu.SemaphoreType.DMA for _ in range(2 * NBUF)]
        ),
    )(_tec_body)
    return k(dice_state.T).T

# --- scband reference (transcript-rebuilt; emitter-appended) ---
"""Pipeline reference for scband-yahtzee-6124623364282 (READ-ONLY COPY).

The authoritative reference and input builder live on the scoring server;
editing this copy changes nothing except your own understanding.
"""

import jax, jax.numpy as jnp
import numpy as np

B = 1048576
NUM_DICE = 5
SIDES = 6

def setup_inputs(seed: int = 0) -> dict:
    key = jax.random.key(seed)
    k1, k2 = jax.random.split(key)
    # dice values 0..5 (reference adds 1 to mimic torch.randint(1, 7, ...))
    dice_state = jax.random.randint(k1, (B, NUM_DICE), 0, 6, dtype=jnp.int32)
    # torch code uses src=torch.ones(...) for scatter_add
    src = jnp.ones((B, NUM_DICE), dtype=jnp.float32)
    return {"dice_state": dice_state, "src": src}

def reference(dice_state, src):
    # mimic roll_dice histogram computation from Yahtzee.roll_dice
    dice = dice_state + 1  # values in [1, 6]
    # original code calls torch.sort(...) but discards the result; replicate (no-op)
    _sorted = jnp.sort(dice, axis=1)
    rows = jnp.arange(B, dtype=jnp.int32)[:, None]
    # dice_histagram.scatter_add(dim=1, index=dice_state - 1, src=ones)
    hist = jnp.zeros((B, SIDES), dtype=jnp.float32).at[rows, dice - 1].add(src)
    return hist

if __name__ == "__main__":
    import jax
    _d = setup_inputs()
    print(jax.jit(kernel)(*tuple(_d.values())))

</pallas_src>

<mosaic_0001>
#map = affine_map<(d0, d1) -> (0, 0)>
module attributes {stable_mosaic.version = 14 : i64} {
  func.func @_tec_body(%arg0: i32, %arg1: i32, %arg2: memref<5x1048576xi32, #tpu.memory_space<hbm>>, %arg3: memref<6x1048576xf32, #tpu.memory_space<hbm>>, %arg4: memref<5x4096xi32, #tpu.memory_space<vmem>>, %arg5: memref<5x4096xi32, #tpu.memory_space<vmem>>, %arg6: memref<6x4096xf32, #tpu.memory_space<vmem>>, %arg7: memref<6x4096xf32, #tpu.memory_space<vmem>>, %arg8: memref<!tpu.dma_semaphore, #tpu.memory_space<semaphore_mem>>, %arg9: memref<!tpu.dma_semaphore, #tpu.memory_space<semaphore_mem>>, %arg10: memref<!tpu.dma_semaphore, #tpu.memory_space<semaphore_mem>>, %arg11: memref<!tpu.dma_semaphore, #tpu.memory_space<semaphore_mem>>) attributes {dimension_semantics = [#tpu.dimension_semantics<core_parallel>, #tpu.dimension_semantics<subcore_parallel>], iteration_bounds = array<i64: 2, 16>, scalar_prefetch = 0 : i64, scratch_operands = 8 : i64, tpu.core_type = #tpu.core_type<sc_vector_subcore>, window_params = [{transform_indices = #map}, {transform_indices = #map}]} {
    %mul3A = arith.constant 2 : i32
    %mul3A_0 = arith.muli %arg1, %mul3A : i32
    %add3A = arith.addi %mul3A_0, %arg0 : i32
    %mul3A_1 = arith.constant 32768 : i32
    %mul3A_2 = arith.muli %add3A, %mul3A_1 : i32
    %add3A_3 = arith.constant 0 : i32
    %add3A_4 = arith.addi %mul3A_2, %add3A_3 : i32
    %dma_start3A = arith.constant 0 : i32
    %dma_start3A_5 = tpu.memref_slice %arg2[%dma_start3A, %add3A_4] : memref<5x1048576xi32, #tpu.memory_space<hbm>> -> memref<5x4096xi32, #tpu.memory_space<hbm>>
    %dma_start3A_6 = arith.constant 0 : i32
    %dma_start3A_7 = tpu.memref_slice %arg2[%dma_start3A_6, %add3A_4] : memref<5x1048576xi32, #tpu.memory_space<hbm>> -> memref<5x4096xi32, #tpu.memory_space<hbm>>
    tpu.enqueue_dma source(%dma_start3A_7 : memref<5x4096xi32, #tpu.memory_space<hbm>>) target(%arg4 : memref<5x4096xi32, #tpu.memory_space<vmem>>) target_semaphore(%arg8 : memref<!tpu.dma_semaphore, #tpu.memory_space<semaphore_mem>>)
    %add3A_8 = arith.constant 4096 : i32
    %add3A_9 = arith.addi %mul3A_2, %add3A_8 : i32
    %dma_start3A_10 = arith.constant 0 : i32
    %dma_start3A_11 = tpu.memref_slice %arg2[%dma_start3A_10, %add3A_9] : memref<5x1048576xi32, #tpu.memory_space<hbm>> -> memref<5x4096xi32, #tpu.memory_space<hbm>>
    %dma_start3A_12 = arith.constant 0 : i32
    %dma_start3A_13 = tpu.memref_slice %arg2[%dma_start3A_12, %add3A_9] : memref<5x1048576xi32, #tpu.memory_space<hbm>> -> memref<5x4096xi32, #tpu.memory_space<hbm>>
    tpu.enqueue_dma source(%dma_start3A_13 : memref<5x4096xi32, #tpu.memory_space<hbm>>) target(%arg5 : memref<5x4096xi32, #tpu.memory_space<vmem>>) target_semaphore(%arg9 : memref<!tpu.dma_semaphore, #tpu.memory_space<semaphore_mem>>)
    %add3A_14 = arith.constant 0 : i32
    %add3A_15 = arith.addi %mul3A_2, %add3A_14 : i32
    %dma_wait3A = arith.constant 0 : i32
    %dma_wait3A_16 = tpu.memref_slice %arg2[%dma_wait3A, %add3A_15] : memref<5x1048576xi32, #tpu.memory_space<hbm>> -> memref<5x4096xi32, #tpu.memory_space<hbm>>
    %dma_wait3A_17 = arith.constant 0 : i32
    %dma_wait3A_18 = tpu.memref_slice %arg2[%dma_wait3A_17, %add3A_15] : memref<5x1048576xi32, #tpu.memory_space<hbm>> -> memref<5x4096xi32, #tpu.memory_space<hbm>>
    tpu.wait_dma2 semaphore(%arg8 : memref<!tpu.dma_semaphore, #tpu.memory_space<semaphore_mem>>) src(%dma_wait3A_18 : memref<5x4096xi32, #tpu.memory_space<hbm>>) dst(%arg4 : memref<5x4096xi32, #tpu.memory_space<vmem>>)
    %parallel_loop3A = arith.constant 0 : i32
    %parallel_loop3A_19 = arith.constant 4096 : i32
    %parallel_loop3A_20 = arith.constant 16 : i32
    scf.for %parallel_loop3A_216 = %parallel_loop3A to %parallel_loop3A_19 step %parallel_loop3A_20  : i32 {
      %parallel_loop3A_217 = arith.constant 0 : i32
      %parallel_loop3A_218 = vector.broadcast %parallel_loop3A_217 : i32 to vector<16xi32>
      %parallel_loop3A_219 = arith.constant 0 : i32
      %parallel_loop3A_220 = arith.index_cast %parallel_loop3A_219 : i32 to index
      %parallel_loop3A_221 = arith.index_cast %parallel_loop3A_216 : i32 to index
      %parallel_loop3A_222 = tpu.vector_load %arg4[%parallel_loop3A_220, %parallel_loop3A_221] {strides = array<i32>} : memref<5x4096xi32, #tpu.memory_space<vmem>>, vector<16xi32>,
      %parallel_loop3A_223 = arith.constant 1 : i32
      %parallel_loop3A_224 = vector.broadcast %parallel_loop3A_223 : i32 to vector<16xi32>
      %parallel_loop3A_225 = arith.constant 3 : i32
      %parallel_loop3A_226 = vector.broadcast %parallel_loop3A_225 : i32 to vector<16xi32>
      %parallel_loop3A_227 = arith.muli %parallel_loop3A_222, %parallel_loop3A_226 : vector<16xi32>
      %parallel_loop3A_228 = arith.shli %parallel_loop3A_224, %parallel_loop3A_227 : vector<16xi32>
      %parallel_loop3A_229 = arith.addi %parallel_loop3A_218, %parallel_loop3A_228 : vector<16xi32>
      %parallel_loop3A_230 = arith.constant 1 : i32
      %parallel_loop3A_231 = arith.index_cast %parallel_loop3A_230 : i32 to index
      %parallel_loop3A_232 = arith.index_cast %parallel_loop3A_216 : i32 to index
      %parallel_loop3A_233 = tpu.vector_load %arg4[%parallel_loop3A_231, %parallel_loop3A_232] {strides = array<i32>} : memref<5x4096xi32, #tpu.memory_space<vmem>>, vector<16xi32>,
      %parallel_loop3A_234 = arith.constant 1 : i32
      %parallel_loop3A_235 = vector.broadcast %parallel_loop3A_234 : i32 to vector<16xi32>
      %parallel_loop3A_236 = arith.constant 3 : i32
      %parallel_loop3A_237 = vector.broadcast %parallel_loop3A_236 : i32 to vector<16xi32>
      %parallel_loop3A_238 = arith.muli %parallel_loop3A_233, %parallel_loop3A_237 : vector<16xi32>
      %parallel_loop3A_239 = arith.shli %parallel_loop3A_235, %parallel_loop3A_238 : vector<16xi32>
      %parallel_loop3A_240 = arith.addi %parallel_loop3A_229, %parallel_loop3A_239 : vector<16xi32>
      %parallel_loop3A_241 = arith.constant 2 : i32
      %parallel_loop3A_242 = arith.index_cast %parallel_loop3A_241 : i32 to index
      %parallel_loop3A_243 = arith.index_cast %parallel_loop3A_216 : i32 to index
      %parallel_loop3A_244 = tpu.vector_load %arg4[%parallel_loop3A_242, %parallel_loop3A_243] {strides = array<i32>} : memref<5x4096xi32, #tpu.memory_space<vmem>>, vector<16xi32>,
      %parallel_loop3A_245 = arith.constant 1 : i32
      %parallel_loop3A_246 = vector.broadcast %parallel_loop3A_245 : i32 to vector<16xi32>
      %parallel_loop3A_247 = arith.constant 3 : i32
      %parallel_loop3A_248 = vector.broadcast %parallel_loop3A_247 : i32 to vector<16xi32>
      %parallel_loop3A_249 = arith.muli %parallel_loop3A_244, %parallel_loop3A_248 : vector<16xi32>
      %parallel_loop3A_250 = arith.shli %parallel_loop3A_246, %parallel_loop3A_249 : vector<16xi32>
      %parallel_loop3A_251 = arith.addi %parallel_loop3A_240, %parallel_loop3A_250 : vector<16xi32>
      %parallel_loop3A_252 = arith.constant 3 : i32
      %parallel_loop3A_253 = arith.index_cast %parallel_loop3A_252 : i32 to index
      %parallel_loop3A_254 = arith.index_cast %parallel_loop3A_216 : i32 to index
      %parallel_loop3A_255 = tpu.vector_load %arg4[%parallel_loop3A_253, %parallel_loop3A_254] {strides = array<i32>} : memref<5x4096xi32, #tpu.memory_space<vmem>>, vector<16xi32>,
      %parallel_loop3A_256 = arith.constant 1 : i32
      %parallel_loop3A_257 = vector.broadcast %parallel_loop3A_256 : i32 to vector<16xi32>
      %parallel_loop3A_258 = arith.constant 3 : i32
      %parallel_loop3A_259 = vector.broadcast %parallel_loop3A_258 : i32 to vector<16xi32>
      %parallel_loop3A_260 = arith.muli %parallel_loop3A_255, %parallel_loop3A_259 : vector<16xi32>
      %parallel_loop3A_261 = arith.shli %parallel_loop3A_257, %parallel_loop3A_260 : vector<16xi32>
      %parallel_loop3A_262 = arith.addi %parallel_loop3A_251, %parallel_loop3A_261 : vector<16xi32>
      %parallel_loop3A_263 = arith.constant 4 : i32
      %parallel_loop3A_264 = arith.index_cast %parallel_loop3A_263 : i32 to index
      %parallel_loop3A_265 = arith.index_cast %parallel_loop3A_216 : i32 to index
      %parallel_loop3A_266 = tpu.vector_load %arg4[%parallel_loop3A_264, %parallel_loop3A_265] {strides = array<i32>} : memref<5x4096xi32, #tpu.memory_space<vmem>>, vector<16xi32>,
      %parallel_loop3A_267 = arith.constant 1 : i32
      %parallel_loop3A_268 = vector.broadcast %parallel_loop3A_267 : i32 to vector<16xi32>
      %parallel_loop3A_269 = arith.constant 3 : i32
      %parallel_loop3A_270 = vector.broadcast %parallel_loop3A_269 : i32 to vector<16xi32>
      %parallel_loop3A_271 = arith.muli %parallel_loop3A_266, %parallel_loop3A_270 : vector<16xi32>
      %parallel_loop3A_272 = arith.shli %parallel_loop3A_268, %parallel_loop3A_271 : vector<16xi32>
      %parallel_loop3A_273 = arith.addi %parallel_loop3A_262, %parallel_loop3A_272 : vector<16xi32>
      %parallel_loop3A_274 = arith.constant 0 : i32
      %parallel_loop3A_275 = vector.broadcast %parallel_loop3A_274 : i32 to vector<16xi32>
      %parallel_loop3A_276 = arith.shrsi %parallel_loop3A_273, %parallel_loop3A_275 : vector<16xi32>
      %parallel_loop3A_277 = arith.constant 7 : i32
      %parallel_loop3A_278 = vector.broadcast %parallel_loop3A_277 : i32 to vector<16xi32>
      %parallel_loop3A_279 = arith.andi %parallel_loop3A_276, %parallel_loop3A_278 : vector<16xi32>
      %parallel_loop3A_280 = arith.sitofp %parallel_loop3A_279 : vector<16xi32> to vector<16xf32>
      %parallel_loop3A_281 = arith.constant 0 : i32
      %parallel_loop3A_282 = arith.index_cast %parallel_loop3A_281 : i32 to index
      %parallel_loop3A_283 = arith.index_cast %parallel_loop3A_216 : i32 to index
      %parallel_loop3A_284 = tpu.vector_load %arg6[%parallel_loop3A_282, %parallel_loop3A_283] {strides = array<i32>} : memref<6x4096xf32, #tpu.memory_space<vmem>>, vector<16xf32>,
      tpu.vector_store %arg6[%parallel_loop3A_282, %parallel_loop3A_283], %parallel_loop3A_280 {strides = array<i32>} : memref<6x4096xf32, #tpu.memory_space<vmem>>, vector<16xf32>,
      %parallel_loop3A_285 = arith.constant 3 : i32
      %parallel_loop3A_286 = vector.broadcast %parallel_loop3A_285 : i32 to vector<16xi32>
      %parallel_loop3A_287 = arith.shrsi %parallel_loop3A_273, %parallel_loop3A_286 : vector<16xi32>
      %parallel_loop3A_288 = arith.constant 7 : i32
      %parallel_loop3A_289 = vector.broadcast %parallel_loop3A_288 : i32 to vector<16xi32>
      %parallel_loop3A_290 = arith.andi %parallel_loop3A_287, %parallel_loop3A_289 : vector<16xi32>
      %parallel_loop3A_291 = arith.sitofp %parallel_loop3A_290 : vector<16xi32> to vector<16xf32>
      %parallel_loop3A_292 = arith.constant 1 : i32
      %parallel_loop3A_293 = arith.index_cast %parallel_loop3A_292 : i32 to index
      %parallel_loop3A_294 = arith.index_cast %parallel_loop3A_216 : i32 to index
      %parallel_loop3A_295 = tpu.vector_load %arg6[%parallel_loop3A_293, %parallel_loop3A_294] {strides = array<i32>} : memref<6x4096xf32, #tpu.memory_space<vmem>>, vector<16xf32>,
      tpu.vector_store %arg6[%parallel_loop3A_293, %parallel_loop3A_294], %parallel_loop3A_291 {strides = array<i32>} : memref<6x4096xf32, #tpu.memory_space<vmem>>, vector<16xf32>,
      %parallel_loop3A_296 = arith.constant 6 : i32
      %parallel_loop3A_297 = vector.broadcast %parallel_loop3A_296 : i32 to vector<16xi32>
      %parallel_loop3A_298 = arith.shrsi %parallel_loop3A_273, %parallel_loop3A_297 : vector<16xi32>
      %parallel_loop3A_299 = arith.constant 7 : i32
      %parallel_loop3A_300 = vector.broadcast %parallel_loop3A_299 : i32 to vector<16xi32>
      %parallel_loop3A_301 = arith.andi %parallel_loop3A_298, %parallel_loop3A_300 : vector<16xi32>
      %parallel_loop3A_302 = arith.sitofp %parallel_loop3A_301 : vector<16xi32> to vector<16xf32>
      %parallel_loop3A_303 = arith.constant 2 : i32
      %parallel_loop3A_304 = arith.index_cast %parallel_loop3A_303 : i32 to index
      %parallel_loop3A_305 = arith.index_cast %parallel_loop3A_216 : i32 to index
      %parallel_loop3A_306 = tpu.vector_load %arg6[%parallel_loop3A_304, %parallel_loop3A_305] {strides = array<i32>} : memref<6x4096xf32, #tpu.memory_space<vmem>>, vector<16xf32>,
      tpu.vector_store %arg6[%parallel_loop3A_304, %parallel_loop3A_305], %parallel_loop3A_302 {strides = array<i32>} : memref<6x4096xf32, #tpu.memory_space<vmem>>, vector<16xf32>,
      %parallel_loop3A_307 = arith.constant 9 : i32
      %parallel_loop3A_308 = vector.broadcast %parallel_loop3A_307 : i32 to vector<16xi32>
      %parallel_loop3A_309 = arith.shrsi %parallel_loop3A_273, %parallel_loop3A_308 : vector<16xi32>
      %parallel_loop3A_310 = arith.constant 7 : i32
      %parallel_loop3A_311 = vector.broadcast %parallel_loop3A_310 : i32 to vector<16xi32>
      %parallel_loop3A_312 = arith.andi %parallel_loop3A_309, %parallel_loop3A_311 : vector<16xi32>
      %parallel_loop3A_313 = arith.sitofp %parallel_loop3A_312 : vector<16xi32> to vector<16xf32>
      %parallel_loop3A_314 = arith.constant 3 : i32
      %parallel_loop3A_315 = arith.index_cast %parallel_loop3A_314 : i32 to index
      %parallel_loop3A_316 = arith.index_cast %parallel_loop3A_216 : i32 to index
      %parallel_loop3A_317 = tpu.vector_load %arg6[%parallel_loop3A_315, %parallel_loop3A_316] {strides = array<i32>} : memref<6x4096xf32, #tpu.memory_space<vmem>>, vector<16xf32>,
      tpu.vector_store %arg6[%parallel_loop3A_315, %parallel_loop3A_316], %parallel_loop3A_313 {strides = array<i32>} : memref<6x4096xf32, #tpu.memory_space<vmem>>, vector<16xf32>,
      %parallel_loop3A_318 = arith.constant 12 : i32
      %parallel_loop3A_319 = vector.broadcast %parallel_loop3A_318 : i32 to vector<16xi32>
      %parallel_loop3A_320 = arith.shrsi %parallel_loop3A_273, %parallel_loop3A_319 : vector<16xi32>
      %parallel_loop3A_321 = arith.constant 7 : i32
      %parallel_loop3A_322 = vector.broadcast %parallel_loop3A_321 : i32 to vector<16xi32>
      %parallel_loop3A_323 = arith.andi %parallel_loop3A_320, %parallel_loop3A_322 : vector<16xi32>
      %parallel_loop3A_324 = arith.sitofp %parallel_loop3A_323 : vector<16xi32> to vector<16xf32>
      %parallel_loop3A_325 = arith.constant 4 : i32
      %parallel_loop3A_326 = arith.index_cast %parallel_loop3A_325 : i32 to index
      %parallel_loop3A_327 = arith.index_cast %parallel_loop3A_216 : i32 to index
      %parallel_loop3A_328 = tpu.vector_load %arg6[%parallel_loop3A_326, %parallel_loop3A_327] {strides = array<i32>} : memref<6x4096xf32, #tpu.memory_space<vmem>>, vector<16xf32>,
      tpu.vector_store %arg6[%parallel_loop3A_326, %parallel_loop3A_327], %parallel_loop3A_324 {strides = array<i32>} : memref<6x4096xf32, #tpu.memory_space<vmem>>, vector<16xf32>,
      %parallel_loop3A_329 = arith.constant 15 : i32
      %parallel_loop3A_330 = vector.broadcast %parallel_loop3A_329 : i32 to vector<16xi32>
      %parallel_loop3A_331 = arith.shrsi %parallel_loop3A_273, %parallel_loop3A_330 : vector<16xi32>
      %parallel_loop3A_332 = arith.constant 7 : i32
      %parallel_loop3A_333 = vector.broadcast %parallel_loop3A_332 : i32 to vector<16xi32>
      %parallel_loop3A_334 = arith.andi %parallel_loop3A_331, %parallel_loop3A_333 : vector<16xi32>
      %parallel_loop3A_335 = arith.sitofp %parallel_loop3A_334 : vector<16xi32> to vector<16xf32>
      %parallel_loop3A_336 = arith.constant 5 : i32
      %parallel_loop3A_337 = arith.index_cast %parallel_loop3A_336 : i32 to index
      %parallel_loop3A_338 = arith.index_cast %parallel_loop3A_216 : i32 to index
      %parallel_loop3A_339 = tpu.vector_load %arg6[%parallel_loop3A_337, %parallel_loop3A_338] {strides = array<i32>} : memref<6x4096xf32, #tpu.memory_space<vmem>>, vector<16xf32>,
      tpu.vector_store %arg6[%parallel_loop3A_337, %parallel_loop3A_338], %parallel_loop3A_335 {strides = array<i32>} : memref<6x4096xf32, #tpu.memory_space<vmem>>, vector<16xf32>,
    } {sc.loop_unroll_factor = 8 : i64, sc.parallel_access}
    %add3A_21 = arith.constant 0 : i32
    %add3A_22 = arith.addi %mul3A_2, %add3A_21 : i32
    %dma_start3A_23 = arith.constant 0 : i32
    %dma_start3A_24 = tpu.memref_slice %arg3[%dma_start3A_23, %add3A_22] : memref<6x1048576xf32, #tpu.memory_space<hbm>> -> memref<6x4096xf32, #tpu.memory_space<hbm>>
    %dma_start3A_25 = arith.constant 0 : i32
    %dma_start3A_26 = tpu.memref_slice %arg3[%dma_start3A_25, %add3A_22] : memref<6x1048576xf32, #tpu.memory_space<hbm>> -> memref<6x4096xf32, #tpu.memory_space<hbm>>
    tpu.enqueue_dma source(%arg6 : memref<6x4096xf32, #tpu.memory_space<vmem>>) target(%dma_start3A_26 : memref<6x4096xf32, #tpu.memory_space<hbm>>) target_semaphore(%arg10 : memref<!tpu.dma_semaphore, #tpu.memory_space<semaphore_mem>>)
    %add3A_27 = arith.constant 8192 : i32
    %add3A_28 = arith.addi %mul3A_2, %add3A_27 : i32
    %dma_start3A_29 = arith.constant 0 : i32
    %dma_start3A_30 = tpu.memref_slice %arg2[%dma_start3A_29, %add3A_28] : memref<5x1048576xi32, #tpu.memory_space<hbm>> -> memref<5x4096xi32, #tpu.memory_space<hbm>>
    %dma_start3A_31 = arith.constant 0 : i32
    %dma_start3A_32 = tpu.memref_slice %arg2[%dma_start3A_31, %add3A_28] : memref<5x1048576xi32, #tpu.memory_space<hbm>> -> memref<5x4096xi32, #tpu.memory_space<hbm>>
    tpu.enqueue_dma source(%dma_start3A_32 : memref<5x4096xi32, #tpu.memory_space<hbm>>) target(%arg4 : memref<5x4096xi32, #tpu.memory_space<vmem>>) target_semaphore(%arg8 : memref<!tpu.dma_semaphore, #tpu.memory_space<semaphore_mem>>)
    %add3A_33 = arith.constant 4096 : i32
    %add3A_34 = arith.addi %mul3A_2, %add3A_33 : i32
    %dma_wait3A_35 = arith.constant 0 : i32
    %dma_wait3A_36 = tpu.memref_slice %arg2[%dma_wait3A_35, %add3A_34] : memref<5x1048576xi32, #tpu.memory_space<hbm>> -> memref<5x4096xi32, #tpu.memory_space<hbm>>
    %dma_wait3A_37 = arith.constant 0 : i32
    %dma_wait3A_38 = tpu.memref_slice %arg2[%dma_wait3A_37, %add3A_34] : memref<5x1048576xi32, #tpu.memory_space<hbm>> -> memref<5x4096xi32, #tpu.memory_space<hbm>>
    tpu.wait_dma2 semaphore(%arg9 : memref<!tpu.dma_semaphore, #tpu.memory_space<semaphore_mem>>) src(%dma_wait3A_38 : memref<5x4096xi32, #tpu.memory_space<hbm>>) dst(%arg5 : memref<5x4096xi32, #tpu.memory_space<vmem>>)
    %parallel_loop3A_39 = arith.constant 0 : i32
    %parallel_loop3A_40 = arith.constant 4096 : i32
    %parallel_loop3A_41 = arith.constant 16 : i32
    scf.for %parallel_loop3A_216 = %parallel_loop3A_39 to %parallel_loop3A_40 step %parallel_loop3A_41  : i32 {
      %parallel_loop3A_217 = arith.constant 0 : i32
      %parallel_loop3A_218 = vector.broadcast %parallel_loop3A_217 : i32 to vector<16xi32>
      %parallel_loop3A_219 = arith.constant 0 : i32
      %parallel_loop3A_220 = arith.index_cast %parallel_loop3A_219 : i32 to index
      %parallel_loop3A_221 = arith.index_cast %parallel_loop3A_216 : i32 to index
      %parallel_loop3A_222 = tpu.vector_load %arg5[%parallel_loop3A_220, %parallel_loop3A_221] {strides = array<i32>} : memref<5x4096xi32, #tpu.memory_space<vmem>>, vector<16xi32>,
      %parallel_loop3A_223 = arith.constant 1 : i32
      %parallel_loop3A_224 = vector.broadcast %parallel_loop3A_223 : i32 to vector<16xi32>
      %parallel_loop3A_225 = arith.constant 3 : i32
      %parallel_loop3A_226 = vector.broadcast %parallel_loop3A_225 : i32 to vector<16xi32>
      %parallel_loop3A_227 = arith.muli %parallel_loop3A_222, %parallel_loop3A_226 : vector<16xi32>
      %parallel_loop3A_228 = arith.shli %parallel_loop3A_224, %parallel_loop3A_227 : vector<16xi32>
      %parallel_loop3A_229 = arith.addi %parallel_loop3A_218, %parallel_loop3A_228 : vector<16xi32>
      %parallel_loop3A_230 = arith.constant 1 : i32
      %parallel_loop3A_231 = arith.index_cast %parallel_loop3A_230 : i32 to index
      %parallel_loop3A_232 = arith.index_cast %parallel_loop3A_216 : i32 to index
      %parallel_loop3A_233 = tpu.vector_load %arg5[%parallel_loop3A_231, %parallel_loop3A_232] {strides = array<i32>} : memref<5x4096xi32, #tpu.memory_space<vmem>>, vector<16xi32>,
      %parallel_loop3A_234 = arith.constant 1 : i32
      %parallel_loop3A_235 = vector.broadcast %parallel_loop3A_234 : i32 to vector<16xi32>
      %parallel_loop3A_236 = arith.constant 3 : i32
      %parallel_loop3A_237 = vector.broadcast %parallel_loop3A_236 : i32 to vector<16xi32>
      %parallel_loop3A_238 = arith.muli %parallel_loop3A_233, %parallel_loop3A_237 : vector<16xi32>
      %parallel_loop3A_239 = arith.shli %parallel_loop3A_235, %parallel_loop3A_238 : vector<16xi32>
      %parallel_loop3A_240 = arith.addi %parallel_loop3A_229, %parallel_loop3A_239 : vector<16xi32>
      %parallel_loop3A_241 = arith.constant 2 : i32
      %parallel_loop3A_242 = arith.index_cast %parallel_loop3A_241 : i32 to index
      %parallel_loop3A_243 = arith.index_cast %parallel_loop3A_216 : i32 to index
      %parallel_loop3A_244 = tpu.vector_load %arg5[%parallel_loop3A_242, %parallel_loop3A_243] {strides = array<i32>} : memref<5x4096xi32, #tpu.memory_space<vmem>>, vector<16xi32>,
      %parallel_loop3A_245 = arith.constant 1 : i32
      %parallel_loop3A_246 = vector.broadcast %parallel_loop3A_245 : i32 to vector<16xi32>
      %parallel_loop3A_247 = arith.constant 3 : i32
      %parallel_loop3A_248 = vector.broadcast %parallel_loop3A_247 : i32 to vector<16xi32>
      %parallel_loop3A_249 = arith.muli %parallel_loop3A_244, %parallel_loop3A_248 : vector<16xi32>
      %parallel_loop3A_250 = arith.shli %parallel_loop3A_246, %parallel_loop3A_249 : vector<16xi32>
      %parallel_loop3A_251 = arith.addi %parallel_loop3A_240, %parallel_loop3A_250 : vector<16xi32>
      %parallel_loop3A_252 = arith.constant 3 : i32
      %parallel_loop3A_253 = arith.index_cast %parallel_loop3A_252 : i32 to index
      %parallel_loop3A_254 = arith.index_cast %parallel_loop3A_216 : i32 to index
      %parallel_loop3A_255 = tpu.vector_load %arg5[%parallel_loop3A_253, %parallel_loop3A_254] {strides = array<i32>} : memref<5x4096xi32, #tpu.memory_space<vmem>>, vector<16xi32>,
      %parallel_loop3A_256 = arith.constant 1 : i32
      %parallel_loop3A_257 = vector.broadcast %parallel_loop3A_256 : i32 to vector<16xi32>
      %parallel_loop3A_258 = arith.constant 3 : i32
      %parallel_loop3A_259 = vector.broadcast %parallel_loop3A_258 : i32 to vector<16xi32>
      %parallel_loop3A_260 = arith.muli %parallel_loop3A_255, %parallel_loop3A_259 : vector<16xi32>
      %parallel_loop3A_261 = arith.shli %parallel_loop3A_257, %parallel_loop3A_260 : vector<16xi32>
      %parallel_loop3A_262 = arith.addi %parallel_loop3A_251, %parallel_loop3A_261 : vector<16xi32>
      %parallel_loop3A_263 = arith.constant 4 : i32
      %parallel_loop3A_264 = arith.index_cast %parallel_loop3A_263 : i32 to index
      %parallel_loop3A_265 = arith.index_cast %parallel_loop3A_216 : i32 to index
      %parallel_loop3A_266 = tpu.vector_load %arg5[%parallel_loop3A_264, %parallel_loop3A_265] {strides = array<i32>} : memref<5x4096xi32, #tpu.memory_space<vmem>>, vector<16xi32>,
      %parallel_loop3A_267 = arith.constant 1 : i32
      %parallel_loop3A_268 = vector.broadcast %parallel_loop3A_267 : i32 to vector<16xi32>
      %parallel_loop3A_269 = arith.constant 3 : i32
      %parallel_loop3A_270 = vector.broadcast %parallel_loop3A_269 : i32 to vector<16xi32>
      %parallel_loop3A_271 = arith.muli %parallel_loop3A_266, %parallel_loop3A_270 : vector<16xi32>
      %parallel_loop3A_272 = arith.shli %parallel_loop3A_268, %parallel_loop3A_271 : vector<16xi32>
      %parallel_loop3A_273 = arith.addi %parallel_loop3A_262, %parallel_loop3A_272 : vector<16xi32>
      %parallel_loop3A_274 = arith.constant 0 : i32
      %parallel_loop3A_275 = vector.broadcast %parallel_loop3A_274 : i32 to vector<16xi32>
      %parallel_loop3A_276 = arith.shrsi %parallel_loop3A_273, %parallel_loop3A_275 : vector<16xi32>
      %parallel_loop3A_277 = arith.constant 7 : i32
      %parallel_loop3A_278 = vector.broadcast %parallel_loop3A_277 : i32 to vector<16xi32>
      %parallel_loop3A_279 = arith.andi %parallel_loop3A_276, %parallel_loop3A_278 : vector<16xi32>
      %parallel_loop3A_280 = arith.sitofp %parallel_loop3A_279 : vector<16xi32> to vector<16xf32>
      %parallel_loop3A_281 = arith.constant 0 : i32
      %parallel_loop3A_282 = arith.index_cast %parallel_loop3A_281 : i32 to index
      %parallel_loop3A_283 = arith.index_cast %parallel_loop3A_216 : i32 to index
      %parallel_loop3A_284 = tpu.vector_load %arg7[%parallel_loop3A_282, %parallel_loop3A_283] {strides = array<i32>} : memref<6x4096xf32, #tpu.memory_space<vmem>>, vector<16xf32>,
      tpu.vector_store %arg7[%parallel_loop3A_282, %parallel_loop3A_283], %parallel_loop3A_280 {strides = array<i32>} : memref<6x4096xf32, #tpu.memory_space<vmem>>, vector<16xf32>,
      %parallel_loop3A_285 = arith.constant 3 : i32
      %parallel_loop3A_286 = vector.broadcast %parallel_loop3A_285 : i32 to vector<16xi32>
      %parallel_loop3A_287 = arith.shrsi %parallel_loop3A_273, %parallel_loop3A_286 : vector<16xi32>
      %parallel_loop3A_288 = arith.constant 7 : i32
      %parallel_loop3A_289 = vector.broadcast %parallel_loop3A_288 : i32 to vector<16xi32>
      %parallel_loop3A_290 = arith.andi %parallel_loop3A_287, %parallel_loop3A_289 : vector<16xi32>
      %parallel_loop3A_291 = arith.sitofp %parallel_loop3A_290 : vector<16xi32> to vector<16xf32>
      %parallel_loop3A_292 = arith.constant 1 : i32
      %parallel_loop3A_293 = arith.index_cast %parallel_loop3A_292 : i32 to index
      %parallel_loop3A_294 = arith.index_cast %parallel_loop3A_216 : i32 to index
      %parallel_loop3A_295 = tpu.vector_load %arg7[%parallel_loop3A_293, %parallel_loop3A_294] {strides = array<i32>} : memref<6x4096xf32, #tpu.memory_space<vmem>>, vector<16xf32>,
      tpu.vector_store %arg7[%parallel_loop3A_293, %parallel_loop3A_294], %parallel_loop3A_291 {strides = array<i32>} : memref<6x4096xf32, #tpu.memory_space<vmem>>, vector<16xf32>,
      %parallel_loop3A_296 = arith.constant 6 : i32
      %parallel_loop3A_297 = vector.broadcast %parallel_loop3A_296 : i32 to vector<16xi32>
      %parallel_loop3A_298 = arith.shrsi %parallel_loop3A_273, %parallel_loop3A_297 : vector<16xi32>
      %parallel_loop3A_299 = arith.constant 7 : i32
      %parallel_loop3A_300 = vector.broadcast %parallel_loop3A_299 : i32 to vector<16xi32>
      %parallel_loop3A_301 = arith.andi %parallel_loop3A_298, %parallel_loop3A_300 : vector<16xi32>
      %parallel_loop3A_302 = arith.sitofp %parallel_loop3A_301 : vector<16xi32> to vector<16xf32>
      %parallel_loop3A_303 = arith.constant 2 : i32
      %parallel_loop3A_304 = arith.index_cast %parallel_loop3A_303 : i32 to index
      %parallel_loop3A_305 = arith.index_cast %parallel_loop3A_216 : i32 to index
      %parallel_loop3A_306 = tpu.vector_load %arg7[%parallel_loop3A_304, %parallel_loop3A_305] {strides = array<i32>} : memref<6x4096xf32, #tpu.memory_space<vmem>>, vector<16xf32>,
      tpu.vector_store %arg7[%parallel_loop3A_304, %parallel_loop3A_305], %parallel_loop3A_302 {strides = array<i32>} : memref<6x4096xf32, #tpu.memory_space<vmem>>, vector<16xf32>,
      %parallel_loop3A_307 = arith.constant 9 : i32
      %parallel_loop3A_308 = vector.broadcast %parallel_loop3A_307 : i32 to vector<16xi32>
      %parallel_loop3A_309 = arith.shrsi %parallel_loop3A_273, %parallel_loop3A_308 : vector<16xi32>
      %parallel_loop3A_310 = arith.constant 7 : i32
      %parallel_loop3A_311 = vector.broadcast %parallel_loop3A_310 : i32 to vector<16xi32>
      %parallel_loop3A_312 = arith.andi %parallel_loop3A_309, %parallel_loop3A_311 : vector<16xi32>
      %parallel_loop3A_313 = arith.sitofp %parallel_loop3A_312 : vector<16xi32> to vector<16xf32>
      %parallel_loop3A_314 = arith.constant 3 : i32
      %parallel_loop3A_315 = arith.index_cast %parallel_loop3A_314 : i32 to index
      %parallel_loop3A_316 = arith.index_cast %parallel_loop3A_216 : i32 to index
      %parallel_loop3A_317 = tpu.vector_load %arg7[%parallel_loop3A_315, %parallel_loop3A_316] {strides = array<i32>} : memref<6x4096xf32, #tpu.memory_space<vmem>>, vector<16xf32>,
      tpu.vector_store %arg7[%parallel_loop3A_315, %parallel_loop3A_316], %parallel_loop3A_313 {strides = array<i32>} : memref<6x4096xf32, #tpu.memory_space<vmem>>, vector<16xf32>,
      %parallel_loop3A_318 = arith.constant 12 : i32
      %parallel_loop3A_319 = vector.broadcast %parallel_loop3A_318 : i32 to vector<16xi32>
      %parallel_loop3A_320 = arith.shrsi %parallel_loop3A_273, %parallel_loop3A_319 : vector<16xi32>
      %parallel_loop3A_321 = arith.constant 7 : i32
      %parallel_loop3A_322 = vector.broadcast %parallel_loop3A_321 : i32 to vector<16xi32>
      %parallel_loop3A_323 = arith.andi %parallel_loop3A_320, %parallel_loop3A_322 : vector<16xi32>
      %parallel_loop3A_324 = arith.sitofp %parallel_loop3A_323 : vector<16xi32> to vector<16xf32>
      %parallel_loop3A_325 = arith.constant 4 : i32
      %parallel_loop3A_326 = arith.index_cast %parallel_loop3A_325 : i32 to index
      %parallel_loop3A_327 = arith.index_cast %parallel_loop3A_216 : i32 to index
      %parallel_loop3A_328 = tpu.vector_load %arg7[%parallel_loop3A_326, %parallel_loop3A_327] {strides = array<i32>} : memref<6x4096xf32, #tpu.memory_space<vmem>>, vector<16xf32>,
      tpu.vector_store %arg7[%parallel_loop3A_326, %parallel_loop3A_327], %parallel_loop3A_324 {strides = array<i32>} : memref<6x4096xf32, #tpu.memory_space<vmem>>, vector<16xf32>,
      %parallel_loop3A_329 = arith.constant 15 : i32
      %parallel_loop3A_330 = vector.broadcast %parallel_loop3A_329 : i32 to vector<16xi32>
      %parallel_loop3A_331 = arith.shrsi %parallel_loop3A_273, %parallel_loop3A_330 : vector<16xi32>
      %parallel_loop3A_332 = arith.constant 7 : i32
      %parallel_loop3A_333 = vector.broadcast %parallel_loop3A_332 : i32 to vector<16xi32>
      %parallel_loop3A_334 = arith.andi %parallel_loop3A_331, %parallel_loop3A_333 : vector<16xi32>
      %parallel_loop3A_335 = arith.sitofp %parallel_loop3A_334 : vector<16xi32> to vector<16xf32>
      %parallel_loop3A_336 = arith.constant 5 : i32
      %parallel_loop3A_337 = arith.index_cast %parallel_loop3A_336 : i32 to index
      %parallel_loop3A_338 = arith.index_cast %parallel_loop3A_216 : i32 to index
      %parallel_loop3A_339 = tpu.vector_load %arg7[%parallel_loop3A_337, %parallel_loop3A_338] {strides = array<i32>} : memref<6x4096xf32, #tpu.memory_space<vmem>>, vector<16xf32>,
      tpu.vector_store %arg7[%parallel_loop3A_337, %parallel_loop3A_338], %parallel_loop3A_335 {strides = array<i32>} : memref<6x4096xf32, #tpu.memory_space<vmem>>, vector<16xf32>,
    } {sc.loop_unroll_factor = 8 : i64, sc.parallel_access}
    %add3A_42 = arith.constant 4096 : i32
    %add3A_43 = arith.addi %mul3A_2, %add3A_42 : i32
    %dma_start3A_44 = arith.constant 0 : i32
    %dma_start3A_45 = tpu.memref_slice %arg3[%dma_start3A_44, %add3A_43] : memref<6x1048576xf32, #tpu.memory_space<hbm>> -> memref<6x4096xf32, #tpu.memory_space<hbm>>
    %dma_start3A_46 = arith.constant 0 : i32
    %dma_start3A_47 = tpu.memref_slice %arg3[%dma_start3A_46, %add3A_43] : memref<6x1048576xf32, #tpu.memory_space<hbm>> -> memref<6x4096xf32, #tpu.memory_space<hbm>>
    tpu.enqueue_dma source(%arg7 : memref<6x4096xf32, #tpu.memory_space<vmem>>) target(%dma_start3A_47 : memref<6x4096xf32, #tpu.memory_space<hbm>>) target_semaphore(%arg11 : memref<!tpu.dma_semaphore, #tpu.memory_space<semaphore_mem>>)
    %add3A_48 = arith.constant 12288 : i32
    %add3A_49 = arith.addi %mul3A_2, %add3A_48 : i32
    %dma_start3A_50 = arith.constant 0 : i32
    %dma_start3A_51 = tpu.memref_slice %arg2[%dma_start3A_50, %add3A_49] : memref<5x1048576xi32, #tpu.memory_space<hbm>> -> memref<5x4096xi32, #tpu.memory_space<hbm>>
    %dma_start3A_52 = arith.constant 0 : i32
    %dma_start3A_53 = tpu.memref_slice %arg2[%dma_start3A_52, %add3A_49] : memref<5x1048576xi32, #tpu.memory_space<hbm>> -> memref<5x4096xi32, #tpu.memory_space<hbm>>
    tpu.enqueue_dma source(%dma_start3A_53 : memref<5x4096xi32, #tpu.memory_space<hbm>>) target(%arg5 : memref<5x4096xi32, #tpu.memory_space<vmem>>) target_semaphore(%arg9 : memref<!tpu.dma_semaphore, #tpu.memory_space<semaphore_mem>>)
    %add3A_54 = arith.constant 8192 : i32
    %add3A_55 = arith.addi %mul3A_2, %add3A_54 : i32
    %dma_wait3A_56 = arith.constant 0 : i32
    %dma_wait3A_57 = tpu.memref_slice %arg2[%dma_wait3A_56, %add3A_55] : memref<5x1048576xi32, #tpu.memory_space<hbm>> -> memref<5x4096xi32, #tpu.memory_space<hbm>>
    %dma_wait3A_58 = arith.constant 0 : i32
    %dma_wait3A_59 = tpu.memref_slice %arg2[%dma_wait3A_58, %add3A_55] : memref<5x1048576xi32, #tpu.memory_space<hbm>> -> memref<5x4096xi32, #tpu.memory_space<hbm>>
    tpu.wait_dma2 semaphore(%arg8 : memref<!tpu.dma_semaphore, #tpu.memory_space<semaphore_mem>>) src(%dma_wait3A_59 : memref<5x4096xi32, #tpu.memory_space<hbm>>) dst(%arg4 : memref<5x4096xi32, #tpu.memory_space<vmem>>)
    %add3A_60 = arith.constant 0 : i32
    %add3A_61 = arith.addi %mul3A_2, %add3A_60 : i32
    %dma_wait3A_62 = arith.constant 0 : i32
    %dma_wait3A_63 = tpu.memref_slice %arg3[%dma_wait3A_62, %add3A_61] : memref<6x1048576xf32, #tpu.memory_space<hbm>> -> memref<6x4096xf32, #tpu.memory_space<hbm>>
    %dma_wait3A_64 = arith.constant 0 : i32
    %dma_wait3A_65 = tpu.memref_slice %arg3[%dma_wait3A_64, %add3A_61] : memref<6x1048576xf32, #tpu.memory_space<hbm>> -> memref<6x4096xf32, #tpu.memory_space<hbm>>
    tpu.wait_dma2 semaphore(%arg10 : memref<!tpu.dma_semaphore, #tpu.memory_space<semaphore_mem>>) src(%arg6 : memref<6x4096xf32, #tpu.memory_space<vmem>>) dst(%dma_wait3A_65 : memref<6x4096xf32, #tpu.memory_space<hbm>>)
    %parallel_loop3A_66 = arith.constant 0 : i32
    %parallel_loop3A_67 = arith.constant 4096 : i32
    %parallel_loop3A_68 = arith.constant 16 : i32
    scf.for %parallel_loop3A_216 = %parallel_loop3A_66 to %parallel_loop3A_67 step %parallel_loop3A_68  : i32 {
      %parallel_loop3A_217 = arith.constant 0 : i32
      %parallel_loop3A_218 = vector.broadcast %parallel_loop3A_217 : i32 to vector<16xi32>
      %parallel_loop3A_219 = arith.constant 0 : i32
      %parallel_loop3A_220 = arith.index_cast %parallel_loop3A_219 : i32 to index
      %parallel_loop3A_221 = arith.index_cast %parallel_loop3A_216 : i32 to index
      %parallel_loop3A_222 = tpu.vector_load %arg4[%parallel_loop3A_220, %parallel_loop3A_221] {strides = array<i32>} : memref<5x4096xi32, #tpu.memory_space<vmem>>, vector<16xi32>,
      %parallel_loop3A_223 = arith.constant 1 : i32
      %parallel_loop3A_224 = vector.broadcast %parallel_loop3A_223 : i32 to vector<16xi32>
      %parallel_loop3A_225 = arith.constant 3 : i32
      %parallel_loop3A_226 = vector.broadcast %parallel_loop3A_225 : i32 to vector<16xi32>
      %parallel_loop3A_227 = arith.muli %parallel_loop3A_222, %parallel_loop3A_226 : vector<16xi32>
      %parallel_loop3A_228 = arith.shli %parallel_loop3A_224, %parallel_loop3A_227 : vector<16xi32>
      %parallel_loop3A_229 = arith.addi %parallel_loop3A_218, %parallel_loop3A_228 : vector<16xi32>
      %parallel_loop3A_230 = arith.constant 1 : i32
      %parallel_loop3A_231 = arith.index_cast %parallel_loop3A_230 : i32 to index
      %parallel_loop3A_232 = arith.index_cast %parallel_loop3A_216 : i32 to index
      %parallel_loop3A_233 = tpu.vector_load %arg4[%parallel_loop3A_231, %parallel_loop3A_232] {strides = array<i32>} : memref<5x4096xi32, #tpu.memory_space<vmem>>, vector<16xi32>,
      %parallel_loop3A_234 = arith.constant 1 : i32
      %parallel_loop3A_235 = vector.broadcast %parallel_loop3A_234 : i32 to vector<16xi32>
      %parallel_loop3A_236 = arith.constant 3 : i32
      %parallel_loop3A_237 = vector.broadcast %parallel_loop3A_236 : i32 to vector<16xi32>
      %parallel_loop3A_238 = arith.muli %parallel_loop3A_233, %parallel_loop3A_237 : vector<16xi32>
      %parallel_loop3A_239 = arith.shli %parallel_loop3A_235, %parallel_loop3A_238 : vector<16xi32>
      %parallel_loop3A_240 = arith.addi %parallel_loop3A_229, %parallel_loop3A_239 : vector<16xi32>
      %parallel_loop3A_241 = arith.constant 2 : i32
      %parallel_loop3A_242 = arith.index_cast %parallel_loop3A_241 : i32 to index
      %parallel_loop3A_243 = arith.index_cast %parallel_loop3A_216 : i32 to index
      %parallel_loop3A_244 = tpu.vector_load %arg4[%parallel_loop3A_242, %parallel_loop3A_243] {strides = array<i32>} : memref<5x4096xi32, #tpu.memory_space<vmem>>, vector<16xi32>,
      %parallel_loop3A_245 = arith.constant 1 : i32
      %parallel_loop3A_246 = vector.broadcast %parallel_loop3A_245 : i32 to vector<16xi32>
      %parallel_loop3A_247 = arith.constant 3 : i32
      %parallel_loop3A_248 = vector.broadcast %parallel_loop3A_247 : i32 to vector<16xi32>
      %parallel_loop3A_249 = arith.muli %parallel_loop3A_244, %parallel_loop3A_248 : vector<16xi32>
      %parallel_loop3A_250 = arith.shli %parallel_loop3A_246, %parallel_loop3A_249 : vector<16xi32>
      %parallel_loop3A_251 = arith.addi %parallel_loop3A_240, %parallel_loop3A_250 : vector<16xi32>
      %parallel_loop3A_252 = arith.constant 3 : i32
      %parallel_loop3A_253 = arith.index_cast %parallel_loop3A_252 : i32 to index
      %parallel_loop3A_254 = arith.index_cast %parallel_loop3A_216 : i32 to index
      %parallel_loop3A_255 = tpu.vector_load %arg4[%parallel_loop3A_253, %parallel_loop3A_254] {strides = array<i32>} : memref<5x4096xi32, #tpu.memory_space<vmem>>, vector<16xi32>,
      %parallel_loop3A_256 = arith.constant 1 : i32
      %parallel_loop3A_257 = vector.broadcast %parallel_loop3A_256 : i32 to vector<16xi32>
      %parallel_loop3A_258 = arith.constant 3 : i32
      %parallel_loop3A_259 = vector.broadcast %parallel_loop3A_258 : i32 to vector<16xi32>
      %parallel_loop3A_260 = arith.muli %parallel_loop3A_255, %parallel_loop3A_259 : vector<16xi32>
      %parallel_loop3A_261 = arith.shli %parallel_loop3A_257, %parallel_loop3A_260 : vector<16xi32>
      %parallel_loop3A_262 = arith.addi %parallel_loop3A_251, %parallel_loop3A_261 : vector<16xi32>
      %parallel_loop3A_263 = arith.constant 4 : i32
      %parallel_loop3A_264 = arith.index_cast %parallel_loop3A_263 : i32 to index
      %parallel_loop3A_265 = arith.index_cast %parallel_loop3A_216 : i32 to index
      %parallel_loop3A_266 = tpu.vector_load %arg4[%parallel_loop3A_264, %parallel_loop3A_265] {strides = array<i32>} : memref<5x4096xi32, #tpu.memory_space<vmem>>, vector<16xi32>,
      %parallel_loop3A_267 = arith.constant 1 : i32
      %parallel_loop3A_268 = vector.broadcast %parallel_loop3A_267 : i32 to vector<16xi32>
      %parallel_loop3A_269 = arith.constant 3 : i32
      %parallel_loop3A_270 = vector.broadcast %parallel_loop3A_269 : i32 to vector<16xi32>
      %parallel_loop3A_271 = arith.muli %parallel_loop3A_266, %parallel_loop3A_270 : vector<16xi32>
      %parallel_loop3A_272 = arith.shli %parallel_loop3A_268, %parallel_loop3A_271 : vector<16xi32>
      %parallel_loop3A_273 = arith.addi %parallel_loop3A_262, %parallel_loop3A_272 : vector<16xi32>
      %parallel_loop3A_274 = arith.constant 0 : i32
      %parallel_loop3A_275 = vector.broadcast %parallel_loop3A_274 : i32 to vector<16xi32>
      %parallel_loop3A_276 = arith.shrsi %parallel_loop3A_273, %parallel_loop3A_275 : vector<16xi32>
      %parallel_loop3A_277 = arith.constant 7 : i32
      %parallel_loop3A_278 = vector.broadcast %parallel_loop3A_277 : i32 to vector<16xi32>
      %parallel_loop3A_279 = arith.andi %parallel_loop3A_276, %parallel_loop3A_278 : vector<16xi32>
      %parallel_loop3A_280 = arith.sitofp %parallel_loop3A_279 : vector<16xi32> to vector<16xf32>
      %parallel_loop3A_281 = arith.constant 0 : i32
      %parallel_loop3A_282 = arith.index_cast %parallel_loop3A_281 : i32 to index
      %parallel_loop3A_283 = arith.index_cast %parallel_loop3A_216 : i32 to index
      %parallel_loop3A_284 = tpu.vector_load %arg6[%parallel_loop3A_282, %parallel_loop3A_283] {strides = array<i32>} : memref<6x4096xf32, #tpu.memory_space<vmem>>, vector<16xf32>,
      tpu.vector_store %arg6[%parallel_loop3A_282, %parallel_loop3A_283], %parallel_loop3A_280 {strides = array<i32>} : memref<6x4096xf32, #tpu.memory_space<vmem>>, vector<16xf32>,
      %parallel_loop3A_285 = arith.constant 3 : i32
      %parallel_loop3A_286 = vector.broadcast %parallel_loop3A_285 : i32 to vector<16xi32>
      %parallel_loop3A_287 = arith.shrsi %parallel_loop3A_273, %parallel_loop3A_286 : vector<16xi32>
      %parallel_loop3A_288 = arith.constant 7 : i32
      %parallel_loop3A_289 = vector.broadcast %parallel_loop3A_288 : i32 to vector<16xi32>
      %parallel_loop3A_290 = arith.andi %parallel_loop3A_287, %parallel_loop3A_289 : vector<16xi32>
      %parallel_loop3A_291 = arith.sitofp %parallel_loop3A_290 : vector<16xi32> to vector<16xf32>
      %parallel_loop3A_292 = arith.constant 1 : i32
      %parallel_loop3A_293 = arith.index_cast %parallel_loop3A_292 : i32 to index
      %parallel_loop3A_294 = arith.index_cast %parallel_loop3A_216 : i32 to index
      %parallel_loop3A_295 = tpu.vector_load %arg6[%parallel_loop3A_293, %parallel_loop3A_294] {strides = array<i32>} : memref<6x4096xf32, #tpu.memory_space<vmem>>, vector<16xf32>,
      tpu.vector_store %arg6[%parallel_loop3A_293, %parallel_loop3A_294], %parallel_loop3A_291 {strides = array<i32>} : memref<6x4096xf32, #tpu.memory_space<vmem>>, vector<16xf32>,
      %parallel_loop3A_296 = arith.constant 6 : i32
      %parallel_loop3A_297 = vector.broadcast %parallel_loop3A_296 : i32 to vector<16xi32>
      %parallel_loop3A_298 = arith.shrsi %parallel_loop3A_273, %parallel_loop3A_297 : vector<16xi32>
      %parallel_loop3A_299 = arith.constant 7 : i32
      %parallel_loop3A_300 = vector.broadcast %parallel_loop3A_299 : i32 to vector<16xi32>
      %parallel_loop3A_301 = arith.andi %parallel_loop3A_298, %parallel_loop3A_300 : vector<16xi32>
      %parallel_loop3A_302 = arith.sitofp %parallel_loop3A_301 : vector<16xi32> to vector<16xf32>
      %parallel_loop3A_303 = arith.constant 2 : i32
      %parallel_loop3A_304 = arith.index_cast %parallel_loop3A_303 : i32 to index
      %parallel_loop3A_305 = arith.index_cast %parallel_loop3A_216 : i32 to index
      %parallel_loop3A_306 = tpu.vector_load %arg6[%parallel_loop3A_304, %parallel_loop3A_305] {strides = array<i32>} : memref<6x4096xf32, #tpu.memory_space<vmem>>, vector<16xf32>,
      tpu.vector_store %arg6[%parallel_loop3A_304, %parallel_loop3A_305], %parallel_loop3A_302 {strides = array<i32>} : memref<6x4096xf32, #tpu.memory_space<vmem>>, vector<16xf32>,
      %parallel_loop3A_307 = arith.constant 9 : i32
      %parallel_loop3A_308 = vector.broadcast %parallel_loop3A_307 : i32 to vector<16xi32>
      %parallel_loop3A_309 = arith.shrsi %parallel_loop3A_273, %parallel_loop3A_308 : vector<16xi32>
      %parallel_loop3A_310 = arith.constant 7 : i32
      %parallel_loop3A_311 = vector.broadcast %parallel_loop3A_310 : i32 to vector<16xi32>
      %parallel_loop3A_312 = arith.andi %parallel_loop3A_309, %parallel_loop3A_311 : vector<16xi32>
      %parallel_loop3A_313 = arith.sitofp %parallel_loop3A_312 : vector<16xi32> to vector<16xf32>
      %parallel_loop3A_314 = arith.constant 3 : i32
      %parallel_loop3A_315 = arith.index_cast %parallel_loop3A_314 : i32 to index
      %parallel_loop3A_316 = arith.index_cast %parallel_loop3A_216 : i32 to index
      %parallel_loop3A_317 = tpu.vector_load %arg6[%parallel_loop3A_315, %parallel_loop3A_316] {strides = array<i32>} : memref<6x4096xf32, #tpu.memory_space<vmem>>, vector<16xf32>,
      tpu.vector_store %arg6[%parallel_loop3A_315, %parallel_loop3A_316], %parallel_loop3A_313 {strides = array<i32>} : memref<6x4096xf32, #tpu.memory_space<vmem>>, vector<16xf32>,
      %parallel_loop3A_318 = arith.constant 12 : i32
      %parallel_loop3A_319 = vector.broadcast %parallel_loop3A_318 : i32 to vector<16xi32>
      %parallel_loop3A_320 = arith.shrsi %parallel_loop3A_273, %parallel_loop3A_319 : vector<16xi32>
      %parallel_loop3A_321 = arith.constant 7 : i32
      %parallel_loop3A_322 = vector.broadcast %parallel_loop3A_321 : i32 to vector<16xi32>
      %parallel_loop3A_323 = arith.andi %parallel_loop3A_320, %parallel_loop3A_322 : vector<16xi32>
      %parallel_loop3A_324 = arith.sitofp %parallel_loop3A_323 : vector<16xi32> to vector<16xf32>
      %parallel_loop3A_325 = arith.constant 4 : i32
      %parallel_loop3A_326 = arith.index_cast %parallel_loop3A_325 : i32 to index
      %parallel_loop3A_327 = arith.index_cast %parallel_loop3A_216 : i32 to index
      %parallel_loop3A_328 = tpu.vector_load %arg6[%parallel_loop3A_326, %parallel_loop3A_327] {strides = array<i32>} : memref<6x4096xf32, #tpu.memory_space<vmem>>, vector<16xf32>,
      tpu.vector_store %arg6[%parallel_loop3A_326, %parallel_loop3A_327], %parallel_loop3A_324 {strides = array<i32>} : memref<6x4096xf32, #tpu.memory_space<vmem>>, vector<16xf32>,
      %parallel_loop3A_329 = arith.constant 15 : i32
      %parallel_loop3A_330 = vector.broadcast %parallel_loop3A_329 : i32 to vector<16xi32>
      %parallel_loop3A_331 = arith.shrsi %parallel_loop3A_273, %parallel_loop3A_330 : vector<16xi32>
      %parallel_loop3A_332 = arith.constant 7 : i32
      %parallel_loop3A_333 = vector.broadcast %parallel_loop3A_332 : i32 to vector<16xi32>
      %parallel_loop3A_334 = arith.andi %parallel_loop3A_331, %parallel_loop3A_333 : vector<16xi32>
      %parallel_loop3A_335 = arith.sitofp %parallel_loop3A_334 : vector<16xi32> to vector<16xf32>
      %parallel_loop3A_336 = arith.constant 5 : i32
      %parallel_loop3A_337 = arith.index_cast %parallel_loop3A_336 : i32 to index
      %parallel_loop3A_338 = arith.index_cast %parallel_loop3A_216 : i32 to index
      %parallel_loop3A_339 = tpu.vector_load %arg6[%parallel_loop3A_337, %parallel_loop3A_338] {strides = array<i32>} : memref<6x4096xf32, #tpu.memory_space<vmem>>, vector<16xf32>,
      tpu.vector_store %arg6[%parallel_loop3A_337, %parallel_loop3A_338], %parallel_loop3A_335 {strides = array<i32>} : memref<6x4096xf32, #tpu.memory_space<vmem>>, vector<16xf32>,
    } {sc.loop_unroll_factor = 8 : i64, sc.parallel_access}
    %add3A_69 = arith.constant 8192 : i32
    %add3A_70 = arith.addi %mul3A_2, %add3A_69 : i32
    %dma_start3A_71 = arith.constant 0 : i32
    %dma_start3A_72 = tpu.memref_slice %arg3[%dma_start3A_71, %add3A_70] : memref<6x1048576xf32, #tpu.memory_space<hbm>> -> memref<6x4096xf32, #tpu.memory_space<hbm>>
    %dma_start3A_73 = arith.constant 0 : i32
    %dma_start3A_74 = tpu.memref_slice %arg3[%dma_start3A_73, %add3A_70] : memref<6x1048576xf32, #tpu.memory_space<hbm>> -> memref<6x4096xf32, #tpu.memory_space<hbm>>
    tpu.enqueue_dma source(%arg6 : memref<6x4096xf32, #tpu.memory_space<vmem>>) target(%dma_start3A_74 : memref<6x4096xf32, #tpu.memory_space<hbm>>) target_semaphore(%arg10 : memref<!tpu.dma_semaphore, #tpu.memory_space<semaphore_mem>>)
    %add3A_75 = arith.constant 16384 : i32
    %add3A_76 = arith.addi %mul3A_2, %add3A_75 : i32
    %dma_start3A_77 = arith.constant 0 : i32
    %dma_start3A_78 = tpu.memref_slice %arg2[%dma_start3A_77, %add3A_76] : memref<5x1048576xi32, #tpu.memory_space<hbm>> -> memref<5x4096xi32, #tpu.memory_space<hbm>>
    %dma_start3A_79 = arith.constant 0 : i32
    %dma_start3A_80 = tpu.memref_slice %arg2[%dma_start3A_79, %add3A_76] : memref<5x1048576xi32, #tpu.memory_space<hbm>> -> memref<5x4096xi32, #tpu.memory_space<hbm>>
    tpu.enqueue_dma source(%dma_start3A_80 : memref<5x4096xi32, #tpu.memory_space<hbm>>) target(%arg4 : memref<5x4096xi32, #tpu.memory_space<vmem>>) target_semaphore(%arg8 : memref<!tpu.dma_semaphore, #tpu.memory_space<semaphore_mem>>)
    %add3A_81 = arith.constant 12288 : i32
    %add3A_82 = arith.addi %mul3A_2, %add3A_81 : i32
    %dma_wait3A_83 = arith.constant 0 : i32
    %dma_wait3A_84 = tpu.memref_slice %arg2[%dma_wait3A_83, %add3A_82] : memref<5x1048576xi32, #tpu.memory_space<hbm>> -> memref<5x4096xi32, #tpu.memory_space<hbm>>
    %dma_wait3A_85 = arith.constant 0 : i32
    %dma_wait3A_86 = tpu.memref_slice %arg2[%dma_wait3A_85, %add3A_82] : memref<5x1048576xi32, #tpu.memory_space<hbm>> -> memref<5x4096xi32, #tpu.memory_space<hbm>>
    tpu.wait_dma2 semaphore(%arg9 : memref<!tpu.dma_semaphore, #tpu.memory_space<semaphore_mem>>) src(%dma_wait3A_86 : memref<5x4096xi32, #tpu.memory_space<hbm>>) dst(%arg5 : memref<5x4096xi32, #tpu.memory_space<vmem>>)
    %add3A_87 = arith.constant 4096 : i32
    %add3A_88 = arith.addi %mul3A_2, %add3A_87 : i32
    %dma_wait3A_89 = arith.constant 0 : i32
    %dma_wait3A_90 = tpu.memref_slice %arg3[%dma_wait3A_89, %add3A_88] : memref<6x1048576xf32, #tpu.memory_space<hbm>> -> memref<6x4096xf32, #tpu.memory_space<hbm>>
    %dma_wait3A_91 = arith.constant 0 : i32
    %dma_wait3A_92 = tpu.memref_slice %arg3[%dma_wait3A_91, %add3A_88] : memref<6x1048576xf32, #tpu.memory_space<hbm>> -> memref<6x4096xf32, #tpu.memory_space<hbm>>
    tpu.wait_dma2 semaphore(%arg11 : memref<!tpu.dma_semaphore, #tpu.memory_space<semaphore_mem>>) src(%arg7 : memref<6x4096xf32, #tpu.memory_space<vmem>>) dst(%dma_wait3A_92 : memref<6x4096xf32, #tpu.memory_space<hbm>>)
    %parallel_loop3A_93 = arith.constant 0 : i32
    %parallel_loop3A_94 = arith.constant 4096 : i32
    %parallel_loop3A_95 = arith.constant 16 : i32
    scf.for %parallel_loop3A_216 = %parallel_loop3A_93 to %parallel_loop3A_94 step %parallel_loop3A_95  : i32 {
      %parallel_loop3A_217 = arith.constant 0 : i32
      %parallel_loop3A_218 = vector.broadcast %parallel_loop3A_217 : i32 to vector<16xi32>
      %parallel_loop3A_219 = arith.constant 0 : i32
      %parallel_loop3A_220 = arith.index_cast %parallel_loop3A_219 : i32 to index
      %parallel_loop3A_221 = arith.index_cast %parallel_loop3A_216 : i32 to index
      %parallel_loop3A_222 = tpu.vector_load %arg5[%parallel_loop3A_220, %parallel_loop3A_221] {strides = array<i32>} : memref<5x4096xi32, #tpu.memory_space<vmem>>, vector<16xi32>,
      %parallel_loop3A_223 = arith.constant 1 : i32
      %parallel_loop3A_224 = vector.broadcast %parallel_loop3A_223 : i32 to vector<16xi32>
      %parallel_loop3A_225 = arith.constant 3 : i32
      %parallel_loop3A_226 = vector.broadcast %parallel_loop3A_225 : i32 to vector<16xi32>
      %parallel_loop3A_227 = arith.muli %parallel_loop3A_222, %parallel_loop3A_226 : vector<16xi32>
      %parallel_loop3A_228 = arith.shli %parallel_loop3A_224, %parallel_loop3A_227 : vector<16xi32>
      %parallel_loop3A_229 = arith.addi %parallel_loop3A_218, %parallel_loop3A_228 : vector<16xi32>
      %parallel_loop3A_230 = arith.constant 1 : i32
      %parallel_loop3A_231 = arith.index_cast %parallel_loop3A_230 : i32 to index
      %parallel_loop3A_232 = arith.index_cast %parallel_loop3A_216 : i32 to index
      %parallel_loop3A_233 = tpu.vector_load %arg5[%parallel_loop3A_231, %parallel_loop3A_232] {strides = array<i32>} : memref<5x4096xi32, #tpu.memory_space<vmem>>, vector<16xi32>,
      %parallel_loop3A_234 = arith.constant 1 : i32
      %parallel_loop3A_235 = vector.broadcast %parallel_loop3A_234 : i32 to vector<16xi32>
      %parallel_loop3A_236 = arith.constant 3 : i32
      %parallel_loop3A_237 = vector.broadcast %parallel_loop3A_236 : i32 to vector<16xi32>
      %parallel_loop3A_238 = arith.muli %parallel_loop3A_233, %parallel_loop3A_237 : vector<16xi32>
      %parallel_loop3A_239 = arith.shli %parallel_loop3A_235, %parallel_loop3A_238 : vector<16xi32>
      %parallel_loop3A_240 = arith.addi %parallel_loop3A_229, %parallel_loop3A_239 : vector<16xi32>
      %parallel_loop3A_241 = arith.constant 2 : i32
      %parallel_loop3A_242 = arith.index_cast %parallel_loop3A_241 : i32 to index
      %parallel_loop3A_243 = arith.index_cast %parallel_loop3A_216 : i32 to index
      %parallel_loop3A_244 = tpu.vector_load %arg5[%parallel_loop3A_242, %parallel_loop3A_243] {strides = array<i32>} : memref<5x4096xi32, #tpu.memory_space<vmem>>, vector<16xi32>,
      %parallel_loop3A_245 = arith.constant 1 : i32
      %parallel_loop3A_246 = vector.broadcast %parallel_loop3A_245 : i32 to vector<16xi32>
      %parallel_loop3A_247 = arith.constant 3 : i32
      %parallel_loop3A_248 = vector.broadcast %parallel_loop3A_247 : i32 to vector<16xi32>
      %parallel_loop3A_249 = arith.muli %parallel_loop3A_244, %parallel_loop3A_248 : vector<16xi32>
      %parallel_loop3A_250 = arith.shli %parallel_loop3A_246, %parallel_loop3A_249 : vector<16xi32>
      %parallel_loop3A_251 = arith.addi %parallel_loop3A_240, %parallel_loop3A_250 : vector<16xi32>
      %parallel_loop3A_252 = arith.constant 3 : i32
      %parallel_loop3A_253 = arith.index_cast %parallel_loop3A_252 : i32 to index
      %parallel_loop3A_254 = arith.index_cast %parallel_loop3A_216 : i32 to index
      %parallel_loop3A_255 = tpu.vector_load %arg5[%parallel_loop3A_253, %parallel_loop3A_254] {strides = array<i32>} : memref<5x4096xi32, #tpu.memory_space<vmem>>, vector<16xi32>,
      %parallel_loop3A_256 = arith.constant 1 : i32
      %parallel_loop3A_257 = vector.broadcast %parallel_loop3A_256 : i32 to vector<16xi32>
      %parallel_loop3A_258 = arith.constant 3 : i32
      %parallel_loop3A_259 = vector.broadcast %parallel_loop3A_258 : i32 to vector<16xi32>
      %parallel_loop3A_260 = arith.muli %parallel_loop3A_255, %parallel_loop3A_259 : vector<16xi32>
      %parallel_loop3A_261 = arith.shli %parallel_loop3A_257, %parallel_loop3A_260 : vector<16xi32>
      %parallel_loop3A_262 = arith.addi %parallel_loop3A_251, %parallel_loop3A_261 : vector<16xi32>
      %parallel_loop3A_263 = arith.constant 4 : i32
      %parallel_loop3A_264 = arith.index_cast %parallel_loop3A_263 : i32 to index
      %parallel_loop3A_265 = arith.index_cast %parallel_loop3A_216 : i32 to index
      %parallel_loop3A_266 = tpu.vector_load %arg5[%parallel_loop3A_264, %parallel_loop3A_265] {strides = array<i32>} : memref<5x4096xi32, #tpu.memory_space<vmem>>, vector<16xi32>,
      %parallel_loop3A_267 = arith.constant 1 : i32
      %parallel_loop3A_268 = vector.broadcast %parallel_loop3A_267 : i32 to vector<16xi32>
      %parallel_loop3A_269 = arith.constant 3 : i32
      %parallel_loop3A_270 = vector.broadcast %parallel_loop3A_269 : i32 to vector<16xi32>
      %parallel_loop3A_271 = arith.muli %parallel_loop3A_266, %parallel_loop3A_270 : vector<16xi32>
      %parallel_loop3A_272 = arith.shli %parallel_loop3A_268, %parallel_loop3A_271 : vector<16xi32>
      %parallel_loop3A_273 = arith.addi %parallel_loop3A_262, %parallel_loop3A_272 : vector<16xi32>
      %parallel_loop3A_274 = arith.constant 0 : i32
      %parallel_loop3A_275 = vector.broadcast %parallel_loop3A_274 : i32 to vector<16xi32>
      %parallel_loop3A_276 = arith.shrsi %parallel_loop3A_273, %parallel_loop3A_275 : vector<16xi32>
      %parallel_loop3A_277 = arith.constant 7 : i32
      %parallel_loop3A_278 = vector.broadcast %parallel_loop3A_277 : i32 to vector<16xi32>
      %parallel_loop3A_279 = arith.andi %parallel_loop3A_276, %parallel_loop3A_278 : vector<16xi32>
      %parallel_loop3A_280 = arith.sitofp %parallel_loop3A_279 : vector<16xi32> to vector<16xf32>
      %parallel_loop3A_281 = arith.constant 0 : i32
      %parallel_loop3A_282 = arith.index_cast %parallel_loop3A_281 : i32 to index
      %parallel_loop3A_283 = arith.index_cast %parallel_loop3A_216 : i32 to index
      %parallel_loop3A_284 = tpu.vector_load %arg7[%parallel_loop3A_282, %parallel_loop3A_283] {strides = array<i32>} : memref<6x4096xf32, #tpu.memory_space<vmem>>, vector<16xf32>,
      tpu.vector_store %arg7[%parallel_loop3A_282, %parallel_loop3A_283], %parallel_loop3A_280 {strides = array<i32>} : memref<6x4096xf32, #tpu.memory_space<vmem>>, vector<16xf32>,
      %parallel_loop3A_285 = arith.constant 3 : i32
      %parallel_loop3A_286 = vector.broadcast %parallel_loop3A_285 : i32 to vector<16xi32>
      %parallel_loop3A_287 = arith.shrsi %parallel_loop3A_273, %parallel_loop3A_286 : vector<16xi32>
      %parallel_loop3A_288 = arith.constant 7 : i32
      %parallel_loop3A_289 = vector.broadcast %parallel_loop3A_288 : i32 to vector<16xi32>
      %parallel_loop3A_290 = arith.andi %parallel_loop3A_287, %parallel_loop3A_289 : vector<16xi32>
      %parallel_loop3A_291 = arith.sitofp %parallel_loop3A_290 : vector<16xi32> to vector<16xf32>
      %parallel_loop3A_292 = arith.constant 1 : i32
      %parallel_loop3A_293 = arith.index_cast %parallel_loop3A_292 : i32 to index
      %parallel_loop3A_294 = arith.index_cast %parallel_loop3A_216 : i32 to index
      %parallel_loop3A_295 = tpu.vector_load %arg7[%parallel_loop3A_293, %parallel_loop3A_294] {strides = array<i32>} : memref<6x4096xf32, #tpu.memory_space<vmem>>, vector<16xf32>,
      tpu.vector_store %arg7[%parallel_loop3A_293, %parallel_loop3A_294], %parallel_loop3A_291 {strides = array<i32>} : memref<6x4096xf32, #tpu.memory_space<vmem>>, vector<16xf32>,
      %parallel_loop3A_296 = arith.constant 6 : i32
      %parallel_loop3A_297 = vector.broadcast %parallel_loop3A_296 : i32 to vector<16xi32>
      %parallel_loop3A_298 = arith.shrsi %parallel_loop3A_273, %parallel_loop3A_297 : vector<16xi32>
      %parallel_loop3A_299 = arith.constant 7 : i32
      %parallel_loop3A_300 = vector.broadcast %parallel_loop3A_299 : i32 to vector<16xi32>
      %parallel_loop3A_301 = arith.andi %parallel_loop3A_298, %parallel_loop3A_300 : vector<16xi32>
      %parallel_loop3A_302 = arith.sitofp %parallel_loop3A_301 : vector<16xi32> to vector<16xf32>
      %parallel_loop3A_303 = arith.constant 2 : i32
      %parallel_loop3A_304 = arith.index_cast %parallel_loop3A_303 : i32 to index
      %parallel_loop3A_305 = arith.index_cast %parallel_loop3A_216 : i32 to index
      %parallel_loop3A_306 = tpu.vector_load %arg7[%parallel_loop3A_304, %parallel_loop3A_305] {strides = array<i32>} : memref<6x4096xf32, #tpu.memory_space<vmem>>, vector<16xf32>,
      tpu.vector_store %arg7[%parallel_loop3A_304, %parallel_loop3A_305], %parallel_loop3A_302 {strides = array<i32>} : memref<6x4096xf32, #tpu.memory_space<vmem>>, vector<16xf32>,
      %parallel_loop3A_307 = arith.constant 9 : i32
      %parallel_loop3A_308 = vector.broadcast %parallel_loop3A_307 : i32 to vector<16xi32>
      %parallel_loop3A_309 = arith.shrsi %parallel_loop3A_273, %parallel_loop3A_308 : vector<16xi32>
      %parallel_loop3A_310 = arith.constant 7 : i32
      %parallel_loop3A_311 = vector.broadcast %parallel_loop3A_310 : i32 to vector<16xi32>
      %parallel_loop3A_312 = arith.andi %parallel_loop3A_309, %parallel_loop3A_311 : vector<16xi32>
      %parallel_loop3A_313 = arith.sitofp %parallel_loop3A_312 : vector<16xi32> to vector<16xf32>
      %parallel_loop3A_314 = arith.constant 3 : i32
      %parallel_loop3A_315 = arith.index_cast %parallel_loop3A_314 : i32 to index
      %parallel_loop3A_316 = arith.index_cast %parallel_loop3A_216 : i32 to index
      %parallel_loop3A_317 = tpu.vector_load %arg7[%parallel_loop3A_315, %parallel_loop3A_316] {strides = array<i32>} : memref<6x4096xf32, #tpu.memory_space<vmem>>, vector<16xf32>,
      tpu.vector_store %arg7[%parallel_loop3A_315, %parallel_loop3A_316], %parallel_loop3A_313 {strides = array<i32>} : memref<6x4096xf32, #tpu.memory_space<vmem>>, vector<16xf32>,
      %parallel_loop3A_318 = arith.constant 12 : i32
      %parallel_loop3A_319 = vector.broadcast %parallel_loop3A_318 : i32 to vector<16xi32>
      %parallel_loop3A_320 = arith.shrsi %parallel_loop3A_273, %parallel_loop3A_319 : vector<16xi32>
      %parallel_loop3A_321 = arith.constant 7 : i32
      %parallel_loop3A_322 = vector.broadcast %parallel_loop3A_321 : i32 to vector<16xi32>
      %parallel_loop3A_323 = arith.andi %parallel_loop3A_320, %parallel_loop3A_322 : vector<16xi32>
      %parallel_loop3A_324 = arith.sitofp %parallel_loop3A_323 : vector<16xi32> to vector<16xf32>
      %parallel_loop3A_325 = arith.constant 4 : i32
      %parallel_loop3A_326 = arith.index_cast %parallel_loop3A_325 : i32 to index
      %parallel_loop3A_327 = arith.index_cast %parallel_loop3A_216 : i32 to index
      %parallel_loop3A_328 = tpu.vector_load %arg7[%parallel_loop3A_326, %parallel_loop3A_327] {strides = array<i32>} : memref<6x4096xf32, #tpu.memory_space<vmem>>, vector<16xf32>,
      tpu.vector_store %arg7[%parallel_loop3A_326, %parallel_loop3A_327], %parallel_loop3A_324 {strides = array<i32>} : memref<6x4096xf32, #tpu.memory_space<vmem>>, vector<16xf32>,
      %parallel_loop3A_329 = arith.constant 15 : i32
      %parallel_loop3A_330 = vector.broadcast %parallel_loop3A_329 : i32 to vector<16xi32>
      %parallel_loop3A_331 = arith.shrsi %parallel_loop3A_273, %parallel_loop3A_330 : vector<16xi32>
      %parallel_loop3A_332 = arith.constant 7 : i32
      %parallel_loop3A_333 = vector.broadcast %parallel_loop3A_332 : i32 to vector<16xi32>
      %parallel_loop3A_334 = arith.andi %parallel_loop3A_331, %parallel_loop3A_333 : vector<16xi32>
      %parallel_loop3A_335 = arith.sitofp %parallel_loop3A_334 : vector<16xi32> to vector<16xf32>
      %parallel_loop3A_336 = arith.constant 5 : i32
      %parallel_loop3A_337 = arith.index_cast %parallel_loop3A_336 : i32 to index
      %parallel_loop3A_338 = arith.index_cast %parallel_loop3A_216 : i32 to index
      %parallel_loop3A_339 = tpu.vector_load %arg7[%parallel_loop3A_337, %parallel_loop3A_338] {strides = array<i32>} : memref<6x4096xf32, #tpu.memory_space<vmem>>, vector<16xf32>,
      tpu.vector_store %arg7[%parallel_loop3A_337, %parallel_loop3A_338], %parallel_loop3A_335 {strides = array<i32>} : memref<6x4096xf32, #tpu.memory_space<vmem>>, vector<16xf32>,
    } {sc.loop_unroll_factor = 8 : i64, sc.parallel_access}
    %add3A_96 = arith.constant 12288 : i32
    %add3A_97 = arith.addi %mul3A_2, %add3A_96 : i32
    %dma_start3A_98 = arith.constant 0 : i32
    %dma_start3A_99 = tpu.memref_slice %arg3[%dma_start3A_98, %add3A_97] : memref<6x1048576xf32, #tpu.memory_space<hbm>> -> memref<6x4096xf32, #tpu.memory_space<hbm>>
    %dma_start3A_100 = arith.constant 0 : i32
    %dma_start3A_101 = tpu.memref_slice %arg3[%dma_start3A_100, %add3A_97] : memref<6x1048576xf32, #tpu.memory_space<hbm>> -> memref<6x4096xf32, #tpu.memory_space<hbm>>
    tpu.enqueue_dma source(%arg7 : memref<6x4096xf32, #tpu.memory_space<vmem>>) target(%dma_start3A_101 : memref<6x4096xf32, #tpu.memory_space<hbm>>) target_semaphore(%arg11 : memref<!tpu.dma_semaphore, #tpu.memory_space<semaphore_mem>>)
    %add3A_102 = arith.constant 20480 : i32
    %add3A_103 = arith.addi %mul3A_2, %add3A_102 : i32
    %dma_start3A_104 = arith.constant 0 : i32
    %dma_start3A_105 = tpu.memref_slice %arg2[%dma_start3A_104, %add3A_103] : memref<5x1048576xi32, #tpu.memory_space<hbm>> -> memref<5x4096xi32, #tpu.memory_space<hbm>>
    %dma_start3A_106 = arith.constant 0 : i32
    %dma_start3A_107 = tpu.memref_slice %arg2[%dma_start3A_106, %add3A_103] : memref<5x1048576xi32, #tpu.memory_space<hbm>> -> memref<5x4096xi32, #tpu.memory_space<hbm>>
    tpu.enqueue_dma source(%dma_start3A_107 : memref<5x4096xi32, #tpu.memory_space<hbm>>) target(%arg5 : memref<5x4096xi32, #tpu.memory_space<vmem>>) target_semaphore(%arg9 : memref<!tpu.dma_semaphore, #tpu.memory_space<semaphore_mem>>)
    %add3A_108 = arith.constant 16384 : i32
    %add3A_109 = arith.addi %mul3A_2, %add3A_108 : i32
    %dma_wait3A_110 = arith.constant 0 : i32
    %dma_wait3A_111 = tpu.memref_slice %arg2[%dma_wait3A_110, %add3A_109] : memref<5x1048576xi32, #tpu.memory_space<hbm>> -> memref<5x4096xi32, #tpu.memory_space<hbm>>
    %dma_wait3A_112 = arith.constant 0 : i32
    %dma_wait3A_113 = tpu.memref_slice %arg2[%dma_wait3A_112, %add3A_109] : memref<5x1048576xi32, #tpu.memory_space<hbm>> -> memref<5x4096xi32, #tpu.memory_space<hbm>>
    tpu.wait_dma2 semaphore(%arg8 : memref<!tpu.dma_semaphore, #tpu.memory_space<semaphore_mem>>) src(%dma_wait3A_113 : memref<5x4096xi32, #tpu.memory_space<hbm>>) dst(%arg4 : memref<5x4096xi32, #tpu.memory_space<vmem>>)
    %add3A_114 = arith.constant 8192 : i32
    %add3A_115 = arith.addi %mul3A_2, %add3A_114 : i32
    %dma_wait3A_116 = arith.constant 0 : i32
    %dma_wait3A_117 = tpu.memref_slice %arg3[%dma_wait3A_116, %add3A_115] : memref<6x1048576xf32, #tpu.memory_space<hbm>> -> memref<6x4096xf32, #tpu.memory_space<hbm>>
    %dma_wait3A_118 = arith.constant 0 : i32
    %dma_wait3A_119 = tpu.memref_slice %arg3[%dma_wait3A_118, %add3A_115] : memref<6x1048576xf32, #tpu.memory_space<hbm>> -> memref<6x4096xf32, #tpu.memory_space<hbm>>
    tpu.wait_dma2 semaphore(%arg10 : memref<!tpu.dma_semaphore, #tpu.memory_space<semaphore_mem>>) src(%arg6 : memref<6x4096xf32, #tpu.memory_space<vmem>>) dst(%dma_wait3A_119 : memref<6x4096xf32, #tpu.memory_space<hbm>>)
    %parallel_loop3A_120 = arith.constant 0 : i32
    %parallel_loop3A_121 = arith.constant 4096 : i32
    %parallel_loop3A_122 = arith.constant 16 : i32
    scf.for %parallel_loop3A_216 = %parallel_loop3A_120 to %parallel_loop3A_121 step %parallel_loop3A_122  : i32 {
      %parallel_loop3A_217 = arith.constant 0 : i32
      %parallel_loop3A_218 = vector.broadcast %parallel_loop3A_217 : i32 to vector<16xi32>
      %parallel_loop3A_219 = arith.constant 0 : i32
      %parallel_loop3A_220 = arith.index_cast %parallel_loop3A_219 : i32 to index
      %parallel_loop3A_221 = arith.index_cast %parallel_loop3A_216 : i32 to index
      %parallel_loop3A_222 = tpu.vector_load %arg4[%parallel_loop3A_220, %parallel_loop3A_221] {strides = array<i32>} : memref<5x4096xi32, #tpu.memory_space<vmem>>, vector<16xi32>,
      %parallel_loop3A_223 = arith.constant 1 : i32
      %parallel_loop3A_224 = vector.broadcast %parallel_loop3A_223 : i32 to vector<16xi32>
      %parallel_loop3A_225 = arith.constant 3 : i32
      %parallel_loop3A_226 = vector.broadcast %parallel_loop3A_225 : i32 to vector<16xi32>
      %parallel_loop3A_227 = arith.muli %parallel_loop3A_222, %parallel_loop3A_226 : vector<16xi32>
      %parallel_loop3A_228 = arith.shli %parallel_loop3A_224, %parallel_loop3A_227 : vector<16xi32>
      %parallel_loop3A_229 = arith.addi %parallel_loop3A_218, %parallel_loop3A_228 : vector<16xi32>
      %parallel_loop3A_230 = arith.constant 1 : i32
      %parallel_loop3A_231 = arith.index_cast %parallel_loop3A_230 : i32 to index
      %parallel_loop3A_232 = arith.index_cast %parallel_loop3A_216 : i32 to index
      %parallel_loop3A_233 = tpu.vector_load %arg4[%parallel_loop3A_231, %parallel_loop3A_232] {strides = array<i32>} : memref<5x4096xi32, #tpu.memory_space<vmem>>, vector<16xi32>,
      %parallel_loop3A_234 = arith.constant 1 : i32
      %parallel_loop3A_235 = vector.broadcast %parallel_loop3A_234 : i32 to vector<16xi32>
      %parallel_loop3A_236 = arith.constant 3 : i32
      %parallel_loop3A_237 = vector.broadcast %parallel_loop3A_236 : i32 to vector<16xi32>
      %parallel_loop3A_238 = arith.muli %parallel_loop3A_233, %parallel_loop3A_237 : vector<16xi32>
      %parallel_loop3A_239 = arith.shli %parallel_loop3A_235, %parallel_loop3A_238 : vector<16xi32>
      %parallel_loop3A_240 = arith.addi %parallel_loop3A_229, %parallel_loop3A_239 : vector<16xi32>
      %parallel_loop3A_241 = arith.constant 2 : i32
      %parallel_loop3A_242 = arith.index_cast %parallel_loop3A_241 : i32 to index
      %parallel_loop3A_243 = arith.index_cast %parallel_loop3A_216 : i32 to index
      %parallel_loop3A_244 = tpu.vector_load %arg4[%parallel_loop3A_242, %parallel_loop3A_243] {strides = array<i32>} : memref<5x4096xi32, #tpu.memory_space<vmem>>, vector<16xi32>,
      %parallel_loop3A_245 = arith.constant 1 : i32
      %parallel_loop3A_246 = vector.broadcast %parallel_loop3A_245 : i32 to vector<16xi32>
      %parallel_loop3A_247 = arith.constant 3 : i32
      %parallel_loop3A_248 = vector.broadcast %parallel_loop3A_247 : i32 to vector<16xi32>
      %parallel_loop3A_249 = arith.muli %parallel_loop3A_244, %parallel_loop3A_248 : vector<16xi32>
      %parallel_loop3A_250 = arith.shli %parallel_loop3A_246, %parallel_loop3A_249 : vector<16xi32>
      %parallel_loop3A_251 = arith.addi %parallel_loop3A_240, %parallel_loop3A_250 : vector<16xi32>
      %parallel_loop3A_252 = arith.constant 3 : i32
      %parallel_loop3A_253 = arith.index_cast %parallel_loop3A_252 : i32 to index
      %parallel_loop3A_254 = arith.index_cast %parallel_loop3A_216 : i32 to index
      %parallel_loop3A_255 = tpu.vector_load %arg4[%parallel_loop3A_253, %parallel_loop3A_254] {strides = array<i32>} : memref<5x4096xi32, #tpu.memory_space<vmem>>, vector<16xi32>,
      %parallel_loop3A_256 = arith.constant 1 : i32
      %parallel_loop3A_257 = vector.broadcast %parallel_loop3A_256 : i32 to vector<16xi32>
      %parallel_loop3A_258 = arith.constant 3 : i32
      %parallel_loop3A_259 = vector.broadcast %parallel_loop3A_258 : i32 to vector<16xi32>
      %parallel_loop3A_260 = arith.muli %parallel_loop3A_255, %parallel_loop3A_259 : vector<16xi32>
      %parallel_loop3A_261 = arith.shli %parallel_loop3A_257, %parallel_loop3A_260 : vector<16xi32>
      %parallel_loop3A_262 = arith.addi %parallel_loop3A_251, %parallel_loop3A_261 : vector<16xi32>
      %parallel_loop3A_263 = arith.constant 4 : i32
      %parallel_loop3A_264 = arith.index_cast %parallel_loop3A_263 : i32 to index
      %parallel_loop3A_265 = arith.index_cast %parallel_loop3A_216 : i32 to index
      %parallel_loop3A_266 = tpu.vector_load %arg4[%parallel_loop3A_264, %parallel_loop3A_265] {strides = array<i32>} : memref<5x4096xi32, #tpu.memory_space<vmem>>, vector<16xi32>,
      %parallel_loop3A_267 = arith.constant 1 : i32
      %parallel_loop3A_268 = vector.broadcast %parallel_loop3A_267 : i32 to vector<16xi32>
      %parallel_loop3A_269 = arith.constant 3 : i32
      %parallel_loop3A_270 = vector.broadcast %parallel_loop3A_269 : i32 to vector<16xi32>
      %parallel_loop3A_271 = arith.muli %parallel_loop3A_266, %parallel_loop3A_270 : vector<16xi32>
      %parallel_loop3A_272 = arith.shli %parallel_loop3A_268, %parallel_loop3A_271 : vector<16xi32>
      %parallel_loop3A_273 = arith.addi %parallel_loop3A_262, %parallel_loop3A_272 : vector<16xi32>
      %parallel_loop3A_274 = arith.constant 0 : i32
      %parallel_loop3A_275 = vector.broadcast %parallel_loop3A_274 : i32 to vector<16xi32>
      %parallel_loop3A_276 = arith.shrsi %parallel_loop3A_273, %parallel_loop3A_275 : vector<16xi32>
      %parallel_loop3A_277 = arith.constant 7 : i32
      %parallel_loop3A_278 = vector.broadcast %parallel_loop3A_277 : i32 to vector<16xi32>
      %parallel_loop3A_279 = arith.andi %parallel_loop3A_276, %parallel_loop3A_278 : vector<16xi32>
      %parallel_loop3A_280 = arith.sitofp %parallel_loop3A_279 : vector<16xi32> to vector<16xf32>
      %parallel_loop3A_281 = arith.constant 0 : i32
      %parallel_loop3A_282 = arith.index_cast %parallel_loop3A_281 : i32 to index
      %parallel_loop3A_283 = arith.index_cast %parallel_loop3A_216 : i32 to index
      %parallel_loop3A_284 = tpu.vector_load %arg6[%parallel_loop3A_282, %parallel_loop3A_283] {strides = array<i32>} : memref<6x4096xf32, #tpu.memory_space<vmem>>, vector<16xf32>,
      tpu.vector_store %arg6[%parallel_loop3A_282, %parallel_loop3A_283], %parallel_loop3A_280 {strides = array<i32>} : memref<6x4096xf32, #tpu.memory_space<vmem>>, vector<16xf32>,
      %parallel_loop3A_285 = arith.constant 3 : i32
      %parallel_loop3A_286 = vector.broadcast %parallel_loop3A_285 : i32 to vector<16xi32>
      %parallel_loop3A_287 = arith.shrsi %parallel_loop3A_273, %parallel_loop3A_286 : vector<16xi32>
      %parallel_loop3A_288 = arith.constant 7 : i32
      %parallel_loop3A_289 = vector.broadcast %parallel_loop3A_288 : i32 to vector<16xi32>
      %parallel_loop3A_290 = arith.andi %parallel_loop3A_287, %parallel_loop3A_289 : vector<16xi32>
      %parallel_loop3A_291 = arith.sitofp %parallel_loop3A_290 : vector<16xi32> to vector<16xf32>
      %parallel_loop3A_292 = arith.constant 1 : i32
      %parallel_loop3A_293 = arith.index_cast %parallel_loop3A_292 : i32 to index
      %parallel_loop3A_294 = arith.index_cast %parallel_loop3A_216 : i32 to index
      %parallel_loop3A_295 = tpu.vector_load %arg6[%parallel_loop3A_293, %parallel_loop3A_294] {strides = array<i32>} : memref<6x4096xf32, #tpu.memory_space<vmem>>, vector<16xf32>,
      tpu.vector_store %arg6[%parallel_loop3A_293, %parallel_loop3A_294], %parallel_loop3A_291 {strides = array<i32>} : memref<6x4096xf32, #tpu.memory_space<vmem>>, vector<16xf32>,
      %parallel_loop3A_296 = arith.constant 6 : i32
      %parallel_loop3A_297 = vector.broadcast %parallel_loop3A_296 : i32 to vector<16xi32>
      %parallel_loop3A_298 = arith.shrsi %parallel_loop3A_273, %parallel_loop3A_297 : vector<16xi32>
      %parallel_loop3A_299 = arith.constant 7 : i32
      %parallel_loop3A_300 = vector.broadcast %parallel_loop3A_299 : i32 to vector<16xi32>
      %parallel_loop3A_301 = arith.andi %parallel_loop3A_298, %parallel_loop3A_300 : vector<16xi32>
      %parallel_loop3A_302 = arith.sitofp %parallel_loop3A_301 : vector<16xi32> to vector<16xf32>
      %parallel_loop3A_303 = arith.constant 2 : i32
      %parallel_loop3A_304 = arith.index_cast %parallel_loop3A_303 : i32 to index
      %parallel_loop3A_305 = arith.index_cast %parallel_loop3A_216 : i32 to index
      %parallel_loop3A_306 = tpu.vector_load %arg6[%parallel_loop3A_304, %parallel_loop3A_305] {strides = array<i32>} : memref<6x4096xf32, #tpu.memory_space<vmem>>, vector<16xf32>,
      tpu.vector_store %arg6[%parallel_loop3A_304, %parallel_loop3A_305], %parallel_loop3A_302 {strides = array<i32>} : memref<6x4096xf32, #tpu.memory_space<vmem>>, vector<16xf32>,
      %parallel_loop3A_307 = arith.constant 9 : i32
      %parallel_loop3A_308 = vector.broadcast %parallel_loop3A_307 : i32 to vector<16xi32>
      %parallel_loop3A_309 = arith.shrsi %parallel_loop3A_273, %parallel_loop3A_308 : vector<16xi32>
      %parallel_loop3A_310 = arith.constant 7 : i32
      %parallel_loop3A_311 = vector.broadcast %parallel_loop3A_310 : i32 to vector<16xi32>
      %parallel_loop3A_312 = arith.andi %parallel_loop3A_309, %parallel_loop3A_311 : vector<16xi32>
      %parallel_loop3A_313 = arith.sitofp %parallel_loop3A_312 : vector<16xi32> to vector<16xf32>
      %parallel_loop3A_314 = arith.constant 3 : i32
      %parallel_loop3A_315 = arith.index_cast %parallel_loop3A_314 : i32 to index
      %parallel_loop3A_316 = arith.index_cast %parallel_loop3A_216 : i32 to index
      %parallel_loop3A_317 = tpu.vector_load %arg6[%parallel_loop3A_315, %parallel_loop3A_316] {strides = array<i32>} : memref<6x4096xf32, #tpu.memory_space<vmem>>, vector<16xf32>,
      tpu.vector_store %arg6[%parallel_loop3A_315, %parallel_loop3A_316], %parallel_loop3A_313 {strides = array<i32>} : memref<6x4096xf32, #tpu.memory_space<vmem>>, vector<16xf32>,
      %parallel_loop3A_318 = arith.constant 12 : i32
      %parallel_loop3A_319 = vector.broadcast %parallel_loop3A_318 : i32 to vector<16xi32>
      %parallel_loop3A_320 = arith.shrsi %parallel_loop3A_273, %parallel_loop3A_319 : vector<16xi32>
      %parallel_loop3A_321 = arith.constant 7 : i32
      %parallel_loop3A_322 = vector.broadcast %parallel_loop3A_321 : i32 to vector<16xi32>
      %parallel_loop3A_323 = arith.andi %parallel_loop3A_320, %parallel_loop3A_322 : vector<16xi32>
      %parallel_loop3A_324 = arith.sitofp %parallel_loop3A_323 : vector<16xi32> to vector<16xf32>
      %parallel_loop3A_325 = arith.constant 4 : i32
      %parallel_loop3A_326 = arith.index_cast %parallel_loop3A_325 : i32 to index
      %parallel_loop3A_327 = arith.index_cast %parallel_loop3A_216 : i32 to index
      %parallel_loop3A_328 = tpu.vector_load %arg6[%parallel_loop3A_326, %parallel_loop3A_327] {strides = array<i32>} : memref<6x4096xf32, #tpu.memory_space<vmem>>, vector<16xf32>,
      tpu.vector_store %arg6[%parallel_loop3A_326, %parallel_loop3A_327], %parallel_loop3A_324 {strides = array<i32>} : memref<6x4096xf32, #tpu.memory_space<vmem>>, vector<16xf32>,
      %parallel_loop3A_329 = arith.constant 15 : i32
      %parallel_loop3A_330 = vector.broadcast %parallel_loop3A_329 : i32 to vector<16xi32>
      %parallel_loop3A_331 = arith.shrsi %parallel_loop3A_273, %parallel_loop3A_330 : vector<16xi32>
      %parallel_loop3A_332 = arith.constant 7 : i32
      %parallel_loop3A_333 = vector.broadcast %parallel_loop3A_332 : i32 to vector<16xi32>
      %parallel_loop3A_334 = arith.andi %parallel_loop3A_331, %parallel_loop3A_333 : vector<16xi32>
      %parallel_loop3A_335 = arith.sitofp %parallel_loop3A_334 : vector<16xi32> to vector<16xf32>
      %parallel_loop3A_336 = arith.constant 5 : i32
      %parallel_loop3A_337 = arith.index_cast %parallel_loop3A_336 : i32 to index
      %parallel_loop3A_338 = arith.index_cast %parallel_loop3A_216 : i32 to index
      %parallel_loop3A_339 = tpu.vector_load %arg6[%parallel_loop3A_337, %parallel_loop3A_338] {strides = array<i32>} : memref<6x4096xf32, #tpu.memory_space<vmem>>, vector<16xf32>,
      tpu.vector_store %arg6[%parallel_loop3A_337, %parallel_loop3A_338], %parallel_loop3A_335 {strides = array<i32>} : memref<6x4096xf32, #tpu.memory_space<vmem>>, vector<16xf32>,
    } {sc.loop_unroll_factor = 8 : i64, sc.parallel_access}
    %add3A_123 = arith.constant 16384 : i32
    %add3A_124 = arith.addi %mul3A_2, %add3A_123 : i32
    %dma_start3A_125 = arith.constant 0 : i32
    %dma_start3A_126 = tpu.memref_slice %arg3[%dma_start3A_125, %add3A_124] : memref<6x1048576xf32, #tpu.memory_space<hbm>> -> memref<6x4096xf32, #tpu.memory_space<hbm>>
    %dma_start3A_127 = arith.constant 0 : i32
    %dma_start3A_128 = tpu.memref_slice %arg3[%dma_start3A_127, %add3A_124] : memref<6x1048576xf32, #tpu.memory_space<hbm>> -> memref<6x4096xf32, #tpu.memory_space<hbm>>
    tpu.enqueue_dma source(%arg6 : memref<6x4096xf32, #tpu.memory_space<vmem>>) target(%dma_start3A_128 : memref<6x4096xf32, #tpu.memory_space<hbm>>) target_semaphore(%arg10 : memref<!tpu.dma_semaphore, #tpu.memory_space<semaphore_mem>>)
    %add3A_129 = arith.constant 24576 : i32
    %add3A_130 = arith.addi %mul3A_2, %add3A_129 : i32
    %dma_start3A_131 = arith.constant 0 : i32
    %dma_start3A_132 = tpu.memref_slice %arg2[%dma_start3A_131, %add3A_130] : memref<5x1048576xi32, #tpu.memory_space<hbm>> -> memref<5x4096xi32, #tpu.memory_space<hbm>>
    %dma_start3A_133 = arith.constant 0 : i32
    %dma_start3A_134 = tpu.memref_slice %arg2[%dma_start3A_133, %add3A_130] : memref<5x1048576xi32, #tpu.memory_space<hbm>> -> memref<5x4096xi32, #tpu.memory_space<hbm>>
    tpu.enqueue_dma source(%dma_start3A_134 : memref<5x4096xi32, #tpu.memory_space<hbm>>) target(%arg4 : memref<5x4096xi32, #tpu.memory_space<vmem>>) target_semaphore(%arg8 : memref<!tpu.dma_semaphore, #tpu.memory_space<semaphore_mem>>)
    %add3A_135 = arith.constant 20480 : i32
    %add3A_136 = arith.addi %mul3A_2, %add3A_135 : i32
    %dma_wait3A_137 = arith.constant 0 : i32
    %dma_wait3A_138 = tpu.memref_slice %arg2[%dma_wait3A_137, %add3A_136] : memref<5x1048576xi32, #tpu.memory_space<hbm>> -> memref<5x4096xi32, #tpu.memory_space<hbm>>
    %dma_wait3A_139 = arith.constant 0 : i32
    %dma_wait3A_140 = tpu.memref_slice %arg2[%dma_wait3A_139, %add3A_136] : memref<5x1048576xi32, #tpu.memory_space<hbm>> -> memref<5x4096xi32, #tpu.memory_space<hbm>>
    tpu.wait_dma2 semaphore(%arg9 : memref<!tpu.dma_semaphore, #tpu.memory_space<semaphore_mem>>) src(%dma_wait3A_140 : memref<5x4096xi32, #tpu.memory_space<hbm>>) dst(%arg5 : memref<5x4096xi32, #tpu.memory_space<vmem>>)
    %add3A_141 = arith.constant 12288 : i32
    %add3A_142 = arith.addi %mul3A_2, %add3A_141 : i32
    %dma_wait3A_143 = arith.constant 0 : i32
    %dma_wait3A_144 = tpu.memref_slice %arg3[%dma_wait3A_143, %add3A_142] : memref<6x1048576xf32, #tpu.memory_space<hbm>> -> memref<6x4096xf32, #tpu.memory_space<hbm>>
    %dma_wait3A_145 = arith.constant 0 : i32
    %dma_wait3A_146 = tpu.memref_slice %arg3[%dma_wait3A_145, %add3A_142] : memref<6x1048576xf32, #tpu.memory_space<hbm>> -> memref<6x4096xf32, #tpu.memory_space<hbm>>
    tpu.wait_dma2 semaphore(%arg11 : memref<!tpu.dma_semaphore, #tpu.memory_space<semaphore_mem>>) src(%arg7 : memref<6x4096xf32, #tpu.memory_space<vmem>>) dst(%dma_wait3A_146 : memref<6x4096xf32, #tpu.memory_space<hbm>>)
    %parallel_loop3A_147 = arith.constant 0 : i32
    %parallel_loop3A_148 = arith.constant 4096 : i32
    %parallel_loop3A_149 = arith.constant 16 : i32
    scf.for %parallel_loop3A_216 = %parallel_loop3A_147 to %parallel_loop3A_148 step %parallel_loop3A_149  : i32 {
      %parallel_loop3A_217 = arith.constant 0 : i32
      %parallel_loop3A_218 = vector.broadcast %parallel_loop3A_217 : i32 to vector<16xi32>
      %parallel_loop3A_219 = arith.constant 0 : i32
      %parallel_loop3A_220 = arith.index_cast %parallel_loop3A_219 : i32 to index
      %parallel_loop3A_221 = arith.index_cast %parallel_loop3A_216 : i32 to index
      %parallel_loop3A_222 = tpu.vector_load %arg5[%parallel_loop3A_220, %parallel_loop3A_221] {strides = array<i32>} : memref<5x4096xi32, #tpu.memory_space<vmem>>, vector<16xi32>,
      %parallel_loop3A_223 = arith.constant 1 : i32
      %parallel_loop3A_224 = vector.broadcast %parallel_loop3A_223 : i32 to vector<16xi32>
      %parallel_loop3A_225 = arith.constant 3 : i32
      %parallel_loop3A_226 = vector.broadcast %parallel_loop3A_225 : i32 to vector<16xi32>
      %parallel_loop3A_227 = arith.muli %parallel_loop3A_222, %parallel_loop3A_226 : vector<16xi32>
      %parallel_loop3A_228 = arith.shli %parallel_loop3A_224, %parallel_loop3A_227 : vector<16xi32>
      %parallel_loop3A_229 = arith.addi %parallel_loop3A_218, %parallel_loop3A_228 : vector<16xi32>
      %parallel_loop3A_230 = arith.constant 1 : i32
      %parallel_loop3A_231 = arith.index_cast %parallel_loop3A_230 : i32 to index
      %parallel_loop3A_232 = arith.index_cast %parallel_loop3A_216 : i32 to index
      %parallel_loop3A_233 = tpu.vector_load %arg5[%parallel_loop3A_231, %parallel_loop3A_232] {strides = array<i32>} : memref<5x4096xi32, #tpu.memory_space<vmem>>, vector<16xi32>,
      %parallel_loop3A_234 = arith.constant 1 : i32
      %parallel_loop3A_235 = vector.broadcast %parallel_loop3A_234 : i32 to vector<16xi32>
      %parallel_loop3A_236 = arith.constant 3 : i32
      %parallel_loop3A_237 = vector.broadcast %parallel_loop3A_236 : i32 to vector<16xi32>
      %parallel_loop3A_238 = arith.muli %parallel_loop3A_233, %parallel_loop3A_237 : vector<16xi32>
      %parallel_loop3A_239 = arith.shli %parallel_loop3A_235, %parallel_loop3A_238 : vector<16xi32>
      %parallel_loop3A_240 = arith.addi %parallel_loop3A_229, %parallel_loop3A_239 : vector<16xi32>
      %parallel_loop3A_241 = arith.constant 2 : i32
      %parallel_loop3A_242 = arith.index_cast %parallel_loop3A_241 : i32 to index
      %parallel_loop3A_243 = arith.index_cast %parallel_loop3A_216 : i32 to index
      %parallel_loop3A_244 = tpu.vector_load %arg5[%parallel_loop3A_242, %parallel_loop3A_243] {strides = array<i32>} : memref<5x4096xi32, #tpu.memory_space<vmem>>, vector<16xi32>,
      %parallel_loop3A_245 = arith.constant 1 : i32
      %parallel_loop3A_246 = vector.broadcast %parallel_loop3A_245 : i32 to vector<16xi32>
      %parallel_loop3A_247 = arith.constant 3 : i32
      %parallel_loop3A_248 = vector.broadcast %parallel_loop3A_247 : i32 to vector<16xi32>
      %parallel_loop3A_249 = arith.muli %parallel_loop3A_244, %parallel_loop3A_248 : vector<16xi32>
      %parallel_loop3A_250 = arith.shli %parallel_loop3A_246, %parallel_loop3A_249 : vector<16xi32>
      %parallel_loop3A_251 = arith.addi %parallel_loop3A_240, %parallel_loop3A_250 : vector<16xi32>
      %parallel_loop3A_252 = arith.constant 3 : i32
      %parallel_loop3A_253 = arith.index_cast %parallel_loop3A_252 : i32 to index
      %parallel_loop3A_254 = arith.index_cast %parallel_loop3A_216 : i32 to index
      %parallel_loop3A_255 = tpu.vector_load %arg5[%parallel_loop3A_253, %parallel_loop3A_254] {strides = array<i32>} : memref<5x4096xi32, #tpu.memory_space<vmem>>, vector<16xi32>,
      %parallel_loop3A_256 = arith.constant 1 : i32
      %parallel_loop3A_257 = vector.broadcast %parallel_loop3A_256 : i32 to vector<16xi32>
      %parallel_loop3A_258 = arith.constant 3 : i32
      %parallel_loop3A_259 = vector.broadcast %parallel_loop3A_258 : i32 to vector<16xi32>
      %parallel_loop3A_260 = arith.muli %parallel_loop3A_255, %parallel_loop3A_259 : vector<16xi32>
      %parallel_loop3A_261 = arith.shli %parallel_loop3A_257, %parallel_loop3A_260 : vector<16xi32>
      %parallel_loop3A_262 = arith.addi %parallel_loop3A_251, %parallel_loop3A_261 : vector<16xi32>
      %parallel_loop3A_263 = arith.constant 4 : i32
      %parallel_loop3A_264 = arith.index_cast %parallel_loop3A_263 : i32 to index
      %parallel_loop3A_265 = arith.index_cast %parallel_loop3A_216 : i32 to index
      %parallel_loop3A_266 = tpu.vector_load %arg5[%parallel_loop3A_264, %parallel_loop3A_265] {strides = array<i32>} : memref<5x4096xi32, #tpu.memory_space<vmem>>, vector<16xi32>,
      %parallel_loop3A_267 = arith.constant 1 : i32
      %parallel_loop3A_268 = vector.broadcast %parallel_loop3A_267 : i32 to vector<16xi32>
      %parallel_loop3A_269 = arith.constant 3 : i32
      %parallel_loop3A_270 = vector.broadcast %parallel_loop3A_269 : i32 to vector<16xi32>
      %parallel_loop3A_271 = arith.muli %parallel_loop3A_266, %parallel_loop3A_270 : vector<16xi32>
      %parallel_loop3A_272 = arith.shli %parallel_loop3A_268, %parallel_loop3A_271 : vector<16xi32>
      %parallel_loop3A_273 = arith.addi %parallel_loop3A_262, %parallel_loop3A_272 : vector<16xi32>
      %parallel_loop3A_274 = arith.constant 0 : i32
      %parallel_loop3A_275 = vector.broadcast %parallel_loop3A_274 : i32 to vector<16xi32>
      %parallel_loop3A_276 = arith.shrsi %parallel_loop3A_273, %parallel_loop3A_275 : vector<16xi32>
      %parallel_loop3A_277 = arith.constant 7 : i32
      %parallel_loop3A_278 = vector.broadcast %parallel_loop3A_277 : i32 to vector<16xi32>
      %parallel_loop3A_279 = arith.andi %parallel_loop3A_276, %parallel_loop3A_278 : vector<16xi32>
      %parallel_loop3A_280 = arith.sitofp %parallel_loop3A_279 : vector<16xi32> to vector<16xf32>
      %parallel_loop3A_281 = arith.constant 0 : i32
      %parallel_loop3A_282 = arith.index_cast %parallel_loop3A_281 : i32 to index
      %parallel_loop3A_283 = arith.index_cast %parallel_loop3A_216 : i32 to index
      %parallel_loop3A_284 = tpu.vector_load %arg7[%parallel_loop3A_282, %parallel_loop3A_283] {strides = array<i32>} : memref<6x4096xf32, #tpu.memory_space<vmem>>, vector<16xf32>,
      tpu.vector_store %arg7[%parallel_loop3A_282, %parallel_loop3A_283], %parallel_loop3A_280 {strides = array<i32>} : memref<6x4096xf32, #tpu.memory_space<vmem>>, vector<16xf32>,
      %parallel_loop3A_285 = arith.constant 3 : i32
      %parallel_loop3A_286 = vector.broadcast %parallel_loop3A_285 : i32 to vector<16xi32>
      %parallel_loop3A_287 = arith.shrsi %parallel_loop3A_273, %parallel_loop3A_286 : vector<16xi32>
      %parallel_loop3A_288 = arith.constant 7 : i32
      %parallel_loop3A_289 = vector.broadcast %parallel_loop3A_288 : i32 to vector<16xi32>
      %parallel_loop3A_290 = arith.andi %parallel_loop3A_287, %parallel_loop3A_289 : vector<16xi32>
      %parallel_loop3A_291 = arith.sitofp %parallel_loop3A_290 : vector<16xi32> to vector<16xf32>
      %parallel_loop3A_292 = arith.constant 1 : i32
      %parallel_loop3A_293 = arith.index_cast %parallel_loop3A_292 : i32 to index
      %parallel_loop3A_294 = arith.index_cast %parallel_loop3A_216 : i32 to index
      %parallel_loop3A_295 = tpu.vector_load %arg7[%parallel_loop3A_293, %parallel_loop3A_294] {strides = array<i32>} : memref<6x4096xf32, #tpu.memory_space<vmem>>, vector<16xf32>,
      tpu.vector_store %arg7[%parallel_loop3A_293, %parallel_loop3A_294], %parallel_loop3A_291 {strides = array<i32>} : memref<6x4096xf32, #tpu.memory_space<vmem>>, vector<16xf32>,
      %parallel_loop3A_296 = arith.constant 6 : i32
      %parallel_loop3A_297 = vector.broadcast %parallel_loop3A_296 : i32 to vector<16xi32>
      %parallel_loop3A_298 = arith.shrsi %parallel_loop3A_273, %parallel_loop3A_297 : vector<16xi32>
      %parallel_loop3A_299 = arith.constant 7 : i32
      %parallel_loop3A_300 = vector.broadcast %parallel_loop3A_299 : i32 to vector<16xi32>
      %parallel_loop3A_301 = arith.andi %parallel_loop3A_298, %parallel_loop3A_300 : vector<16xi32>
      %parallel_loop3A_302 = arith.sitofp %parallel_loop3A_301 : vector<16xi32> to vector<16xf32>
      %parallel_loop3A_303 = arith.constant 2 : i32
      %parallel_loop3A_304 = arith.index_cast %parallel_loop3A_303 : i32 to index
      %parallel_loop3A_305 = arith.index_cast %parallel_loop3A_216 : i32 to index
      %parallel_loop3A_306 = tpu.vector_load %arg7[%parallel_loop3A_304, %parallel_loop3A_305] {strides = array<i32>} : memref<6x4096xf32, #tpu.memory_space<vmem>>, vector<16xf32>,
      tpu.vector_store %arg7[%parallel_loop3A_304, %parallel_loop3A_305], %parallel_loop3A_302 {strides = array<i32>} : memref<6x4096xf32, #tpu.memory_space<vmem>>, vector<16xf32>,
      %parallel_loop3A_307 = arith.constant 9 : i32
      %parallel_loop3A_308 = vector.broadcast %parallel_loop3A_307 : i32 to vector<16xi32>
      %parallel_loop3A_309 = arith.shrsi %parallel_loop3A_273, %parallel_loop3A_308 : vector<16xi32>
      %parallel_loop3A_310 = arith.constant 7 : i32
      %parallel_loop3A_311 = vector.broadcast %parallel_loop3A_310 : i32 to vector<16xi32>
      %parallel_loop3A_312 = arith.andi %parallel_loop3A_309, %parallel_loop3A_311 : vector<16xi32>
      %parallel_loop3A_313 = arith.sitofp %parallel_loop3A_312 : vector<16xi32> to vector<16xf32>
      %parallel_loop3A_314 = arith.constant 3 : i32
      %parallel_loop3A_315 = arith.index_cast %parallel_loop3A_314 : i32 to index
      %parallel_loop3A_316 = arith.index_cast %parallel_loop3A_216 : i32 to index
      %parallel_loop3A_317 = tpu.vector_load %arg7[%parallel_loop3A_315, %parallel_loop3A_316] {strides = array<i32>} : memref<6x4096xf32, #tpu.memory_space<vmem>>, vector<16xf32>,
      tpu.vector_store %arg7[%parallel_loop3A_315, %parallel_loop3A_316], %parallel_loop3A_313 {strides = array<i32>} : memref<6x4096xf32, #tpu.memory_space<vmem>>, vector<16xf32>,
      %parallel_loop3A_318 = arith.constant 12 : i32
      %parallel_loop3A_319 = vector.broadcast %parallel_loop3A_318 : i32 to vector<16xi32>
      %parallel_loop3A_320 = arith.shrsi %parallel_loop3A_273, %parallel_loop3A_319 : vector<16xi32>
      %parallel_loop3A_321 = arith.constant 7 : i32
      %parallel_loop3A_322 = vector.broadcast %parallel_loop3A_321 : i32 to vector<16xi32>
      %parallel_loop3A_323 = arith.andi %parallel_loop3A_320, %parallel_loop3A_322 : vector<16xi32>
      %parallel_loop3A_324 = arith.sitofp %parallel_loop3A_323 : vector<16xi32> to vector<16xf32>
      %parallel_loop3A_325 = arith.constant 4 : i32
      %parallel_loop3A_326 = arith.index_cast %parallel_loop3A_325 : i32 to index
      %parallel_loop3A_327 = arith.index_cast %parallel_loop3A_216 : i32 to index
      %parallel_loop3A_328 = tpu.vector_load %arg7[%parallel_loop3A_326, %parallel_loop3A_327] {strides = array<i32>} : memref<6x4096xf32, #tpu.memory_space<vmem>>, vector<16xf32>,
      tpu.vector_store %arg7[%parallel_loop3A_326, %parallel_loop3A_327], %parallel_loop3A_324 {strides = array<i32>} : memref<6x4096xf32, #tpu.memory_space<vmem>>, vector<16xf32>,
      %parallel_loop3A_329 = arith.constant 15 : i32
      %parallel_loop3A_330 = vector.broadcast %parallel_loop3A_329 : i32 to vector<16xi32>
      %parallel_loop3A_331 = arith.shrsi %parallel_loop3A_273, %parallel_loop3A_330 : vector<16xi32>
      %parallel_loop3A_332 = arith.constant 7 : i32
      %parallel_loop3A_333 = vector.broadcast %parallel_loop3A_332 : i32 to vector<16xi32>
      %parallel_loop3A_334 = arith.andi %parallel_loop3A_331, %parallel_loop3A_333 : vector<16xi32>
      %parallel_loop3A_335 = arith.sitofp %parallel_loop3A_334 : vector<16xi32> to vector<16xf32>
      %parallel_loop3A_336 = arith.constant 5 : i32
      %parallel_loop3A_337 = arith.index_cast %parallel_loop3A_336 : i32 to index
      %parallel_loop3A_338 = arith.index_cast %parallel_loop3A_216 : i32 to index
      %parallel_loop3A_339 = tpu.vector_load %arg7[%parallel_loop3A_337, %parallel_loop3A_338] {strides = array<i32>} : memref<6x4096xf32, #tpu.memory_space<vmem>>, vector<16xf32>,
      tpu.vector_store %arg7[%parallel_loop3A_337, %parallel_loop3A_338], %parallel_loop3A_335 {strides = array<i32>} : memref<6x4096xf32, #tpu.memory_space<vmem>>, vector<16xf32>,
    } {sc.loop_unroll_factor = 8 : i64, sc.parallel_access}
    %add3A_150 = arith.constant 20480 : i32
    %add3A_151 = arith.addi %mul3A_2, %add3A_150 : i32
    %dma_start3A_152 = arith.constant 0 : i32
    %dma_start3A_153 = tpu.memref_slice %arg3[%dma_start3A_152, %add3A_151] : memref<6x1048576xf32, #tpu.memory_space<hbm>> -> memref<6x4096xf32, #tpu.memory_space<hbm>>
    %dma_start3A_154 = arith.constant 0 : i32
    %dma_start3A_155 = tpu.memref_slice %arg3[%dma_start3A_154, %add3A_151] : memref<6x1048576xf32, #tpu.memory_space<hbm>> -> memref<6x4096xf32, #tpu.memory_space<hbm>>
    tpu.enqueue_dma source(%arg7 : memref<6x4096xf32, #tpu.memory_space<vmem>>) target(%dma_start3A_155 : memref<6x4096xf32, #tpu.memory_space<hbm>>) target_semaphore(%arg11 : memref<!tpu.dma_semaphore, #tpu.memory_space<semaphore_mem>>)
    %add3A_156 = arith.constant 28672 : i32
    %add3A_157 = arith.addi %mul3A_2, %add3A_156 : i32
    %dma_start3A_158 = arith.constant 0 : i32
    %dma_start3A_159 = tpu.memref_slice %arg2[%dma_start3A_158, %add3A_157] : memref<5x1048576xi32, #tpu.memory_space<hbm>> -> memref<5x4096xi32, #tpu.memory_space<hbm>>
    %dma_start3A_160 = arith.constant 0 : i32
    %dma_start3A_161 = tpu.memref_slice %arg2[%dma_start3A_160, %add3A_157] : memref<5x1048576xi32, #tpu.memory_space<hbm>> -> memref<5x4096xi32, #tpu.memory_space<hbm>>
    tpu.enqueue_dma source(%dma_start3A_161 : memref<5x4096xi32, #tpu.memory_space<hbm>>) target(%arg5 : memref<5x4096xi32, #tpu.memory_space<vmem>>) target_semaphore(%arg9 : memref<!tpu.dma_semaphore, #tpu.memory_space<semaphore_mem>>)
    %add3A_162 = arith.constant 24576 : i32
    %add3A_163 = arith.addi %mul3A_2, %add3A_162 : i32
    %dma_wait3A_164 = arith.constant 0 : i32
    %dma_wait3A_165 = tpu.memref_slice %arg2[%dma_wait3A_164, %add3A_163] : memref<5x1048576xi32, #tpu.memory_space<hbm>> -> memref<5x4096xi32, #tpu.memory_space<hbm>>
    %dma_wait3A_166 = arith.constant 0 : i32
    %dma_wait3A_167 = tpu.memref_slice %arg2[%dma_wait3A_166, %add3A_163] : memref<5x1048576xi32, #tpu.memory_space<hbm>> -> memref<5x4096xi32, #tpu.memory_space<hbm>>
    tpu.wait_dma2 semaphore(%arg8 : memref<!tpu.dma_semaphore, #tpu.memory_space<semaphore_mem>>) src(%dma_wait3A_167 : memref<5x4096xi32, #tpu.memory_space<hbm>>) dst(%arg4 : memref<5x4096xi32, #tpu.memory_space<vmem>>)
    %add3A_168 = arith.constant 16384 : i32
    %add3A_169 = arith.addi %mul3A_2, %add3A_168 : i32
    %dma_wait3A_170 = arith.constant 0 : i32
    %dma_wait3A_171 = tpu.memref_slice %arg3[%dma_wait3A_170, %add3A_169] : memref<6x1048576xf32, #tpu.memory_space<hbm>> -> memref<6x4096xf32, #tpu.memory_space<hbm>>
    %dma_wait3A_172 = arith.constant 0 : i32
    %dma_wait3A_173 = tpu.memref_slice %arg3[%dma_wait3A_172, %add3A_169] : memref<6x1048576xf32, #tpu.memory_space<hbm>> -> memref<6x4096xf32, #tpu.memory_space<hbm>>
    tpu.wait_dma2 semaphore(%arg10 : memref<!tpu.dma_semaphore, #tpu.memory_space<semaphore_mem>>) src(%arg6 : memref<6x4096xf32, #tpu.memory_space<vmem>>) dst(%dma_wait3A_173 : memref<6x4096xf32, #tpu.memory_space<hbm>>)
    %parallel_loop3A_174 = arith.constant 0 : i32
    %parallel_loop3A_175 = arith.constant 4096 : i32
    %parallel_loop3A_176 = arith.constant 16 : i32
    scf.for %parallel_loop3A_216 = %parallel_loop3A_174 to %parallel_loop3A_175 step %parallel_loop3A_176  : i32 {
      %parallel_loop3A_217 = arith.constant 0 : i32
      %parallel_loop3A_218 = vector.broadcast %parallel_loop3A_217 : i32 to vector<16xi32>
      %parallel_loop3A_219 = arith.constant 0 : i32
      %parallel_loop3A_220 = arith.index_cast %parallel_loop3A_219 : i32 to index
      %parallel_loop3A_221 = arith.index_cast %parallel_loop3A_216 : i32 to index
      %parallel_loop3A_222 = tpu.vector_load %arg4[%parallel_loop3A_220, %parallel_loop3A_221] {strides = array<i32>} : memref<5x4096xi32, #tpu.memory_space<vmem>>, vector<16xi32>,
      %parallel_loop3A_223 = arith.constant 1 : i32
      %parallel_loop3A_224 = vector.broadcast %parallel_loop3A_223 : i32 to vector<16xi32>
      %parallel_loop3A_225 = arith.constant 3 : i32
      %parallel_loop3A_226 = vector.broadcast %parallel_loop3A_225 : i32 to vector<16xi32>
      %parallel_loop3A_227 = arith.muli %parallel_loop3A_222, %parallel_loop3A_226 : vector<16xi32>
      %parallel_loop3A_228 = arith.shli %parallel_loop3A_224, %parallel_loop3A_227 : vector<16xi32>
      %parallel_loop3A_229 = arith.addi %parallel_loop3A_218, %parallel_loop3A_228 : vector<16xi32>
      %parallel_loop3A_230 = arith.constant 1 : i32
      %parallel_loop3A_231 = arith.index_cast %parallel_loop3A_230 : i32 to index
      %parallel_loop3A_232 = arith.index_cast %parallel_loop3A_216 : i32 to index
      %parallel_loop3A_233 = tpu.vector_load %arg4[%parallel_loop3A_231, %parallel_loop3A_232] {strides = array<i32>} : memref<5x4096xi32, #tpu.memory_space<vmem>>, vector<16xi32>,
      %parallel_loop3A_234 = arith.constant 1 : i32
      %parallel_loop3A_235 = vector.broadcast %parallel_loop3A_234 : i32 to vector<16xi32>
      %parallel_loop3A_236 = arith.constant 3 : i32
      %parallel_loop3A_237 = vector.broadcast %parallel_loop3A_236 : i32 to vector<16xi32>
      %parallel_loop3A_238 = arith.muli %parallel_loop3A_233, %parallel_loop3A_237 : vector<16xi32>
      %parallel_loop3A_239 = arith.shli %parallel_loop3A_235, %parallel_loop3A_238 : vector<16xi32>
      %parallel_loop3A_240 = arith.addi %parallel_loop3A_229, %parallel_loop3A_239 : vector<16xi32>
      %parallel_loop3A_241 = arith.constant 2 : i32
      %parallel_loop3A_242 = arith.index_cast %parallel_loop3A_241 : i32 to index
      %parallel_loop3A_243 = arith.index_cast %parallel_loop3A_216 : i32 to index
      %parallel_loop3A_244 = tpu.vector_load %arg4[%parallel_loop3A_242, %parallel_loop3A_243] {strides = array<i32>} : memref<5x4096xi32, #tpu.memory_space<vmem>>, vector<16xi32>,
      %parallel_loop3A_245 = arith.constant 1 : i32
      %parallel_loop3A_246 = vector.broadcast %parallel_loop3A_245 : i32 to vector<16xi32>
      %parallel_loop3A_247 = arith.constant 3 : i32
      %parallel_loop3A_248 = vector.broadcast %parallel_loop3A_247 : i32 to vector<16xi32>
      %parallel_loop3A_249 = arith.muli %parallel_loop3A_244, %parallel_loop3A_248 : vector<16xi32>
      %parallel_loop3A_250 = arith.shli %parallel_loop3A_246, %parallel_loop3A_249 : vector<16xi32>
      %parallel_loop3A_251 = arith.addi %parallel_loop3A_240, %parallel_loop3A_250 : vector<16xi32>
      %parallel_loop3A_252 = arith.constant 3 : i32
      %parallel_loop3A_253 = arith.index_cast %parallel_loop3A_252 : i32 to index
      %parallel_loop3A_254 = arith.index_cast %parallel_loop3A_216 : i32 to index
      %parallel_loop3A_255 = tpu.vector_load %arg4[%parallel_loop3A_253, %parallel_loop3A_254] {strides = array<i32>} : memref<5x4096xi32, #tpu.memory_space<vmem>>, vector<16xi32>,
      %parallel_loop3A_256 = arith.constant 1 : i32
      %parallel_loop3A_257 = vector.broadcast %parallel_loop3A_256 : i32 to vector<16xi32>
      %parallel_loop3A_258 = arith.constant 3 : i32
      %parallel_loop3A_259 = vector.broadcast %parallel_loop3A_258 : i32 to vector<16xi32>
      %parallel_loop3A_260 = arith.muli %parallel_loop3A_255, %parallel_loop3A_259 : vector<16xi32>
      %parallel_loop3A_261 = arith.shli %parallel_loop3A_257, %parallel_loop3A_260 : vector<16xi32>
      %parallel_loop3A_262 = arith.addi %parallel_loop3A_251, %parallel_loop3A_261 : vector<16xi32>
      %parallel_loop3A_263 = arith.constant 4 : i32
      %parallel_loop3A_264 = arith.index_cast %parallel_loop3A_263 : i32 to index
      %parallel_loop3A_265 = arith.index_cast %parallel_loop3A_216 : i32 to index
      %parallel_loop3A_266 = tpu.vector_load %arg4[%parallel_loop3A_264, %parallel_loop3A_265] {strides = array<i32>} : memref<5x4096xi32, #tpu.memory_space<vmem>>, vector<16xi32>,
      %parallel_loop3A_267 = arith.constant 1 : i32
      %parallel_loop3A_268 = vector.broadcast %parallel_loop3A_267 : i32 to vector<16xi32>
      %parallel_loop3A_269 = arith.constant 3 : i32
      %parallel_loop3A_270 = vector.broadcast %parallel_loop3A_269 : i32 to vector<16xi32>
      %parallel_loop3A_271 = arith.muli %parallel_loop3A_266, %parallel_loop3A_270 : vector<16xi32>
      %parallel_loop3A_272 = arith.shli %parallel_loop3A_268, %parallel_loop3A_271 : vector<16xi32>
      %parallel_loop3A_273 = arith.addi %parallel_loop3A_262, %parallel_loop3A_272 : vector<16xi32>
      %parallel_loop3A_274 = arith.constant 0 : i32
      %parallel_loop3A_275 = vector.broadcast %parallel_loop3A_274 : i32 to vector<16xi32>
      %parallel_loop3A_276 = arith.shrsi %parallel_loop3A_273, %parallel_loop3A_275 : vector<16xi32>
      %parallel_loop3A_277 = arith.constant 7 : i32
      %parallel_loop3A_278 = vector.broadcast %parallel_loop3A_277 : i32 to vector<16xi32>
      %parallel_loop3A_279 = arith.andi %parallel_loop3A_276, %parallel_loop3A_278 : vector<16xi32>
      %parallel_loop3A_280 = arith.sitofp %parallel_loop3A_279 : vector<16xi32> to vector<16xf32>
      %parallel_loop3A_281 = arith.constant 0 : i32
      %parallel_loop3A_282 = arith.index_cast %parallel_loop3A_281 : i32 to index
      %parallel_loop3A_283 = arith.index_cast %parallel_loop3A_216 : i32 to index
      %parallel_loop3A_284 = tpu.vector_load %arg6[%parallel_loop3A_282, %parallel_loop3A_283] {strides = array<i32>} : memref<6x4096xf32, #tpu.memory_space<vmem>>, vector<16xf32>,
      tpu.vector_store %arg6[%parallel_loop3A_282, %parallel_loop3A_283], %parallel_loop3A_280 {strides = array<i32>} : memref<6x4096xf32, #tpu.memory_space<vmem>>, vector<16xf32>,
      %parallel_loop3A_285 = arith.constant 3 : i32
      %parallel_loop3A_286 = vector.broadcast %parallel_loop3A_285 : i32 to vector<16xi32>
      %parallel_loop3A_287 = arith.shrsi %parallel_loop3A_273, %parallel_loop3A_286 : vector<16xi32>
      %parallel_loop3A_288 = arith.constant 7 : i32
      %parallel_loop3A_289 = vector.broadcast %parallel_loop3A_288 : i32 to vector<16xi32>
      %parallel_loop3A_290 = arith.andi %parallel_loop3A_287, %parallel_loop3A_289 : vector<16xi32>
      %parallel_loop3A_291 = arith.sitofp %parallel_loop3A_290 : vector<16xi32> to vector<16xf32>
      %parallel_loop3A_292 = arith.constant 1 : i32
      %parallel_loop3A_293 = arith.index_cast %parallel_loop3A_292 : i32 to index
      %parallel_loop3A_294 = arith.index_cast %parallel_loop3A_216 : i32 to index
      %parallel_loop3A_295 = tpu.vector_load %arg6[%parallel_loop3A_293, %parallel_loop3A_294] {strides = array<i32>} : memref<6x4096xf32, #tpu.memory_space<vmem>>, vector<16xf32>,
      tpu.vector_store %arg6[%parallel_loop3A_293, %parallel_loop3A_294], %parallel_loop3A_291 {strides = array<i32>} : memref<6x4096xf32, #tpu.memory_space<vmem>>, vector<16xf32>,
      %parallel_loop3A_296 = arith.constant 6 : i32
      %parallel_loop3A_297 = vector.broadcast %parallel_loop3A_296 : i32 to vector<16xi32>
      %parallel_loop3A_298 = arith.shrsi %parallel_loop3A_273, %parallel_loop3A_297 : vector<16xi32>
      %parallel_loop3A_299 = arith.constant 7 : i32
      %parallel_loop3A_300 = vector.broadcast %parallel_loop3A_299 : i32 to vector<16xi32>
      %parallel_loop3A_301 = arith.andi %parallel_loop3A_298, %parallel_loop3A_300 : vector<16xi32>
      %parallel_loop3A_302 = arith.sitofp %parallel_loop3A_301 : vector<16xi32> to vector<16xf32>
      %parallel_loop3A_303 = arith.constant 2 : i32
      %parallel_loop3A_304 = arith.index_cast %parallel_loop3A_303 : i32 to index
      %parallel_loop3A_305 = arith.index_cast %parallel_loop3A_216 : i32 to index
      %parallel_loop3A_306 = tpu.vector_load %arg6[%parallel_loop3A_304, %parallel_loop3A_305] {strides = array<i32>} : memref<6x4096xf32, #tpu.memory_space<vmem>>, vector<16xf32>,
      tpu.vector_store %arg6[%parallel_loop3A_304, %parallel_loop3A_305], %parallel_loop3A_302 {strides = array<i32>} : memref<6x4096xf32, #tpu.memory_space<vmem>>, vector<16xf32>,
      %parallel_loop3A_307 = arith.constant 9 : i32
      %parallel_loop3A_308 = vector.broadcast %parallel_loop3A_307 : i32 to vector<16xi32>
      %parallel_loop3A_309 = arith.shrsi %parallel_loop3A_273, %parallel_loop3A_308 : vector<16xi32>
      %parallel_loop3A_310 = arith.constant 7 : i32
      %parallel_loop3A_311 = vector.broadcast %parallel_loop3A_310 : i32 to vector<16xi32>
      %parallel_loop3A_312 = arith.andi %parallel_loop3A_309, %parallel_loop3A_311 : vector<16xi32>
      %parallel_loop3A_313 = arith.sitofp %parallel_loop3A_312 : vector<16xi32> to vector<16xf32>
      %parallel_loop3A_314 = arith.constant 3 : i32
      %parallel_loop3A_315 = arith.index_cast %parallel_loop3A_314 : i32 to index
      %parallel_loop3A_316 = arith.index_cast %parallel_loop3A_216 : i32 to index
      %parallel_loop3A_317 = tpu.vector_load %arg6[%parallel_loop3A_315, %parallel_loop3A_316] {strides = array<i32>} : memref<6x4096xf32, #tpu.memory_space<vmem>>, vector<16xf32>,
      tpu.vector_store %arg6[%parallel_loop3A_315, %parallel_loop3A_316], %parallel_loop3A_313 {strides = array<i32>} : memref<6x4096xf32, #tpu.memory_space<vmem>>, vector<16xf32>,
      %parallel_loop3A_318 = arith.constant 12 : i32
      %parallel_loop3A_319 = vector.broadcast %parallel_loop3A_318 : i32 to vector<16xi32>
      %parallel_loop3A_320 = arith.shrsi %parallel_loop3A_273, %parallel_loop3A_319 : vector<16xi32>
      %parallel_loop3A_321 = arith.constant 7 : i32
      %parallel_loop3A_322 = vector.broadcast %parallel_loop3A_321 : i32 to vector<16xi32>
      %parallel_loop3A_323 = arith.andi %parallel_loop3A_320, %parallel_loop3A_322 : vector<16xi32>
      %parallel_loop3A_324 = arith.sitofp %parallel_loop3A_323 : vector<16xi32> to vector<16xf32>
      %parallel_loop3A_325 = arith.constant 4 : i32
      %parallel_loop3A_326 = arith.index_cast %parallel_loop3A_325 : i32 to index
      %parallel_loop3A_327 = arith.index_cast %parallel_loop3A_216 : i32 to index
      %parallel_loop3A_328 = tpu.vector_load %arg6[%parallel_loop3A_326, %parallel_loop3A_327] {strides = array<i32>} : memref<6x4096xf32, #tpu.memory_space<vmem>>, vector<16xf32>,
      tpu.vector_store %arg6[%parallel_loop3A_326, %parallel_loop3A_327], %parallel_loop3A_324 {strides = array<i32>} : memref<6x4096xf32, #tpu.memory_space<vmem>>, vector<16xf32>,
      %parallel_loop3A_329 = arith.constant 15 : i32
      %parallel_loop3A_330 = vector.broadcast %parallel_loop3A_329 : i32 to vector<16xi32>
      %parallel_loop3A_331 = arith.shrsi %parallel_loop3A_273, %parallel_loop3A_330 : vector<16xi32>
      %parallel_loop3A_332 = arith.constant 7 : i32
      %parallel_loop3A_333 = vector.broadcast %parallel_loop3A_332 : i32 to vector<16xi32>
      %parallel_loop3A_334 = arith.andi %parallel_loop3A_331, %parallel_loop3A_333 : vector<16xi32>
      %parallel_loop3A_335 = arith.sitofp %parallel_loop3A_334 : vector<16xi32> to vector<16xf32>
      %parallel_loop3A_336 = arith.constant 5 : i32
      %parallel_loop3A_337 = arith.index_cast %parallel_loop3A_336 : i32 to index
      %parallel_loop3A_338 = arith.index_cast %parallel_loop3A_216 : i32 to index
      %parallel_loop3A_339 = tpu.vector_load %arg6[%parallel_loop3A_337, %parallel_loop3A_338] {strides = array<i32>} : memref<6x4096xf32, #tpu.memory_space<vmem>>, vector<16xf32>,
      tpu.vector_store %arg6[%parallel_loop3A_337, %parallel_loop3A_338], %parallel_loop3A_335 {strides = array<i32>} : memref<6x4096xf32, #tpu.memory_space<vmem>>, vector<16xf32>,
    } {sc.loop_unroll_factor = 8 : i64, sc.parallel_access}
    %add3A_177 = arith.constant 24576 : i32
    %add3A_178 = arith.addi %mul3A_2, %add3A_177 : i32
    %dma_start3A_179 = arith.constant 0 : i32
    %dma_start3A_180 = tpu.memref_slice %arg3[%dma_start3A_179, %add3A_178] : memref<6x1048576xf32, #tpu.memory_space<hbm>> -> memref<6x4096xf32, #tpu.memory_space<hbm>>
    %dma_start3A_181 = arith.constant 0 : i32
    %dma_start3A_182 = tpu.memref_slice %arg3[%dma_start3A_181, %add3A_178] : memref<6x1048576xf32, #tpu.memory_space<hbm>> -> memref<6x4096xf32, #tpu.memory_space<hbm>>
    tpu.enqueue_dma source(%arg6 : memref<6x4096xf32, #tpu.memory_space<vmem>>) target(%dma_start3A_182 : memref<6x4096xf32, #tpu.memory_space<hbm>>) target_semaphore(%arg10 : memref<!tpu.dma_semaphore, #tpu.memory_space<semaphore_mem>>)
    %add3A_183 = arith.constant 28672 : i32
    %add3A_184 = arith.addi %mul3A_2, %add3A_183 : i32
    %dma_wait3A_185 = arith.constant 0 : i32
    %dma_wait3A_186 = tpu.memref_slice %arg2[%dma_wait3A_185, %add3A_184] : memref<5x1048576xi32, #tpu.memory_space<hbm>> -> memref<5x4096xi32, #tpu.memory_space<hbm>>
    %dma_wait3A_187 = arith.constant 0 : i32
    %dma_wait3A_188 = tpu.memref_slice %arg2[%dma_wait3A_187, %add3A_184] : memref<5x1048576xi32, #tpu.memory_space<hbm>> -> memref<5x4096xi32, #tpu.memory_space<hbm>>
    tpu.wait_dma2 semaphore(%arg9 : memref<!tpu.dma_semaphore, #tpu.memory_space<semaphore_mem>>) src(%dma_wait3A_188 : memref<5x4096xi32, #tpu.memory_space<hbm>>) dst(%arg5 : memref<5x4096xi32, #tpu.memory_space<vmem>>)
    %add3A_189 = arith.constant 20480 : i32
    %add3A_190 = arith.addi %mul3A_2, %add3A_189 : i32
    %dma_wait3A_191 = arith.constant 0 : i32
    %dma_wait3A_192 = tpu.memref_slice %arg3[%dma_wait3A_191, %add3A_190] : memref<6x1048576xf32, #tpu.memory_space<hbm>> -> memref<6x4096xf32, #tpu.memory_space<hbm>>
    %dma_wait3A_193 = arith.constant 0 : i32
    %dma_wait3A_194 = tpu.memref_slice %arg3[%dma_wait3A_193, %add3A_190] : memref<6x1048576xf32, #tpu.memory_space<hbm>> -> memref<6x4096xf32, #tpu.memory_space<hbm>>
    tpu.wait_dma2 semaphore(%arg11 : memref<!tpu.dma_semaphore, #tpu.memory_space<semaphore_mem>>) src(%arg7 : memref<6x4096xf32, #tpu.memory_space<vmem>>) dst(%dma_wait3A_194 : memref<6x4096xf32, #tpu.memory_space<hbm>>)
    %parallel_loop3A_195 = arith.constant 0 : i32
    %parallel_loop3A_196 = arith.constant 4096 : i32
    %parallel_loop3A_197 = arith.constant 16 : i32
    scf.for %parallel_loop3A_216 = %parallel_loop3A_195 to %parallel_loop3A_196 step %parallel_loop3A_197  : i32 {
      %parallel_loop3A_217 = arith.constant 0 : i32
      %parallel_loop3A_218 = vector.broadcast %parallel_loop3A_217 : i32 to vector<16xi32>
      %parallel_loop3A_219 = arith.constant 0 : i32
      %parallel_loop3A_220 = arith.index_cast %parallel_loop3A_219 : i32 to index
      %parallel_loop3A_221 = arith.index_cast %parallel_loop3A_216 : i32 to index
      %parallel_loop3A_222 = tpu.vector_load %arg5[%parallel_loop3A_220, %parallel_loop3A_221] {strides = array<i32>} : memref<5x4096xi32, #tpu.memory_space<vmem>>, vector<16xi32>,
      %parallel_loop3A_223 = arith.constant 1 : i32
      %parallel_loop3A_224 = vector.broadcast %parallel_loop3A_223 : i32 to vector<16xi32>
      %parallel_loop3A_225 = arith.constant 3 : i32
      %parallel_loop3A_226 = vector.broadcast %parallel_loop3A_225 : i32 to vector<16xi32>
      %parallel_loop3A_227 = arith.muli %parallel_loop3A_222, %parallel_loop3A_226 : vector<16xi32>
      %parallel_loop3A_228 = arith.shli %parallel_loop3A_224, %parallel_loop3A_227 : vector<16xi32>
      %parallel_loop3A_229 = arith.addi %parallel_loop3A_218, %parallel_loop3A_228 : vector<16xi32>
      %parallel_loop3A_230 = arith.constant 1 : i32
      %parallel_loop3A_231 = arith.index_cast %parallel_loop3A_230 : i32 to index
      %parallel_loop3A_232 = arith.index_cast %parallel_loop3A_216 : i32 to index
      %parallel_loop3A_233 = tpu.vector_load %arg5[%parallel_loop3A_231, %parallel_loop3A_232] {strides = array<i32>} : memref<5x4096xi32, #tpu.memory_space<vmem>>, vector<16xi32>,
      %parallel_loop3A_234 = arith.constant 1 : i32
      %parallel_loop3A_235 = vector.broadcast %parallel_loop3A_234 : i32 to vector<16xi32>
      %parallel_loop3A_236 = arith.constant 3 : i32
      %parallel_loop3A_237 = vector.broadcast %parallel_loop3A_236 : i32 to vector<16xi32>
      %parallel_loop3A_238 = arith.muli %parallel_loop3A_233, %parallel_loop3A_237 : vector<16xi32>
      %parallel_loop3A_239 = arith.shli %parallel_loop3A_235, %parallel_loop3A_238 : vector<16xi32>
      %parallel_loop3A_240 = arith.addi %parallel_loop3A_229, %parallel_loop3A_239 : vector<16xi32>
      %parallel_loop3A_241 = arith.constant 2 : i32
      %parallel_loop3A_242 = arith.index_cast %parallel_loop3A_241 : i32 to index
      %parallel_loop3A_243 = arith.index_cast %parallel_loop3A_216 : i32 to index
      %parallel_loop3A_244 = tpu.vector_load %arg5[%parallel_loop3A_242, %parallel_loop3A_243] {strides = array<i32>} : memref<5x4096xi32, #tpu.memory_space<vmem>>, vector<16xi32>,
      %parallel_loop3A_245 = arith.constant 1 : i32
      %parallel_loop3A_246 = vector.broadcast %parallel_loop3A_245 : i32 to vector<16xi32>
      %parallel_loop3A_247 = arith.constant 3 : i32
      %parallel_loop3A_248 = vector.broadcast %parallel_loop3A_247 : i32 to vector<16xi32>
      %parallel_loop3A_249 = arith.muli %parallel_loop3A_244, %parallel_loop3A_248 : vector<16xi32>
      %parallel_loop3A_250 = arith.shli %parallel_loop3A_246, %parallel_loop3A_249 : vector<16xi32>
      %parallel_loop3A_251 = arith.addi %parallel_loop3A_240, %parallel_loop3A_250 : vector<16xi32>
      %parallel_loop3A_252 = arith.constant 3 : i32
      %parallel_loop3A_253 = arith.index_cast %parallel_loop3A_252 : i32 to index
      %parallel_loop3A_254 = arith.index_cast %parallel_loop3A_216 : i32 to index
      %parallel_loop3A_255 = tpu.vector_load %arg5[%parallel_loop3A_253, %parallel_loop3A_254] {strides = array<i32>} : memref<5x4096xi32, #tpu.memory_space<vmem>>, vector<16xi32>,
      %parallel_loop3A_256 = arith.constant 1 : i32
      %parallel_loop3A_257 = vector.broadcast %parallel_loop3A_256 : i32 to vector<16xi32>
      %parallel_loop3A_258 = arith.constant 3 : i32
      %parallel_loop3A_259 = vector.broadcast %parallel_loop3A_258 : i32 to vector<16xi32>
      %parallel_loop3A_260 = arith.muli %parallel_loop3A_255, %parallel_loop3A_259 : vector<16xi32>
      %parallel_loop3A_261 = arith.shli %parallel_loop3A_257, %parallel_loop3A_260 : vector<16xi32>
      %parallel_loop3A_262 = arith.addi %parallel_loop3A_251, %parallel_loop3A_261 : vector<16xi32>
      %parallel_loop3A_263 = arith.constant 4 : i32
      %parallel_loop3A_264 = arith.index_cast %parallel_loop3A_263 : i32 to index
      %parallel_loop3A_265 = arith.index_cast %parallel_loop3A_216 : i32 to index
      %parallel_loop3A_266 = tpu.vector_load %arg5[%parallel_loop3A_264, %parallel_loop3A_265] {strides = array<i32>} : memref<5x4096xi32, #tpu.memory_space<vmem>>, vector<16xi32>,
      %parallel_loop3A_267 = arith.constant 1 : i32
      %parallel_loop3A_268 = vector.broadcast %parallel_loop3A_267 : i32 to vector<16xi32>
      %parallel_loop3A_269 = arith.constant 3 : i32
      %parallel_loop3A_270 = vector.broadcast %parallel_loop3A_269 : i32 to vector<16xi32>
      %parallel_loop3A_271 = arith.muli %parallel_loop3A_266, %parallel_loop3A_270 : vector<16xi32>
      %parallel_loop3A_272 = arith.shli %parallel_loop3A_268, %parallel_loop3A_271 : vector<16xi32>
      %parallel_loop3A_273 = arith.addi %parallel_loop3A_262, %parallel_loop3A_272 : vector<16xi32>
      %parallel_loop3A_274 = arith.constant 0 : i32
      %parallel_loop3A_275 = vector.broadcast %parallel_loop3A_274 : i32 to vector<16xi32>
      %parallel_loop3A_276 = arith.shrsi %parallel_loop3A_273, %parallel_loop3A_275 : vector<16xi32>
      %parallel_loop3A_277 = arith.constant 7 : i32
      %parallel_loop3A_278 = vector.broadcast %parallel_loop3A_277 : i32 to vector<16xi32>
      %parallel_loop3A_279 = arith.andi %parallel_loop3A_276, %parallel_loop3A_278 : vector<16xi32>
      %parallel_loop3A_280 = arith.sitofp %parallel_loop3A_279 : vector<16xi32> to vector<16xf32>
      %parallel_loop3A_281 = arith.constant 0 : i32
      %parallel_loop3A_282 = arith.index_cast %parallel_loop3A_281 : i32 to index
      %parallel_loop3A_283 = arith.index_cast %parallel_loop3A_216 : i32 to index
      %parallel_loop3A_284 = tpu.vector_load %arg7[%parallel_loop3A_282, %parallel_loop3A_283] {strides = array<i32>} : memref<6x4096xf32, #tpu.memory_space<vmem>>, vector<16xf32>,
      tpu.vector_store %arg7[%parallel_loop3A_282, %parallel_loop3A_283], %parallel_loop3A_280 {strides = array<i32>} : memref<6x4096xf32, #tpu.memory_space<vmem>>, vector<16xf32>,
      %parallel_loop3A_285 = arith.constant 3 : i32
      %parallel_loop3A_286 = vector.broadcast %parallel_loop3A_285 : i32 to vector<16xi32>
      %parallel_loop3A_287 = arith.shrsi %parallel_loop3A_273, %parallel_loop3A_286 : vector<16xi32>
      %parallel_loop3A_288 = arith.constant 7 : i32
      %parallel_loop3A_289 = vector.broadcast %parallel_loop3A_288 : i32 to vector<16xi32>
      %parallel_loop3A_290 = arith.andi %parallel_loop3A_287, %parallel_loop3A_289 : vector<16xi32>
      %parallel_loop3A_291 = arith.sitofp %parallel_loop3A_290 : vector<16xi32> to vector<16xf32>
      %parallel_loop3A_292 = arith.constant 1 : i32
      %parallel_loop3A_293 = arith.index_cast %parallel_loop3A_292 : i32 to index
      %parallel_loop3A_294 = arith.index_cast %parallel_loop3A_216 : i32 to index
      %parallel_loop3A_295 = tpu.vector_load %arg7[%parallel_loop3A_293, %parallel_loop3A_294] {strides = array<i32>} : memref<6x4096xf32, #tpu.memory_space<vmem>>, vector<16xf32>,
      tpu.vector_store %arg7[%parallel_loop3A_293, %parallel_loop3A_294], %parallel_loop3A_291 {strides = array<i32>} : memref<6x4096xf32, #tpu.memory_space<vmem>>, vector<16xf32>,
      %parallel_loop3A_296 = arith.constant 6 : i32
      %parallel_loop3A_297 = vector.broadcast %parallel_loop3A_296 : i32 to vector<16xi32>
      %parallel_loop3A_298 = arith.shrsi %parallel_loop3A_273, %parallel_loop3A_297 : vector<16xi32>
      %parallel_loop3A_299 = arith.constant 7 : i32
      %parallel_loop3A_300 = vector.broadcast %parallel_loop3A_299 : i32 to vector<16xi32>
      %parallel_loop3A_301 = arith.andi %parallel_loop3A_298, %parallel_loop3A_300 : vector<16xi32>
      %parallel_loop3A_302 = arith.sitofp %parallel_loop3A_301 : vector<16xi32> to vector<16xf32>
      %parallel_loop3A_303 = arith.constant 2 : i32
      %parallel_loop3A_304 = arith.index_cast %parallel_loop3A_303 : i32 to index
      %parallel_loop3A_305 = arith.index_cast %parallel_loop3A_216 : i32 to index
      %parallel_loop3A_306 = tpu.vector_load %arg7[%parallel_loop3A_304, %parallel_loop3A_305] {strides = array<i32>} : memref<6x4096xf32, #tpu.memory_space<vmem>>, vector<16xf32>,
      tpu.vector_store %arg7[%parallel_loop3A_304, %parallel_loop3A_305], %parallel_loop3A_302 {strides = array<i32>} : memref<6x4096xf32, #tpu.memory_space<vmem>>, vector<16xf32>,
      %parallel_loop3A_307 = arith.constant 9 : i32
      %parallel_loop3A_308 = vector.broadcast %parallel_loop3A_307 : i32 to vector<16xi32>
      %parallel_loop3A_309 = arith.shrsi %parallel_loop3A_273, %parallel_loop3A_308 : vector<16xi32>
      %parallel_loop3A_310 = arith.constant 7 : i32
      %parallel_loop3A_311 = vector.broadcast %parallel_loop3A_310 : i32 to vector<16xi32>
      %parallel_loop3A_312 = arith.andi %parallel_loop3A_309, %parallel_loop3A_311 : vector<16xi32>
      %parallel_loop3A_313 = arith.sitofp %parallel_loop3A_312 : vector<16xi32> to vector<16xf32>
      %parallel_loop3A_314 = arith.constant 3 : i32
      %parallel_loop3A_315 = arith.index_cast %parallel_loop3A_314 : i32 to index
      %parallel_loop3A_316 = arith.index_cast %parallel_loop3A_216 : i32 to index
      %parallel_loop3A_317 = tpu.vector_load %arg7[%parallel_loop3A_315, %parallel_loop3A_316] {strides = array<i32>} : memref<6x4096xf32, #tpu.memory_space<vmem>>, vector<16xf32>,
      tpu.vector_store %arg7[%parallel_loop3A_315, %parallel_loop3A_316], %parallel_loop3A_313 {strides = array<i32>} : memref<6x4096xf32, #tpu.memory_space<vmem>>, vector<16xf32>,
      %parallel_loop3A_318 = arith.constant 12 : i32
      %parallel_loop3A_319 = vector.broadcast %parallel_loop3A_318 : i32 to vector<16xi32>
      %parallel_loop3A_320 = arith.shrsi %parallel_loop3A_273, %parallel_loop3A_319 : vector<16xi32>
      %parallel_loop3A_321 = arith.constant 7 : i32
      %parallel_loop3A_322 = vector.broadcast %parallel_loop3A_321 : i32 to vector<16xi32>
      %parallel_loop3A_323 = arith.andi %parallel_loop3A_320, %parallel_loop3A_322 : vector<16xi32>
      %parallel_loop3A_324 = arith.sitofp %parallel_loop3A_323 : vector<16xi32> to vector<16xf32>
      %parallel_loop3A_325 = arith.constant 4 : i32
      %parallel_loop3A_326 = arith.index_cast %parallel_loop3A_325 : i32 to index
      %parallel_loop3A_327 = arith.index_cast %parallel_loop3A_216 : i32 to index
      %parallel_loop3A_328 = tpu.vector_load %arg7[%parallel_loop3A_326, %parallel_loop3A_327] {strides = array<i32>} : memref<6x4096xf32, #tpu.memory_space<vmem>>, vector<16xf32>,
      tpu.vector_store %arg7[%parallel_loop3A_326, %parallel_loop3A_327], %parallel_loop3A_324 {strides = array<i32>} : memref<6x4096xf32, #tpu.memory_space<vmem>>, vector<16xf32>,
      %parallel_loop3A_329 = arith.constant 15 : i32
      %parallel_loop3A_330 = vector.broadcast %parallel_loop3A_329 : i32 to vector<16xi32>
      %parallel_loop3A_331 = arith.shrsi %parallel_loop3A_273, %parallel_loop3A_330 : vector<16xi32>
      %parallel_loop3A_332 = arith.constant 7 : i32
      %parallel_loop3A_333 = vector.broadcast %parallel_loop3A_332 : i32 to vector<16xi32>
      %parallel_loop3A_334 = arith.andi %parallel_loop3A_331, %parallel_loop3A_333 : vector<16xi32>
      %parallel_loop3A_335 = arith.sitofp %parallel_loop3A_334 : vector<16xi32> to vector<16xf32>
      %parallel_loop3A_336 = arith.constant 5 : i32
      %parallel_loop3A_337 = arith.index_cast %parallel_loop3A_336 : i32 to index
      %parallel_loop3A_338 = arith.index_cast %parallel_loop3A_216 : i32 to index
      %parallel_loop3A_339 = tpu.vector_load %arg7[%parallel_loop3A_337, %parallel_loop3A_338] {strides = array<i32>} : memref<6x4096xf32, #tpu.memory_space<vmem>>, vector<16xf32>,
      tpu.vector_store %arg7[%parallel_loop3A_337, %parallel_loop3A_338], %parallel_loop3A_335 {strides = array<i32>} : memref<6x4096xf32, #tpu.memory_space<vmem>>, vector<16xf32>,
    } {sc.loop_unroll_factor = 8 : i64, sc.parallel_access}
    %add3A_198 = arith.constant 28672 : i32
    %add3A_199 = arith.addi %mul3A_2, %add3A_198 : i32
    %dma_start3A_200 = arith.constant 0 : i32
    %dma_start3A_201 = tpu.memref_slice %arg3[%dma_start3A_200, %add3A_199] : memref<6x1048576xf32, #tpu.memory_space<hbm>> -> memref<6x4096xf32, #tpu.memory_space<hbm>>
    %dma_start3A_202 = arith.constant 0 : i32
    %dma_start3A_203 = tpu.memref_slice %arg3[%dma_start3A_202, %add3A_199] : memref<6x1048576xf32, #tpu.memory_space<hbm>> -> memref<6x4096xf32, #tpu.memory_space<hbm>>
    tpu.enqueue_dma source(%arg7 : memref<6x4096xf32, #tpu.memory_space<vmem>>) target(%dma_start3A_203 : memref<6x4096xf32, #tpu.memory_space<hbm>>) target_semaphore(%arg11 : memref<!tpu.dma_semaphore, #tpu.memory_space<semaphore_mem>>)
    %add3A_204 = arith.constant 24576 : i32
    %add3A_205 = arith.addi %mul3A_2, %add3A_204 : i32
    %dma_wait3A_206 = arith.constant 0 : i32
    %dma_wait3A_207 = tpu.memref_slice %arg3[%dma_wait3A_206, %add3A_205] : memref<6x1048576xf32, #tpu.memory_space<hbm>> -> memref<6x4096xf32, #tpu.memory_space<hbm>>
    %dma_wait3A_208 = arith.constant 0 : i32
    %dma_wait3A_209 = tpu.memref_slice %arg3[%dma_wait3A_208, %add3A_205] : memref<6x1048576xf32, #tpu.memory_space<hbm>> -> memref<6x4096xf32, #tpu.memory_space<hbm>>
    tpu.wait_dma2 semaphore(%arg10 : memref<!tpu.dma_semaphore, #tpu.memory_space<semaphore_mem>>) src(%arg6 : memref<6x4096xf32, #tpu.memory_space<vmem>>) dst(%dma_wait3A_209 : memref<6x4096xf32, #tpu.memory_space<hbm>>)
    %add3A_210 = arith.constant 28672 : i32
    %add3A_211 = arith.addi %mul3A_2, %add3A_210 : i32
    %dma_wait3A_212 = arith.constant 0 : i32
    %dma_wait3A_213 = tpu.memref_slice %arg3[%dma_wait3A_212, %add3A_211] : memref<6x1048576xf32, #tpu.memory_space<hbm>> -> memref<6x4096xf32, #tpu.memory_space<hbm>>
    %dma_wait3A_214 = arith.constant 0 : i32
    %dma_wait3A_215 = tpu.memref_slice %arg3[%dma_wait3A_214, %add3A_211] : memref<6x1048576xf32, #tpu.memory_space<hbm>> -> memref<6x4096xf32, #tpu.memory_space<hbm>>
    tpu.wait_dma2 semaphore(%arg11 : memref<!tpu.dma_semaphore, #tpu.memory_space<semaphore_mem>>) src(%arg7 : memref<6x4096xf32, #tpu.memory_space<vmem>>) dst(%dma_wait3A_215 : memref<6x4096xf32, #tpu.memory_space<hbm>>)
    return
  }
}

</mosaic_0001>

<sc_bundles>
// kernel: kernel.3.cloned.1.call-start
scs
__scs_entry_jumppad:
0x0: {  	(pc) =	sbr.rel $0x88, $3  }
0x1: {  	(tag) =	ssettag $0x0;
	lr =	simm.s32 $0x1  }
0x2: {  	[smem:$0x3FA0] =	sst lr;
	_ =	strace $0xD0000000  }
0x3: {  	_ = 	snop  }
0x4: {  	_ = 	snop  }
0x5: {  	_ = 	snop  }
0x6: {  	_ = 	snop  }
0x7: {  	_ = 	snop  }
__scs_overlays_trampoline_lowered:
0x8: {  	[smem:$0x3FAF] =	sst s0  }
0x9: {  	[smem:$0x3FB0] =	sst s1  }
0xa: {  	[smem:$0x3FB1] =	sst s2  }
0xb: {  	[smem:$0x3FB2] =	sst s3  }
0xc: {  	[smem:$0x3FB3] =	sst s4  }
0xd: {  	[smem:$0x3FB4] =	sst s5  }
0xe: {  	[smem:$0x3FB5] =	sst s6  }
0xf: {  	[smem:$0x3FB6] =	sst s7  }
0x10: {  	[smem:$0x3FB7] =	sst s8  }
0x11: {  	[smem:$0x3FB8] =	sst s9;
	s0 =	simm.s32 @!p0 $0x0  }
0x12: {  	s1 =	sld [smem:$0x3F9E];
	s0 =	simm.s32 @p0 $0x1  }
0x13: {  	[smem:$0x3FB9] =	sst s0;
	s0 =	simm.s32 @!p1 $0x0  }
0x14: {  	s2 =	sld [smem:$0x3F9D];
	s0 =	simm.s32 @p1 $0x1  }
0x15: {  	[smem:$0x3FBA] =	sst s0;
	s0 =	simm.s32 @!p2 $0x0  }
0x16: {  	s3 =	sld [smem:$0x3FDB];
	s0 =	simm.s32 @p2 $0x1  }
0x17: {  	s4 =	simm.s32 $0x1BF5;
	[smem:$0x3FBC] =	sst s0  }
0x18: {  	s0 =	sld [smem:$0x3F9F];
	_ =	swait.ge [sflag:s4], $0x0  }
0x19: {  	s7 =	sld [smem:$0x3FA0]  }
0x1a: {  	s8 =	sadd.s32 $0xFFFFE003, lr  }
0x1b: {  	s9 =	sadd.s32 $0xFFFFFEF7, lr;
	s5 =	simm.s32 $0xFFFFFFFF;
	p2 =	slt.u32 s8, $0xFFFFF086  }
0x1c: {  	p1 =	slt.u32 s9, $0xF7A;
	s5 =	simm.s32 @!p2 $0x0  }
0x1d: {  	s5 =	simm.s32 @p1 $0x1;
	p0 =	seq.s32 s7, s2  }
0x1e: {  	s7 =	smul.u32 @!p0 $0xF7A, s2;
	p2 =	seq.s32 @!p0 s5, $0x0  }
0x1f: {  	s9 =	smul.u32 $0xF7A, s1;
	s8 =	simm.s32 @!p0 $0x1BF5;
	p2 =	por !p2, p0  }
0x20: {  	[sflag:s8] =	ssyncset.s32 @!p0 $0xFFFFF086;
	s6 =	sadd.s32 @!p0 s3, s7;
	s7 =	simm.s32 @!p0 $0x108  }
0x21: {  	s3 =	sadd.s32 s3, s9;
	s6 =	sadd.s32 @!p0 $0x88, s6;
	s7 =	simm.s32 @p2 $0x1082  }
0x22: {  	[simem:s7], [sflag:s8] =	dma.local @!p0 [hbm:s6], $0xF7A  }
0x23: {  	s9 =	sor.u32 $0xD0000000, s2;
	s6 =	simm.s32 $0x108;
	_ =	swait.ge @!p0 [sflag:s8], $0x0  }
0x24: {  	s3 =	sadd.s32 $0x88, s3;
	s6 =	simm.s32 @!p1 $0x1082;
	[sflag:s4] =	ssyncset.s32 $0xFFFFF086  }
0x25: {  	[simem:s6], [sflag:s4] =	dma.local [hbm:s3], $0xF7A  }
0x26: {  	[smem:$0x3FA0] =	sst s1;
	(tag) =	ssettag s2;
	_ =	strace s9  }
0x27: {  	s1 =	sld [smem:$0x3FB0]  }
0x28: {  	s2 =	sld [smem:$0x3FB1]  }
0x29: {  	s4 =	sld [smem:$0x3FB3]  }
0x2a: {  	p0 =	seq.s32 s5, $0x0;
	s5 =	sld [smem:$0x3FB4]  }
0x2b: {  	s6 =	sld [smem:$0x3FB5]  }
0x2c: {  	s7 =	sld [smem:$0x3FB6]  }
0x2d: {  	s3 =	simm.s32 $0x108;
	s8 =	sld [smem:$0x3FB7]  }
0x2e: {  	s3 =	simm.s32 @!p0 $0x1082;
	s9 =	sld [smem:$0x3FB8]  }
0x2f: {  	lr =	sadd.s32 s0, s3;
	s0 =	sld [smem:$0x3FAF]  }
0x30: {  	s3 =	sld [smem:$0x3FB2]  }
0x31: {  	[smem:$0x3FBB] =	sst s10  }
0x32: {  	s10 =	sld [smem:$0x3FB9];
	_ =	sdelay $0x3  }
0x33: {  	p0 =	seq.s32 s10, $0x1;
	s10 =	sld [smem:$0x3FBB];
	_ =	sdelay $0x3  }
0x34: {  	[smem:$0x3FBB] =	sst s10  }
0x35: {  	s10 =	sld [smem:$0x3FBA];
	_ =	sdelay $0x3  }
0x36: {  	p1 =	seq.s32 s10, $0x1;
	s10 =	sld [smem:$0x3FBB];
	_ =	sdelay $0x3  }
0x37: {  	[smem:$0x3FBB] =	sst s10  }
0x38: {  	s10 =	sld [smem:$0x3FBC]  }
0x39: {  	_ = 	snop;
	(pc) =	sbr.ind lr, $3  }
0x3a: {  	_ = 	snop  }
0x3b: {  	_ = 	snop  }
0x3c: {  	p2 =	seq.s32 s10, $0x1;
	s10 =	sld [smem:$0x3FBB]  }
0x3d: {  	_ =	shalt  }
0x3e: {  	_ =	shalt  }
0x3f: {  	_ =	shalt  }
0x40: {  	_ =	shalt  }
0x41: {  	_ =	shalt  }
0x42: {  	_ =	shalt  }
0x43: {  	_ =	shalt  }
0x44: {  	_ =	shalt  }
0x45: {  	_ =	shalt  }
0x46: {  	_ =	shalt  }
0x47: {  	_ =	shalt  }
0x48: {  	_ =	shalt  }
0x49: {  	_ =	shalt  }
0x4a: {  	_ =	shalt  }
0x4b: {  	_ =	shalt  }
0x4c: {  	_ =	shalt  }
0x4d: {  	_ =	shalt  }
0x4e: {  	_ =	shalt  }
0x4f: {  	_ =	shalt  }
0x50: {  	_ =	shalt  }
0x51: {  	_ =	shalt  }
0x52: {  	_ =	shalt  }
0x53: {  	_ =	shalt  }
0x54: {  	_ =	shalt  }
0x55: {  	_ =	shalt  }
0x56: {  	_ =	shalt  }
0x57: {  	_ =	shalt  }
0x58: {  	_ =	shalt  }
0x59: {  	_ =	shalt  }
0x5a: {  	_ =	shalt  }
0x5b: {  	_ =	shalt  }
0x5c: {  	_ =	shalt  }
0x5d: {  	_ =	shalt  }
0x5e: {  	_ =	shalt  }
0x5f: {  	_ =	shalt  }
0x60: {  	_ =	shalt  }
0x61: {  	_ =	shalt  }
0x62: {  	_ =	shalt  }
0x63: {  	_ =	shalt  }
0x64: {  	_ =	shalt  }
0x65: {  	_ =	shalt  }
0x66: {  	_ =	shalt  }
0x67: {  	_ =	shalt  }
0x68: {  	_ =	shalt  }
0x69: {  	_ =	shalt  }
0x6a: {  	_ =	shalt  }
0x6b: {  	_ =	shalt  }
0x6c: {  	_ =	shalt  }
0x6d: {  	_ =	shalt  }
0x6e: {  	_ =	shalt  }
0x6f: {  	_ =	shalt  }
0x70: {  	_ =	shalt  }
0x71: {  	_ =	shalt  }
0x72: {  	_ =	shalt  }
0x73: {  	_ =	shalt  }
0x74: {  	_ =	shalt  }
0x75: {  	_ =	shalt  }
0x76: {  	_ =	shalt  }
0x77: {  	_ =	shalt  }
0x78: {  	_ =	shalt  }
0x79: {  	_ =	shalt  }
0x7a: {  	_ =	shalt  }
0x7b: {  	_ =	shalt  }
0x7c: {  	_ =	shalt  }
0x7d: {  	_ =	shalt  }
0x7e: {  	_ =	shalt  }
0x7f: {  	_ =	shalt  }
0x80: {  	_ =	shalt  }
0x81: {  	_ =	shalt  }
0x82: {  	_ =	shalt  }
0x83: {  	_ =	shalt  }
0x84: {  	_ =	shalt  }
0x85: {  	_ =	shalt  }
0x86: {  	_ =	shalt  }
0x87: {  	_ =	shalt  }
.Lfunc_end0:
.L_simem_size_0:
called_computation_lowered:
.L_overlay_start_0:
0x88: {  	s2 =	sld [smem:$0x3FD9]  }
0x89: {  	s3 =	sld [smem:$0x3FFE];
	_ =	sdelay $0x1  }
0x8a: {  	s1 =	srdreg.scid  }
0x8b: {  	s0 =	sand.u32 $0x1, s1  }
0x8c: {  	s18 =	sshll.u32 s0, $0xA;
	s2 =	sadd.s32 s3, s2  }
0x8d: {  	s2 =	sadd.s32 s2, s18  }
0x8e: {  	[smem:$0x3FC7] =	sst s2  }
0x8f: {  	_ = 	snop  }
0x90: {  	s2 =	sld [smem:$0x3FC9]  }
0x91: {  	s19 =	sld [smem:$0x3FD0];
	(tm) =	ssettm $0x1  }
0x92: {  	s4 =	sld [smem:$0x3FFB];
	_ =	sdelay $0x3  }
0x93: {  	_ =	strace s4  }
0x94: {  	s4 =	sld [smem:$0x3FFC];
	_ =	sdelay $0x3  }
0x95: {  	_ =	strace s4  }
0x96: {  	s4 =	sld [smem:$0x3FFD];
	_ =	sdelay $0x3  }
0x97: {  	_ =	strace s4  }
0x98: {  	_ =	strace $0x8FFFFFFF  }
0x99: {  	s20 =	sld [smem:$0x3FDB];
	_ =	sdelay $0x1  }
0x9a: {  	s5 =	simm.s32 $_scs_section_size  }
0x9b: {  	s6 =	simm.s32 $_size__tile_overlayer_lowered;
	s7 =	simm.s32 $_tile_overlayer_lowered  }
0x9c: {  	s23 =	simm.s32 $0x1BFF;
	s22 =	sshll.u32 s7, $0x1;
	s4 =	sadd.s32 s5, s20  }
0x9d: {  	s8 =	simm.s32 $0x0;
	s21 =	sshll.u32 s6, $0x1;
	s6 =	sadd.s32 s22, s4  }
0x9e: {  	[timem:s8], [sflag:s23] =	dma.local [hbm:s6], s21  }
0x9f: {  	_ =	swait.ge [sflag:s23], s21  }
0xa0: {  	s5 =	ssub.s32 $0x0, s21;
	[sflag:s23] =	ssyncset.done $0x0  }
0xa1: {  	[sflag:s23] =	ssyncadd.s32 s5;
	_ =	sdelay $0x1  }
0xa2: {  	s24 =	simm.s32 $0x1B8B  }
0xa3: {  	_ =	swait.ge [sflag:s24], $0x1  }
0xa4: {  	[sflag:s24] =	ssyncset.done $0x0  }
0xa5: {  	s25 =	simm.s32 $0x1B8E;
	[sflag:s24] =	ssyncadd.s32 $0xFFFFFFFF  }
0xa6: {  	s26 =	simm.s32 $execute0_lowered;
	[smem:$0x3FD2] =	sst s25  }
0xa7: {  	s5 =	sshll.u32 s26, $0x1;
	_ =	strace $0x80000046;
	[dreg:$0x1] =	wrdreg $0xFFFFFFFF  }
0xa8: {  	s28 =	simm.s32 $_size_execute0_lowered;
	s4 =	sadd.s32 s4, s5;
	[dreg:$0x0] =	wrdreg $0x0  }
0xa9: {  	s5 =	sshll.u32 s28, $0x1;
	[dreg:$0x2] =	wrdreg s4  }
0xaa: {  	[dreg:$0x3] =	wrdreg s5  }
0xab: {  	[dreg:$0x4] =	wrdreg $0xC0  }
0xac: {  	_ =	task [dreg:s8], $0x5FFFF  }
0xad: {  	[dreg:$0x1] =	wrdreg $0xFFFFFFFF  }
0xae: {  	[dreg:$0x0] =	wrdreg $0x60  }
0xaf: {  	[dreg:$0x2] =	wrdreg s2  }
0xb0: {  	[dreg:$0x3] =	wrdreg s19  }
0xb1: {  	[dreg:$0x4] =	wrdreg $0x9  }
0xb2: {  	_ =	task.clear_ibuf [dreg:s8], $0x5FFFF;
	_ =	strace $0x90000046  }
0xb3: {  	s29 =	simm.s32 $0x9;
	_ =	strace $0x80000048  }
0xb4: {  	_ =	swait.ge [sflag:s29], $0x1  }
0xb5: {  	[sflag:s29] =	ssyncadd.s32 $0xFFFFFFFF  }
0xb6: {  	_ =	strace $0x90000048  }
0xb7: {  	_ =	sfence  }
0xb8: {  	s30 =	sld [smem:$0x0];
	_ =	sdelay $0x2  }
0xb9: {  	s31 =	sshll.u32 s1, $0xD;
	s1 =	sshrl.u32 s1, $0x2  }
0xba: {  	s3 =	sand.u32 $0x4000, s31;
	s1 =	sadd.s32 s1, s30  }
0xbb: {  	s0 =	sor.u32 s3, s0;
	s1 =	sshll.u32 s1, $0x11  }
0xbc: {  	s0 =	sor.u32 s1, s0  }
0xbd: {  	s0 =	sadd.s32 $0x8F2B, s0  }
0xbe: {  	[sflag:s0] =	ssyncadd.remote.s32 $0x1  }
0xbf: {  	_ =	sfence.sel $0xFFFF  }
0xc0: {  	[dreg:$0x0] =	wrdreg $0xFFFFFFFF;
	(pc) =	sbr.abs _section_cstart, $3  }
0xc1: {  	[dreg:$0x1] =	wrdreg $0xFFFFFFFF  }
0xc2: {  	_ =	task.clear_ibuf [dreg:s8], $0x2FFFF;
	_ =	strace $0x9FFFFFFF  }
0xc3: {  	(tm) =	ssettm $0x7FFFFFFF  }
tec
execute0_lowered:
.L_overlay_start_1:
0x0: {  	(tag) =	ssettag $0x1  }
0x1: {  	s0 =	rddreg [dreg:$0x0]  }
0x2: {  	s18 =	rddreg [dreg:$0x1];
	s2 =	simm.s32 $0x0;
	s3 =	srdreg.scid  }
0x3: {  	s1 =	stileid.u32;
	s21 =	simm.s32 $0x1;
	s22 =	simm.s32 $0x10000  }
0x4: {  	s23 =	simm.s32 $0x2;
	s24 =	simm.s32 $0x18000;
	s25 =	simm.s32 $0x3  }
0x5: {  	s26 =	simm.s32 $0x4;
	s28 =	simm.s32 $0x0;
	s3 =	sand.u32 $0x1, s3  }
0x6: {  	s5 =	sshll.u32 s1, $0x10;
	s4 =	ssub.s32 $0x2, s3;
	s3 =	sshll.u32 s3, $0xF  }
0x7: {  	[smem:$0x7FF] =	sst s2;
	s6 =	sshrl.u32 s4, $0x1;
	s16 =	sor.u32 s3, s5  }
0x8: {  	_ =	strace $0x80000047;
	s19 =	ssub.s32 s4, s6;
	s3 =	sadd.s32 s0, s16  }
0x9: {  	s7 =	sor.u32 $0x1000, s16;
	s5 =	sadd.s32 s18, s16;
	s9 =	sor.u32 $0x2000, s16  }
0xa: {  	s11 =	sor.u32 $0x3000, s16;
	s13 =	sor.u32 $0x4000, s16;
	s15 =	sor.u32 $0x5000, s16  }
0xb: {  	s17 =	sor.u32 $0x6000, s16;
	s20 =	sor.u32 $0x7000, s16;
	s4 =	sadd.s32 s0, s7  }
0xc: {  	s6 =	sadd.s32 s0, s9;
	s7 =	sadd.s32 s18, s7;
	s8 =	sadd.s32 s0, s11  }
0xd: {  	s9 =	sadd.s32 s18, s9;
	s10 =	sadd.s32 s0, s13;
	s11 =	sadd.s32 s18, s11  }
0xe: {  	s12 =	sadd.s32 s0, s15;
	s13 =	sadd.s32 s18, s13;
	s14 =	sadd.s32 s0, s17  }
0xf: {  	s15 =	sadd.s32 s18, s15;
	s16 =	sadd.s32 s0, s20;
	s17 =	sadd.s32 s18, s17  }
0x10: {  	v0 =	vimm.s32 $0x1;
	s18 =	sadd.s32 s18, s20;
	s19 =	smax.u32 s19, $0x1;
	s20 =	simm.s32 $0x8000  }
.LBB2_1:
0x11: {  	[tilespmem:s2], [sflag:$0x1] =	stream.linear.gather [hbm4b:s3+s2], $0x8000, $0x38;
	v63 =	vld [tilespmem:$0x0]  }
0x12: {  	_ = 	snop  }
0x13: {  	[tilespmem:s20], [sflag:$0x2] =	stream.linear.gather [hbm4b:s4+s2], $0x8000, $0x38;
	v63 =	vld [tilespmem:$0x0]  }
0x14: {  	_ =	swait.ge [sflag:s21], $0x8000  }
0x15: {  	[sflag:s21] =	ssyncset.done $0x0  }
0x16: {  	s0 =	simm.s32 $0x140;
	[sflag:s21] =	ssyncadd.s32 $0xFFFF8000  }
0x17: {  	v1 =	vld [tilespmem:s0+$0xFFFFFF30]  }
0x18: {  	v2 =	vld [tilespmem:s0+$0xFFFFFFB0]  }
0x19: {  	v3 =	vld [tilespmem:s0+$0x30]  }
0x1a: {  	v4 =	vld [tilespmem:s0+$0xB0]  }
0x1b: {  	v5 =	vld [tilespmem:s0+$0x130]  }
0x1c: {  	v10 =	vld [tilespmem:s0+$0xFFFFFF60]  }
0x1d: {  	v12 =	vld [tilespmem:s0+$0xFFFFFF10]  }
0x1e: {  	v14 =	vld [tilespmem:s0+$0xFFFFFF90]  }
0x1f: {  	v16 =	vld [tilespmem:s0+$0xFFFFFFC0]  }
0x20: {  	v17 =	vld [tilespmem:s0+$0xFFFFFFD0]  }
0x21: {  	v18 =	vld [tilespmem:s0+$0xFFFFFFE0]  }
0x22: {  	v21 =	vld [tilespmem:s0+$0x10]  }
0x23: {  	v6 =	vld [tilespmem:s0+$0xFFFFFF40];
	v1 =	vmul.u32 $0x3, v1;
	v2 =	vmul.u32 $0x3, v2  }
0x24: {  	v7 =	vld [tilespmem:s0+$0xFFFFFED0];
	v3 =	vmul.u32 $0x3, v3;
	v4 =	vmul.u32 $0x3, v4;
	v10 =	vmul.u32 $0x3, v10  }
0x25: {  	v8 =	vld [tilespmem:s0+$0xFFFFFF50];
	v12 =	vmul.u32 $0x3, v12;
	v14 =	vmul.u32 $0x3, v14;
	v16 =	vmul.u32 $0x3, v16  }
0x26: {  	v9 =	vld [tilespmem:s0+$0xFFFFFEE0];
	v17 =	vmul.u32 $0x3, v17;
	v1 =	vshll.u32 v0, v1;
	v2 =	vshll.u32 v0, v2  }
0x27: {  	v18 =	vmul.u32 $0x3, v18;
	v21 =	vmul.u32 $0x3, v21;
	v1 =	vadd.s32 v1, v2  }
0x28: {  	v2 =	vshll.u32 v0, v3;
	v3 =	vmul.u32 $0x3, v5;
	v5 =	vmul.u32 $0x3, v6  }
0x29: {  	v6 =	vld [tilespmem:s0+$0xFFFFFEF0];
	v1 =	vadd.s32 v2, v1;
	v2 =	vshll.u32 v0, v4;
	v4 =	vmul.u32 $0x3, v7  }
0x2a: {  	v1 =	vadd.s32 v2, v1;
	v2 =	vshll.u32 v0, v3;
	v11 =	vshll.u32 v0, v5;
	v5 =	vld [tilespmem:s0+$0xFFFFFF00]  }
0x2b: {  	v3 =	vmul.u32 $0x3, v8;
	v8 =	vld [tilespmem:s0+$0xFFFFFF80];
	v1 =	vadd.s32 v2, v1;
	v2 =	vmul.u32 $0x3, v9  }
0x2c: {  	v14 =	vshll.u32 v0, v14;
	v7 =	vld [tilespmem:s0+$0xFFFFFF70];
	v4 =	vshll.u32 v0, v4;
	v9 =	vshrl.u32 v1, $0xF  }
0x2d: {  	v22 =	vld [tilespmem:s0+$0x20];
	v3 =	vshll.u32 v0, v3;
	v9 =	vand.u32 $0x7, v9;
	v13 =	vshll.u32 v0, v2  }
0x2e: {  	v6 =	vmul.u32 $0x3, v6;
	v2 =	vcvt.s32.f32 v9;
	v9 =	vshll.u32 v0, v10;
	v10 =	vld [tilespmem:s0+$0xFFFFFF20]  }
0x2f: {  	v17 =	vshll.u32 v0, v17;
	v15 =	vadd.s32 v4, v3;
	v9 =	vadd.s32 v13, v9;
	v13 =	vld [tilespmem:s0+$0xFFFFFEC0]  }
0x30: {  	v4 =	vshll.u32 v0, v6;
	v6 =	vld [tilespmem:s0+$0xFFFFFFA0];
	v5 =	vmul.u32 $0x3, v5;
	v8 =	vmul.u32 $0x3, v8  }
0x31: {  	v18 =	vshll.u32 v0, v18;
	v21 =	vshll.u32 v0, v21;
	v7 =	vmul.u32 $0x3, v7  }
0x32: {  	v3 =	vshrl.u32 v1, $0x3;
	v5 =	vshll.u32 v0, v5;
	v8 =	vshll.u32 v0, v8  }
0x33: {  	v7 =	vshll.u32 v0, v7;
	v8 =	vadd.s32 v5, v8;
	v5 =	vshll.u32 v0, v12;
	v12 =	vld [tilespmem:s0+$0xFFFFFFF0]  }
0x34: {  	v20 =	vld [tilespmem:s0+$0x0];
	v9 =	vadd.s32 v18, v9;
	v10 =	vmul.u32 $0x3, v10;
	v13 =	vmul.u32 $0x3, v13  }
0x35: {  	v18 =	vmul.u32 $0x3, v22;
	v7 =	vadd.s32 v4, v7;
	v19 =	vmul.u32 $0x3, v6  }
0x36: {  	v22 =	vld [tilespmem:s0+$0x90];
	v4 =	vshrl.u32 v1, $0x6;
	v10 =	vshll.u32 v0, v10;
	v13 =	vshll.u32 v0, v13  }
0x37: {  	v19 =	vshll.u32 v0, v19;
	v11 =	vadd.s32 v13, v11;
	v13 =	vshll.u32 v0, v16;
	v16 =	vld [tilespmem:s0+$0x40]  }
0x38: {  	v18 =	vshll.u32 v0, v18;
	v10 =	vadd.s32 v10, v19;
	v19 =	vld [tilespmem:s0+$0x50];
	v12 =	vmul.u32 $0x3, v12  }
0x39: {  	v11 =	vadd.s32 v13, v11;
	v13 =	vadd.s32 v17, v15;
	v15 =	vld [tilespmem:s0+$0x60];
	v17 =	vmul.u32 $0x3, v20  }
0x3a: {  	v14 =	vadd.s32 v5, v14;
	v5 =	vshrl.u32 v1, $0xC;
	v20 =	vld [tilespmem:s0+$0x70];
	v12 =	vshll.u32 v0, v12  }
0x3b: {  	v6 =	vshrl.u32 v1, $0x9;
	v7 =	vadd.s32 v12, v7;
	v12 =	vshll.u32 v0, v17;
	v17 =	vld [tilespmem:s0+$0x80]  }
0x3c: {  	v14 =	vadd.s32 v21, v14;
	v1 =	vand.u32 $0x7, v1;
	v16 =	vmul.u32 $0x3, v16  }
0x3d: {  	v22 =	vmul.u32 $0x3, v22;
	v8 =	vadd.s32 v12, v8;
	v12 =	vmul.u32 $0x3, v19;
	v19 =	vld [tilespmem:s0+$0xA0]  }
0x3e: {  	v21 =	vld [tilespmem:s0+$0xC0];
	v10 =	vadd.s32 v18, v10;
	v15 =	vmul.u32 $0x3, v15;
	v16 =	vshll.u32 v0, v16  }
0x3f: {  	v18 =	vld [tilespmem:s0+$0xD0];
	v20 =	vmul.u32 $0x3, v20;
	v12 =	vshll.u32 v0, v12;
	v11 =	vadd.s32 v16, v11  }
0x40: {  	v12 =	vadd.s32 v12, v13;
	v13 =	vld [tilespmem:s0+$0xE0];
	v16 =	vmul.u32 $0x3, v17;
	v15 =	vshll.u32 v0, v15  }
0x41: {  	v6 =	vand.u32 $0x7, v6;
	v17 =	vshll.u32 v0, v20;
	v20 =	vld [tilespmem:s0+$0xF0];
	v9 =	vadd.s32 v15, v9  }
0x42: {  	v7 =	vadd.s32 v17, v7;
	v15 =	vshll.u32 v0, v16;
	v16 =	vld [tilespmem:s0+$0x100];
	v17 =	vmul.u32 $0x3, v19  }
0x43: {  	v19 =	vmul.u32 $0x3, v21;
	v21 =	vshll.u32 v0, v22;
	v22 =	vld [tilespmem:s0+$0x110];
	v8 =	vadd.s32 v15, v8  }
0x44: {  	v15 =	vmul.u32 $0x3, v18;
	v14 =	vadd.s32 v21, v14;
	v17 =	vshll.u32 v0, v17  }
0x45: {  	v18 =	vld [tilespmem:s0+$0x120];
	v19 =	vshll.u32 v0, v19;
	v13 =	vmul.u32 $0x3, v13;
	v10 =	vadd.s32 v17, v10  }
0x46: {  	v15 =	vshll.u32 v0, v15;
	v17 =	vmul.u32 $0x3, v20;
	v11 =	vadd.s32 v19, v11  }
0x47: {  	v12 =	vadd.s32 v15, v12;
	v15 =	vmul.u32 $0x3, v16;
	v13 =	vshll.u32 v0, v13  }
0x48: {  	v16 =	vshll.u32 v0, v17;
	v17 =	vmul.u32 $0x3, v22;
	v19 =	vshrl.u32 v12, $0xC  }
0x49: {  	v23 =	vshrl.u32 v12, $0xF;
	v13 =	vadd.s32 v13, v9;
	v20 =	vadd.s32 v16, v7  }
0x4a: {  	v9 =	vmul.u32 $0x3, v18;
	v18 =	vshrl.u32 v12, $0x9;
	v19 =	vand.u32 $0x7, v19  }
0x4b: {  	v23 =	vand.u32 $0x7, v23;
	v7 =	vshll.u32 v0, v15;
	v15 =	vshrl.u32 v11, $0x3  }
0x4c: {  	v16 =	vshll.u32 v0, v17;
	v24 =	vshrl.u32 v13, $0x3;
	v25 =	vshrl.u32 v13, $0x6  }
0x4d: {  	v26 =	vshrl.u32 v13, $0x9;
	v27 =	vshrl.u32 v13, $0xC;
	v28 =	vshrl.u32 v13, $0xF  }
0x4e: {  	v29 =	vshrl.u32 v20, $0x3;
	v30 =	vshrl.u32 v20, $0x6;
	v31 =	vshrl.u32 v20, $0x9  }
0x4f: {  	v32 =	vshrl.u32 v20, $0xC;
	v33 =	vshrl.u32 v20, $0xF;
	v18 =	vand.u32 $0x7, v18  }
0x50: {  	v61 =	vcvt.s32.f32 v19;
	v23 =	vcvt.s32.f32 v23;
	v13 =	vand.u32 $0x7, v13  }
0x51: {  	v17 =	vadd.s32 v7, v8;
	v7 =	vshrl.u32 v11, $0x6;
	v21 =	vadd.s32 v16, v14  }
0x52: {  	v8 =	vshll.u32 v0, v9;
	v9 =	vshrl.u32 v11, $0x9;
	v14 =	vshrl.u32 v11, $0xC  }
0x53: {  	v16 =	vshrl.u32 v12, $0x6;
	v15 =	vand.u32 $0x7, v15;
	v24 =	vand.u32 $0x7, v24  }
0x54: {  	v25 =	vand.u32 $0x7, v25;
	v26 =	vand.u32 $0x7, v26;
	v27 =	vand.u32 $0x7, v27  }
0x55: {  	v28 =	vand.u32 $0x7, v28;
	v29 =	vand.u32 $0x7, v29;
	v30 =	vand.u32 $0x7, v30  }
0x56: {  	v31 =	vand.u32 $0x7, v31;
	v32 =	vand.u32 $0x7, v32;
	v50 =	vand.u32 $0x7, v33  }
0x57: {  	v60 =	vcvt.s32.f32 v18;
	v22 =	vadd.s32 v8, v10;
	v8 =	vshrl.u32 v11, $0xF  }
0x58: {  	v10 =	vshrl.u32 v12, $0x3;
	v34 =	vshrl.u32 v17, $0x3;
	v35 =	vshrl.u32 v17, $0x6  }
0x59: {  	v36 =	vshrl.u32 v17, $0x9;
	v37 =	vshrl.u32 v17, $0xC;
	v38 =	vshrl.u32 v17, $0xF  }
0x5a: {  	v39 =	vshrl.u32 v21, $0x3;
	v40 =	vshrl.u32 v21, $0x6;
	v41 =	vshrl.u32 v21, $0x9  }
0x5b: {  	v42 =	vshrl.u32 v21, $0xC;
	v43 =	vshrl.u32 v21, $0xF;
	v15 =	vcvt.s32.f32 v15  }
0x5c: {  	v7 =	vand.u32 $0x7, v7;
	v24 =	vcvt.s32.f32 v24;
	v62 =	vcvt.s32.f32 v25  }
0x5d: {  	v9 =	vand.u32 $0x7, v9;
	v51 =	vcvt.s32.f32 v26;
	v52 =	vcvt.s32.f32 v27  }
0x5e: {  	v14 =	vand.u32 $0x7, v14;
	v33 =	vcvt.s32.f32 v28;
	v19 =	vcvt.s32.f32 v29  }
0x5f: {  	v16 =	vand.u32 $0x7, v16;
	v18 =	vcvt.s32.f32 v31;
	v32 =	vcvt.s32.f32 v32  }
0x60: {  	v31 =	vcvt.s32.f32 v50;
	v44 =	vshrl.u32 v22, $0x3;
	v45 =	vshrl.u32 v22, $0x6  }
0x61: {  	s29 =	simm.s32 $0x10180;
	v46 =	vshrl.u32 v22, $0x9;
	v47 =	vshrl.u32 v22, $0xC;
	v48 =	vshrl.u32 v22, $0xF  }
0x62: {  	[tilespmem:s29+$0x170] =	vst v2;
	v49 =	vand.u32 $0x7, v8;
	v10 =	vand.u32 $0x7, v10;
	v34 =	vand.u32 $0x7, v34  }
0x63: {  	[tilespmem:s29+$0x90] =	vst v61;
	v35 =	vand.u32 $0x7, v35;
	v36 =	vand.u32 $0x7, v36;
	v37 =	vand.u32 $0x7, v37  }
0x64: {  	[tilespmem:s29+$0x110] =	vst v23;
	v38 =	vand.u32 $0x7, v38;
	v39 =	vand.u32 $0x7, v39;
	v40 =	vand.u32 $0x7, v40  }
0x65: {  	v41 =	vand.u32 $0x7, v41;
	v42 =	vand.u32 $0x7, v42;
	v58 =	vcvt.s32.f32 v7;
	[tilespmem:s29+$0x10] =	vst v60  }
0x66: {  	v43 =	vand.u32 $0x7, v43;
	v2 =	vcvt.s32.f32 v9;
	v14 =	vcvt.s32.f32 v14;
	[tilespmem:s29+$0xFFFFFF00] =	vst v15  }
0x67: {  	v16 =	vcvt.s32.f32 v16;
	v44 =	vand.u32 $0x7, v44;
	v45 =	vand.u32 $0x7, v45;
	[tilespmem:s29+$0xFFFFFF20] =	vst v24  }
0x68: {  	v8 =	vand.u32 $0x7, v46;
	v9 =	vand.u32 $0x7, v47;
	v15 =	vcvt.s32.f32 v49;
	[tilespmem:s29+$0xFFFFFFA0] =	vst v62  }
0x69: {  	v59 =	vcvt.s32.f32 v10;
	v7 =	vand.u32 $0x7, v48;
	v10 =	vand.u32 $0x7, v3;
	[tilespmem:s29+$0x20] =	vst v51  }
0x6a: {  	v3 =	vand.u32 $0x7, v4;
	v29 =	vcvt.s32.f32 v35;
	v28 =	vcvt.s32.f32 v36;
	[tilespmem:s29+$0xA0] =	vst v52  }
0x6b: {  	v4 =	vand.u32 $0x7, v11;
	v27 =	vcvt.s32.f32 v37;
	v26 =	vcvt.s32.f32 v38;
	[tilespmem:s29+$0xFFFFFF80] =	vst v58  }
0x6c: {  	v25 =	vcvt.s32.f32 v39;
	v11 =	vand.u32 $0x7, v21;
	v24 =	vcvt.s32.f32 v40;
	[tilespmem:s29+$0x0] =	vst v2  }
0x6d: {  	v23 =	vcvt.s32.f32 v41;
	v21 =	vcvt.s32.f32 v43;
	[tilespmem:s29+$0x80] =	vst v14;
	v2 =	vand.u32 $0x7, v12  }
0x6e: {  	[tilespmem:s29+$0xFFFFFF90] =	vst v16;
	v16 =	vcvt.s32.f32 v30;
	v30 =	vcvt.s32.f32 v34;
	v12 =	vand.u32 $0x7, v20  }
0x6f: {  	v14 =	vand.u32 $0x7, v17;
	v20 =	vcvt.s32.f32 v44;
	v17 =	vcvt.s32.f32 v45;
	[tilespmem:s29+$0x100] =	vst v15  }
0x70: {  	s31 =	simm.s32 $0x0;
	s30 =	simm.s32 $0x10180;
	s0 =	simm.s32 $0x540;
	[tilespmem:s29+$0xFFFFFF10] =	vst v59;
	v15 =	vand.u32 $0x7, v5;
	v5 =	vand.u32 $0x7, v22;
	v22 =	vcvt.s32.f32 v42  }
.LBB2_2:
0x71: {  	v34 =	vld [tilespmem:s0+$0xFFFFFF30];
	[tilespmem:s29+$0x120] =	vst v33;
	v33 =	vcvt.s32.f32 v8;
	v35 =	vcvt.s32.f32 v9  }
0x72: {  	s31 =	sadd.s32 $0x80, s31;
	v36 =	vcvt.s32.f32 v7;
	v37 =	vcvt.s32.f32 v10;
	v9 =	vld [tilespmem:s0+$0xFFFFFFB0];
	[tilespmem:s29+$0xFFFFFF30] =	vst v19  }
0x73: {  	v38 =	vcvt.s32.f32 v3;
	p0 =	slt.u32 s31, $0xF80;
	v19 =	vcvt.s32.f32 v6;
	v7 =	vld [tilespmem:s0+$0x30];
	[tilespmem:s29+$0xFFFFFFB0] =	vst v16  }
0x74: {  	v16 =	vcvt.s32.f32 v4;
	v3 =	vld [tilespmem:s0+$0xB0];
	[tilespmem:s29+$0x30] =	vst v18;
	v18 =	vcvt.s32.f32 v15  }
0x75: {  	v13 =	vcvt.s32.f32 v13;
	v15 =	vcvt.s32.f32 v2;
	v4 =	vld [tilespmem:s0+$0x130];
	[tilespmem:s29+$0xB0] =	vst v32  }
0x76: {  	v10 =	vcvt.s32.f32 v12;
	v8 =	vcvt.s32.f32 v14;
	v2 =	vld [tilespmem:s0+$0xFFFFFF40];
	[tilespmem:s29+$0x130] =	vst v31  }
0x77: {  	v14 =	vmul.u32 $0x3, v34;
	v12 =	vld [tilespmem:s0+$0xFFFFFED0];
	v31 =	vmul.u32 $0x3, v9;
	[tilespmem:s29+$0xFFFFFF40] =	vst v30;
	v9 =	vcvt.s32.f32 v11  }
0x78: {  	v6 =	vcvt.s32.f32 v1;
	v11 =	vld [tilespmem:s0+$0xFFFFFF50];
	v30 =	vmul.u32 $0x3, v7;
	[tilespmem:s29+$0xFFFFFFC0] =	vst v29;
	v7 =	vcvt.s32.f32 v5  }
0x79: {  	v1 =	vshll.u32 v0, v14;
	v5 =	vld [tilespmem:s0+$0xFFFFFEE0];
	v14 =	vshll.u32 v0, v31;
	v3 =	vmul.u32 $0x3, v3;
	[tilespmem:s29+$0x40] =	vst v28  }
0x7a: {  	v28 =	vld [tilespmem:s0+$0xFFFFFF60];
	v1 =	vadd.s32 v1, v14;
	v14 =	vshll.u32 v0, v30;
	v4 =	vmul.u32 $0x3, v4;
	[tilespmem:s29+$0xC0] =	vst v27  }
0x7b: {  	v2 =	vmul.u32 $0x3, v2;
	v27 =	vld [tilespmem:s0+$0xFFFFFEF0];
	v1 =	vadd.s32 v14, v1;
	v3 =	vshll.u32 v0, v3;
	[tilespmem:s29+$0x140] =	vst v26  }
0x7c: {  	v12 =	vmul.u32 $0x3, v12;
	v14 =	vld [tilespmem:s0+$0xFFFFFF70];
	v1 =	vadd.s32 v3, v1;
	v3 =	vshll.u32 v0, v4;
	[tilespmem:s29+$0xFFFFFF50] =	vst v25  }
0x7d: {  	v25 =	vshll.u32 v0, v2;
	v2 =	vmul.u32 $0x3, v11;
	v4 =	vld [tilespmem:s0+$0xFFFFFF00];
	v1 =	vadd.s32 v3, v1;
	[tilespmem:s29+$0xFFFFFFD0] =	vst v24  }
0x7e: {  	v3 =	vshll.u32 v0, v12;
	v5 =	vmul.u32 $0x3, v5;
	v11 =	vld [tilespmem:s0+$0xFFFFFF80];
	v12 =	vshrl.u32 v1, $0xF;
	[tilespmem:s29+$0x50] =	vst v23  }
0x7f: {  	v2 =	vshll.u32 v0, v2;
	v23 =	vmul.u32 $0x3, v28;
	v24 =	vld [tilespmem:s0+$0xFFFFFF10];
	v12 =	vand.u32 $0x7, v12;
	[tilespmem:s29+$0xD0] =	vst v22  }
0x80: {  	v5 =	vshll.u32 v0, v5;
	v22 =	vmul.u32 $0x3, v27;
	v26 =	vld [tilespmem:s0+$0xFFFFFF90];
	v12 =	vcvt.s32.f32 v12;
	[tilespmem:s29+$0x150] =	vst v21  }
0x81: {  	v21 =	vadd.s32 v3, v2;
	s29 =	sadd.s32 $0x400, s29;
	v2 =	vshll.u32 v0, v23;
	v3 =	vmul.u32 $0x3, v14;
	v14 =	vld [tilespmem:s0+$0xFFFFFF20];
	[tilespmem:s30+$0xFFFFFF60] =	vst v20  }
0x82: {  	v20 =	vadd.s32 v5, v2;
	v5 =	vshll.u32 v0, v22;
	v4 =	vmul.u32 $0x3, v4;
	v22 =	vld [tilespmem:s0+$0xFFFFFFA0];
	[tilespmem:s29+$0x170] =	vst v12  }
0x83: {  	v2 =	vshrl.u32 v1, $0x3;
	v12 =	vld [tilespmem:s0+$0xFFFFFEC0];
	v3 =	vshll.u32 v0, v3;
	v11 =	vmul.u32 $0x3, v11;
	[tilespmem:s30+$0xFFFFFFE0] =	vst v17  }
0x84: {  	v17 =	vld [tilespmem:s0+$0xFFFFFFC0];
	v23 =	vadd.s32 v5, v3;
	v4 =	vshll.u32 v0, v4;
	v5 =	vmul.u32 $0x3, v24;
	[tilespmem:s30+$0x60] =	vst v33  }
0x85: {  	v3 =	vshrl.u32 v1, $0x6;
	v24 =	vld [tilespmem:s0+$0xFFFFFFD0];
	v11 =	vshll.u32 v0, v11;
	v26 =	vmul.u32 $0x3, v26;
	[tilespmem:s30+$0xE0] =	vst v35  }
0x86: {  	v27 =	vld [tilespmem:s0+$0xFFFFFFE0];
	v11 =	vadd.s32 v4, v11;
	v5 =	vshll.u32 v0, v5;
	v14 =	vmul.u32 $0x3, v14;
	[tilespmem:s30+$0x160] =	vst v36  }
0x87: {  	v4 =	vshrl.u32 v1, $0x9;
	v28 =	vld [tilespmem:s0+$0xFFFFFFF0];
	v26 =	vshll.u32 v0, v26;
	v22 =	vmul.u32 $0x3, v22;
	[tilespmem:s30+$0xFFFFFF70] =	vst v37  }
0x88: {  	v12 =	vmul.u32 $0x3, v12;
	v29 =	vld [tilespmem:s0+$0x0];
	v26 =	vadd.s32 v5, v26;
	v14 =	vshll.u32 v0, v14;
	[tilespmem:s30+$0xFFFFFFF0] =	vst v38  }
0x89: {  	v5 =	vshrl.u32 v1, $0xC;
	v17 =	vmul.u32 $0x3, v17;
	v30 =	vld [tilespmem:s0+$0x10];
	v22 =	vshll.u32 v0, v22;
	[tilespmem:s30+$0x70] =	vst v19  }
0x8a: {  	v12 =	vshll.u32 v0, v12;
	v19 =	vmul.u32 $0x3, v24;
	v14 =	vadd.s32 v14, v22;
	v22 =	vld [tilespmem:s0+$0x20];
	[tilespmem:s30+$0xF0] =	vst v18  }
0x8b: {  	v12 =	vadd.s32 v12, v25;
	v17 =	vshll.u32 v0, v17;
	v18 =	vld [tilespmem:s0+$0x40];
	v24 =	vmul.u32 $0x3, v27;
	[tilespmem:s30+$0xFFFFFE80] =	vst v16  }
0x8c: {  	v12 =	vadd.s32 v17, v12;
	v16 =	vshll.u32 v0, v19;
	v17 =	vld [tilespmem:s0+$0x50];
	v19 =	vmul.u32 $0x3, v28;
	[tilespmem:s30+$0xFFFFFE90] =	vst v15  }
0x8d: {  	v15 =	vadd.s32 v16, v21;
	v16 =	vshll.u32 v0, v24;
	v21 =	vld [tilespmem:s0+$0x60];
	v24 =	vmul.u32 $0x3, v29;
	[tilespmem:s30+$0xFFFFFEA0] =	vst v13  }
0x8e: {  	v13 =	vadd.s32 v16, v20;
	v16 =	vshll.u32 v0, v19;
	v19 =	vld [tilespmem:s0+$0x70];
	v20 =	vmul.u32 $0x3, v30;
	[tilespmem:s30+$0xFFFFFEB0] =	vst v10  }
0x8f: {  	v10 =	vadd.s32 v16, v23;
	v16 =	vshll.u32 v0, v24;
	v23 =	vld [tilespmem:s0+$0x80];
	v22 =	vmul.u32 $0x3, v22;
	[tilespmem:s30+$0xFFFFFEC0] =	vst v8  }
0x90: {  	v8 =	vmul.u32 $0x3, v18;
	v11 =	vadd.s32 v16, v11;
	v16 =	vshll.u32 v0, v20;
	v18 =	vld [tilespmem:s0+$0x90];
	[tilespmem:s30+$0xFFFFFED0] =	vst v9  }
0x91: {  	v9 =	vmul.u32 $0x3, v17;
	v16 =	vadd.s32 v16, v26;
	v17 =	vshll.u32 v0, v22;
	v20 =	vld [tilespmem:s0+$0xA0];
	[tilespmem:s30+$0xFFFFFEE0] =	vst v7  }
0x92: {  	v7 =	vshll.u32 v0, v8;
	v8 =	vld [tilespmem:s0+$0xC0];
	v21 =	vmul.u32 $0x3, v21;
	v14 =	vadd.s32 v17, v14;
	[tilespmem:s30+$0xFFFFFEF0] =	vst v6;
	s30 =	smov.u32 s29  }
0x93: {  	v6 =	vadd.s32 v7, v12;
	v7 =	vshll.u32 v0, v9;
	v9 =	vld [tilespmem:s0+$0xD0];
	v12 =	vmul.u32 $0x3, v19  }
0x94: {  	v7 =	vadd.s32 v7, v15;
	v15 =	vshll.u32 v0, v21;
	v17 =	vld [tilespmem:s0+$0xE0];
	v19 =	vmul.u32 $0x3, v23  }
0x95: {  	v13 =	vadd.s32 v15, v13;
	v12 =	vshll.u32 v0, v12;
	v15 =	vld [tilespmem:s0+$0xF0];
	v18 =	vmul.u32 $0x3, v18  }
0x96: {  	v10 =	vadd.s32 v12, v10;
	v12 =	vshll.u32 v0, v19;
	v19 =	vld [tilespmem:s0+$0x100];
	v20 =	vmul.u32 $0x3, v20  }
0x97: {  	v8 =	vmul.u32 $0x3, v8;
	v11 =	vadd.s32 v12, v11;
	v12 =	vshll.u32 v0, v18;
	v18 =	vld [tilespmem:s0+$0x110]  }
0x98: {  	v9 =	vmul.u32 $0x3, v9;
	v12 =	vadd.s32 v12, v16;
	v16 =	vshll.u32 v0, v20;
	v20 =	vld [tilespmem:s0+$0x120]  }
0x99: {  	v8 =	vshll.u32 v0, v8;
	v17 =	vmul.u32 $0x3, v17;
	v14 =	vadd.s32 v16, v14  }
0x9a: {  	v16 =	vadd.s32 v8, v6;
	v6 =	vshll.u32 v0, v9;
	v8 =	vmul.u32 $0x3, v15  }
0x9b: {  	v15 =	vadd.s32 v6, v7;
	v6 =	vshll.u32 v0, v17;
	v7 =	vmul.u32 $0x3, v19  }
0x9c: {  	v13 =	vadd.s32 v6, v13;
	v6 =	vshll.u32 v0, v8;
	v8 =	vmul.u32 $0x3, v18  }
0x9d: {  	v17 =	vadd.s32 v6, v10;
	v6 =	vshll.u32 v0, v7;
	v7 =	vmul.u32 $0x3, v20  }
0x9e: {  	v9 =	vshrl.u32 v16, $0x3;
	v11 =	vadd.s32 v6, v11;
	v6 =	vshll.u32 v0, v8  }
0x9f: {  	v8 =	vshrl.u32 v16, $0x6;
	v18 =	vadd.s32 v6, v12;
	v6 =	vshll.u32 v0, v7  }
0xa0: {  	v10 =	vshrl.u32 v16, $0xC;
	v7 =	vshrl.u32 v16, $0x9;
	v19 =	vadd.s32 v6, v14  }
0xa1: {  	v12 =	vshrl.u32 v15, $0x3;
	v6 =	vshrl.u32 v16, $0xF;
	v14 =	vshrl.u32 v15, $0x6  }
0xa2: {  	v21 =	vshrl.u32 v15, $0xC;
	v22 =	vshrl.u32 v15, $0xF;
	v20 =	vshrl.u32 v15, $0x9  }
0xa3: {  	v23 =	vshrl.u32 v13, $0x3;
	v24 =	vshrl.u32 v13, $0x6;
	v25 =	vshrl.u32 v13, $0x9  }
0xa4: {  	v26 =	vshrl.u32 v13, $0xC;
	v27 =	vshrl.u32 v13, $0xF;
	v28 =	vshrl.u32 v17, $0x3  }
0xa5: {  	v29 =	vshrl.u32 v17, $0x6;
	v30 =	vshrl.u32 v17, $0x9;
	v31 =	vshrl.u32 v17, $0xC  }
0xa6: {  	v32 =	vshrl.u32 v17, $0xF;
	v33 =	vshrl.u32 v11, $0x3;
	v34 =	vshrl.u32 v11, $0x6  }
0xa7: {  	v35 =	vshrl.u32 v11, $0x9;
	v36 =	vshrl.u32 v11, $0xC;
	v37 =	vshrl.u32 v11, $0xF  }
0xa8: {  	v38 =	vshrl.u32 v18, $0x3;
	v39 =	vshrl.u32 v18, $0x6;
	v40 =	vshrl.u32 v18, $0x9  }
0xa9: {  	v41 =	vshrl.u32 v18, $0xC;
	v42 =	vshrl.u32 v18, $0xF;
	v43 =	vshrl.u32 v19, $0x3  }
0xaa: {  	v44 =	vshrl.u32 v19, $0x6;
	v45 =	vshrl.u32 v19, $0x9;
	v46 =	vshrl.u32 v19, $0xC  }
0xab: {  	v47 =	vand.u32 $0x7, v9;
	v48 =	vand.u32 $0x7, v8;
	v49 =	vshrl.u32 v19, $0xF  }
0xac: {  	v51 =	vand.u32 $0x7, v10;
	v50 =	vand.u32 $0x7, v7;
	v52 =	vand.u32 $0x7, v6  }
0xad: {  	v20 =	vand.u32 $0x7, v20;
	v53 =	vand.u32 $0x7, v12;
	v54 =	vand.u32 $0x7, v14  }
0xae: {  	v21 =	vand.u32 $0x7, v21;
	v22 =	vand.u32 $0x7, v22;
	v23 =	vand.u32 $0x7, v23  }
0xaf: {  	v24 =	vand.u32 $0x7, v24;
	v25 =	vand.u32 $0x7, v25;
	v26 =	vand.u32 $0x7, v26  }
0xb0: {  	v27 =	vand.u32 $0x7, v27;
	v28 =	vand.u32 $0x7, v28;
	v29 =	vand.u32 $0x7, v29  }
0xb1: {  	v30 =	vand.u32 $0x7, v30;
	v31 =	vand.u32 $0x7, v31;
	v55 =	vand.u32 $0x7, v32  }
0xb2: {  	v56 =	vand.u32 $0x7, v33;
	v34 =	vand.u32 $0x7, v34;
	v35 =	vand.u32 $0x7, v35  }
0xb3: {  	v36 =	vand.u32 $0x7, v36;
	v37 =	vand.u32 $0x7, v37;
	v38 =	vand.u32 $0x7, v38  }
0xb4: {  	v39 =	vand.u32 $0x7, v39;
	v40 =	vand.u32 $0x7, v40;
	v41 =	vand.u32 $0x7, v41  }
0xb5: {  	v42 =	vand.u32 $0x7, v42;
	v43 =	vand.u32 $0x7, v43;
	v44 =	vand.u32 $0x7, v44  }
0xb6: {  	v8 =	vand.u32 $0x7, v45;
	v9 =	vand.u32 $0x7, v46;
	v7 =	vand.u32 $0x7, v49  }
0xb7: {  	v3 =	vand.u32 $0x7, v3;
	v10 =	vand.u32 $0x7, v2;
	v6 =	vand.u32 $0x7, v4  }
0xb8: {  	v2 =	vand.u32 $0x7, v15;
	v15 =	vand.u32 $0x7, v5;
	v4 =	vand.u32 $0x7, v16  }
0xb9: {  	v13 =	vand.u32 $0x7, v13;
	v12 =	vand.u32 $0x7, v17;
	v14 =	vand.u32 $0x7, v11  }
0xba: {  	v1 =	vand.u32 $0x7, v1;
	v11 =	vand.u32 $0x7, v18;
	v5 =	vand.u32 $0x7, v19  }
0xbb: {  	v17 =	vcvt.s32.f32 v48;
	v16 =	vcvt.s32.f32 v47  }
0xbc: {  	v18 =	vcvt.s32.f32 v50;
	v19 =	vcvt.s32.f32 v51  }
0xbd: {  	v32 =	vcvt.s32.f32 v53;
	[tilespmem:s29+$0xFFFFFF00] =	vst v16;
	v16 =	vcvt.s32.f32 v52  }
0xbe: {  	v20 =	vcvt.s32.f32 v20;
	[tilespmem:s29+$0xFFFFFF80] =	vst v17;
	v17 =	vcvt.s32.f32 v54  }
0xbf: {  	v21 =	vcvt.s32.f32 v21;
	v22 =	vcvt.s32.f32 v22;
	[tilespmem:s29+$0x0] =	vst v18  }
0xc0: {  	v23 =	vcvt.s32.f32 v23;
	v24 =	vcvt.s32.f32 v24;
	[tilespmem:s29+$0x80] =	vst v19  }
0xc1: {  	v45 =	vcvt.s32.f32 v25;
	v46 =	vcvt.s32.f32 v26;
	[tilespmem:s29+$0x100] =	vst v16  }
0xc2: {  	v33 =	vcvt.s32.f32 v27;
	v19 =	vcvt.s32.f32 v28;
	[tilespmem:s29+$0xFFFFFF10] =	vst v32  }
0xc3: {  	v18 =	vcvt.s32.f32 v30;
	v16 =	vcvt.s32.f32 v29;
	[tilespmem:s29+$0xFFFFFF90] =	vst v17  }
0xc4: {  	v32 =	vcvt.s32.f32 v31;
	v31 =	vcvt.s32.f32 v55;
	[tilespmem:s29+$0x10] =	vst v20  }
0xc5: {  	v30 =	vcvt.s32.f32 v56;
	v29 =	vcvt.s32.f32 v34;
	[tilespmem:s29+$0x90] =	vst v21  }
.Ltmp0:
0xc6: {  	v27 =	vcvt.s32.f32 v36;
	v28 =	vcvt.s32.f32 v35;
	[tilespmem:s29+$0x110] =	vst v22;
	(pc) =	sbr.rel @p0 .LBB2_2-.Ltmp0, $4  }
0xc7: {  	v26 =	vcvt.s32.f32 v37;
	v25 =	vcvt.s32.f32 v38;
	[tilespmem:s29+$0xFFFFFF20] =	vst v23  }
0xc8: {  	v23 =	vcvt.s32.f32 v40;
	[tilespmem:s29+$0xFFFFFFA0] =	vst v24;
	v24 =	vcvt.s32.f32 v39  }
0xc9: {  	v21 =	vcvt.s32.f32 v42;
	v22 =	vcvt.s32.f32 v41;
	[tilespmem:s29+$0x20] =	vst v45  }
0xca: {  	s0 =	sadd.s32 $0x400, s0;
	v17 =	vcvt.s32.f32 v44;
	v20 =	vcvt.s32.f32 v43;
	[tilespmem:s29+$0xA0] =	vst v46  }
0xcb: {  	[tilespmem:s29+$0x120] =	vst v33  }
0xcc: {  	[tilespmem:s29+$0xFFFFFF30] =	vst v19  }
0xcd: {  	[tilespmem:s29+$0xFFFFFFB0] =	vst v16  }
0xce: {  	[tilespmem:s29+$0x30] =	vst v18  }
0xcf: {  	[tilespmem:s29+$0xB0] =	vst v32  }
0xd0: {  	[tilespmem:s29+$0x130] =	vst v31  }
0xd1: {  	[tilespmem:s29+$0xFFFFFF40] =	vst v30  }
0xd2: {  	[tilespmem:s29+$0xFFFFFFC0] =	vst v29  }
0xd3: {  	[tilespmem:s29+$0x40] =	vst v28  }
0xd4: {  	[tilespmem:s29+$0xC0] =	vst v27  }
0xd5: {  	[tilespmem:s29+$0x140] =	vst v26  }
0xd6: {  	[tilespmem:s29+$0xFFFFFF50] =	vst v25  }
0xd7: {  	[tilespmem:s29+$0xFFFFFFD0] =	vst v24  }
0xd8: {  	[tilespmem:s29+$0x50] =	vst v23  }
0xd9: {  	[tilespmem:s29+$0xD0] =	vst v22  }
0xda: {  	[tilespmem:s29+$0x150] =	vst v21  }
0xdb: {  	v8 =	vcvt.s32.f32 v8;
	[tilespmem:s30+$0xFFFFFF60] =	vst v20  }
0xdc: {  	v9 =	vcvt.s32.f32 v9;
	[tilespmem:s30+$0xFFFFFFE0] =	vst v17  }
0xdd: {  	v7 =	vcvt.s32.f32 v7;
	[tilespmem:s30+$0x60] =	vst v8  }
0xde: {  	v3 =	vcvt.s32.f32 v3;
	[tilespmem:s30+$0xE0] =	vst v9  }
0xdf: {  	v6 =	vcvt.s32.f32 v6;
	[tilespmem:s30+$0x160] =	vst v7  }
0xe0: {  	v2 =	vcvt.s32.f32 v2;
	[tilespmem:s30+$0xFFFFFFF0] =	vst v3  }
0xe1: {  	v1 =	vcvt.s32.f32 v1;
	[tilespmem:s30+$0x70] =	vst v6  }
0xe2: {  	v8 =	vcvt.s32.f32 v10;
	[tilespmem:s30+$0xFFFFFE90] =	vst v2  }
0xe3: {  	v7 =	vcvt.s32.f32 v15;
	[tilespmem:s30+$0xFFFFFEF0] =	vst v1  }
0xe4: {  	v3 =	vcvt.s32.f32 v4;
	[tilespmem:s30+$0xFFFFFF70] =	vst v8  }
0xe5: {  	v4 =	vcvt.s32.f32 v13;
	[tilespmem:s30+$0xF0] =	vst v7  }
0xe6: {  	v2 =	vcvt.s32.f32 v14;
	[tilespmem:s30+$0xFFFFFE80] =	vst v3  }
0xe7: {  	v3 =	vcvt.s32.f32 v12;
	[tilespmem:s30+$0xFFFFFEA0] =	vst v4  }
0xe8: {  	v4 =	vcvt.s32.f32 v11;
	[tilespmem:s30+$0xFFFFFEC0] =	vst v2  }
0xe9: {  	[tilespmem:s30+$0xFFFFFEB0] =	vst v3;
	v3 =	vcvt.s32.f32 v5  }
0xea: {  	[tilespmem:s30+$0xFFFFFED0] =	vst v4  }
0xeb: {  	[tilespmem:s30+$0xFFFFFEE0] =	vst v3  }
0xec: {  	[hbm4b:s5+s2] =	stream.linear.scatter [tilespmem:s22], [sflag:$0x3], $0x8000, $0x38;
	v63 =	vld [tilespmem:$0x0]  }
0xed: {  	_ = 	snop  }
0xee: {  	[tilespmem:s2], [sflag:$0x1] =	stream.linear.gather [hbm4b:s6+s2], $0x8000, $0x38;
	v63 =	vld [tilespmem:$0x0]  }
0xef: {  	_ =	swait.ge [sflag:s23], $0x8000  }
0xf0: {  	[sflag:s23] =	ssyncset.done $0x0  }
0xf1: {  	s0 =	simm.s32 $0x8140;
	[sflag:s23] =	ssyncadd.s32 $0xFFFF8000  }
0xf2: {  	v1 =	vld [tilespmem:s0+$0xFFFFFF30]  }
0xf3: {  	v2 =	vld [tilespmem:s0+$0xFFFFFFB0]  }
0xf4: {  	v3 =	vld [tilespmem:s0+$0x30]  }
0xf5: {  	v4 =	vld [tilespmem:s0+$0xB0]  }
0xf6: {  	v5 =	vld [tilespmem:s0+$0x130]  }
0xf7: {  	v10 =	vld [tilespmem:s0+$0xFFFFFF60]  }
0xf8: {  	v12 =	vld [tilespmem:s0+$0xFFFFFF10]  }
0xf9: {  	v14 =	vld [tilespmem:s0+$0xFFFFFF90]  }
0xfa: {  	v16 =	vld [tilespmem:s0+$0xFFFFFFC0]  }
0xfb: {  	v17 =	vld [tilespmem:s0+$0xFFFFFFD0]  }
0xfc: {  	v18 =	vld [tilespmem:s0+$0xFFFFFFE0]  }
0xfd: {  	v21 =	vld [tilespmem:s0+$0x10]  }
0xfe: {  	v6 =	vld [tilespmem:s0+$0xFFFFFF40];
	v1 =	vmul.u32 $0x3, v1;
	v2 =	vmul.u32 $0x3, v2  }
0xff: {  	v7 =	vld [tilespmem:s0+$0xFFFFFED0];
	v3 =	vmul.u32 $0x3, v3;
	v4 =	vmul.u32 $0x3, v4;
	v10 =	vmul.u32 $0x3, v10  }
0x100: {  	v8 =	vld [tilespmem:s0+$0xFFFFFF50];
	v12 =	vmul.u32 $0x3, v12;
	v14 =	vmul.u32 $0x3, v14;
	v16 =	vmul.u32 $0x3, v16  }
0x101: {  	v9 =	vld [tilespmem:s0+$0xFFFFFEE0];
	v17 =	vmul.u32 $0x3, v17;
	v1 =	vshll.u32 v0, v1;
	v2 =	vshll.u32 v0, v2  }
0x102: {  	v18 =	vmul.u32 $0x3, v18;
	v21 =	vmul.u32 $0x3, v21;
	v1 =	vadd.s32 v1, v2  }
0x103: {  	v2 =	vshll.u32 v0, v3;
	v3 =	vmul.u32 $0x3, v5;
	v5 =	vmul.u32 $0x3, v6  }
0x104: {  	v6 =	vld [tilespmem:s0+$0xFFFFFEF0];
	v1 =	vadd.s32 v2, v1;
	v2 =	vshll.u32 v0, v4;
	v4 =	vmul.u32 $0x3, v7  }
0x105: {  	v1 =	vadd.s32 v2, v1;
	v2 =	vshll.u32 v0, v3;
	v11 =	vshll.u32 v0, v5;
	v5 =	vld [tilespmem:s0+$0xFFFFFF00]  }
0x106: {  	v3 =	vmul.u32 $0x3, v8;
	v8 =	vld [tilespmem:s0+$0xFFFFFF80];
	v1 =	vadd.s32 v2, v1;
	v2 =	vmul.u32 $0x3, v9  }
0x107: {  	v14 =	vshll.u32 v0, v14;
	v7 =	vld [tilespmem:s0+$0xFFFFFF70];
	v4 =	vshll.u32 v0, v4;
	v9 =	vshrl.u32 v1, $0xF  }
0x108: {  	v22 =	vld [tilespmem:s0+$0x20];
	v3 =	vshll.u32 v0, v3;
	v9 =	vand.u32 $0x7, v9;
	v13 =	vshll.u32 v0, v2  }
0x109: {  	v6 =	vmul.u32 $0x3, v6;
	v2 =	vcvt.s32.f32 v9;
	v9 =	vshll.u32 v0, v10;
	v10 =	vld [tilespmem:s0+$0xFFFFFF20]  }
0x10a: {  	v17 =	vshll.u32 v0, v17;
	v15 =	vadd.s32 v4, v3;
	v9 =	vadd.s32 v13, v9;
	v13 =	vld [tilespmem:s0+$0xFFFFFEC0]  }
0x10b: {  	v4 =	vshll.u32 v0, v6;
	v6 =	vld [tilespmem:s0+$0xFFFFFFA0];
	v5 =	vmul.u32 $0x3, v5;
	v8 =	vmul.u32 $0x3, v8  }
0x10c: {  	v18 =	vshll.u32 v0, v18;
	v21 =	vshll.u32 v0, v21;
	v7 =	vmul.u32 $0x3, v7  }
0x10d: {  	v3 =	vshrl.u32 v1, $0x3;
	v5 =	vshll.u32 v0, v5;
	v8 =	vshll.u32 v0, v8  }
0x10e: {  	v7 =	vshll.u32 v0, v7;
	v8 =	vadd.s32 v5, v8;
	v5 =	vshll.u32 v0, v12;
	v12 =	vld [tilespmem:s0+$0xFFFFFFF0]  }
0x10f: {  	v20 =	vld [tilespmem:s0+$0x0];
	v9 =	vadd.s32 v18, v9;
	v10 =	vmul.u32 $0x3, v10;
	v13 =	vmul.u32 $0x3, v13  }
0x110: {  	v18 =	vmul.u32 $0x3, v22;
	v7 =	vadd.s32 v4, v7;
	v19 =	vmul.u32 $0x3, v6  }
0x111: {  	v22 =	vld [tilespmem:s0+$0x90];
	v4 =	vshrl.u32 v1, $0x6;
	v10 =	vshll.u32 v0, v10;
	v13 =	vshll.u32 v0, v13  }
0x112: {  	v19 =	vshll.u32 v0, v19;
	v11 =	vadd.s32 v13, v11;
	v13 =	vshll.u32 v0, v16;
	v16 =	vld [tilespmem:s0+$0x40]  }
0x113: {  	v18 =	vshll.u32 v0, v18;
	v10 =	vadd.s32 v10, v19;
	v19 =	vld [tilespmem:s0+$0x50];
	v12 =	vmul.u32 $0x3, v12  }
0x114: {  	v11 =	vadd.s32 v13, v11;
	v13 =	vadd.s32 v17, v15;
	v15 =	vld [tilespmem:s0+$0x60];
	v17 =	vmul.u32 $0x3, v20  }
0x115: {  	v14 =	vadd.s32 v5, v14;
	v5 =	vshrl.u32 v1, $0xC;
	v20 =	vld [tilespmem:s0+$0x70];
	v12 =	vshll.u32 v0, v12  }
0x116: {  	v6 =	vshrl.u32 v1, $0x9;
	v7 =	vadd.s32 v12, v7;
	v12 =	vshll.u32 v0, v17;
	v17 =	vld [tilespmem:s0+$0x80]  }
0x117: {  	v14 =	vadd.s32 v21, v14;
	v1 =	vand.u32 $0x7, v1;
	v16 =	vmul.u32 $0x3, v16  }
0x118: {  	v22 =	vmul.u32 $0x3, v22;
	v8 =	vadd.s32 v12, v8;
	v12 =	vmul.u32 $0x3, v19;
	v19 =	vld [tilespmem:s0+$0xA0]  }
0x119: {  	v21 =	vld [tilespmem:s0+$0xC0];
	v10 =	vadd.s32 v18, v10;
	v15 =	vmul.u32 $0x3, v15;
	v16 =	vshll.u32 v0, v16  }
0x11a: {  	v18 =	vld [tilespmem:s0+$0xD0];
	v20 =	vmul.u32 $0x3, v20;
	v12 =	vshll.u32 v0, v12;
	v11 =	vadd.s32 v16, v11  }
0x11b: {  	v12 =	vadd.s32 v12, v13;
	v13 =	vld [tilespmem:s0+$0xE0];
	v16 =	vmul.u32 $0x3, v17;
	v15 =	vshll.u32 v0, v15  }
0x11c: {  	v6 =	vand.u32 $0x7, v6;
	v17 =	vshll.u32 v0, v20;
	v20 =	vld [tilespmem:s0+$0xF0];
	v9 =	vadd.s32 v15, v9  }
0x11d: {  	v7 =	vadd.s32 v17, v7;
	v15 =	vshll.u32 v0, v16;
	v16 =	vld [tilespmem:s0+$0x100];
	v17 =	vmul.u32 $0x3, v19  }
0x11e: {  	v19 =	vmul.u32 $0x3, v21;
	v21 =	vshll.u32 v0, v22;
	v22 =	vld [tilespmem:s0+$0x110];
	v8 =	vadd.s32 v15, v8  }
0x11f: {  	v15 =	vmul.u32 $0x3, v18;
	v14 =	vadd.s32 v21, v14;
	v17 =	vshll.u32 v0, v17  }
0x120: {  	v18 =	vld [tilespmem:s0+$0x120];
	v19 =	vshll.u32 v0, v19;
	v13 =	vmul.u32 $0x3, v13;
	v10 =	vadd.s32 v17, v10  }
0x121: {  	v15 =	vshll.u32 v0, v15;
	v17 =	vmul.u32 $0x3, v20;
	v11 =	vadd.s32 v19, v11  }
0x122: {  	v12 =	vadd.s32 v15, v12;
	v15 =	vmul.u32 $0x3, v16;
	v13 =	vshll.u32 v0, v13  }
0x123: {  	v16 =	vshll.u32 v0, v17;
	v17 =	vmul.u32 $0x3, v22;
	v19 =	vshrl.u32 v12, $0xC  }
0x124: {  	v23 =	vshrl.u32 v12, $0xF;
	v13 =	vadd.s32 v13, v9;
	v20 =	vadd.s32 v16, v7  }
0x125: {  	v9 =	vmul.u32 $0x3, v18;
	v18 =	vshrl.u32 v12, $0x9;
	v19 =	vand.u32 $0x7, v19  }
0x126: {  	v23 =	vand.u32 $0x7, v23;
	v7 =	vshll.u32 v0, v15;
	v15 =	vshrl.u32 v11, $0x3  }
0x127: {  	v16 =	vshll.u32 v0, v17;
	v24 =	vshrl.u32 v13, $0x3;
	v25 =	vshrl.u32 v13, $0x6  }
0x128: {  	v26 =	vshrl.u32 v13, $0x9;
	v27 =	vshrl.u32 v13, $0xC;
	v28 =	vshrl.u32 v13, $0xF  }
0x129: {  	v29 =	vshrl.u32 v20, $0x3;
	v30 =	vshrl.u32 v20, $0x6;
	v31 =	vshrl.u32 v20, $0x9  }
0x12a: {  	v56 =	vshrl.u32 v20, $0xC;
	v57 =	vshrl.u32 v20, $0xF;
	v18 =	vand.u32 $0x7, v18  }
0x12b: {  	v61 =	vcvt.s32.f32 v19;
	v23 =	vcvt.s32.f32 v23;
	v13 =	vand.u32 $0x7, v13  }
0x12c: {  	v17 =	vadd.s32 v7, v8;
	v7 =	vshrl.u32 v11, $0x6;
	v21 =	vadd.s32 v16, v14  }
0x12d: {  	v8 =	vshll.u32 v0, v9;
	v9 =	vshrl.u32 v11, $0x9;
	v14 =	vshrl.u32 v11, $0xC  }
0x12e: {  	v16 =	vshrl.u32 v12, $0x6;
	v15 =	vand.u32 $0x7, v15;
	v24 =	vand.u32 $0x7, v24  }
0x12f: {  	v25 =	vand.u32 $0x7, v25;
	v26 =	vand.u32 $0x7, v26;
	v27 =	vand.u32 $0x7, v27  }
0x130: {  	v28 =	vand.u32 $0x7, v28;
	v29 =	vand.u32 $0x7, v29;
	v30 =	vand.u32 $0x7, v30  }
0x131: {  	v31 =	vand.u32 $0x7, v31;
	v32 =	vand.u32 $0x7, v56;
	v50 =	vand.u32 $0x7, v57  }
0x132: {  	v60 =	vcvt.s32.f32 v18;
	v22 =	vadd.s32 v8, v10;
	v8 =	vshrl.u32 v11, $0xF  }
0x133: {  	v10 =	vshrl.u32 v12, $0x3;
	v34 =	vshrl.u32 v17, $0x3;
	v35 =	vshrl.u32 v17, $0x6  }
0x134: {  	v36 =	vshrl.u32 v17, $0x9;
	v37 =	vshrl.u32 v17, $0xC;
	v38 =	vshrl.u32 v17, $0xF  }
0x135: {  	v39 =	vshrl.u32 v21, $0x3;
	v40 =	vshrl.u32 v21, $0x6;
	v41 =	vshrl.u32 v21, $0x9  }
0x136: {  	v42 =	vshrl.u32 v21, $0xC;
	v43 =	vshrl.u32 v21, $0xF;
	v15 =	vcvt.s32.f32 v15  }
0x137: {  	v7 =	vand.u32 $0x7, v7;
	v24 =	vcvt.s32.f32 v24;
	v62 =	vcvt.s32.f32 v25  }
0x138: {  	v9 =	vand.u32 $0x7, v9;
	v51 =	vcvt.s32.f32 v26;
	v52 =	vcvt.s32.f32 v27  }
0x139: {  	v14 =	vand.u32 $0x7, v14;
	v33 =	vcvt.s32.f32 v28;
	v19 =	vcvt.s32.f32 v29  }
0x13a: {  	v16 =	vand.u32 $0x7, v16;
	v18 =	vcvt.s32.f32 v31;
	v32 =	vcvt.s32.f32 v32  }
0x13b: {  	v31 =	vcvt.s32.f32 v50;
	v44 =	vshrl.u32 v22, $0x3;
	v45 =	vshrl.u32 v22, $0x6  }
0x13c: {  	s29 =	simm.s32 $0x18180;
	v46 =	vshrl.u32 v22, $0x9;
	v47 =	vshrl.u32 v22, $0xC;
	v48 =	vshrl.u32 v22, $0xF  }
0x13d: {  	[tilespmem:s29+$0x170] =	vst v2;
	v49 =	vand.u32 $0x7, v8;
	v10 =	vand.u32 $0x7, v10;
	v34 =	vand.u32 $0x7, v34  }
0x13e: {  	[tilespmem:s29+$0x90] =	vst v61;
	v35 =	vand.u32 $0x7, v35;
	v36 =	vand.u32 $0x7, v36;
	v37 =	vand.u32 $0x7, v37  }
0x13f: {  	[tilespmem:s29+$0x110] =	vst v23;
	v38 =	vand.u32 $0x7, v38;
	v39 =	vand.u32 $0x7, v39;
	v40 =	vand.u32 $0x7, v40  }
0x140: {  	v41 =	vand.u32 $0x7, v41;
	v42 =	vand.u32 $0x7, v42;
	v58 =	vcvt.s32.f32 v7;
	[tilespmem:s29+$0x10] =	vst v60  }
0x141: {  	v43 =	vand.u32 $0x7, v43;
	v2 =	vcvt.s32.f32 v9;
	v14 =	vcvt.s32.f32 v14;
	[tilespmem:s29+$0xFFFFFF00] =	vst v15  }
0x142: {  	v16 =	vcvt.s32.f32 v16;
	v44 =	vand.u32 $0x7, v44;
	v45 =	vand.u32 $0x7, v45;
	[tilespmem:s29+$0xFFFFFF20] =	vst v24  }
0x143: {  	v8 =	vand.u32 $0x7, v46;
	v9 =	vand.u32 $0x7, v47;
	v15 =	vcvt.s32.f32 v49;
	[tilespmem:s29+$0xFFFFFFA0] =	vst v62  }
0x144: {  	v59 =	vcvt.s32.f32 v10;
	v7 =	vand.u32 $0x7, v48;
	v10 =	vand.u32 $0x7, v3;
	[tilespmem:s29+$0x20] =	vst v51  }
0x145: {  	v3 =	vand.u32 $0x7, v4;
	v29 =	vcvt.s32.f32 v35;
	v28 =	vcvt.s32.f32 v36;
	[tilespmem:s29+$0xA0] =	vst v52  }
0x146: {  	v4 =	vand.u32 $0x7, v11;
	v27 =	vcvt.s32.f32 v37;
	v26 =	vcvt.s32.f32 v38;
	[tilespmem:s29+$0xFFFFFF80] =	vst v58  }
0x147: {  	v25 =	vcvt.s32.f32 v39;
	v11 =	vand.u32 $0x7, v21;
	v24 =	vcvt.s32.f32 v40;
	[tilespmem:s29+$0x0] =	vst v2  }
0x148: {  	v23 =	vcvt.s32.f32 v41;
	v21 =	vcvt.s32.f32 v43;
	[tilespmem:s29+$0x80] =	vst v14;
	v2 =	vand.u32 $0x7, v12  }
0x149: {  	[tilespmem:s29+$0xFFFFFF90] =	vst v16;
	v16 =	vcvt.s32.f32 v30;
	v30 =	vcvt.s32.f32 v34;
	v12 =	vand.u32 $0x7, v20  }
0x14a: {  	v14 =	vand.u32 $0x7, v17;
	v20 =	vcvt.s32.f32 v44;
	v17 =	vcvt.s32.f32 v45;
	[tilespmem:s29+$0x100] =	vst v15  }
0x14b: {  	s31 =	simm.s32 $0x0;
	s30 =	simm.s32 $0x18180;
	s0 =	simm.s32 $0x8540;
	[tilespmem:s29+$0xFFFFFF10] =	vst v59;
	v15 =	vand.u32 $0x7, v5;
	v5 =	vand.u32 $0x7, v22;
	v22 =	vcvt.s32.f32 v42  }
.LBB2_4:
0x14c: {  	v34 =	vld [tilespmem:s0+$0xFFFFFF30];
	[tilespmem:s29+$0x120] =	vst v33;
	v33 =	vcvt.s32.f32 v8;
	v35 =	vcvt.s32.f32 v9  }
0x14d: {  	s31 =	sadd.s32 $0x80, s31;
	v36 =	vcvt.s32.f32 v7;
	v37 =	vcvt.s32.f32 v10;
	v9 =	vld [tilespmem:s0+$0xFFFFFFB0];
	[tilespmem:s29+$0xFFFFFF30] =	vst v19  }
0x14e: {  	v38 =	vcvt.s32.f32 v3;
	p0 =	slt.u32 s31, $0xF80;
	v19 =	vcvt.s32.f32 v6;
	v7 =	vld [tilespmem:s0+$0x30];
	[tilespmem:s29+$0xFFFFFFB0] =	vst v16  }
0x14f: {  	v16 =	vcvt.s32.f32 v4;
	v3 =	vld [tilespmem:s0+$0xB0];
	[tilespmem:s29+$0x30] =	vst v18;
	v18 =	vcvt.s32.f32 v15  }
0x150: {  	v13 =	vcvt.s32.f32 v13;
	v15 =	vcvt.s32.f32 v2;
	v4 =	vld [tilespmem:s0+$0x130];
	[tilespmem:s29+$0xB0] =	vst v32  }
0x151: {  	v10 =	vcvt.s32.f32 v12;
	v8 =	vcvt.s32.f32 v14;
	v2 =	vld [tilespmem:s0+$0xFFFFFF40];
	[tilespmem:s29+$0x130] =	vst v31  }
0x152: {  	v14 =	vmul.u32 $0x3, v34;
	v12 =	vld [tilespmem:s0+$0xFFFFFED0];
	v31 =	vmul.u32 $0x3, v9;
	[tilespmem:s29+$0xFFFFFF40] =	vst v30;
	v9 =	vcvt.s32.f32 v11  }
0x153: {  	v6 =	vcvt.s32.f32 v1;
	v11 =	vld [tilespmem:s0+$0xFFFFFF50];
	v30 =	vmul.u32 $0x3, v7;
	[tilespmem:s29+$0xFFFFFFC0] =	vst v29;
	v7 =	vcvt.s32.f32 v5  }
0x154: {  	v1 =	vshll.u32 v0, v14;
	v5 =	vld [tilespmem:s0+$0xFFFFFEE0];
	v14 =	vshll.u32 v0, v31;
	v3 =	vmul.u32 $0x3, v3;
	[tilespmem:s29+$0x40] =	vst v28  }
0x155: {  	v28 =	vld [tilespmem:s0+$0xFFFFFF60];
	v1 =	vadd.s32 v1, v14;
	v14 =	vshll.u32 v0, v30;
	v4 =	vmul.u32 $0x3, v4;
	[tilespmem:s29+$0xC0] =	vst v27  }
0x156: {  	v2 =	vmul.u32 $0x3, v2;
	v27 =	vld [tilespmem:s0+$0xFFFFFEF0];
	v1 =	vadd.s32 v14, v1;
	v3 =	vshll.u32 v0, v3;
	[tilespmem:s29+$0x140] =	vst v26  }
0x157: {  	v12 =	vmul.u32 $0x3, v12;
	v14 =	vld [tilespmem:s0+$0xFFFFFF70];
	v1 =	vadd.s32 v3, v1;
	v3 =	vshll.u32 v0, v4;
	[tilespmem:s29+$0xFFFFFF50] =	vst v25  }
0x158: {  	v25 =	vshll.u32 v0, v2;
	v2 =	vmul.u32 $0x3, v11;
	v4 =	vld [tilespmem:s0+$0xFFFFFF00];
	v1 =	vadd.s32 v3, v1;
	[tilespmem:s29+$0xFFFFFFD0] =	vst v24  }
0x159: {  	v3 =	vshll.u32 v0, v12;
	v5 =	vmul.u32 $0x3, v5;
	v11 =	vld [tilespmem:s0+$0xFFFFFF80];
	v12 =	vshrl.u32 v1, $0xF;
	[tilespmem:s29+$0x50] =	vst v23  }
0x15a: {  	v2 =	vshll.u32 v0, v2;
	v23 =	vmul.u32 $0x3, v28;
	v24 =	vld [tilespmem:s0+$0xFFFFFF10];
	v12 =	vand.u32 $0x7, v12;
	[tilespmem:s29+$0xD0] =	vst v22  }
0x15b: {  	v5 =	vshll.u32 v0, v5;
	v22 =	vmul.u32 $0x3, v27;
	v26 =	vld [tilespmem:s0+$0xFFFFFF90];
	v12 =	vcvt.s32.f32 v12;
	[tilespmem:s29+$0x150] =	vst v21  }
0x15c: {  	v21 =	vadd.s32 v3, v2;
	s29 =	sadd.s32 $0x400, s29;
	v2 =	vshll.u32 v0, v23;
	v3 =	vmul.u32 $0x3, v14;
	v14 =	vld [tilespmem:s0+$0xFFFFFF20];
	[tilespmem:s30+$0xFFFFFF60] =	vst v20  }
0x15d: {  	v20 =	vadd.s32 v5, v2;
	v5 =	vshll.u32 v0, v22;
	v4 =	vmul.u32 $0x3, v4;
	v22 =	vld [tilespmem:s0+$0xFFFFFFA0];
	[tilespmem:s29+$0x170] =	vst v12  }
0x15e: {  	v2 =	vshrl.u32 v1, $0x3;
	v12 =	vld [tilespmem:s0+$0xFFFFFEC0];
	v3 =	vshll.u32 v0, v3;
	v11 =	vmul.u32 $0x3, v11;
	[tilespmem:s30+$0xFFFFFFE0] =	vst v17  }
0x15f: {  	v17 =	vld [tilespmem:s0+$0xFFFFFFC0];
	v23 =	vadd.s32 v5, v3;
	v4 =	vshll.u32 v0, v4;
	v5 =	vmul.u32 $0x3, v24;
	[tilespmem:s30+$0x60] =	vst v33  }
0x160: {  	v3 =	vshrl.u32 v1, $0x6;
	v24 =	vld [tilespmem:s0+$0xFFFFFFD0];
	v11 =	vshll.u32 v0, v11;
	v26 =	vmul.u32 $0x3, v26;
	[tilespmem:s30+$0xE0] =	vst v35  }
0x161: {  	v27 =	vld [tilespmem:s0+$0xFFFFFFE0];
	v11 =	vadd.s32 v4, v11;
	v5 =	vshll.u32 v0, v5;
	v14 =	vmul.u32 $0x3, v14;
	[tilespmem:s30+$0x160] =	vst v36  }
0x162: {  	v4 =	vshrl.u32 v1, $0x9;
	v28 =	vld [tilespmem:s0+$0xFFFFFFF0];
	v26 =	vshll.u32 v0, v26;
	v22 =	vmul.u32 $0x3, v22;
	[tilespmem:s30+$0xFFFFFF70] =	vst v37  }
0x163: {  	v12 =	vmul.u32 $0x3, v12;
	v29 =	vld [tilespmem:s0+$0x0];
	v26 =	vadd.s32 v5, v26;
	v14 =	vshll.u32 v0, v14;
	[tilespmem:s30+$0xFFFFFFF0] =	vst v38  }
0x164: {  	v5 =	vshrl.u32 v1, $0xC;
	v17 =	vmul.u32 $0x3, v17;
	v30 =	vld [tilespmem:s0+$0x10];
	v22 =	vshll.u32 v0, v22;
	[tilespmem:s30+$0x70] =	vst v19  }
0x165: {  	v12 =	vshll.u32 v0, v12;
	v19 =	vmul.u32 $0x3, v24;
	v14 =	vadd.s32 v14, v22;
	v22 =	vld [tilespmem:s0+$0x20];
	[tilespmem:s30+$0xF0] =	vst v18  }
0x166: {  	v12 =	vadd.s32 v12, v25;
	v17 =	vshll.u32 v0, v17;
	v18 =	vld [tilespmem:s0+$0x40];
	v24 =	vmul.u32 $0x3, v27;
	[tilespmem:s30+$0xFFFFFE80] =	vst v16  }
0x167: {  	v12 =	vadd.s32 v17, v12;
	v16 =	vshll.u32 v0, v19;
	v17 =	vld [tilespmem:s0+$0x50];
	v19 =	vmul.u32 $0x3, v28;
	[tilespmem:s30+$0xFFFFFE90] =	vst v15  }
0x168: {  	v15 =	vadd.s32 v16, v21;
	v16 =	vshll.u32 v0, v24;
	v21 =	vld [tilespmem:s0+$0x60];
	v24 =	vmul.u32 $0x3, v29;
	[tilespmem:s30+$0xFFFFFEA0] =	vst v13  }
0x169: {  	v13 =	vadd.s32 v16, v20;
	v16 =	vshll.u32 v0, v19;
	v19 =	vld [tilespmem:s0+$0x70];
	v20 =	vmul.u32 $0x3, v30;
	[tilespmem:s30+$0xFFFFFEB0] =	vst v10  }
0x16a: {  	v10 =	vadd.s32 v16, v23;
	v16 =	vshll.u32 v0, v24;
	v23 =	vld [tilespmem:s0+$0x80];
	v22 =	vmul.u32 $0x3, v22;
	[tilespmem:s30+$0xFFFFFEC0] =	vst v8  }
0x16b: {  	v8 =	vmul.u32 $0x3, v18;
	v11 =	vadd.s32 v16, v11;
	v16 =	vshll.u32 v0, v20;
	v18 =	vld [tilespmem:s0+$0x90];
	[tilespmem:s30+$0xFFFFFED0] =	vst v9  }
0x16c: {  	v9 =	vmul.u32 $0x3, v17;
	v16 =	vadd.s32 v16, v26;
	v17 =	vshll.u32 v0, v22;
	v20 =	vld [tilespmem:s0+$0xA0];
	[tilespmem:s30+$0xFFFFFEE0] =	vst v7  }
0x16d: {  	v7 =	vshll.u32 v0, v8;
	v8 =	vld [tilespmem:s0+$0xC0];
	v21 =	vmul.u32 $0x3, v21;
	v14 =	vadd.s32 v17, v14;
	[tilespmem:s30+$0xFFFFFEF0] =	vst v6;
	s30 =	smov.u32 s29  }
0x16e: {  	v6 =	vadd.s32 v7, v12;
	v7 =	vshll.u32 v0, v9;
	v9 =	vld [tilespmem:s0+$0xD0];
	v12 =	vmul.u32 $0x3, v19  }
0x16f: {  	v7 =	vadd.s32 v7, v15;
	v15 =	vshll.u32 v0, v21;
	v17 =	vld [tilespmem:s0+$0xE0];
	v19 =	vmul.u32 $0x3, v23  }
0x170: {  	v13 =	vadd.s32 v15, v13;
	v12 =	vshll.u32 v0, v12;
	v15 =	vld [tilespmem:s0+$0xF0];
	v18 =	vmul.u32 $0x3, v18  }
0x171: {  	v10 =	vadd.s32 v12, v10;
	v12 =	vshll.u32 v0, v19;
	v19 =	vld [tilespmem:s0+$0x100];
	v20 =	vmul.u32 $0x3, v20  }
0x172: {  	v8 =	vmul.u32 $0x3, v8;
	v11 =	vadd.s32 v12, v11;
	v12 =	vshll.u32 v0, v18;
	v18 =	vld [tilespmem:s0+$0x110]  }
0x173: {  	v9 =	vmul.u32 $0x3, v9;
	v12 =	vadd.s32 v12, v16;
	v16 =	vshll.u32 v0, v20;
	v20 =	vld [tilespmem:s0+$0x120]  }
0x174: {  	v8 =	vshll.u32 v0, v8;
	v17 =	vmul.u32 $0x3, v17;
	v14 =	vadd.s32 v16, v14  }
0x175: {  	v16 =	vadd.s32 v8, v6;
	v6 =	vshll.u32 v0, v9;
	v8 =	vmul.u32 $0x3, v15  }
0x176: {  	v15 =	vadd.s32 v6, v7;
	v6 =	vshll.u32 v0, v17;
	v7 =	vmul.u32 $0x3, v19  }
0x177: {  	v13 =	vadd.s32 v6, v13;
	v6 =	vshll.u32 v0, v8;
	v8 =	vmul.u32 $0x3, v18  }
0x178: {  	v17 =	vadd.s32 v6, v10;
	v6 =	vshll.u32 v0, v7;
	v7 =	vmul.u32 $0x3, v20  }
0x179: {  	v9 =	vshrl.u32 v16, $0x3;
	v11 =	vadd.s32 v6, v11;
	v6 =	vshll.u32 v0, v8  }
0x17a: {  	v8 =	vshrl.u32 v16, $0x6;
	v18 =	vadd.s32 v6, v12;
	v6 =	vshll.u32 v0, v7  }
0x17b: {  	v10 =	vshrl.u32 v16, $0xC;
	v7 =	vshrl.u32 v16, $0x9;
	v19 =	vadd.s32 v6, v14  }
0x17c: {  	v12 =	vshrl.u32 v15, $0x3;
	v6 =	vshrl.u32 v16, $0xF;
	v14 =	vshrl.u32 v15, $0x6  }
0x17d: {  	v21 =	vshrl.u32 v15, $0xC;
	v22 =	vshrl.u32 v15, $0xF;
	v20 =	vshrl.u32 v15, $0x9  }
0x17e: {  	v23 =	vshrl.u32 v13, $0x3;
	v24 =	vshrl.u32 v13, $0x6;
	v25 =	vshrl.u32 v13, $0x9  }
0x17f: {  	v26 =	vshrl.u32 v13, $0xC;
	v27 =	vshrl.u32 v13, $0xF;
	v28 =	vshrl.u32 v17, $0x3  }
0x180: {  	v29 =	vshrl.u32 v17, $0x6;
	v30 =	vshrl.u32 v17, $0x9;
	v31 =	vshrl.u32 v17, $0xC  }
0x181: {  	v32 =	vshrl.u32 v17, $0xF;
	v33 =	vshrl.u32 v11, $0x3;
	v34 =	vshrl.u32 v11, $0x6  }
0x182: {  	v35 =	vshrl.u32 v11, $0x9;
	v36 =	vshrl.u32 v11, $0xC;
	v37 =	vshrl.u32 v11, $0xF  }
0x183: {  	v38 =	vshrl.u32 v18, $0x3;
	v39 =	vshrl.u32 v18, $0x6;
	v40 =	vshrl.u32 v18, $0x9  }
0x184: {  	v41 =	vshrl.u32 v18, $0xC;
	v42 =	vshrl.u32 v18, $0xF;
	v43 =	vshrl.u32 v19, $0x3  }
0x185: {  	v44 =	vshrl.u32 v19, $0x6;
	v45 =	vshrl.u32 v19, $0x9;
	v46 =	vshrl.u32 v19, $0xC  }
0x186: {  	v47 =	vand.u32 $0x7, v9;
	v48 =	vand.u32 $0x7, v8;
	v49 =	vshrl.u32 v19, $0xF  }
0x187: {  	v51 =	vand.u32 $0x7, v10;
	v50 =	vand.u32 $0x7, v7;
	v52 =	vand.u32 $0x7, v6  }
0x188: {  	v20 =	vand.u32 $0x7, v20;
	v53 =	vand.u32 $0x7, v12;
	v54 =	vand.u32 $0x7, v14  }
0x189: {  	v21 =	vand.u32 $0x7, v21;
	v22 =	vand.u32 $0x7, v22;
	v23 =	vand.u32 $0x7, v23  }
0x18a: {  	v24 =	vand.u32 $0x7, v24;
	v25 =	vand.u32 $0x7, v25;
	v26 =	vand.u32 $0x7, v26  }
0x18b: {  	v27 =	vand.u32 $0x7, v27;
	v28 =	vand.u32 $0x7, v28;
	v29 =	vand.u32 $0x7, v29  }
0x18c: {  	v30 =	vand.u32 $0x7, v30;
	v31 =	vand.u32 $0x7, v31;
	v55 =	vand.u32 $0x7, v32  }
0x18d: {  	v56 =	vand.u32 $0x7, v33;
	v34 =	vand.u32 $0x7, v34;
	v35 =	vand.u32 $0x7, v35  }
0x18e: {  	v36 =	vand.u32 $0x7, v36;
	v37 =	vand.u32 $0x7, v37;
	v38 =	vand.u32 $0x7, v38  }
0x18f: {  	v39 =	vand.u32 $0x7, v39;
	v40 =	vand.u32 $0x7, v40;
	v41 =	vand.u32 $0x7, v41  }
0x190: {  	v42 =	vand.u32 $0x7, v42;
	v43 =	vand.u32 $0x7, v43;
	v44 =	vand.u32 $0x7, v44  }
0x191: {  	v8 =	vand.u32 $0x7, v45;
	v9 =	vand.u32 $0x7, v46;
	v7 =	vand.u32 $0x7, v49  }
0x192: {  	v3 =	vand.u32 $0x7, v3;
	v10 =	vand.u32 $0x7, v2;
	v6 =	vand.u32 $0x7, v4  }
0x193: {  	v2 =	vand.u32 $0x7, v15;
	v15 =	vand.u32 $0x7, v5;
	v4 =	vand.u32 $0x7, v16  }
0x194: {  	v13 =	vand.u32 $0x7, v13;
	v12 =	vand.u32 $0x7, v17;
	v14 =	vand.u32 $0x7, v11  }
0x195: {  	v1 =	vand.u32 $0x7, v1;
	v11 =	vand.u32 $0x7, v18;
	v5 =	vand.u32 $0x7, v19  }
0x196: {  	v17 =	vcvt.s32.f32 v48;
	v16 =	vcvt.s32.f32 v47  }
0x197: {  	v18 =	vcvt.s32.f32 v50;
	v19 =	vcvt.s32.f32 v51  }
0x198: {  	v32 =	vcvt.s32.f32 v53;
	[tilespmem:s29+$0xFFFFFF00] =	vst v16;
	v16 =	vcvt.s32.f32 v52  }
0x199: {  	v20 =	vcvt.s32.f32 v20;
	[tilespmem:s29+$0xFFFFFF80] =	vst v17;
	v17 =	vcvt.s32.f32 v54  }
0x19a: {  	v21 =	vcvt.s32.f32 v21;
	v22 =	vcvt.s32.f32 v22;
	[tilespmem:s29+$0x0] =	vst v18  }
0x19b: {  	v23 =	vcvt.s32.f32 v23;
	v24 =	vcvt.s32.f32 v24;
	[tilespmem:s29+$0x80] =	vst v19  }
0x19c: {  	v45 =	vcvt.s32.f32 v25;
	v46 =	vcvt.s32.f32 v26;
	[tilespmem:s29+$0x100] =	vst v16  }
0x19d: {  	v33 =	vcvt.s32.f32 v27;
	v19 =	vcvt.s32.f32 v28;
	[tilespmem:s29+$0xFFFFFF10] =	vst v32  }
0x19e: {  	v18 =	vcvt.s32.f32 v30;
	v16 =	vcvt.s32.f32 v29;
	[tilespmem:s29+$0xFFFFFF90] =	vst v17  }
0x19f: {  	v32 =	vcvt.s32.f32 v31;
	v31 =	vcvt.s32.f32 v55;
	[tilespmem:s29+$0x10] =	vst v20  }
0x1a0: {  	v30 =	vcvt.s32.f32 v56;
	v29 =	vcvt.s32.f32 v34;
	[tilespmem:s29+$0x90] =	vst v21  }
.Ltmp1:
0x1a1: {  	v27 =	vcvt.s32.f32 v36;
	v28 =	vcvt.s32.f32 v35;
	[tilespmem:s29+$0x110] =	vst v22;
	(pc) =	sbr.rel @p0 .LBB2_4-.Ltmp1, $4  }
0x1a2: {  	v26 =	vcvt.s32.f32 v37;
	v25 =	vcvt.s32.f32 v38;
	[tilespmem:s29+$0xFFFFFF20] =	vst v23  }
0x1a3: {  	v23 =	vcvt.s32.f32 v40;
	[tilespmem:s29+$0xFFFFFFA0] =	vst v24;
	v24 =	vcvt.s32.f32 v39  }
0x1a4: {  	v21 =	vcvt.s32.f32 v42;
	v22 =	vcvt.s32.f32 v41;
	[tilespmem:s29+$0x20] =	vst v45  }
0x1a5: {  	s0 =	sadd.s32 $0x400, s0;
	v17 =	vcvt.s32.f32 v44;
	v20 =	vcvt.s32.f32 v43;
	[tilespmem:s29+$0xA0] =	vst v46  }
0x1a6: {  	[tilespmem:s29+$0x120] =	vst v33  }
0x1a7: {  	[tilespmem:s29+$0xFFFFFF30] =	vst v19  }
0x1a8: {  	[tilespmem:s29+$0xFFFFFFB0] =	vst v16  }
0x1a9: {  	[tilespmem:s29+$0x30] =	vst v18  }
0x1aa: {  	[tilespmem:s29+$0xB0] =	vst v32  }
0x1ab: {  	[tilespmem:s29+$0x130] =	vst v31  }
0x1ac: {  	[tilespmem:s29+$0xFFFFFF40] =	vst v30  }
0x1ad: {  	[tilespmem:s29+$0xFFFFFFC0] =	vst v29  }
0x1ae: {  	[tilespmem:s29+$0x40] =	vst v28  }
0x1af: {  	[tilespmem:s29+$0xC0] =	vst v27  }
0x1b0: {  	[tilespmem:s29+$0x140] =	vst v26  }
0x1b1: {  	[tilespmem:s29+$0xFFFFFF50] =	vst v25  }
0x1b2: {  	[tilespmem:s29+$0xFFFFFFD0] =	vst v24  }
0x1b3: {  	[tilespmem:s29+$0x50] =	vst v23  }
0x1b4: {  	[tilespmem:s29+$0xD0] =	vst v22  }
0x1b5: {  	[tilespmem:s29+$0x150] =	vst v21  }
0x1b6: {  	v8 =	vcvt.s32.f32 v8;
	[tilespmem:s30+$0xFFFFFF60] =	vst v20  }
0x1b7: {  	v9 =	vcvt.s32.f32 v9;
	[tilespmem:s30+$0xFFFFFFE0] =	vst v17  }
0x1b8: {  	v7 =	vcvt.s32.f32 v7;
	[tilespmem:s30+$0x60] =	vst v8  }
0x1b9: {  	v3 =	vcvt.s32.f32 v3;
	[tilespmem:s30+$0xE0] =	vst v9  }
0x1ba: {  	v6 =	vcvt.s32.f32 v6;
	[tilespmem:s30+$0x160] =	vst v7  }
0x1bb: {  	v2 =	vcvt.s32.f32 v2;
	[tilespmem:s30+$0xFFFFFFF0] =	vst v3  }
0x1bc: {  	v1 =	vcvt.s32.f32 v1;
	[tilespmem:s30+$0x70] =	vst v6  }
0x1bd: {  	v8 =	vcvt.s32.f32 v10;
	[tilespmem:s30+$0xFFFFFE90] =	vst v2  }
0x1be: {  	v7 =	vcvt.s32.f32 v15;
	[tilespmem:s30+$0xFFFFFEF0] =	vst v1  }
0x1bf: {  	v3 =	vcvt.s32.f32 v4;
	[tilespmem:s30+$0xFFFFFF70] =	vst v8  }
0x1c0: {  	v4 =	vcvt.s32.f32 v13;
	[tilespmem:s30+$0xF0] =	vst v7  }
0x1c1: {  	v2 =	vcvt.s32.f32 v14;
	[tilespmem:s30+$0xFFFFFE80] =	vst v3  }
0x1c2: {  	v3 =	vcvt.s32.f32 v12;
	[tilespmem:s30+$0xFFFFFEA0] =	vst v4  }
0x1c3: {  	v4 =	vcvt.s32.f32 v11;
	[tilespmem:s30+$0xFFFFFEC0] =	vst v2  }
0x1c4: {  	[tilespmem:s30+$0xFFFFFEB0] =	vst v3;
	v3 =	vcvt.s32.f32 v5  }
0x1c5: {  	[tilespmem:s30+$0xFFFFFED0] =	vst v4  }
0x1c6: {  	[tilespmem:s30+$0xFFFFFEE0] =	vst v3  }
0x1c7: {  	[hbm4b:s7+s2] =	stream.linear.scatter [tilespmem:s24], [sflag:$0x4], $0x8000, $0x38;
	v63 =	vld [tilespmem:$0x0]  }
0x1c8: {  	_ = 	snop  }
0x1c9: {  	[tilespmem:s20], [sflag:$0x2] =	stream.linear.gather [hbm4b:s8+s2], $0x8000, $0x38;
	v63 =	vld [tilespmem:$0x0]  }
0x1ca: {  	_ =	swait.ge [sflag:s21], $0x8000  }
0x1cb: {  	[sflag:s21] =	ssyncset.done $0x0  }
0x1cc: {  	[sflag:s21] =	ssyncadd.s32 $0xFFFF8000  }
0x1cd: {  	_ =	swait.ge [sflag:s25], $0x8000  }
0x1ce: {  	[sflag:s25] =	ssyncset.done $0x0  }
0x1cf: {  	s0 =	simm.s32 $0x140;
	[sflag:s25] =	ssyncadd.s32 $0xFFFF8000  }
0x1d0: {  	v1 =	vld [tilespmem:s0+$0xFFFFFF30]  }
0x1d1: {  	v2 =	vld [tilespmem:s0+$0xFFFFFFB0]  }
0x1d2: {  	v3 =	vld [tilespmem:s0+$0x30]  }
0x1d3: {  	v4 =	vld [tilespmem:s0+$0xB0]  }
0x1d4: {  	v5 =	vld [tilespmem:s0+$0x130]  }
0x1d5: {  	v10 =	vld [tilespmem:s0+$0xFFFFFF60]  }
0x1d6: {  	v12 =	vld [tilespmem:s0+$0xFFFFFF10]  }
0x1d7: {  	v14 =	vld [tilespmem:s0+$0xFFFFFF90]  }
0x1d8: {  	v16 =	vld [tilespmem:s0+$0xFFFFFFC0]  }
0x1d9: {  	v17 =	vld [tilespmem:s0+$0xFFFFFFD0]  }
0x1da: {  	v18 =	vld [tilespmem:s0+$0xFFFFFFE0]  }
0x1db: {  	v21 =	vld [tilespmem:s0+$0x10]  }
0x1dc: {  	v6 =	vld [tilespmem:s0+$0xFFFFFF40];
	v1 =	vmul.u32 $0x3, v1;
	v2 =	vmul.u32 $0x3, v2  }
0x1dd: {  	v7 =	vld [tilespmem:s0+$0xFFFFFED0];
	v3 =	vmul.u32 $0x3, v3;
	v4 =	vmul.u32 $0x3, v4;
	v10 =	vmul.u32 $0x3, v10  }
0x1de: {  	v8 =	vld [tilespmem:s0+$0xFFFFFF50];
	v12 =	vmul.u32 $0x3, v12;
	v14 =	vmul.u32 $0x3, v14;
	v16 =	vmul.u32 $0x3, v16  }
0x1df: {  	v9 =	vld [tilespmem:s0+$0xFFFFFEE0];
	v17 =	vmul.u32 $0x3, v17;
	v1 =	vshll.u32 v0, v1;
	v2 =	vshll.u32 v0, v2  }
0x1e0: {  	v18 =	vmul.u32 $0x3, v18;
	v21 =	vmul.u32 $0x3, v21;
	v1 =	vadd.s32 v1, v2  }
0x1e1: {  	v2 =	vshll.u32 v0, v3;
	v3 =	vmul.u32 $0x3, v5;
	v5 =	vmul.u32 $0x3, v6  }
0x1e2: {  	v6 =	vld [tilespmem:s0+$0xFFFFFEF0];
	v1 =	vadd.s32 v2, v1;
	v2 =	vshll.u32 v0, v4;
	v4 =	vmul.u32 $0x3, v7  }
0x1e3: {  	v1 =	vadd.s32 v2, v1;
	v2 =	vshll.u32 v0, v3;
	v11 =	vshll.u32 v0, v5;
	v5 =	vld [tilespmem:s0+$0xFFFFFF00]  }
0x1e4: {  	v3 =	vmul.u32 $0x3, v8;
	v8 =	vld [tilespmem:s0+$0xFFFFFF80];
	v1 =	vadd.s32 v2, v1;
	v2 =	vmul.u32 $0x3, v9  }
0x1e5: {  	v14 =	vshll.u32 v0, v14;
	v7 =	vld [tilespmem:s0+$0xFFFFFF70];
	v4 =	vshll.u32 v0, v4;
	v9 =	vshrl.u32 v1, $0xF  }
0x1e6: {  	v22 =	vld [tilespmem:s0+$0x20];
	v3 =	vshll.u32 v0, v3;
	v9 =	vand.u32 $0x7, v9;
	v13 =	vshll.u32 v0, v2  }
0x1e7: {  	v6 =	vmul.u32 $0x3, v6;
	v2 =	vcvt.s32.f32 v9;
	v9 =	vshll.u32 v0, v10;
	v10 =	vld [tilespmem:s0+$0xFFFFFF20]  }
0x1e8: {  	v17 =	vshll.u32 v0, v17;
	v15 =	vadd.s32 v4, v3;
	v9 =	vadd.s32 v13, v9;
	v13 =	vld [tilespmem:s0+$0xFFFFFEC0]  }
0x1e9: {  	v4 =	vshll.u32 v0, v6;
	v6 =	vld [tilespmem:s0+$0xFFFFFFA0];
	v5 =	vmul.u32 $0x3, v5;
	v8 =	vmul.u32 $0x3, v8  }
0x1ea: {  	v18 =	vshll.u32 v0, v18;
	v21 =	vshll.u32 v0, v21;
	v7 =	vmul.u32 $0x3, v7  }
0x1eb: {  	v3 =	vshrl.u32 v1, $0x3;
	v5 =	vshll.u32 v0, v5;
	v8 =	vshll.u32 v0, v8  }
0x1ec: {  	v7 =	vshll.u32 v0, v7;
	v8 =	vadd.s32 v5, v8;
	v5 =	vshll.u32 v0, v12;
	v12 =	vld [tilespmem:s0+$0xFFFFFFF0]  }
0x1ed: {  	v20 =	vld [tilespmem:s0+$0x0];
	v9 =	vadd.s32 v18, v9;
	v10 =	vmul.u32 $0x3, v10;
	v13 =	vmul.u32 $0x3, v13  }
0x1ee: {  	v18 =	vmul.u32 $0x3, v22;
	v7 =	vadd.s32 v4, v7;
	v19 =	vmul.u32 $0x3, v6  }
0x1ef: {  	v22 =	vld [tilespmem:s0+$0x90];
	v4 =	vshrl.u32 v1, $0x6;
	v10 =	vshll.u32 v0, v10;
	v13 =	vshll.u32 v0, v13  }
0x1f0: {  	v19 =	vshll.u32 v0, v19;
	v11 =	vadd.s32 v13, v11;
	v13 =	vshll.u32 v0, v16;
	v16 =	vld [tilespmem:s0+$0x40]  }
0x1f1: {  	v18 =	vshll.u32 v0, v18;
	v10 =	vadd.s32 v10, v19;
	v19 =	vld [tilespmem:s0+$0x50];
	v12 =	vmul.u32 $0x3, v12  }
0x1f2: {  	v11 =	vadd.s32 v13, v11;
	v13 =	vadd.s32 v17, v15;
	v15 =	vld [tilespmem:s0+$0x60];
	v17 =	vmul.u32 $0x3, v20  }
0x1f3: {  	v14 =	vadd.s32 v5, v14;
	v5 =	vshrl.u32 v1, $0xC;
	v20 =	vld [tilespmem:s0+$0x70];
	v12 =	vshll.u32 v0, v12  }
0x1f4: {  	v6 =	vshrl.u32 v1, $0x9;
	v7 =	vadd.s32 v12, v7;
	v12 =	vshll.u32 v0, v17;
	v17 =	vld [tilespmem:s0+$0x80]  }
0x1f5: {  	v14 =	vadd.s32 v21, v14;
	v1 =	vand.u32 $0x7, v1;
	v16 =	vmul.u32 $0x3, v16  }
0x1f6: {  	v22 =	vmul.u32 $0x3, v22;
	v8 =	vadd.s32 v12, v8;
	v12 =	vmul.u32 $0x3, v19;
	v19 =	vld [tilespmem:s0+$0xA0]  }
0x1f7: {  	v21 =	vld [tilespmem:s0+$0xC0];
	v10 =	vadd.s32 v18, v10;
	v15 =	vmul.u32 $0x3, v15;
	v16 =	vshll.u32 v0, v16  }
0x1f8: {  	v18 =	vld [tilespmem:s0+$0xD0];
	v20 =	vmul.u32 $0x3, v20;
	v12 =	vshll.u32 v0, v12;
	v11 =	vadd.s32 v16, v11  }
0x1f9: {  	v12 =	vadd.s32 v12, v13;
	v13 =	vld [tilespmem:s0+$0xE0];
	v16 =	vmul.u32 $0x3, v17;
	v15 =	vshll.u32 v0, v15  }
0x1fa: {  	v6 =	vand.u32 $0x7, v6;
	v17 =	vshll.u32 v0, v20;
	v20 =	vld [tilespmem:s0+$0xF0];
	v9 =	vadd.s32 v15, v9  }
0x1fb: {  	v7 =	vadd.s32 v17, v7;
	v15 =	vshll.u32 v0, v16;
	v16 =	vld [tilespmem:s0+$0x100];
	v17 =	vmul.u32 $0x3, v19  }
0x1fc: {  	v19 =	vmul.u32 $0x3, v21;
	v21 =	vshll.u32 v0, v22;
	v22 =	vld [tilespmem:s0+$0x110];
	v8 =	vadd.s32 v15, v8  }
0x1fd: {  	v15 =	vmul.u32 $0x3, v18;
	v14 =	vadd.s32 v21, v14;
	v17 =	vshll.u32 v0, v17  }
0x1fe: {  	v18 =	vld [tilespmem:s0+$0x120];
	v19 =	vshll.u32 v0, v19;
	v13 =	vmul.u32 $0x3, v13;
	v10 =	vadd.s32 v17, v10  }
0x1ff: {  	v15 =	vshll.u32 v0, v15;
	v17 =	vmul.u32 $0x3, v20;
	v11 =	vadd.s32 v19, v11  }
0x200: {  	v12 =	vadd.s32 v15, v12;
	v15 =	vmul.u32 $0x3, v16;
	v13 =	vshll.u32 v0, v13  }
0x201: {  	v16 =	vshll.u32 v0, v17;
	v17 =	vmul.u32 $0x3, v22;
	v19 =	vshrl.u32 v12, $0xC  }
0x202: {  	v23 =	vshrl.u32 v12, $0xF;
	v13 =	vadd.s32 v13, v9;
	v20 =	vadd.s32 v16, v7  }
0x203: {  	v9 =	vmul.u32 $0x3, v18;
	v18 =	vshrl.u32 v12, $0x9;
	v19 =	vand.u32 $0x7, v19  }
0x204: {  	v23 =	vand.u32 $0x7, v23;
	v7 =	vshll.u32 v0, v15;
	v15 =	vshrl.u32 v11, $0x3  }
0x205: {  	v16 =	vshll.u32 v0, v17;
	v24 =	vshrl.u32 v13, $0x3;
	v25 =	vshrl.u32 v13, $0x6  }
0x206: {  	v26 =	vshrl.u32 v13, $0x9;
	v27 =	vshrl.u32 v13, $0xC;
	v28 =	vshrl.u32 v13, $0xF  }
0x207: {  	v29 =	vshrl.u32 v20, $0x3;
	v30 =	vshrl.u32 v20, $0x6;
	v31 =	vshrl.u32 v20, $0x9  }
0x208: {  	v56 =	vshrl.u32 v20, $0xC;
	v57 =	vshrl.u32 v20, $0xF;
	v18 =	vand.u32 $0x7, v18  }
0x209: {  	v61 =	vcvt.s32.f32 v19;
	v23 =	vcvt.s32.f32 v23;
	v13 =	vand.u32 $0x7, v13  }
0x20a: {  	v17 =	vadd.s32 v7, v8;
	v7 =	vshrl.u32 v11, $0x6;
	v21 =	vadd.s32 v16, v14  }
0x20b: {  	v8 =	vshll.u32 v0, v9;
	v9 =	vshrl.u32 v11, $0x9;
	v14 =	vshrl.u32 v11, $0xC  }
0x20c: {  	v16 =	vshrl.u32 v12, $0x6;
	v15 =	vand.u32 $0x7, v15;
	v24 =	vand.u32 $0x7, v24  }
0x20d: {  	v25 =	vand.u32 $0x7, v25;
	v26 =	vand.u32 $0x7, v26;
	v27 =	vand.u32 $0x7, v27  }
0x20e: {  	v28 =	vand.u32 $0x7, v28;
	v29 =	vand.u32 $0x7, v29;
	v30 =	vand.u32 $0x7, v30  }
0x20f: {  	v31 =	vand.u32 $0x7, v31;
	v32 =	vand.u32 $0x7, v56;
	v50 =	vand.u32 $0x7, v57  }
0x210: {  	v60 =	vcvt.s32.f32 v18;
	v22 =	vadd.s32 v8, v10;
	v8 =	vshrl.u32 v11, $0xF  }
0x211: {  	v10 =	vshrl.u32 v12, $0x3;
	v34 =	vshrl.u32 v17, $0x3;
	v35 =	vshrl.u32 v17, $0x6  }
0x212: {  	v36 =	vshrl.u32 v17, $0x9;
	v37 =	vshrl.u32 v17, $0xC;
	v38 =	vshrl.u32 v17, $0xF  }
0x213: {  	v39 =	vshrl.u32 v21, $0x3;
	v40 =	vshrl.u32 v21, $0x6;
	v41 =	vshrl.u32 v21, $0x9  }
0x214: {  	v42 =	vshrl.u32 v21, $0xC;
	v43 =	vshrl.u32 v21, $0xF;
	v15 =	vcvt.s32.f32 v15  }
0x215: {  	v7 =	vand.u32 $0x7, v7;
	v24 =	vcvt.s32.f32 v24;
	v62 =	vcvt.s32.f32 v25  }
0x216: {  	v9 =	vand.u32 $0x7, v9;
	v51 =	vcvt.s32.f32 v26;
	v52 =	vcvt.s32.f32 v27  }
0x217: {  	v14 =	vand.u32 $0x7, v14;
	v33 =	vcvt.s32.f32 v28;
	v19 =	vcvt.s32.f32 v29  }
0x218: {  	v16 =	vand.u32 $0x7, v16;
	v18 =	vcvt.s32.f32 v31;
	v32 =	vcvt.s32.f32 v32  }
0x219: {  	v31 =	vcvt.s32.f32 v50;
	v44 =	vshrl.u32 v22, $0x3;
	v45 =	vshrl.u32 v22, $0x6  }
0x21a: {  	s29 =	simm.s32 $0x10180;
	v46 =	vshrl.u32 v22, $0x9;
	v47 =	vshrl.u32 v22, $0xC;
	v48 =	vshrl.u32 v22, $0xF  }
0x21b: {  	[tilespmem:s29+$0x170] =	vst v2;
	v49 =	vand.u32 $0x7, v8;
	v10 =	vand.u32 $0x7, v10;
	v34 =	vand.u32 $0x7, v34  }
0x21c: {  	[tilespmem:s29+$0x90] =	vst v61;
	v35 =	vand.u32 $0x7, v35;
	v36 =	vand.u32 $0x7, v36;
	v37 =	vand.u32 $0x7, v37  }
0x21d: {  	[tilespmem:s29+$0x110] =	vst v23;
	v38 =	vand.u32 $0x7, v38;
	v39 =	vand.u32 $0x7, v39;
	v40 =	vand.u32 $0x7, v40  }
0x21e: {  	v41 =	vand.u32 $0x7, v41;
	v42 =	vand.u32 $0x7, v42;
	v58 =	vcvt.s32.f32 v7;
	[tilespmem:s29+$0x10] =	vst v60  }
0x21f: {  	v43 =	vand.u32 $0x7, v43;
	v2 =	vcvt.s32.f32 v9;
	v14 =	vcvt.s32.f32 v14;
	[tilespmem:s29+$0xFFFFFF00] =	vst v15  }
0x220: {  	v16 =	vcvt.s32.f32 v16;
	v44 =	vand.u32 $0x7, v44;
	v45 =	vand.u32 $0x7, v45;
	[tilespmem:s29+$0xFFFFFF20] =	vst v24  }
0x221: {  	v8 =	vand.u32 $0x7, v46;
	v9 =	vand.u32 $0x7, v47;
	v15 =	vcvt.s32.f32 v49;
	[tilespmem:s29+$0xFFFFFFA0] =	vst v62  }
0x222: {  	v59 =	vcvt.s32.f32 v10;
	v7 =	vand.u32 $0x7, v48;
	v10 =	vand.u32 $0x7, v3;
	[tilespmem:s29+$0x20] =	vst v51  }
0x223: {  	v3 =	vand.u32 $0x7, v4;
	v29 =	vcvt.s32.f32 v35;
	v28 =	vcvt.s32.f32 v36;
	[tilespmem:s29+$0xA0] =	vst v52  }
0x224: {  	v4 =	vand.u32 $0x7, v11;
	v27 =	vcvt.s32.f32 v37;
	v26 =	vcvt.s32.f32 v38;
	[tilespmem:s29+$0xFFFFFF80] =	vst v58  }
0x225: {  	v25 =	vcvt.s32.f32 v39;
	v11 =	vand.u32 $0x7, v21;
	v24 =	vcvt.s32.f32 v40;
	[tilespmem:s29+$0x0] =	vst v2  }
0x226: {  	v23 =	vcvt.s32.f32 v41;
	v21 =	vcvt.s32.f32 v43;
	[tilespmem:s29+$0x80] =	vst v14;
	v2 =	vand.u32 $0x7, v12  }
0x227: {  	[tilespmem:s29+$0xFFFFFF90] =	vst v16;
	v16 =	vcvt.s32.f32 v30;
	v30 =	vcvt.s32.f32 v34;
	v12 =	vand.u32 $0x7, v20  }
0x228: {  	v14 =	vand.u32 $0x7, v17;
	v20 =	vcvt.s32.f32 v44;
	v17 =	vcvt.s32.f32 v45;
	[tilespmem:s29+$0x100] =	vst v15  }
0x229: {  	s31 =	simm.s32 $0x0;
	s30 =	simm.s32 $0x10180;
	s0 =	simm.s32 $0x540;
	[tilespmem:s29+$0xFFFFFF10] =	vst v59;
	v15 =	vand.u32 $0x7, v5;
	v5 =	vand.u32 $0x7, v22;
	v22 =	vcvt.s32.f32 v42  }
.LBB2_6:
0x22a: {  	v34 =	vld [tilespmem:s0+$0xFFFFFF30];
	[tilespmem:s29+$0x120] =	vst v33;
	v33 =	vcvt.s32.f32 v8;
	v35 =	vcvt.s32.f32 v9  }
0x22b: {  	s31 =	sadd.s32 $0x80, s31;
	v36 =	vcvt.s32.f32 v7;
	v37 =	vcvt.s32.f32 v10;
	v9 =	vld [tilespmem:s0+$0xFFFFFFB0];
	[tilespmem:s29+$0xFFFFFF30] =	vst v19  }
0x22c: {  	v38 =	vcvt.s32.f32 v3;
	p0 =	slt.u32 s31, $0xF80;
	v19 =	vcvt.s32.f32 v6;
	v7 =	vld [tilespmem:s0+$0x30];
	[tilespmem:s29+$0xFFFFFFB0] =	vst v16  }
0x22d: {  	v16 =	vcvt.s32.f32 v4;
	v3 =	vld [tilespmem:s0+$0xB0];
	[tilespmem:s29+$0x30] =	vst v18;
	v18 =	vcvt.s32.f32 v15  }
0x22e: {  	v13 =	vcvt.s32.f32 v13;
	v15 =	vcvt.s32.f32 v2;
	v4 =	vld [tilespmem:s0+$0x130];
	[tilespmem:s29+$0xB0] =	vst v32  }
0x22f: {  	v10 =	vcvt.s32.f32 v12;
	v8 =	vcvt.s32.f32 v14;
	v2 =	vld [tilespmem:s0+$0xFFFFFF40];
	[tilespmem:s29+$0x130] =	vst v31  }
0x230: {  	v14 =	vmul.u32 $0x3, v34;
	v12 =	vld [tilespmem:s0+$0xFFFFFED0];
	v31 =	vmul.u32 $0x3, v9;
	[tilespmem:s29+$0xFFFFFF40] =	vst v30;
	v9 =	vcvt.s32.f32 v11  }
0x231: {  	v6 =	vcvt.s32.f32 v1;
	v11 =	vld [tilespmem:s0+$0xFFFFFF50];
	v30 =	vmul.u32 $0x3, v7;
	[tilespmem:s29+$0xFFFFFFC0] =	vst v29;
	v7 =	vcvt.s32.f32 v5  }
0x232: {  	v1 =	vshll.u32 v0, v14;
	v5 =	vld [tilespmem:s0+$0xFFFFFEE0];
	v14 =	vshll.u32 v0, v31;
	v3 =	vmul.u32 $0x3, v3;
	[tilespmem:s29+$0x40] =	vst v28  }
0x233: {  	v28 =	vld [tilespmem:s0+$0xFFFFFF60];
	v1 =	vadd.s32 v1, v14;
	v14 =	vshll.u32 v0, v30;
	v4 =	vmul.u32 $0x3, v4;
	[tilespmem:s29+$0xC0] =	vst v27  }
0x234: {  	v2 =	vmul.u32 $0x3, v2;
	v27 =	vld [tilespmem:s0+$0xFFFFFEF0];
	v1 =	vadd.s32 v14, v1;
	v3 =	vshll.u32 v0, v3;
	[tilespmem:s29+$0x140] =	vst v26  }
0x235: {  	v12 =	vmul.u32 $0x3, v12;
	v14 =	vld [tilespmem:s0+$0xFFFFFF70];
	v1 =	vadd.s32 v3, v1;
	v3 =	vshll.u32 v0, v4;
	[tilespmem:s29+$0xFFFFFF50] =	vst v25  }
0x236: {  	v25 =	vshll.u32 v0, v2;
	v2 =	vmul.u32 $0x3, v11;
	v4 =	vld [tilespmem:s0+$0xFFFFFF00];
	v1 =	vadd.s32 v3, v1;
	[tilespmem:s29+$0xFFFFFFD0] =	vst v24  }
0x237: {  	v3 =	vshll.u32 v0, v12;
	v5 =	vmul.u32 $0x3, v5;
	v11 =	vld [tilespmem:s0+$0xFFFFFF80];
	v12 =	vshrl.u32 v1, $0xF;
	[tilespmem:s29+$0x50] =	vst v23  }
0x238: {  	v2 =	vshll.u32 v0, v2;
	v23 =	vmul.u32 $0x3, v28;
	v24 =	vld [tilespmem:s0+$0xFFFFFF10];
	v12 =	vand.u32 $0x7, v12;
	[tilespmem:s29+$0xD0] =	vst v22  }
0x239: {  	v5 =	vshll.u32 v0, v5;
	v22 =	vmul.u32 $0x3, v27;
	v26 =	vld [tilespmem:s0+$0xFFFFFF90];
	v12 =	vcvt.s32.f32 v12;
	[tilespmem:s29+$0x150] =	vst v21  }
0x23a: {  	v21 =	vadd.s32 v3, v2;
	s29 =	sadd.s32 $0x400, s29;
	v2 =	vshll.u32 v0, v23;
	v3 =	vmul.u32 $0x3, v14;
	v14 =	vld [tilespmem:s0+$0xFFFFFF20];
	[tilespmem:s30+$0xFFFFFF60] =	vst v20  }
0x23b: {  	v20 =	vadd.s32 v5, v2;
	v5 =	vshll.u32 v0, v22;
	v4 =	vmul.u32 $0x3, v4;
	v22 =	vld [tilespmem:s0+$0xFFFFFFA0];
	[tilespmem:s29+$0x170] =	vst v12  }
0x23c: {  	v2 =	vshrl.u32 v1, $0x3;
	v12 =	vld [tilespmem:s0+$0xFFFFFEC0];
	v3 =	vshll.u32 v0, v3;
	v11 =	vmul.u32 $0x3, v11;
	[tilespmem:s30+$0xFFFFFFE0] =	vst v17  }
0x23d: {  	v17 =	vld [tilespmem:s0+$0xFFFFFFC0];
	v23 =	vadd.s32 v5, v3;
	v4 =	vshll.u32 v0, v4;
	v5 =	vmul.u32 $0x3, v24;
	[tilespmem:s30+$0x60] =	vst v33  }
0x23e: {  	v3 =	vshrl.u32 v1, $0x6;
	v24 =	vld [tilespmem:s0+$0xFFFFFFD0];
	v11 =	vshll.u32 v0, v11;
	v26 =	vmul.u32 $0x3, v26;
	[tilespmem:s30+$0xE0] =	vst v35  }
0x23f: {  	v27 =	vld [tilespmem:s0+$0xFFFFFFE0];
	v11 =	vadd.s32 v4, v11;
	v5 =	vshll.u32 v0, v5;
	v14 =	vmul.u32 $0x3, v14;
	[tilespmem:s30+$0x160] =	vst v36  }
0x240: {  	v4 =	vshrl.u32 v1, $0x9;
	v28 =	vld [tilespmem:s0+$0xFFFFFFF0];
	v26 =	vshll.u32 v0, v26;
	v22 =	vmul.u32 $0x3, v22;
	[tilespmem:s30+$0xFFFFFF70] =	vst v37  }
0x241: {  	v12 =	vmul.u32 $0x3, v12;
	v29 =	vld [tilespmem:s0+$0x0];
	v26 =	vadd.s32 v5, v26;
	v14 =	vshll.u32 v0, v14;
	[tilespmem:s30+$0xFFFFFFF0] =	vst v38  }
0x242: {  	v5 =	vshrl.u32 v1, $0xC;
	v17 =	vmul.u32 $0x3, v17;
	v30 =	vld [tilespmem:s0+$0x10];
	v22 =	vshll.u32 v0, v22;
	[tilespmem:s30+$0x70] =	vst v19  }
0x243: {  	v12 =	vshll.u32 v0, v12;
	v19 =	vmul.u32 $0x3, v24;
	v14 =	vadd.s32 v14, v22;
	v22 =	vld [tilespmem:s0+$0x20];
	[tilespmem:s30+$0xF0] =	vst v18  }
0x244: {  	v12 =	vadd.s32 v12, v25;
	v17 =	vshll.u32 v0, v17;
	v18 =	vld [tilespmem:s0+$0x40];
	v24 =	vmul.u32 $0x3, v27;
	[tilespmem:s30+$0xFFFFFE80] =	vst v16  }
0x245: {  	v12 =	vadd.s32 v17, v12;
	v16 =	vshll.u32 v0, v19;
	v17 =	vld [tilespmem:s0+$0x50];
	v19 =	vmul.u32 $0x3, v28;
	[tilespmem:s30+$0xFFFFFE90] =	vst v15  }
0x246: {  	v15 =	vadd.s32 v16, v21;
	v16 =	vshll.u32 v0, v24;
	v21 =	vld [tilespmem:s0+$0x60];
	v24 =	vmul.u32 $0x3, v29;
	[tilespmem:s30+$0xFFFFFEA0] =	vst v13  }
0x247: {  	v13 =	vadd.s32 v16, v20;
	v16 =	vshll.u32 v0, v19;
	v19 =	vld [tilespmem:s0+$0x70];
	v20 =	vmul.u32 $0x3, v30;
	[tilespmem:s30+$0xFFFFFEB0] =	vst v10  }
0x248: {  	v10 =	vadd.s32 v16, v23;
	v16 =	vshll.u32 v0, v24;
	v23 =	vld [tilespmem:s0+$0x80];
	v22 =	vmul.u32 $0x3, v22;
	[tilespmem:s30+$0xFFFFFEC0] =	vst v8  }
0x249: {  	v8 =	vmul.u32 $0x3, v18;
	v11 =	vadd.s32 v16, v11;
	v16 =	vshll.u32 v0, v20;
	v18 =	vld [tilespmem:s0+$0x90];
	[tilespmem:s30+$0xFFFFFED0] =	vst v9  }
0x24a: {  	v9 =	vmul.u32 $0x3, v17;
	v16 =	vadd.s32 v16, v26;
	v17 =	vshll.u32 v0, v22;
	v20 =	vld [tilespmem:s0+$0xA0];
	[tilespmem:s30+$0xFFFFFEE0] =	vst v7  }
0x24b: {  	v7 =	vshll.u32 v0, v8;
	v8 =	vld [tilespmem:s0+$0xC0];
	v21 =	vmul.u32 $0x3, v21;
	v14 =	vadd.s32 v17, v14;
	[tilespmem:s30+$0xFFFFFEF0] =	vst v6;
	s30 =	smov.u32 s29  }
0x24c: {  	v6 =	vadd.s32 v7, v12;
	v7 =	vshll.u32 v0, v9;
	v9 =	vld [tilespmem:s0+$0xD0];
	v12 =	vmul.u32 $0x3, v19  }
0x24d: {  	v7 =	vadd.s32 v7, v15;
	v15 =	vshll.u32 v0, v21;
	v17 =	vld [tilespmem:s0+$0xE0];
	v19 =	vmul.u32 $0x3, v23  }
0x24e: {  	v13 =	vadd.s32 v15, v13;
	v12 =	vshll.u32 v0, v12;
	v15 =	vld [tilespmem:s0+$0xF0];
	v18 =	vmul.u32 $0x3, v18  }
0x24f: {  	v10 =	vadd.s32 v12, v10;
	v12 =	vshll.u32 v0, v19;
	v19 =	vld [tilespmem:s0+$0x100];
	v20 =	vmul.u32 $0x3, v20  }
0x250: {  	v8 =	vmul.u32 $0x3, v8;
	v11 =	vadd.s32 v12, v11;
	v12 =	vshll.u32 v0, v18;
	v18 =	vld [tilespmem:s0+$0x110]  }
0x251: {  	v9 =	vmul.u32 $0x3, v9;
	v12 =	vadd.s32 v12, v16;
	v16 =	vshll.u32 v0, v20;
	v20 =	vld [tilespmem:s0+$0x120]  }
0x252: {  	v8 =	vshll.u32 v0, v8;
	v17 =	vmul.u32 $0x3, v17;
	v14 =	vadd.s32 v16, v14  }
0x253: {  	v16 =	vadd.s32 v8, v6;
	v6 =	vshll.u32 v0, v9;
	v8 =	vmul.u32 $0x3, v15  }
0x254: {  	v15 =	vadd.s32 v6, v7;
	v6 =	vshll.u32 v0, v17;
	v7 =	vmul.u32 $0x3, v19  }
0x255: {  	v13 =	vadd.s32 v6, v13;
	v6 =	vshll.u32 v0, v8;
	v8 =	vmul.u32 $0x3, v18  }
0x256: {  	v17 =	vadd.s32 v6, v10;
	v6 =	vshll.u32 v0, v7;
	v7 =	vmul.u32 $0x3, v20  }
0x257: {  	v9 =	vshrl.u32 v16, $0x3;
	v11 =	vadd.s32 v6, v11;
	v6 =	vshll.u32 v0, v8  }
0x258: {  	v8 =	vshrl.u32 v16, $0x6;
	v18 =	vadd.s32 v6, v12;
	v6 =	vshll.u32 v0, v7  }
0x259: {  	v10 =	vshrl.u32 v16, $0xC;
	v7 =	vshrl.u32 v16, $0x9;
	v19 =	vadd.s32 v6, v14  }
0x25a: {  	v12 =	vshrl.u32 v15, $0x3;
	v6 =	vshrl.u32 v16, $0xF;
	v14 =	vshrl.u32 v15, $0x6  }
0x25b: {  	v21 =	vshrl.u32 v15, $0xC;
	v22 =	vshrl.u32 v15, $0xF;
	v20 =	vshrl.u32 v15, $0x9  }
0x25c: {  	v23 =	vshrl.u32 v13, $0x3;
	v24 =	vshrl.u32 v13, $0x6;
	v25 =	vshrl.u32 v13, $0x9  }
0x25d: {  	v26 =	vshrl.u32 v13, $0xC;
	v27 =	vshrl.u32 v13, $0xF;
	v28 =	vshrl.u32 v17, $0x3  }
0x25e: {  	v29 =	vshrl.u32 v17, $0x6;
	v30 =	vshrl.u32 v17, $0x9;
	v31 =	vshrl.u32 v17, $0xC  }
0x25f: {  	v32 =	vshrl.u32 v17, $0xF;
	v33 =	vshrl.u32 v11, $0x3;
	v34 =	vshrl.u32 v11, $0x6  }
0x260: {  	v35 =	vshrl.u32 v11, $0x9;
	v36 =	vshrl.u32 v11, $0xC;
	v37 =	vshrl.u32 v11, $0xF  }
0x261: {  	v38 =	vshrl.u32 v18, $0x3;
	v39 =	vshrl.u32 v18, $0x6;
	v40 =	vshrl.u32 v18, $0x9  }
0x262: {  	v41 =	vshrl.u32 v18, $0xC;
	v42 =	vshrl.u32 v18, $0xF;
	v43 =	vshrl.u32 v19, $0x3  }
0x263: {  	v44 =	vshrl.u32 v19, $0x6;
	v45 =	vshrl.u32 v19, $0x9;
	v46 =	vshrl.u32 v19, $0xC  }
0x264: {  	v47 =	vand.u32 $0x7, v9;
	v48 =	vand.u32 $0x7, v8;
	v49 =	vshrl.u32 v19, $0xF  }
0x265: {  	v51 =	vand.u32 $0x7, v10;
	v50 =	vand.u32 $0x7, v7;
	v52 =	vand.u32 $0x7, v6  }
0x266: {  	v20 =	vand.u32 $0x7, v20;
	v53 =	vand.u32 $0x7, v12;
	v54 =	vand.u32 $0x7, v14  }
0x267: {  	v21 =	vand.u32 $0x7, v21;
	v22 =	vand.u32 $0x7, v22;
	v23 =	vand.u32 $0x7, v23  }
0x268: {  	v24 =	vand.u32 $0x7, v24;
	v25 =	vand.u32 $0x7, v25;
	v26 =	vand.u32 $0x7, v26  }
0x269: {  	v27 =	vand.u32 $0x7, v27;
	v28 =	vand.u32 $0x7, v28;
	v29 =	vand.u32 $0x7, v29  }
0x26a: {  	v30 =	vand.u32 $0x7, v30;
	v31 =	vand.u32 $0x7, v31;
	v55 =	vand.u32 $0x7, v32  }
0x26b: {  	v56 =	vand.u32 $0x7, v33;
	v34 =	vand.u32 $0x7, v34;
	v35 =	vand.u32 $0x7, v35  }
0x26c: {  	v36 =	vand.u32 $0x7, v36;
	v37 =	vand.u32 $0x7, v37;
	v38 =	vand.u32 $0x7, v38  }
0x26d: {  	v39 =	vand.u32 $0x7, v39;
	v40 =	vand.u32 $0x7, v40;
	v41 =	vand.u32 $0x7, v41  }
0x26e: {  	v42 =	vand.u32 $0x7, v42;
	v43 =	vand.u32 $0x7, v43;
	v44 =	vand.u32 $0x7, v44  }
0x26f: {  	v8 =	vand.u32 $0x7, v45;
	v9 =	vand.u32 $0x7, v46;
	v7 =	vand.u32 $0x7, v49  }
0x270: {  	v3 =	vand.u32 $0x7, v3;
	v10 =	vand.u32 $0x7, v2;
	v6 =	vand.u32 $0x7, v4  }
0x271: {  	v2 =	vand.u32 $0x7, v15;
	v15 =	vand.u32 $0x7, v5;
	v4 =	vand.u32 $0x7, v16  }
0x272: {  	v13 =	vand.u32 $0x7, v13;
	v12 =	vand.u32 $0x7, v17;
	v14 =	vand.u32 $0x7, v11  }
0x273: {  	v1 =	vand.u32 $0x7, v1;
	v11 =	vand.u32 $0x7, v18;
	v5 =	vand.u32 $0x7, v19  }
0x274: {  	v17 =	vcvt.s32.f32 v48;
	v16 =	vcvt.s32.f32 v47  }
0x275: {  	v18 =	vcvt.s32.f32 v50;
	v19 =	vcvt.s32.f32 v51  }
0x276: {  	v32 =	vcvt.s32.f32 v53;
	[tilespmem:s29+$0xFFFFFF00] =	vst v16;
	v16 =	vcvt.s32.f32 v52  }
0x277: {  	v20 =	vcvt.s32.f32 v20;
	[tilespmem:s29+$0xFFFFFF80] =	vst v17;
	v17 =	vcvt.s32.f32 v54  }
0x278: {  	v21 =	vcvt.s32.f32 v21;
	v22 =	vcvt.s32.f32 v22;
	[tilespmem:s29+$0x0] =	vst v18  }
0x279: {  	v23 =	vcvt.s32.f32 v23;
	v24 =	vcvt.s32.f32 v24;
	[tilespmem:s29+$0x80] =	vst v19  }
0x27a: {  	v45 =	vcvt.s32.f32 v25;
	v46 =	vcvt.s32.f32 v26;
	[tilespmem:s29+$0x100] =	vst v16  }
0x27b: {  	v33 =	vcvt.s32.f32 v27;
	v19 =	vcvt.s32.f32 v28;
	[tilespmem:s29+$0xFFFFFF10] =	vst v32  }
0x27c: {  	v18 =	vcvt.s32.f32 v30;
	v16 =	vcvt.s32.f32 v29;
	[tilespmem:s29+$0xFFFFFF90] =	vst v17  }
0x27d: {  	v32 =	vcvt.s32.f32 v31;
	v31 =	vcvt.s32.f32 v55;
	[tilespmem:s29+$0x10] =	vst v20  }
0x27e: {  	v30 =	vcvt.s32.f32 v56;
	v29 =	vcvt.s32.f32 v34;
	[tilespmem:s29+$0x90] =	vst v21  }
.Ltmp2:
0x27f: {  	v27 =	vcvt.s32.f32 v36;
	v28 =	vcvt.s32.f32 v35;
	[tilespmem:s29+$0x110] =	vst v22;
	(pc) =	sbr.rel @p0 .LBB2_6-.Ltmp2, $4  }
0x280: {  	v26 =	vcvt.s32.f32 v37;
	v25 =	vcvt.s32.f32 v38;
	[tilespmem:s29+$0xFFFFFF20] =	vst v23  }
0x281: {  	v23 =	vcvt.s32.f32 v40;
	[tilespmem:s29+$0xFFFFFFA0] =	vst v24;
	v24 =	vcvt.s32.f32 v39  }
0x282: {  	v21 =	vcvt.s32.f32 v42;
	v22 =	vcvt.s32.f32 v41;
	[tilespmem:s29+$0x20] =	vst v45  }
0x283: {  	s0 =	sadd.s32 $0x400, s0;
	v17 =	vcvt.s32.f32 v44;
	v20 =	vcvt.s32.f32 v43;
	[tilespmem:s29+$0xA0] =	vst v46  }
0x284: {  	[tilespmem:s29+$0x120] =	vst v33  }
0x285: {  	[tilespmem:s29+$0xFFFFFF30] =	vst v19  }
0x286: {  	[tilespmem:s29+$0xFFFFFFB0] =	vst v16  }
0x287: {  	[tilespmem:s29+$0x30] =	vst v18  }
0x288: {  	[tilespmem:s29+$0xB0] =	vst v32  }
0x289: {  	[tilespmem:s29+$0x130] =	vst v31  }
0x28a: {  	[tilespmem:s29+$0xFFFFFF40] =	vst v30  }
0x28b: {  	[tilespmem:s29+$0xFFFFFFC0] =	vst v29  }
0x28c: {  	[tilespmem:s29+$0x40] =	vst v28  }
0x28d: {  	[tilespmem:s29+$0xC0] =	vst v27  }
0x28e: {  	[tilespmem:s29+$0x140] =	vst v26  }
0x28f: {  	[tilespmem:s29+$0xFFFFFF50] =	vst v25  }
0x290: {  	[tilespmem:s29+$0xFFFFFFD0] =	vst v24  }
0x291: {  	[tilespmem:s29+$0x50] =	vst v23  }
0x292: {  	[tilespmem:s29+$0xD0] =	vst v22  }
0x293: {  	[tilespmem:s29+$0x150] =	vst v21  }
0x294: {  	v8 =	vcvt.s32.f32 v8;
	[tilespmem:s30+$0xFFFFFF60] =	vst v20  }
0x295: {  	v9 =	vcvt.s32.f32 v9;
	[tilespmem:s30+$0xFFFFFFE0] =	vst v17  }
0x296: {  	v7 =	vcvt.s32.f32 v7;
	[tilespmem:s30+$0x60] =	vst v8  }
0x297: {  	v3 =	vcvt.s32.f32 v3;
	[tilespmem:s30+$0xE0] =	vst v9  }
0x298: {  	v6 =	vcvt.s32.f32 v6;
	[tilespmem:s30+$0x160] =	vst v7  }
0x299: {  	v2 =	vcvt.s32.f32 v2;
	[tilespmem:s30+$0xFFFFFFF0] =	vst v3  }
0x29a: {  	v1 =	vcvt.s32.f32 v1;
	[tilespmem:s30+$0x70] =	vst v6  }
0x29b: {  	v8 =	vcvt.s32.f32 v10;
	[tilespmem:s30+$0xFFFFFE90] =	vst v2  }
0x29c: {  	v7 =	vcvt.s32.f32 v15;
	[tilespmem:s30+$0xFFFFFEF0] =	vst v1  }
0x29d: {  	v3 =	vcvt.s32.f32 v4;
	[tilespmem:s30+$0xFFFFFF70] =	vst v8  }
0x29e: {  	v4 =	vcvt.s32.f32 v13;
	[tilespmem:s30+$0xF0] =	vst v7  }
0x29f: {  	v2 =	vcvt.s32.f32 v14;
	[tilespmem:s30+$0xFFFFFE80] =	vst v3  }
0x2a0: {  	v3 =	vcvt.s32.f32 v12;
	[tilespmem:s30+$0xFFFFFEA0] =	vst v4  }
0x2a1: {  	v4 =	vcvt.s32.f32 v11;
	[tilespmem:s30+$0xFFFFFEC0] =	vst v2  }
0x2a2: {  	[tilespmem:s30+$0xFFFFFEB0] =	vst v3;
	v3 =	vcvt.s32.f32 v5  }
0x2a3: {  	[tilespmem:s30+$0xFFFFFED0] =	vst v4  }
0x2a4: {  	[tilespmem:s30+$0xFFFFFEE0] =	vst v3  }
0x2a5: {  	[hbm4b:s9+s2] =	stream.linear.scatter [tilespmem:s22], [sflag:$0x3], $0x8000, $0x38;
	v63 =	vld [tilespmem:$0x0]  }
0x2a6: {  	_ = 	snop  }
0x2a7: {  	[tilespmem:s2], [sflag:$0x1] =	stream.linear.gather [hbm4b:s10+s2], $0x8000, $0x38;
	v63 =	vld [tilespmem:$0x0]  }
0x2a8: {  	_ =	swait.ge [sflag:s23], $0x8000  }
0x2a9: {  	[sflag:s23] =	ssyncset.done $0x0  }
0x2aa: {  	[sflag:s23] =	ssyncadd.s32 $0xFFFF8000  }
0x2ab: {  	_ =	swait.ge [sflag:s26], $0x8000  }
0x2ac: {  	[sflag:s26] =	ssyncset.done $0x0  }
0x2ad: {  	s0 =	simm.s32 $0x8140;
	[sflag:s26] =	ssyncadd.s32 $0xFFFF8000  }
0x2ae: {  	v1 =	vld [tilespmem:s0+$0xFFFFFF30]  }
0x2af: {  	v2 =	vld [tilespmem:s0+$0xFFFFFFB0]  }
0x2b0: {  	v3 =	vld [tilespmem:s0+$0x30]  }
0x2b1: {  	v4 =	vld [tilespmem:s0+$0xB0]  }
0x2b2: {  	v5 =	vld [tilespmem:s0+$0x130]  }
0x2b3: {  	v10 =	vld [tilespmem:s0+$0xFFFFFF60]  }
0x2b4: {  	v12 =	vld [tilespmem:s0+$0xFFFFFF10]  }
0x2b5: {  	v14 =	vld [tilespmem:s0+$0xFFFFFF90]  }
0x2b6: {  	v16 =	vld [tilespmem:s0+$0xFFFFFFC0]  }
0x2b7: {  	v17 =	vld [tilespmem:s0+$0xFFFFFFD0]  }
0x2b8: {  	v18 =	vld [tilespmem:s0+$0xFFFFFFE0]  }
0x2b9: {  	v21 =	vld [tilespmem:s0+$0x10]  }
0x2ba: {  	v6 =	vld [tilespmem:s0+$0xFFFFFF40];
	v1 =	vmul.u32 $0x3, v1;
	v2 =	vmul.u32 $0x3, v2  }
0x2bb: {  	v7 =	vld [tilespmem:s0+$0xFFFFFED0];
	v3 =	vmul.u32 $0x3, v3;
	v4 =	vmul.u32 $0x3, v4;
	v10 =	vmul.u32 $0x3, v10  }
0x2bc: {  	v8 =	vld [tilespmem:s0+$0xFFFFFF50];
	v12 =	vmul.u32 $0x3, v12;
	v14 =	vmul.u32 $0x3, v14;
	v16 =	vmul.u32 $0x3, v16  }
0x2bd: {  	v9 =	vld [tilespmem:s0+$0xFFFFFEE0];
	v17 =	vmul.u32 $0x3, v17;
	v1 =	vshll.u32 v0, v1;
	v2 =	vshll.u32 v0, v2  }
0x2be: {  	v18 =	vmul.u32 $0x3, v18;
	v21 =	vmul.u32 $0x3, v21;
	v1 =	vadd.s32 v1, v2  }
0x2bf: {  	v2 =	vshll.u32 v0, v3;
	v3 =	vmul.u32 $0x3, v5;
	v5 =	vmul.u32 $0x3, v6  }
0x2c0: {  	v6 =	vld [tilespmem:s0+$0xFFFFFEF0];
	v1 =	vadd.s32 v2, v1;
	v2 =	vshll.u32 v0, v4;
	v4 =	vmul.u32 $0x3, v7  }
0x2c1: {  	v1 =	vadd.s32 v2, v1;
	v2 =	vshll.u32 v0, v3;
	v11 =	vshll.u32 v0, v5;
	v5 =	vld [tilespmem:s0+$0xFFFFFF00]  }
0x2c2: {  	v3 =	vmul.u32 $0x3, v8;
	v8 =	vld [tilespmem:s0+$0xFFFFFF80];
	v1 =	vadd.s32 v2, v1;
	v2 =	vmul.u32 $0x3, v9  }
0x2c3: {  	v14 =	vshll.u32 v0, v14;
	v7 =	vld [tilespmem:s0+$0xFFFFFF70];
	v4 =	vshll.u32 v0, v4;
	v9 =	vshrl.u32 v1, $0xF  }
0x2c4: {  	v22 =	vld [tilespmem:s0+$0x20];
	v3 =	vshll.u32 v0, v3;
	v9 =	vand.u32 $0x7, v9;
	v13 =	vshll.u32 v0, v2  }
0x2c5: {  	v6 =	vmul.u32 $0x3, v6;
	v2 =	vcvt.s32.f32 v9;
	v9 =	vshll.u32 v0, v10;
	v10 =	vld [tilespmem:s0+$0xFFFFFF20]  }
0x2c6: {  	v17 =	vshll.u32 v0, v17;
	v15 =	vadd.s32 v4, v3;
	v9 =	vadd.s32 v13, v9;
	v13 =	vld [tilespmem:s0+$0xFFFFFEC0]  }
0x2c7: {  	v4 =	vshll.u32 v0, v6;
	v6 =	vld [tilespmem:s0+$0xFFFFFFA0];
	v5 =	vmul.u32 $0x3, v5;
	v8 =	vmul.u32 $0x3, v8  }
0x2c8: {  	v18 =	vshll.u32 v0, v18;
	v21 =	vshll.u32 v0, v21;
	v7 =	vmul.u32 $0x3, v7  }
0x2c9: {  	v3 =	vshrl.u32 v1, $0x3;
	v5 =	vshll.u32 v0, v5;
	v8 =	vshll.u32 v0, v8  }
0x2ca: {  	v7 =	vshll.u32 v0, v7;
	v8 =	vadd.s32 v5, v8;
	v5 =	vshll.u32 v0, v12;
	v12 =	vld [tilespmem:s0+$0xFFFFFFF0]  }
0x2cb: {  	v20 =	vld [tilespmem:s0+$0x0];
	v9 =	vadd.s32 v18, v9;
	v10 =	vmul.u32 $0x3, v10;
	v13 =	vmul.u32 $0x3, v13  }
0x2cc: {  	v18 =	vmul.u32 $0x3, v22;
	v7 =	vadd.s32 v4, v7;
	v19 =	vmul.u32 $0x3, v6  }
0x2cd: {  	v22 =	vld [tilespmem:s0+$0x90];
	v4 =	vshrl.u32 v1, $0x6;
	v10 =	vshll.u32 v0, v10;
	v13 =	vshll.u32 v0, v13  }
0x2ce: {  	v19 =	vshll.u32 v0, v19;
	v11 =	vadd.s32 v13, v11;
	v13 =	vshll.u32 v0, v16;
	v16 =	vld [tilespmem:s0+$0x40]  }
0x2cf: {  	v18 =	vshll.u32 v0, v18;
	v10 =	vadd.s32 v10, v19;
	v19 =	vld [tilespmem:s0+$0x50];
	v12 =	vmul.u32 $0x3, v12  }
0x2d0: {  	v11 =	vadd.s32 v13, v11;
	v13 =	vadd.s32 v17, v15;
	v15 =	vld [tilespmem:s0+$0x60];
	v17 =	vmul.u32 $0x3, v20  }
0x2d1: {  	v14 =	vadd.s32 v5, v14;
	v5 =	vshrl.u32 v1, $0xC;
	v20 =	vld [tilespmem:s0+$0x70];
	v12 =	vshll.u32 v0, v12  }
0x2d2: {  	v6 =	vshrl.u32 v1, $0x9;
	v7 =	vadd.s32 v12, v7;
	v12 =	vshll.u32 v0, v17;
	v17 =	vld [tilespmem:s0+$0x80]  }
0x2d3: {  	v14 =	vadd.s32 v21, v14;
	v1 =	vand.u32 $0x7, v1;
	v16 =	vmul.u32 $0x3, v16  }
0x2d4: {  	v22 =	vmul.u32 $0x3, v22;
	v8 =	vadd.s32 v12, v8;
	v12 =	vmul.u32 $0x3, v19;
	v19 =	vld [tilespmem:s0+$0xA0]  }
0x2d5: {  	v21 =	vld [tilespmem:s0+$0xC0];
	v10 =	vadd.s32 v18, v10;
	v15 =	vmul.u32 $0x3, v15;
	v16 =	vshll.u32 v0, v16  }
0x2d6: {  	v18 =	vld [tilespmem:s0+$0xD0];
	v20 =	vmul.u32 $0x3, v20;
	v12 =	vshll.u32 v0, v12;
	v11 =	vadd.s32 v16, v11  }
0x2d7: {  	v12 =	vadd.s32 v12, v13;
	v13 =	vld [tilespmem:s0+$0xE0];
	v16 =	vmul.u32 $0x3, v17;
	v15 =	vshll.u32 v0, v15  }
0x2d8: {  	v6 =	vand.u32 $0x7, v6;
	v17 =	vshll.u32 v0, v20;
	v20 =	vld [tilespmem:s0+$0xF0];
	v9 =	vadd.s32 v15, v9  }
0x2d9: {  	v7 =	vadd.s32 v17, v7;
	v15 =	vshll.u32 v0, v16;
	v16 =	vld [tilespmem:s0+$0x100];
	v17 =	vmul.u32 $0x3, v19  }
0x2da: {  	v19 =	vmul.u32 $0x3, v21;
	v21 =	vshll.u32 v0, v22;
	v22 =	vld [tilespmem:s0+$0x110];
	v8 =	vadd.s32 v15, v8  }
0x2db: {  	v15 =	vmul.u32 $0x3, v18;
	v14 =	vadd.s32 v21, v14;
	v17 =	vshll.u32 v0, v17  }
0x2dc: {  	v18 =	vld [tilespmem:s0+$0x120];
	v19 =	vshll.u32 v0, v19;
	v13 =	vmul.u32 $0x3, v13;
	v10 =	vadd.s32 v17, v10  }
0x2dd: {  	v15 =	vshll.u32 v0, v15;
	v17 =	vmul.u32 $0x3, v20;
	v11 =	vadd.s32 v19, v11  }
0x2de: {  	v12 =	vadd.s32 v15, v12;
	v15 =	vmul.u32 $0x3, v16;
	v13 =	vshll.u32 v0, v13  }
0x2df: {  	v16 =	vshll.u32 v0, v17;
	v17 =	vmul.u32 $0x3, v22;
	v19 =	vshrl.u32 v12, $0xC  }
0x2e0: {  	v23 =	vshrl.u32 v12, $0xF;
	v13 =	vadd.s32 v13, v9;
	v20 =	vadd.s32 v16, v7  }
0x2e1: {  	v9 =	vmul.u32 $0x3, v18;
	v18 =	vshrl.u32 v12, $0x9;
	v19 =	vand.u32 $0x7, v19  }
0x2e2: {  	v23 =	vand.u32 $0x7, v23;
	v7 =	vshll.u32 v0, v15;
	v15 =	vshrl.u32 v11, $0x3  }
0x2e3: {  	v16 =	vshll.u32 v0, v17;
	v24 =	vshrl.u32 v13, $0x3;
	v25 =	vshrl.u32 v13, $0x6  }
0x2e4: {  	v26 =	vshrl.u32 v13, $0x9;
	v27 =	vshrl.u32 v13, $0xC;
	v28 =	vshrl.u32 v13, $0xF  }
0x2e5: {  	v29 =	vshrl.u32 v20, $0x3;
	v30 =	vshrl.u32 v20, $0x6;
	v31 =	vshrl.u32 v20, $0x9  }
0x2e6: {  	v56 =	vshrl.u32 v20, $0xC;
	v57 =	vshrl.u32 v20, $0xF;
	v18 =	vand.u32 $0x7, v18  }
0x2e7: {  	v61 =	vcvt.s32.f32 v19;
	v23 =	vcvt.s32.f32 v23;
	v13 =	vand.u32 $0x7, v13  }
0x2e8: {  	v17 =	vadd.s32 v7, v8;
	v7 =	vshrl.u32 v11, $0x6;
	v21 =	vadd.s32 v16, v14  }
0x2e9: {  	v8 =	vshll.u32 v0, v9;
	v9 =	vshrl.u32 v11, $0x9;
	v14 =	vshrl.u32 v11, $0xC  }
0x2ea: {  	v16 =	vshrl.u32 v12, $0x6;
	v15 =	vand.u32 $0x7, v15;
	v24 =	vand.u32 $0x7, v24  }
0x2eb: {  	v25 =	vand.u32 $0x7, v25;
	v26 =	vand.u32 $0x7, v26;
	v27 =	vand.u32 $0x7, v27  }
0x2ec: {  	v28 =	vand.u32 $0x7, v28;
	v29 =	vand.u32 $0x7, v29;
	v30 =	vand.u32 $0x7, v30  }
0x2ed: {  	v31 =	vand.u32 $0x7, v31;
	v32 =	vand.u32 $0x7, v56;
	v50 =	vand.u32 $0x7, v57  }
0x2ee: {  	v60 =	vcvt.s32.f32 v18;
	v22 =	vadd.s32 v8, v10;
	v8 =	vshrl.u32 v11, $0xF  }
0x2ef: {  	v10 =	vshrl.u32 v12, $0x3;
	v34 =	vshrl.u32 v17, $0x3;
	v35 =	vshrl.u32 v17, $0x6  }
0x2f0: {  	v36 =	vshrl.u32 v17, $0x9;
	v37 =	vshrl.u32 v17, $0xC;
	v38 =	vshrl.u32 v17, $0xF  }
0x2f1: {  	v39 =	vshrl.u32 v21, $0x3;
	v40 =	vshrl.u32 v21, $0x6;
	v41 =	vshrl.u32 v21, $0x9  }
0x2f2: {  	v42 =	vshrl.u32 v21, $0xC;
	v43 =	vshrl.u32 v21, $0xF;
	v15 =	vcvt.s32.f32 v15  }
0x2f3: {  	v7 =	vand.u32 $0x7, v7;
	v24 =	vcvt.s32.f32 v24;
	v62 =	vcvt.s32.f32 v25  }
0x2f4: {  	v9 =	vand.u32 $0x7, v9;
	v51 =	vcvt.s32.f32 v26;
	v52 =	vcvt.s32.f32 v27  }
0x2f5: {  	v14 =	vand.u32 $0x7, v14;
	v33 =	vcvt.s32.f32 v28;
	v19 =	vcvt.s32.f32 v29  }
0x2f6: {  	v16 =	vand.u32 $0x7, v16;
	v18 =	vcvt.s32.f32 v31;
	v32 =	vcvt.s32.f32 v32  }
0x2f7: {  	v31 =	vcvt.s32.f32 v50;
	v44 =	vshrl.u32 v22, $0x3;
	v45 =	vshrl.u32 v22, $0x6  }
0x2f8: {  	s29 =	simm.s32 $0x18180;
	v46 =	vshrl.u32 v22, $0x9;
	v47 =	vshrl.u32 v22, $0xC;
	v48 =	vshrl.u32 v22, $0xF  }
0x2f9: {  	[tilespmem:s29+$0x170] =	vst v2;
	v49 =	vand.u32 $0x7, v8;
	v10 =	vand.u32 $0x7, v10;
	v34 =	vand.u32 $0x7, v34  }
0x2fa: {  	[tilespmem:s29+$0x90] =	vst v61;
	v35 =	vand.u32 $0x7, v35;
	v36 =	vand.u32 $0x7, v36;
	v37 =	vand.u32 $0x7, v37  }
0x2fb: {  	[tilespmem:s29+$0x110] =	vst v23;
	v38 =	vand.u32 $0x7, v38;
	v39 =	vand.u32 $0x7, v39;
	v40 =	vand.u32 $0x7, v40  }
0x2fc: {  	v41 =	vand.u32 $0x7, v41;
	v42 =	vand.u32 $0x7, v42;
	v58 =	vcvt.s32.f32 v7;
	[tilespmem:s29+$0x10] =	vst v60  }
0x2fd: {  	v43 =	vand.u32 $0x7, v43;
	v2 =	vcvt.s32.f32 v9;
	v14 =	vcvt.s32.f32 v14;
	[tilespmem:s29+$0xFFFFFF00] =	vst v15  }
0x2fe: {  	v16 =	vcvt.s32.f32 v16;
	v44 =	vand.u32 $0x7, v44;
	v45 =	vand.u32 $0x7, v45;
	[tilespmem:s29+$0xFFFFFF20] =	vst v24  }
0x2ff: {  	v8 =	vand.u32 $0x7, v46;
	v9 =	vand.u32 $0x7, v47;
	v15 =	vcvt.s32.f32 v49;
	[tilespmem:s29+$0xFFFFFFA0] =	vst v62  }
0x300: {  	v59 =	vcvt.s32.f32 v10;
	v7 =	vand.u32 $0x7, v48;
	v10 =	vand.u32 $0x7, v3;
	[tilespmem:s29+$0x20] =	vst v51  }
0x301: {  	v3 =	vand.u32 $0x7, v4;
	v29 =	vcvt.s32.f32 v35;
	v28 =	vcvt.s32.f32 v36;
	[tilespmem:s29+$0xA0] =	vst v52  }
0x302: {  	v4 =	vand.u32 $0x7, v11;
	v27 =	vcvt.s32.f32 v37;
	v26 =	vcvt.s32.f32 v38;
	[tilespmem:s29+$0xFFFFFF80] =	vst v58  }
0x303: {  	v25 =	vcvt.s32.f32 v39;
	v11 =	vand.u32 $0x7, v21;
	v24 =	vcvt.s32.f32 v40;
	[tilespmem:s29+$0x0] =	vst v2  }
0x304: {  	v23 =	vcvt.s32.f32 v41;
	v21 =	vcvt.s32.f32 v43;
	[tilespmem:s29+$0x80] =	vst v14;
	v2 =	vand.u32 $0x7, v12  }
0x305: {  	[tilespmem:s29+$0xFFFFFF90] =	vst v16;
	v16 =	vcvt.s32.f32 v30;
	v30 =	vcvt.s32.f32 v34;
	v12 =	vand.u32 $0x7, v20  }
0x306: {  	v14 =	vand.u32 $0x7, v17;
	v20 =	vcvt.s32.f32 v44;
	v17 =	vcvt.s32.f32 v45;
	[tilespmem:s29+$0x100] =	vst v15  }
0x307: {  	s31 =	simm.s32 $0x0;
	s30 =	simm.s32 $0x18180;
	s0 =	simm.s32 $0x8540;
	[tilespmem:s29+$0xFFFFFF10] =	vst v59;
	v15 =	vand.u32 $0x7, v5;
	v5 =	vand.u32 $0x7, v22;
	v22 =	vcvt.s32.f32 v42  }
.LBB2_8:
0x308: {  	v34 =	vld [tilespmem:s0+$0xFFFFFF30];
	[tilespmem:s29+$0x120] =	vst v33;
	v33 =	vcvt.s32.f32 v8;
	v35 =	vcvt.s32.f32 v9  }
0x309: {  	s31 =	sadd.s32 $0x80, s31;
	v36 =	vcvt.s32.f32 v7;
	v37 =	vcvt.s32.f32 v10;
	v9 =	vld [tilespmem:s0+$0xFFFFFFB0];
	[tilespmem:s29+$0xFFFFFF30] =	vst v19  }
0x30a: {  	v38 =	vcvt.s32.f32 v3;
	p0 =	slt.u32 s31, $0xF80;
	v19 =	vcvt.s32.f32 v6;
	v7 =	vld [tilespmem:s0+$0x30];
	[tilespmem:s29+$0xFFFFFFB0] =	vst v16  }
0x30b: {  	v16 =	vcvt.s32.f32 v4;
	v3 =	vld [tilespmem:s0+$0xB0];
	[tilespmem:s29+$0x30] =	vst v18;
	v18 =	vcvt.s32.f32 v15  }
0x30c: {  	v13 =	vcvt.s32.f32 v13;
	v15 =	vcvt.s32.f32 v2;
	v4 =	vld [tilespmem:s0+$0x130];
	[tilespmem:s29+$0xB0] =	vst v32  }
0x30d: {  	v10 =	vcvt.s32.f32 v12;
	v8 =	vcvt.s32.f32 v14;
	v2 =	vld [tilespmem:s0+$0xFFFFFF40];
	[tilespmem:s29+$0x130] =	vst v31  }
0x30e: {  	v14 =	vmul.u32 $0x3, v34;
	v12 =	vld [tilespmem:s0+$0xFFFFFED0];
	v31 =	vmul.u32 $0x3, v9;
	[tilespmem:s29+$0xFFFFFF40] =	vst v30;
	v9 =	vcvt.s32.f32 v11  }
0x30f: {  	v6 =	vcvt.s32.f32 v1;
	v11 =	vld [tilespmem:s0+$0xFFFFFF50];
	v30 =	vmul.u32 $0x3, v7;
	[tilespmem:s29+$0xFFFFFFC0] =	vst v29;
	v7 =	vcvt.s32.f32 v5  }
0x310: {  	v1 =	vshll.u32 v0, v14;
	v5 =	vld [tilespmem:s0+$0xFFFFFEE0];
	v14 =	vshll.u32 v0, v31;
	v3 =	vmul.u32 $0x3, v3;
	[tilespmem:s29+$0x40] =	vst v28  }
0x311: {  	v28 =	vld [tilespmem:s0+$0xFFFFFF60];
	v1 =	vadd.s32 v1, v14;
	v14 =	vshll.u32 v0, v30;
	v4 =	vmul.u32 $0x3, v4;
	[tilespmem:s29+$0xC0] =	vst v27  }
0x312: {  	v2 =	vmul.u32 $0x3, v2;
	v27 =	vld [tilespmem:s0+$0xFFFFFEF0];
	v1 =	vadd.s32 v14, v1;
	v3 =	vshll.u32 v0, v3;
	[tilespmem:s29+$0x140] =	vst v26  }
0x313: {  	v12 =	vmul.u32 $0x3, v12;
	v14 =	vld [tilespmem:s0+$0xFFFFFF70];
	v1 =	vadd.s32 v3, v1;
	v3 =	vshll.u32 v0, v4;
	[tilespmem:s29+$0xFFFFFF50] =	vst v25  }
0x314: {  	v25 =	vshll.u32 v0, v2;
	v2 =	vmul.u32 $0x3, v11;
	v4 =	vld [tilespmem:s0+$0xFFFFFF00];
	v1 =	vadd.s32 v3, v1;
	[tilespmem:s29+$0xFFFFFFD0] =	vst v24  }
0x315: {  	v3 =	vshll.u32 v0, v12;
	v5 =	vmul.u32 $0x3, v5;
	v11 =	vld [tilespmem:s0+$0xFFFFFF80];
	v12 =	vshrl.u32 v1, $0xF;
	[tilespmem:s29+$0x50] =	vst v23  }
0x316: {  	v2 =	vshll.u32 v0, v2;
	v23 =	vmul.u32 $0x3, v28;
	v24 =	vld [tilespmem:s0+$0xFFFFFF10];
	v12 =	vand.u32 $0x7, v12;
	[tilespmem:s29+$0xD0] =	vst v22  }
0x317: {  	v5 =	vshll.u32 v0, v5;
	v22 =	vmul.u32 $0x3, v27;
	v26 =	vld [tilespmem:s0+$0xFFFFFF90];
	v12 =	vcvt.s32.f32 v12;
	[tilespmem:s29+$0x150] =	vst v21  }
0x318: {  	v21 =	vadd.s32 v3, v2;
	s29 =	sadd.s32 $0x400, s29;
	v2 =	vshll.u32 v0, v23;
	v3 =	vmul.u32 $0x3, v14;
	v14 =	vld [tilespmem:s0+$0xFFFFFF20];
	[tilespmem:s30+$0xFFFFFF60] =	vst v20  }
0x319: {  	v20 =	vadd.s32 v5, v2;
	v5 =	vshll.u32 v0, v22;
	v4 =	vmul.u32 $0x3, v4;
	v22 =	vld [tilespmem:s0+$0xFFFFFFA0];
	[tilespmem:s29+$0x170] =	vst v12  }
0x31a: {  	v2 =	vshrl.u32 v1, $0x3;
	v12 =	vld [tilespmem:s0+$0xFFFFFEC0];
	v3 =	vshll.u32 v0, v3;
	v11 =	vmul.u32 $0x3, v11;
	[tilespmem:s30+$0xFFFFFFE0] =	vst v17  }
0x31b: {  	v17 =	vld [tilespmem:s0+$0xFFFFFFC0];
	v23 =	vadd.s32 v5, v3;
	v4 =	vshll.u32 v0, v4;
	v5 =	vmul.u32 $0x3, v24;
	[tilespmem:s30+$0x60] =	vst v33  }
0x31c: {  	v3 =	vshrl.u32 v1, $0x6;
	v24 =	vld [tilespmem:s0+$0xFFFFFFD0];
	v11 =	vshll.u32 v0, v11;
	v26 =	vmul.u32 $0x3, v26;
	[tilespmem:s30+$0xE0] =	vst v35  }
0x31d: {  	v27 =	vld [tilespmem:s0+$0xFFFFFFE0];
	v11 =	vadd.s32 v4, v11;
	v5 =	vshll.u32 v0, v5;
	v14 =	vmul.u32 $0x3, v14;
	[tilespmem:s30+$0x160] =	vst v36  }
0x31e: {  	v4 =	vshrl.u32 v1, $0x9;
	v28 =	vld [tilespmem:s0+$0xFFFFFFF0];
	v26 =	vshll.u32 v0, v26;
	v22 =	vmul.u32 $0x3, v22;
	[tilespmem:s30+$0xFFFFFF70] =	vst v37  }
0x31f: {  	v12 =	vmul.u32 $0x3, v12;
	v29 =	vld [tilespmem:s0+$0x0];
	v26 =	vadd.s32 v5, v26;
	v14 =	vshll.u32 v0, v14;
	[tilespmem:s30+$0xFFFFFFF0] =	vst v38  }
0x320: {  	v5 =	vshrl.u32 v1, $0xC;
	v17 =	vmul.u32 $0x3, v17;
	v30 =	vld [tilespmem:s0+$0x10];
	v22 =	vshll.u32 v0, v22;
	[tilespmem:s30+$0x70] =	vst v19  }
0x321: {  	v12 =	vshll.u32 v0, v12;
	v19 =	vmul.u32 $0x3, v24;
	v14 =	vadd.s32 v14, v22;
	v22 =	vld [tilespmem:s0+$0x20];
	[tilespmem:s30+$0xF0] =	vst v18  }
0x322: {  	v12 =	vadd.s32 v12, v25;
	v17 =	vshll.u32 v0, v17;
	v18 =	vld [tilespmem:s0+$0x40];
	v24 =	vmul.u32 $0x3, v27;
	[tilespmem:s30+$0xFFFFFE80] =	vst v16  }
0x323: {  	v12 =	vadd.s32 v17, v12;
	v16 =	vshll.u32 v0, v19;
	v17 =	vld [tilespmem:s0+$0x50];
	v19 =	vmul.u32 $0x3, v28;
	[tilespmem:s30+$0xFFFFFE90] =	vst v15  }
0x324: {  	v15 =	vadd.s32 v16, v21;
	v16 =	vshll.u32 v0, v24;
	v21 =	vld [tilespmem:s0+$0x60];
	v24 =	vmul.u32 $0x3, v29;
	[tilespmem:s30+$0xFFFFFEA0] =	vst v13  }
0x325: {  	v13 =	vadd.s32 v16, v20;
	v16 =	vshll.u32 v0, v19;
	v19 =	vld [tilespmem:s0+$0x70];
	v20 =	vmul.u32 $0x3, v30;
	[tilespmem:s30+$0xFFFFFEB0] =	vst v10  }
0x326: {  	v10 =	vadd.s32 v16, v23;
	v16 =	vshll.u32 v0, v24;
	v23 =	vld [tilespmem:s0+$0x80];
	v22 =	vmul.u32 $0x3, v22;
	[tilespmem:s30+$0xFFFFFEC0] =	vst v8  }
0x327: {  	v8 =	vmul.u32 $0x3, v18;
	v11 =	vadd.s32 v16, v11;
	v16 =	vshll.u32 v0, v20;
	v18 =	vld [tilespmem:s0+$0x90];
	[tilespmem:s30+$0xFFFFFED0] =	vst v9  }
0x328: {  	v9 =	vmul.u32 $0x3, v17;
	v16 =	vadd.s32 v16, v26;
	v17 =	vshll.u32 v0, v22;
	v20 =	vld [tilespmem:s0+$0xA0];
	[tilespmem:s30+$0xFFFFFEE0] =	vst v7  }
0x329: {  	v7 =	vshll.u32 v0, v8;
	v8 =	vld [tilespmem:s0+$0xC0];
	v21 =	vmul.u32 $0x3, v21;
	v14 =	vadd.s32 v17, v14;
	[tilespmem:s30+$0xFFFFFEF0] =	vst v6;
	s30 =	smov.u32 s29  }
0x32a: {  	v6 =	vadd.s32 v7, v12;
	v7 =	vshll.u32 v0, v9;
	v9 =	vld [tilespmem:s0+$0xD0];
	v12 =	vmul.u32 $0x3, v19  }
0x32b: {  	v7 =	vadd.s32 v7, v15;
	v15 =	vshll.u32 v0, v21;
	v17 =	vld [tilespmem:s0+$0xE0];
	v19 =	vmul.u32 $0x3, v23  }
0x32c: {  	v13 =	vadd.s32 v15, v13;
	v12 =	vshll.u32 v0, v12;
	v15 =	vld [tilespmem:s0+$0xF0];
	v18 =	vmul.u32 $0x3, v18  }
0x32d: {  	v10 =	vadd.s32 v12, v10;
	v12 =	vshll.u32 v0, v19;
	v19 =	vld [tilespmem:s0+$0x100];
	v20 =	vmul.u32 $0x3, v20  }
0x32e: {  	v8 =	vmul.u32 $0x3, v8;
	v11 =	vadd.s32 v12, v11;
	v12 =	vshll.u32 v0, v18;
	v18 =	vld [tilespmem:s0+$0x110]  }
0x32f: {  	v9 =	vmul.u32 $0x3, v9;
	v12 =	vadd.s32 v12, v16;
	v16 =	vshll.u32 v0, v20;
	v20 =	vld [tilespmem:s0+$0x120]  }
0x330: {  	v8 =	vshll.u32 v0, v8;
	v17 =	vmul.u32 $0x3, v17;
	v14 =	vadd.s32 v16, v14  }
0x331: {  	v16 =	vadd.s32 v8, v6;
	v6 =	vshll.u32 v0, v9;
	v8 =	vmul.u32 $0x3, v15  }
0x332: {  	v15 =	vadd.s32 v6, v7;
	v6 =	vshll.u32 v0, v17;
	v7 =	vmul.u32 $0x3, v19  }
0x333: {  	v13 =	vadd.s32 v6, v13;
	v6 =	vshll.u32 v0, v8;
	v8 =	vmul.u32 $0x3, v18  }
0x334: {  	v17 =	vadd.s32 v6, v10;
	v6 =	vshll.u32 v0, v7;
	v7 =	vmul.u32 $0x3, v20  }
0x335: {  	v9 =	vshrl.u32 v16, $0x3;
	v11 =	vadd.s32 v6, v11;
	v6 =	vshll.u32 v0, v8  }
0x336: {  	v8 =	vshrl.u32 v16, $0x6;
	v18 =	vadd.s32 v6, v12;
	v6 =	vshll.u32 v0, v7  }
0x337: {  	v10 =	vshrl.u32 v16, $0xC;
	v7 =	vshrl.u32 v16, $0x9;
	v19 =	vadd.s32 v6, v14  }
0x338: {  	v12 =	vshrl.u32 v15, $0x3;
	v6 =	vshrl.u32 v16, $0xF;
	v14 =	vshrl.u32 v15, $0x6  }
0x339: {  	v21 =	vshrl.u32 v15, $0xC;
	v22 =	vshrl.u32 v15, $0xF;
	v20 =	vshrl.u32 v15, $0x9  }
0x33a: {  	v23 =	vshrl.u32 v13, $0x3;
	v24 =	vshrl.u32 v13, $0x6;
	v25 =	vshrl.u32 v13, $0x9  }
0x33b: {  	v26 =	vshrl.u32 v13, $0xC;
	v27 =	vshrl.u32 v13, $0xF;
	v28 =	vshrl.u32 v17, $0x3  }
0x33c: {  	v29 =	vshrl.u32 v17, $0x6;
	v30 =	vshrl.u32 v17, $0x9;
	v31 =	vshrl.u32 v17, $0xC  }
0x33d: {  	v32 =	vshrl.u32 v17, $0xF;
	v33 =	vshrl.u32 v11, $0x3;
	v34 =	vshrl.u32 v11, $0x6  }
0x33e: {  	v35 =	vshrl.u32 v11, $0x9;
	v36 =	vshrl.u32 v11, $0xC;
	v37 =	vshrl.u32 v11, $0xF  }
0x33f: {  	v38 =	vshrl.u32 v18, $0x3;
	v39 =	vshrl.u32 v18, $0x6;
	v40 =	vshrl.u32 v18, $0x9  }
0x340: {  	v41 =	vshrl.u32 v18, $0xC;
	v42 =	vshrl.u32 v18, $0xF;
	v43 =	vshrl.u32 v19, $0x3  }
0x341: {  	v44 =	vshrl.u32 v19, $0x6;
	v45 =	vshrl.u32 v19, $0x9;
	v46 =	vshrl.u32 v19, $0xC  }
0x342: {  	v47 =	vand.u32 $0x7, v9;
	v48 =	vand.u32 $0x7, v8;
	v49 =	vshrl.u32 v19, $0xF  }
0x343: {  	v51 =	vand.u32 $0x7, v10;
	v50 =	vand.u32 $0x7, v7;
	v52 =	vand.u32 $0x7, v6  }
0x344: {  	v20 =	vand.u32 $0x7, v20;
	v53 =	vand.u32 $0x7, v12;
	v54 =	vand.u32 $0x7, v14  }
0x345: {  	v21 =	vand.u32 $0x7, v21;
	v22 =	vand.u32 $0x7, v22;
	v23 =	vand.u32 $0x7, v23  }
0x346: {  	v24 =	vand.u32 $0x7, v24;
	v25 =	vand.u32 $0x7, v25;
	v26 =	vand.u32 $0x7, v26  }
0x347: {  	v27 =	vand.u32 $0x7, v27;
	v28 =	vand.u32 $0x7, v28;
	v29 =	vand.u32 $0x7, v29  }
0x348: {  	v30 =	vand.u32 $0x7, v30;
	v31 =	vand.u32 $0x7, v31;
	v55 =	vand.u32 $0x7, v32  }
0x349: {  	v56 =	vand.u32 $0x7, v33;
	v34 =	vand.u32 $0x7, v34;
	v35 =	vand.u32 $0x7, v35  }
0x34a: {  	v36 =	vand.u32 $0x7, v36;
	v37 =	vand.u32 $0x7, v37;
	v38 =	vand.u32 $0x7, v38  }
0x34b: {  	v39 =	vand.u32 $0x7, v39;
	v40 =	vand.u32 $0x7, v40;
	v41 =	vand.u32 $0x7, v41  }
0x34c: {  	v42 =	vand.u32 $0x7, v42;
	v43 =	vand.u32 $0x7, v43;
	v44 =	vand.u32 $0x7, v44  }
0x34d: {  	v8 =	vand.u32 $0x7, v45;
	v9 =	vand.u32 $0x7, v46;
	v7 =	vand.u32 $0x7, v49  }
0x34e: {  	v3 =	vand.u32 $0x7, v3;
	v10 =	vand.u32 $0x7, v2;
	v6 =	vand.u32 $0x7, v4  }
0x34f: {  	v2 =	vand.u32 $0x7, v15;
	v15 =	vand.u32 $0x7, v5;
	v4 =	vand.u32 $0x7, v16  }
0x350: {  	v13 =	vand.u32 $0x7, v13;
	v12 =	vand.u32 $0x7, v17;
	v14 =	vand.u32 $0x7, v11  }
0x351: {  	v1 =	vand.u32 $0x7, v1;
	v11 =	vand.u32 $0x7, v18;
	v5 =	vand.u32 $0x7, v19  }
0x352: {  	v17 =	vcvt.s32.f32 v48;
	v16 =	vcvt.s32.f32 v47  }
0x353: {  	v18 =	vcvt.s32.f32 v50;
	v19 =	vcvt.s32.f32 v51  }
0x354: {  	v32 =	vcvt.s32.f32 v53;
	[tilespmem:s29+$0xFFFFFF00] =	vst v16;
	v16 =	vcvt.s32.f32 v52  }
0x355: {  	v20 =	vcvt.s32.f32 v20;
	[tilespmem:s29+$0xFFFFFF80] =	vst v17;
	v17 =	vcvt.s32.f32 v54  }
0x356: {  	v21 =	vcvt.s32.f32 v21;
	v22 =	vcvt.s32.f32 v22;
	[tilespmem:s29+$0x0] =	vst v18  }
0x357: {  	v23 =	vcvt.s32.f32 v23;
	v24 =	vcvt.s32.f32 v24;
	[tilespmem:s29+$0x80] =	vst v19  }
0x358: {  	v45 =	vcvt.s32.f32 v25;
	v46 =	vcvt.s32.f32 v26;
	[tilespmem:s29+$0x100] =	vst v16  }
0x359: {  	v33 =	vcvt.s32.f32 v27;
	v19 =	vcvt.s32.f32 v28;
	[tilespmem:s29+$0xFFFFFF10] =	vst v32  }
0x35a: {  	v18 =	vcvt.s32.f32 v30;
	v16 =	vcvt.s32.f32 v29;
	[tilespmem:s29+$0xFFFFFF90] =	vst v17  }
0x35b: {  	v32 =	vcvt.s32.f32 v31;
	v31 =	vcvt.s32.f32 v55;
	[tilespmem:s29+$0x10] =	vst v20  }
0x35c: {  	v30 =	vcvt.s32.f32 v56;
	v29 =	vcvt.s32.f32 v34;
	[tilespmem:s29+$0x90] =	vst v21  }
.Ltmp3:
0x35d: {  	v27 =	vcvt.s32.f32 v36;
	v28 =	vcvt.s32.f32 v35;
	[tilespmem:s29+$0x110] =	vst v22;
	(pc) =	sbr.rel @p0 .LBB2_8-.Ltmp3, $4  }
0x35e: {  	v26 =	vcvt.s32.f32 v37;
	v25 =	vcvt.s32.f32 v38;
	[tilespmem:s29+$0xFFFFFF20] =	vst v23  }
0x35f: {  	v23 =	vcvt.s32.f32 v40;
	[tilespmem:s29+$0xFFFFFFA0] =	vst v24;
	v24 =	vcvt.s32.f32 v39  }
0x360: {  	v21 =	vcvt.s32.f32 v42;
	v22 =	vcvt.s32.f32 v41;
	[tilespmem:s29+$0x20] =	vst v45  }
0x361: {  	s0 =	sadd.s32 $0x400, s0;
	v17 =	vcvt.s32.f32 v44;
	v20 =	vcvt.s32.f32 v43;
	[tilespmem:s29+$0xA0] =	vst v46  }
0x362: {  	[tilespmem:s29+$0x120] =	vst v33  }
0x363: {  	[tilespmem:s29+$0xFFFFFF30] =	vst v19  }
0x364: {  	[tilespmem:s29+$0xFFFFFFB0] =	vst v16  }
0x365: {  	[tilespmem:s29+$0x30] =	vst v18  }
0x366: {  	[tilespmem:s29+$0xB0] =	vst v32  }
0x367: {  	[tilespmem:s29+$0x130] =	vst v31  }
0x368: {  	[tilespmem:s29+$0xFFFFFF40] =	vst v30  }
0x369: {  	[tilespmem:s29+$0xFFFFFFC0] =	vst v29  }
0x36a: {  	[tilespmem:s29+$0x40] =	vst v28  }
0x36b: {  	[tilespmem:s29+$0xC0] =	vst v27  }
0x36c: {  	[tilespmem:s29+$0x140] =	vst v26  }
0x36d: {  	[tilespmem:s29+$0xFFFFFF50] =	vst v25  }
0x36e: {  	[tilespmem:s29+$0xFFFFFFD0] =	vst v24  }
0x36f: {  	[tilespmem:s29+$0x50] =	vst v23  }
0x370: {  	[tilespmem:s29+$0xD0] =	vst v22  }
0x371: {  	[tilespmem:s29+$0x150] =	vst v21  }
0x372: {  	v8 =	vcvt.s32.f32 v8;
	[tilespmem:s30+$0xFFFFFF60] =	vst v20  }
0x373: {  	v9 =	vcvt.s32.f32 v9;
	[tilespmem:s30+$0xFFFFFFE0] =	vst v17  }
0x374: {  	v7 =	vcvt.s32.f32 v7;
	[tilespmem:s30+$0x60] =	vst v8  }
0x375: {  	v3 =	vcvt.s32.f32 v3;
	[tilespmem:s30+$0xE0] =	vst v9  }
0x376: {  	v6 =	vcvt.s32.f32 v6;
	[tilespmem:s30+$0x160] =	vst v7  }
0x377: {  	v2 =	vcvt.s32.f32 v2;
	[tilespmem:s30+$0xFFFFFFF0] =	vst v3  }
0x378: {  	v1 =	vcvt.s32.f32 v1;
	[tilespmem:s30+$0x70] =	vst v6  }
0x379: {  	v8 =	vcvt.s32.f32 v10;
	[tilespmem:s30+$0xFFFFFE90] =	vst v2  }
0x37a: {  	v7 =	vcvt.s32.f32 v15;
	[tilespmem:s30+$0xFFFFFEF0] =	vst v1  }
0x37b: {  	v3 =	vcvt.s32.f32 v4;
	[tilespmem:s30+$0xFFFFFF70] =	vst v8  }
0x37c: {  	v4 =	vcvt.s32.f32 v13;
	[tilespmem:s30+$0xF0] =	vst v7  }
0x37d: {  	v2 =	vcvt.s32.f32 v14;
	[tilespmem:s30+$0xFFFFFE80] =	vst v3  }
0x37e: {  	v3 =	vcvt.s32.f32 v12;
	[tilespmem:s30+$0xFFFFFEA0] =	vst v4  }
0x37f: {  	v4 =	vcvt.s32.f32 v11;
	[tilespmem:s30+$0xFFFFFEC0] =	vst v2  }
0x380: {  	[tilespmem:s30+$0xFFFFFEB0] =	vst v3;
	v3 =	vcvt.s32.f32 v5  }
0x381: {  	[tilespmem:s30+$0xFFFFFED0] =	vst v4  }
0x382: {  	[tilespmem:s30+$0xFFFFFEE0] =	vst v3  }
0x383: {  	[hbm4b:s11+s2] =	stream.linear.scatter [tilespmem:s24], [sflag:$0x4], $0x8000, $0x38;
	v63 =	vld [tilespmem:$0x0]  }
0x384: {  	_ = 	snop  }
0x385: {  	[tilespmem:s20], [sflag:$0x2] =	stream.linear.gather [hbm4b:s12+s2], $0x8000, $0x38;
	v63 =	vld [tilespmem:$0x0]  }
0x386: {  	_ =	swait.ge [sflag:s21], $0x8000  }
0x387: {  	[sflag:s21] =	ssyncset.done $0x0  }
0x388: {  	[sflag:s21] =	ssyncadd.s32 $0xFFFF8000  }
0x389: {  	_ =	swait.ge [sflag:s25], $0x8000  }
0x38a: {  	[sflag:s25] =	ssyncset.done $0x0  }
0x38b: {  	s0 =	simm.s32 $0x140;
	[sflag:s25] =	ssyncadd.s32 $0xFFFF8000  }
0x38c: {  	v1 =	vld [tilespmem:s0+$0xFFFFFF30]  }
0x38d: {  	v2 =	vld [tilespmem:s0+$0xFFFFFFB0]  }
0x38e: {  	v3 =	vld [tilespmem:s0+$0x30]  }
0x38f: {  	v4 =	vld [tilespmem:s0+$0xB0]  }
0x390: {  	v5 =	vld [tilespmem:s0+$0x130]  }
0x391: {  	v10 =	vld [tilespmem:s0+$0xFFFFFF60]  }
0x392: {  	v12 =	vld [tilespmem:s0+$0xFFFFFF10]  }
0x393: {  	v14 =	vld [tilespmem:s0+$0xFFFFFF90]  }
0x394: {  	v16 =	vld [tilespmem:s0+$0xFFFFFFC0]  }
0x395: {  	v17 =	vld [tilespmem:s0+$0xFFFFFFD0]  }
0x396: {  	v18 =	vld [tilespmem:s0+$0xFFFFFFE0]  }
0x397: {  	v21 =	vld [tilespmem:s0+$0x10]  }
0x398: {  	v6 =	vld [tilespmem:s0+$0xFFFFFF40];
	v1 =	vmul.u32 $0x3, v1;
	v2 =	vmul.u32 $0x3, v2  }
0x399: {  	v7 =	vld [tilespmem:s0+$0xFFFFFED0];
	v3 =	vmul.u32 $0x3, v3;
	v4 =	vmul.u32 $0x3, v4;
	v10 =	vmul.u32 $0x3, v10  }
0x39a: {  	v8 =	vld [tilespmem:s0+$0xFFFFFF50];
	v12 =	vmul.u32 $0x3, v12;
	v14 =	vmul.u32 $0x3, v14;
	v16 =	vmul.u32 $0x3, v16  }
0x39b: {  	v9 =	vld [tilespmem:s0+$0xFFFFFEE0];
	v17 =	vmul.u32 $0x3, v17;
	v1 =	vshll.u32 v0, v1;
	v2 =	vshll.u32 v0, v2  }
0x39c: {  	v18 =	vmul.u32 $0x3, v18;
	v21 =	vmul.u32 $0x3, v21;
	v1 =	vadd.s32 v1, v2  }
0x39d: {  	v2 =	vshll.u32 v0, v3;
	v3 =	vmul.u32 $0x3, v5;
	v5 =	vmul.u32 $0x3, v6  }
0x39e: {  	v6 =	vld [tilespmem:s0+$0xFFFFFEF0];
	v1 =	vadd.s32 v2, v1;
	v2 =	vshll.u32 v0, v4;
	v4 =	vmul.u32 $0x3, v7  }
0x39f: {  	v1 =	vadd.s32 v2, v1;
	v2 =	vshll.u32 v0, v3;
	v11 =	vshll.u32 v0, v5;
	v5 =	vld [tilespmem:s0+$0xFFFFFF00]  }
0x3a0: {  	v3 =	vmul.u32 $0x3, v8;
	v8 =	vld [tilespmem:s0+$0xFFFFFF80];
	v1 =	vadd.s32 v2, v1;
	v2 =	vmul.u32 $0x3, v9  }
0x3a1: {  	v14 =	vshll.u32 v0, v14;
	v7 =	vld [tilespmem:s0+$0xFFFFFF70];
	v4 =	vshll.u32 v0, v4;
	v9 =	vshrl.u32 v1, $0xF  }
0x3a2: {  	v22 =	vld [tilespmem:s0+$0x20];
	v3 =	vshll.u32 v0, v3;
	v9 =	vand.u32 $0x7, v9;
	v13 =	vshll.u32 v0, v2  }
0x3a3: {  	v6 =	vmul.u32 $0x3, v6;
	v2 =	vcvt.s32.f32 v9;
	v9 =	vshll.u32 v0, v10;
	v10 =	vld [tilespmem:s0+$0xFFFFFF20]  }
0x3a4: {  	v17 =	vshll.u32 v0, v17;
	v15 =	vadd.s32 v4, v3;
	v9 =	vadd.s32 v13, v9;
	v13 =	vld [tilespmem:s0+$0xFFFFFEC0]  }
0x3a5: {  	v4 =	vshll.u32 v0, v6;
	v6 =	vld [tilespmem:s0+$0xFFFFFFA0];
	v5 =	vmul.u32 $0x3, v5;
	v8 =	vmul.u32 $0x3, v8  }
0x3a6: {  	v18 =	vshll.u32 v0, v18;
	v21 =	vshll.u32 v0, v21;
	v7 =	vmul.u32 $0x3, v7  }
0x3a7: {  	v3 =	vshrl.u32 v1, $0x3;
	v5 =	vshll.u32 v0, v5;
	v8 =	vshll.u32 v0, v8  }
0x3a8: {  	v7 =	vshll.u32 v0, v7;
	v8 =	vadd.s32 v5, v8;
	v5 =	vshll.u32 v0, v12;
	v12 =	vld [tilespmem:s0+$0xFFFFFFF0]  }
0x3a9: {  	v20 =	vld [tilespmem:s0+$0x0];
	v9 =	vadd.s32 v18, v9;
	v10 =	vmul.u32 $0x3, v10;
	v13 =	vmul.u32 $0x3, v13  }
0x3aa: {  	v18 =	vmul.u32 $0x3, v22;
	v7 =	vadd.s32 v4, v7;
	v19 =	vmul.u32 $0x3, v6  }
0x3ab: {  	v22 =	vld [tilespmem:s0+$0x90];
	v4 =	vshrl.u32 v1, $0x6;
	v10 =	vshll.u32 v0, v10;
	v13 =	vshll.u32 v0, v13  }
0x3ac: {  	v19 =	vshll.u32 v0, v19;
	v11 =	vadd.s32 v13, v11;
	v13 =	vshll.u32 v0, v16;
	v16 =	vld [tilespmem:s0+$0x40]  }
0x3ad: {  	v18 =	vshll.u32 v0, v18;
	v10 =	vadd.s32 v10, v19;
	v19 =	vld [tilespmem:s0+$0x50];
	v12 =	vmul.u32 $0x3, v12  }
0x3ae: {  	v11 =	vadd.s32 v13, v11;
	v13 =	vadd.s32 v17, v15;
	v15 =	vld [tilespmem:s0+$0x60];
	v17 =	vmul.u32 $0x3, v20  }
0x3af: {  	v14 =	vadd.s32 v5, v14;
	v5 =	vshrl.u32 v1, $0xC;
	v20 =	vld [tilespmem:s0+$0x70];
	v12 =	vshll.u32 v0, v12  }
0x3b0: {  	v6 =	vshrl.u32 v1, $0x9;
	v7 =	vadd.s32 v12, v7;
	v12 =	vshll.u32 v0, v17;
	v17 =	vld [tilespmem:s0+$0x80]  }
0x3b1: {  	v14 =	vadd.s32 v21, v14;
	v1 =	vand.u32 $0x7, v1;
	v16 =	vmul.u32 $0x3, v16  }
0x3b2: {  	v22 =	vmul.u32 $0x3, v22;
	v8 =	vadd.s32 v12, v8;
	v12 =	vmul.u32 $0x3, v19;
	v19 =	vld [tilespmem:s0+$0xA0]  }
0x3b3: {  	v21 =	vld [tilespmem:s0+$0xC0];
	v10 =	vadd.s32 v18, v10;
	v15 =	vmul.u32 $0x3, v15;
	v16 =	vshll.u32 v0, v16  }
0x3b4: {  	v18 =	vld [tilespmem:s0+$0xD0];
	v20 =	vmul.u32 $0x3, v20;
	v12 =	vshll.u32 v0, v12;
	v11 =	vadd.s32 v16, v11  }
0x3b5: {  	v12 =	vadd.s32 v12, v13;
	v13 =	vld [tilespmem:s0+$0xE0];
	v16 =	vmul.u32 $0x3, v17;
	v15 =	vshll.u32 v0, v15  }
0x3b6: {  	v6 =	vand.u32 $0x7, v6;
	v17 =	vshll.u32 v0, v20;
	v20 =	vld [tilespmem:s0+$0xF0];
	v9 =	vadd.s32 v15, v9  }
0x3b7: {  	v7 =	vadd.s32 v17, v7;
	v15 =	vshll.u32 v0, v16;
	v16 =	vld [tilespmem:s0+$0x100];
	v17 =	vmul.u32 $0x3, v19  }
0x3b8: {  	v19 =	vmul.u32 $0x3, v21;
	v21 =	vshll.u32 v0, v22;
	v22 =	vld [tilespmem:s0+$0x110];
	v8 =	vadd.s32 v15, v8  }
0x3b9: {  	v15 =	vmul.u32 $0x3, v18;
	v14 =	vadd.s32 v21, v14;
	v17 =	vshll.u32 v0, v17  }
0x3ba: {  	v18 =	vld [tilespmem:s0+$0x120];
	v19 =	vshll.u32 v0, v19;
	v13 =	vmul.u32 $0x3, v13;
	v10 =	vadd.s32 v17, v10  }
0x3bb: {  	v15 =	vshll.u32 v0, v15;
	v17 =	vmul.u32 $0x3, v20;
	v11 =	vadd.s32 v19, v11  }
0x3bc: {  	v12 =	vadd.s32 v15, v12;
	v15 =	vmul.u32 $0x3, v16;
	v13 =	vshll.u32 v0, v13  }
0x3bd: {  	v16 =	vshll.u32 v0, v17;
	v17 =	vmul.u32 $0x3, v22;
	v19 =	vshrl.u32 v12, $0xC  }
0x3be: {  	v23 =	vshrl.u32 v12, $0xF;
	v13 =	vadd.s32 v13, v9;
	v20 =	vadd.s32 v16, v7  }
0x3bf: {  	v9 =	vmul.u32 $0x3, v18;
	v18 =	vshrl.u32 v12, $0x9;
	v19 =	vand.u32 $0x7, v19  }
0x3c0: {  	v23 =	vand.u32 $0x7, v23;
	v7 =	vshll.u32 v0, v15;
	v15 =	vshrl.u32 v11, $0x3  }
0x3c1: {  	v16 =	vshll.u32 v0, v17;
	v24 =	vshrl.u32 v13, $0x3;
	v25 =	vshrl.u32 v13, $0x6  }
0x3c2: {  	v26 =	vshrl.u32 v13, $0x9;
	v27 =	vshrl.u32 v13, $0xC;
	v28 =	vshrl.u32 v13, $0xF  }
0x3c3: {  	v29 =	vshrl.u32 v20, $0x3;
	v30 =	vshrl.u32 v20, $0x6;
	v31 =	vshrl.u32 v20, $0x9  }
0x3c4: {  	v56 =	vshrl.u32 v20, $0xC;
	v57 =	vshrl.u32 v20, $0xF;
	v18 =	vand.u32 $0x7, v18  }
0x3c5: {  	v61 =	vcvt.s32.f32 v19;
	v23 =	vcvt.s32.f32 v23;
	v13 =	vand.u32 $0x7, v13  }
0x3c6: {  	v17 =	vadd.s32 v7, v8;
	v7 =	vshrl.u32 v11, $0x6;
	v21 =	vadd.s32 v16, v14  }
0x3c7: {  	v8 =	vshll.u32 v0, v9;
	v9 =	vshrl.u32 v11, $0x9;
	v14 =	vshrl.u32 v11, $0xC  }
0x3c8: {  	v16 =	vshrl.u32 v12, $0x6;
	v15 =	vand.u32 $0x7, v15;
	v24 =	vand.u32 $0x7, v24  }
0x3c9: {  	v25 =	vand.u32 $0x7, v25;
	v26 =	vand.u32 $0x7, v26;
	v27 =	vand.u32 $0x7, v27  }
0x3ca: {  	v28 =	vand.u32 $0x7, v28;
	v29 =	vand.u32 $0x7, v29;
	v30 =	vand.u32 $0x7, v30  }
0x3cb: {  	v31 =	vand.u32 $0x7, v31;
	v32 =	vand.u32 $0x7, v56;
	v50 =	vand.u32 $0x7, v57  }
0x3cc: {  	v60 =	vcvt.s32.f32 v18;
	v22 =	vadd.s32 v8, v10;
	v8 =	vshrl.u32 v11, $0xF  }
0x3cd: {  	v10 =	vshrl.u32 v12, $0x3;
	v34 =	vshrl.u32 v17, $0x3;
	v35 =	vshrl.u32 v17, $0x6  }
0x3ce: {  	v36 =	vshrl.u32 v17, $0x9;
	v37 =	vshrl.u32 v17, $0xC;
	v38 =	vshrl.u32 v17, $0xF  }
0x3cf: {  	v39 =	vshrl.u32 v21, $0x3;
	v40 =	vshrl.u32 v21, $0x6;
	v41 =	vshrl.u32 v21, $0x9  }
0x3d0: {  	v42 =	vshrl.u32 v21, $0xC;
	v43 =	vshrl.u32 v21, $0xF;
	v15 =	vcvt.s32.f32 v15  }
0x3d1: {  	v7 =	vand.u32 $0x7, v7;
	v24 =	vcvt.s32.f32 v24;
	v62 =	vcvt.s32.f32 v25  }
0x3d2: {  	v9 =	vand.u32 $0x7, v9;
	v51 =	vcvt.s32.f32 v26;
	v52 =	vcvt.s32.f32 v27  }
0x3d3: {  	v14 =	vand.u32 $0x7, v14;
	v33 =	vcvt.s32.f32 v28;
	v19 =	vcvt.s32.f32 v29  }
0x3d4: {  	v16 =	vand.u32 $0x7, v16;
	v18 =	vcvt.s32.f32 v31;
	v32 =	vcvt.s32.f32 v32  }
0x3d5: {  	v31 =	vcvt.s32.f32 v50;
	v44 =	vshrl.u32 v22, $0x3;
	v45 =	vshrl.u32 v22, $0x6  }
0x3d6: {  	s29 =	simm.s32 $0x10180;
	v46 =	vshrl.u32 v22, $0x9;
	v47 =	vshrl.u32 v22, $0xC;
	v48 =	vshrl.u32 v22, $0xF  }
0x3d7: {  	[tilespmem:s29+$0x170] =	vst v2;
	v49 =	vand.u32 $0x7, v8;
	v10 =	vand.u32 $0x7, v10;
	v34 =	vand.u32 $0x7, v34  }
0x3d8: {  	[tilespmem:s29+$0x90] =	vst v61;
	v35 =	vand.u32 $0x7, v35;
	v36 =	vand.u32 $0x7, v36;
	v37 =	vand.u32 $0x7, v37  }
0x3d9: {  	[tilespmem:s29+$0x110] =	vst v23;
	v38 =	vand.u32 $0x7, v38;
	v39 =	vand.u32 $0x7, v39;
	v40 =	vand.u32 $0x7, v40  }
0x3da: {  	v41 =	vand.u32 $0x7, v41;
	v42 =	vand.u32 $0x7, v42;
	v58 =	vcvt.s32.f32 v7;
	[tilespmem:s29+$0x10] =	vst v60  }
0x3db: {  	v43 =	vand.u32 $0x7, v43;
	v2 =	vcvt.s32.f32 v9;
	v14 =	vcvt.s32.f32 v14;
	[tilespmem:s29+$0xFFFFFF00] =	vst v15  }
0x3dc: {  	v16 =	vcvt.s32.f32 v16;
	v44 =	vand.u32 $0x7, v44;
	v45 =	vand.u32 $0x7, v45;
	[tilespmem:s29+$0xFFFFFF20] =	vst v24  }
0x3dd: {  	v8 =	vand.u32 $0x7, v46;
	v9 =	vand.u32 $0x7, v47;
	v15 =	vcvt.s32.f32 v49;
	[tilespmem:s29+$0xFFFFFFA0] =	vst v62  }
0x3de: {  	v59 =	vcvt.s32.f32 v10;
	v7 =	vand.u32 $0x7, v48;
	v10 =	vand.u32 $0x7, v3;
	[tilespmem:s29+$0x20] =	vst v51  }
0x3df: {  	v3 =	vand.u32 $0x7, v4;
	v29 =	vcvt.s32.f32 v35;
	v28 =	vcvt.s32.f32 v36;
	[tilespmem:s29+$0xA0] =	vst v52  }
0x3e0: {  	v4 =	vand.u32 $0x7, v11;
	v27 =	vcvt.s32.f32 v37;
	v26 =	vcvt.s32.f32 v38;
	[tilespmem:s29+$0xFFFFFF80] =	vst v58  }
0x3e1: {  	v25 =	vcvt.s32.f32 v39;
	v11 =	vand.u32 $0x7, v21;
	v24 =	vcvt.s32.f32 v40;
	[tilespmem:s29+$0x0] =	vst v2  }
0x3e2: {  	v23 =	vcvt.s32.f32 v41;
	v21 =	vcvt.s32.f32 v43;
	[tilespmem:s29+$0x80] =	vst v14;
	v2 =	vand.u32 $0x7, v12  }
0x3e3: {  	[tilespmem:s29+$0xFFFFFF90] =	vst v16;
	v16 =	vcvt.s32.f32 v30;
	v30 =	vcvt.s32.f32 v34;
	v12 =	vand.u32 $0x7, v20  }
0x3e4: {  	v14 =	vand.u32 $0x7, v17;
	v20 =	vcvt.s32.f32 v44;
	v17 =	vcvt.s32.f32 v45;
	[tilespmem:s29+$0x100] =	vst v15  }
0x3e5: {  	s31 =	simm.s32 $0x0;
	s30 =	simm.s32 $0x10180;
	s0 =	simm.s32 $0x540;
	[tilespmem:s29+$0xFFFFFF10] =	vst v59;
	v15 =	vand.u32 $0x7, v5;
	v5 =	vand.u32 $0x7, v22;
	v22 =	vcvt.s32.f32 v42  }
.LBB2_10:
0x3e6: {  	v34 =	vld [tilespmem:s0+$0xFFFFFF30];
	[tilespmem:s29+$0x120] =	vst v33;
	v33 =	vcvt.s32.f32 v8;
	v35 =	vcvt.s32.f32 v9  }
0x3e7: {  	s31 =	sadd.s32 $0x80, s31;
	v36 =	vcvt.s32.f32 v7;
	v37 =	vcvt.s32.f32 v10;
	v9 =	vld [tilespmem:s0+$0xFFFFFFB0];
	[tilespmem:s29+$0xFFFFFF30] =	vst v19  }
0x3e8: {  	v38 =	vcvt.s32.f32 v3;
	p0 =	slt.u32 s31, $0xF80;
	v19 =	vcvt.s32.f32 v6;
	v7 =	vld [tilespmem:s0+$0x30];
	[tilespmem:s29+$0xFFFFFFB0] =	vst v16  }
0x3e9: {  	v16 =	vcvt.s32.f32 v4;
	v3 =	vld [tilespmem:s0+$0xB0];
	[tilespmem:s29+$0x30] =	vst v18;
	v18 =	vcvt.s32.f32 v15  }
0x3ea: {  	v13 =	vcvt.s32.f32 v13;
	v15 =	vcvt.s32.f32 v2;
	v4 =	vld [tilespmem:s0+$0x130];
	[tilespmem:s29+$0xB0] =	vst v32  }
0x3eb: {  	v10 =	vcvt.s32.f32 v12;
	v8 =	vcvt.s32.f32 v14;
	v2 =	vld [tilespmem:s0+$0xFFFFFF40];
	[tilespmem:s29+$0x130] =	vst v31  }
0x3ec: {  	v14 =	vmul.u32 $0x3, v34;
	v12 =	vld [tilespmem:s0+$0xFFFFFED0];
	v31 =	vmul.u32 $0x3, v9;
	[tilespmem:s29+$0xFFFFFF40] =	vst v30;
	v9 =	vcvt.s32.f32 v11  }
0x3ed: {  	v6 =	vcvt.s32.f32 v1;
	v11 =	vld [tilespmem:s0+$0xFFFFFF50];
	v30 =	vmul.u32 $0x3, v7;
	[tilespmem:s29+$0xFFFFFFC0] =	vst v29;
	v7 =	vcvt.s32.f32 v5  }
0x3ee: {  	v1 =	vshll.u32 v0, v14;
	v5 =	vld [tilespmem:s0+$0xFFFFFEE0];
	v14 =	vshll.u32 v0, v31;
	v3 =	vmul.u32 $0x3, v3;
	[tilespmem:s29+$0x40] =	vst v28  }
0x3ef: {  	v28 =	vld [tilespmem:s0+$0xFFFFFF60];
	v1 =	vadd.s32 v1, v14;
	v14 =	vshll.u32 v0, v30;
	v4 =	vmul.u32 $0x3, v4;
	[tilespmem:s29+$0xC0] =	vst v27  }
0x3f0: {  	v2 =	vmul.u32 $0x3, v2;
	v27 =	vld [tilespmem:s0+$0xFFFFFEF0];
	v1 =	vadd.s32 v14, v1;
	v3 =	vshll.u32 v0, v3;
	[tilespmem:s29+$0x140] =	vst v26  }
0x3f1: {  	v12 =	vmul.u32 $0x3, v12;
	v14 =	vld [tilespmem:s0+$0xFFFFFF70];
	v1 =	vadd.s32 v3, v1;
	v3 =	vshll.u32 v0, v4;
	[tilespmem:s29+$0xFFFFFF50] =	vst v25  }
0x3f2: {  	v25 =	vshll.u32 v0, v2;
	v2 =	vmul.u32 $0x3, v11;
	v4 =	vld [tilespmem:s0+$0xFFFFFF00];
	v1 =	vadd.s32 v3, v1;
	[tilespmem:s29+$0xFFFFFFD0] =	vst v24  }
0x3f3: {  	v3 =	vshll.u32 v0, v12;
	v5 =	vmul.u32 $0x3, v5;
	v11 =	vld [tilespmem:s0+$0xFFFFFF80];
	v12 =	vshrl.u32 v1, $0xF;
	[tilespmem:s29+$0x50] =	vst v23  }
0x3f4: {  	v2 =	vshll.u32 v0, v2;
	v23 =	vmul.u32 $0x3, v28;
	v24 =	vld [tilespmem:s0+$0xFFFFFF10];
	v12 =	vand.u32 $0x7, v12;
	[tilespmem:s29+$0xD0] =	vst v22  }
0x3f5: {  	v5 =	vshll.u32 v0, v5;
	v22 =	vmul.u32 $0x3, v27;
	v26 =	vld [tilespmem:s0+$0xFFFFFF90];
	v12 =	vcvt.s32.f32 v12;
	[tilespmem:s29+$0x150] =	vst v21  }
0x3f6: {  	v21 =	vadd.s32 v3, v2;
	s29 =	sadd.s32 $0x400, s29;
	v2 =	vshll.u32 v0, v23;
	v3 =	vmul.u32 $0x3, v14;
	v14 =	vld [tilespmem:s0+$0xFFFFFF20];
	[tilespmem:s30+$0xFFFFFF60] =	vst v20  }
0x3f7: {  	v20 =	vadd.s32 v5, v2;
	v5 =	vshll.u32 v0, v22;
	v4 =	vmul.u32 $0x3, v4;
	v22 =	vld [tilespmem:s0+$0xFFFFFFA0];
	[tilespmem:s29+$0x170] =	vst v12  }
0x3f8: {  	v2 =	vshrl.u32 v1, $0x3;
	v12 =	vld [tilespmem:s0+$0xFFFFFEC0];
	v3 =	vshll.u32 v0, v3;
	v11 =	vmul.u32 $0x3, v11;
	[tilespmem:s30+$0xFFFFFFE0] =	vst v17  }
0x3f9: {  	v17 =	vld [tilespmem:s0+$0xFFFFFFC0];
	v23 =	vadd.s32 v5, v3;
	v4 =	vshll.u32 v0, v4;
	v5 =	vmul.u32 $0x3, v24;
	[tilespmem:s30+$0x60] =	vst v33  }
0x3fa: {  	v3 =	vshrl.u32 v1, $0x6;
	v24 =	vld [tilespmem:s0+$0xFFFFFFD0];
	v11 =	vshll.u32 v0, v11;
	v26 =	vmul.u32 $0x3, v26;
	[tilespmem:s30+$0xE0] =	vst v35  }
0x3fb: {  	v27 =	vld [tilespmem:s0+$0xFFFFFFE0];
	v11 =	vadd.s32 v4, v11;
	v5 =	vshll.u32 v0, v5;
	v14 =	vmul.u32 $0x3, v14;
	[tilespmem:s30+$0x160] =	vst v36  }
0x3fc: {  	v4 =	vshrl.u32 v1, $0x9;
	v28 =	vld [tilespmem:s0+$0xFFFFFFF0];
	v26 =	vshll.u32 v0, v26;
	v22 =	vmul.u32 $0x3, v22;
	[tilespmem:s30+$0xFFFFFF70] =	vst v37  }
0x3fd: {  	v12 =	vmul.u32 $0x3, v12;
	v29 =	vld [tilespmem:s0+$0x0];
	v26 =	vadd.s32 v5, v26;
	v14 =	vshll.u32 v0, v14;
	[tilespmem:s30+$0xFFFFFFF0] =	vst v38  }
0x3fe: {  	v5 =	vshrl.u32 v1, $0xC;
	v17 =	vmul.u32 $0x3, v17;
	v30 =	vld [tilespmem:s0+$0x10];
	v22 =	vshll.u32 v0, v22;
	[tilespmem:s30+$0x70] =	vst v19  }
0x3ff: {  	v12 =	vshll.u32 v0, v12;
	v19 =	vmul.u32 $0x3, v24;
	v14 =	vadd.s32 v14, v22;
	v22 =	vld [tilespmem:s0+$0x20];
	[tilespmem:s30+$0xF0] =	vst v18  }
0x400: {  	v12 =	vadd.s32 v12, v25;
	v17 =	vshll.u32 v0, v17;
	v18 =	vld [tilespmem:s0+$0x40];
	v24 =	vmul.u32 $0x3, v27;
	[tilespmem:s30+$0xFFFFFE80] =	vst v16  }
0x401: {  	v12 =	vadd.s32 v17, v12;
	v16 =	vshll.u32 v0, v19;
	v17 =	vld [tilespmem:s0+$0x50];
	v19 =	vmul.u32 $0x3, v28;
	[tilespmem:s30+$0xFFFFFE90] =	vst v15  }
0x402: {  	v15 =	vadd.s32 v16, v21;
	v16 =	vshll.u32 v0, v24;
	v21 =	vld [tilespmem:s0+$0x60];
	v24 =	vmul.u32 $0x3, v29;
	[tilespmem:s30+$0xFFFFFEA0] =	vst v13  }
0x403: {  	v13 =	vadd.s32 v16, v20;
	v16 =	vshll.u32 v0, v19;
	v19 =	vld [tilespmem:s0+$0x70];
	v20 =	vmul.u32 $0x3, v30;
	[tilespmem:s30+$0xFFFFFEB0] =	vst v10  }
0x404: {  	v10 =	vadd.s32 v16, v23;
	v16 =	vshll.u32 v0, v24;
	v23 =	vld [tilespmem:s0+$0x80];
	v22 =	vmul.u32 $0x3, v22;
	[tilespmem:s30+$0xFFFFFEC0] =	vst v8  }
0x405: {  	v8 =	vmul.u32 $0x3, v18;
	v11 =	vadd.s32 v16, v11;
	v16 =	vshll.u32 v0, v20;
	v18 =	vld [tilespmem:s0+$0x90];
	[tilespmem:s30+$0xFFFFFED0] =	vst v9  }
0x406: {  	v9 =	vmul.u32 $0x3, v17;
	v16 =	vadd.s32 v16, v26;
	v17 =	vshll.u32 v0, v22;
	v20 =	vld [tilespmem:s0+$0xA0];
	[tilespmem:s30+$0xFFFFFEE0] =	vst v7  }
0x407: {  	v7 =	vshll.u32 v0, v8;
	v8 =	vld [tilespmem:s0+$0xC0];
	v21 =	vmul.u32 $0x3, v21;
	v14 =	vadd.s32 v17, v14;
	[tilespmem:s30+$0xFFFFFEF0] =	vst v6;
	s30 =	smov.u32 s29  }
0x408: {  	v6 =	vadd.s32 v7, v12;
	v7 =	vshll.u32 v0, v9;
	v9 =	vld [tilespmem:s0+$0xD0];
	v12 =	vmul.u32 $0x3, v19  }
0x409: {  	v7 =	vadd.s32 v7, v15;
	v15 =	vshll.u32 v0, v21;
	v17 =	vld [tilespmem:s0+$0xE0];
	v19 =	vmul.u32 $0x3, v23  }
0x40a: {  	v13 =	vadd.s32 v15, v13;
	v12 =	vshll.u32 v0, v12;
	v15 =	vld [tilespmem:s0+$0xF0];
	v18 =	vmul.u32 $0x3, v18  }
0x40b: {  	v10 =	vadd.s32 v12, v10;
	v12 =	vshll.u32 v0, v19;
	v19 =	vld [tilespmem:s0+$0x100];
	v20 =	vmul.u32 $0x3, v20  }
0x40c: {  	v8 =	vmul.u32 $0x3, v8;
	v11 =	vadd.s32 v12, v11;
	v12 =	vshll.u32 v0, v18;
	v18 =	vld [tilespmem:s0+$0x110]  }
0x40d: {  	v9 =	vmul.u32 $0x3, v9;
	v12 =	vadd.s32 v12, v16;
	v16 =	vshll.u32 v0, v20;
	v20 =	vld [tilespmem:s0+$0x120]  }
0x40e: {  	v8 =	vshll.u32 v0, v8;
	v17 =	vmul.u32 $0x3, v17;
	v14 =	vadd.s32 v16, v14  }
0x40f: {  	v16 =	vadd.s32 v8, v6;
	v6 =	vshll.u32 v0, v9;
	v8 =	vmul.u32 $0x3, v15  }
0x410: {  	v15 =	vadd.s32 v6, v7;
	v6 =	vshll.u32 v0, v17;
	v7 =	vmul.u32 $0x3, v19  }
0x411: {  	v13 =	vadd.s32 v6, v13;
	v6 =	vshll.u32 v0, v8;
	v8 =	vmul.u32 $0x3, v18  }
0x412: {  	v17 =	vadd.s32 v6, v10;
	v6 =	vshll.u32 v0, v7;
	v7 =	vmul.u32 $0x3, v20  }
0x413: {  	v9 =	vshrl.u32 v16, $0x3;
	v11 =	vadd.s32 v6, v11;
	v6 =	vshll.u32 v0, v8  }
0x414: {  	v8 =	vshrl.u32 v16, $0x6;
	v18 =	vadd.s32 v6, v12;
	v6 =	vshll.u32 v0, v7  }
0x415: {  	v10 =	vshrl.u32 v16, $0xC;
	v7 =	vshrl.u32 v16, $0x9;
	v19 =	vadd.s32 v6, v14  }
0x416: {  	v12 =	vshrl.u32 v15, $0x3;
	v6 =	vshrl.u32 v16, $0xF;
	v14 =	vshrl.u32 v15, $0x6  }
0x417: {  	v21 =	vshrl.u32 v15, $0xC;
	v22 =	vshrl.u32 v15, $0xF;
	v20 =	vshrl.u32 v15, $0x9  }
0x418: {  	v23 =	vshrl.u32 v13, $0x3;
	v24 =	vshrl.u32 v13, $0x6;
	v25 =	vshrl.u32 v13, $0x9  }
0x419: {  	v26 =	vshrl.u32 v13, $0xC;
	v27 =	vshrl.u32 v13, $0xF;
	v28 =	vshrl.u32 v17, $0x3  }
0x41a: {  	v29 =	vshrl.u32 v17, $0x6;
	v30 =	vshrl.u32 v17, $0x9;
	v31 =	vshrl.u32 v17, $0xC  }
0x41b: {  	v32 =	vshrl.u32 v17, $0xF;
	v33 =	vshrl.u32 v11, $0x3;
	v34 =	vshrl.u32 v11, $0x6  }
0x41c: {  	v35 =	vshrl.u32 v11, $0x9;
	v36 =	vshrl.u32 v11, $0xC;
	v37 =	vshrl.u32 v11, $0xF  }
0x41d: {  	v38 =	vshrl.u32 v18, $0x3;
	v39 =	vshrl.u32 v18, $0x6;
	v40 =	vshrl.u32 v18, $0x9  }
0x41e: {  	v41 =	vshrl.u32 v18, $0xC;
	v42 =	vshrl.u32 v18, $0xF;
	v43 =	vshrl.u32 v19, $0x3  }
0x41f: {  	v44 =	vshrl.u32 v19, $0x6;
	v45 =	vshrl.u32 v19, $0x9;
	v46 =	vshrl.u32 v19, $0xC  }
0x420: {  	v47 =	vand.u32 $0x7, v9;
	v48 =	vand.u32 $0x7, v8;
	v49 =	vshrl.u32 v19, $0xF  }
0x421: {  	v51 =	vand.u32 $0x7, v10;
	v50 =	vand.u32 $0x7, v7;
	v52 =	vand.u32 $0x7, v6  }
0x422: {  	v20 =	vand.u32 $0x7, v20;
	v53 =	vand.u32 $0x7, v12;
	v54 =	vand.u32 $0x7, v14  }
0x423: {  	v21 =	vand.u32 $0x7, v21;
	v22 =	vand.u32 $0x7, v22;
	v23 =	vand.u32 $0x7, v23  }
0x424: {  	v24 =	vand.u32 $0x7, v24;
	v25 =	vand.u32 $0x7, v25;
	v26 =	vand.u32 $0x7, v26  }
0x425: {  	v27 =	vand.u32 $0x7, v27;
	v28 =	vand.u32 $0x7, v28;
	v29 =	vand.u32 $0x7, v29  }
0x426: {  	v30 =	vand.u32 $0x7, v30;
	v31 =	vand.u32 $0x7, v31;
	v55 =	vand.u32 $0x7, v32  }
0x427: {  	v56 =	vand.u32 $0x7, v33;
	v34 =	vand.u32 $0x7, v34;
	v35 =	vand.u32 $0x7, v35  }
0x428: {  	v36 =	vand.u32 $0x7, v36;
	v37 =	vand.u32 $0x7, v37;
	v38 =	vand.u32 $0x7, v38  }
0x429: {  	v39 =	vand.u32 $0x7, v39;
	v40 =	vand.u32 $0x7, v40;
	v41 =	vand.u32 $0x7, v41  }
0x42a: {  	v42 =	vand.u32 $0x7, v42;
	v43 =	vand.u32 $0x7, v43;
	v44 =	vand.u32 $0x7, v44  }
0x42b: {  	v8 =	vand.u32 $0x7, v45;
	v9 =	vand.u32 $0x7, v46;
	v7 =	vand.u32 $0x7, v49  }
0x42c: {  	v3 =	vand.u32 $0x7, v3;
	v10 =	vand.u32 $0x7, v2;
	v6 =	vand.u32 $0x7, v4  }
0x42d: {  	v2 =	vand.u32 $0x7, v15;
	v15 =	vand.u32 $0x7, v5;
	v4 =	vand.u32 $0x7, v16  }
0x42e: {  	v13 =	vand.u32 $0x7, v13;
	v12 =	vand.u32 $0x7, v17;
	v14 =	vand.u32 $0x7, v11  }
0x42f: {  	v1 =	vand.u32 $0x7, v1;
	v11 =	vand.u32 $0x7, v18;
	v5 =	vand.u32 $0x7, v19  }
0x430: {  	v17 =	vcvt.s32.f32 v48;
	v16 =	vcvt.s32.f32 v47  }
0x431: {  	v18 =	vcvt.s32.f32 v50;
	v19 =	vcvt.s32.f32 v51  }
0x432: {  	v32 =	vcvt.s32.f32 v53;
	[tilespmem:s29+$0xFFFFFF00] =	vst v16;
	v16 =	vcvt.s32.f32 v52  }
0x433: {  	v20 =	vcvt.s32.f32 v20;
	[tilespmem:s29+$0xFFFFFF80] =	vst v17;
	v17 =	vcvt.s32.f32 v54  }
0x434: {  	v21 =	vcvt.s32.f32 v21;
	v22 =	vcvt.s32.f32 v22;
	[tilespmem:s29+$0x0] =	vst v18  }
0x435: {  	v23 =	vcvt.s32.f32 v23;
	v24 =	vcvt.s32.f32 v24;
	[tilespmem:s29+$0x80] =	vst v19  }
0x436: {  	v45 =	vcvt.s32.f32 v25;
	v46 =	vcvt.s32.f32 v26;
	[tilespmem:s29+$0x100] =	vst v16  }
0x437: {  	v33 =	vcvt.s32.f32 v27;
	v19 =	vcvt.s32.f32 v28;
	[tilespmem:s29+$0xFFFFFF10] =	vst v32  }
0x438: {  	v18 =	vcvt.s32.f32 v30;
	v16 =	vcvt.s32.f32 v29;
	[tilespmem:s29+$0xFFFFFF90] =	vst v17  }
0x439: {  	v32 =	vcvt.s32.f32 v31;
	v31 =	vcvt.s32.f32 v55;
	[tilespmem:s29+$0x10] =	vst v20  }
0x43a: {  	v30 =	vcvt.s32.f32 v56;
	v29 =	vcvt.s32.f32 v34;
	[tilespmem:s29+$0x90] =	vst v21  }
.Ltmp4:
0x43b: {  	v27 =	vcvt.s32.f32 v36;
	v28 =	vcvt.s32.f32 v35;
	[tilespmem:s29+$0x110] =	vst v22;
	(pc) =	sbr.rel @p0 .LBB2_10-.Ltmp4, $4  }
0x43c: {  	v26 =	vcvt.s32.f32 v37;
	v25 =	vcvt.s32.f32 v38;
	[tilespmem:s29+$0xFFFFFF20] =	vst v23  }
0x43d: {  	v23 =	vcvt.s32.f32 v40;
	[tilespmem:s29+$0xFFFFFFA0] =	vst v24;
	v24 =	vcvt.s32.f32 v39  }
0x43e: {  	v21 =	vcvt.s32.f32 v42;
	v22 =	vcvt.s32.f32 v41;
	[tilespmem:s29+$0x20] =	vst v45  }
0x43f: {  	s0 =	sadd.s32 $0x400, s0;
	v17 =	vcvt.s32.f32 v44;
	v20 =	vcvt.s32.f32 v43;
	[tilespmem:s29+$0xA0] =	vst v46  }
0x440: {  	[tilespmem:s29+$0x120] =	vst v33  }
0x441: {  	[tilespmem:s29+$0xFFFFFF30] =	vst v19  }
0x442: {  	[tilespmem:s29+$0xFFFFFFB0] =	vst v16  }
0x443: {  	[tilespmem:s29+$0x30] =	vst v18  }
0x444: {  	[tilespmem:s29+$0xB0] =	vst v32  }
0x445: {  	[tilespmem:s29+$0x130] =	vst v31  }
0x446: {  	[tilespmem:s29+$0xFFFFFF40] =	vst v30  }
0x447: {  	[tilespmem:s29+$0xFFFFFFC0] =	vst v29  }
0x448: {  	[tilespmem:s29+$0x40] =	vst v28  }
0x449: {  	[tilespmem:s29+$0xC0] =	vst v27  }
0x44a: {  	[tilespmem:s29+$0x140] =	vst v26  }
0x44b: {  	[tilespmem:s29+$0xFFFFFF50] =	vst v25  }
0x44c: {  	[tilespmem:s29+$0xFFFFFFD0] =	vst v24  }
0x44d: {  	[tilespmem:s29+$0x50] =	vst v23  }
0x44e: {  	[tilespmem:s29+$0xD0] =	vst v22  }
0x44f: {  	[tilespmem:s29+$0x150] =	vst v21  }
0x450: {  	v8 =	vcvt.s32.f32 v8;
	[tilespmem:s30+$0xFFFFFF60] =	vst v20  }
0x451: {  	v9 =	vcvt.s32.f32 v9;
	[tilespmem:s30+$0xFFFFFFE0] =	vst v17  }
0x452: {  	v7 =	vcvt.s32.f32 v7;
	[tilespmem:s30+$0x60] =	vst v8  }
0x453: {  	v3 =	vcvt.s32.f32 v3;
	[tilespmem:s30+$0xE0] =	vst v9  }
0x454: {  	v6 =	vcvt.s32.f32 v6;
	[tilespmem:s30+$0x160] =	vst v7  }
0x455: {  	v2 =	vcvt.s32.f32 v2;
	[tilespmem:s30+$0xFFFFFFF0] =	vst v3  }
0x456: {  	v1 =	vcvt.s32.f32 v1;
	[tilespmem:s30+$0x70] =	vst v6  }
0x457: {  	v8 =	vcvt.s32.f32 v10;
	[tilespmem:s30+$0xFFFFFE90] =	vst v2  }
0x458: {  	v7 =	vcvt.s32.f32 v15;
	[tilespmem:s30+$0xFFFFFEF0] =	vst v1  }
0x459: {  	v3 =	vcvt.s32.f32 v4;
	[tilespmem:s30+$0xFFFFFF70] =	vst v8  }
0x45a: {  	v4 =	vcvt.s32.f32 v13;
	[tilespmem:s30+$0xF0] =	vst v7  }
0x45b: {  	v2 =	vcvt.s32.f32 v14;
	[tilespmem:s30+$0xFFFFFE80] =	vst v3  }
0x45c: {  	v3 =	vcvt.s32.f32 v12;
	[tilespmem:s30+$0xFFFFFEA0] =	vst v4  }
0x45d: {  	v4 =	vcvt.s32.f32 v11;
	[tilespmem:s30+$0xFFFFFEC0] =	vst v2  }
0x45e: {  	[tilespmem:s30+$0xFFFFFEB0] =	vst v3;
	v3 =	vcvt.s32.f32 v5  }
0x45f: {  	[tilespmem:s30+$0xFFFFFED0] =	vst v4  }
0x460: {  	[tilespmem:s30+$0xFFFFFEE0] =	vst v3  }
0x461: {  	[hbm4b:s13+s2] =	stream.linear.scatter [tilespmem:s22], [sflag:$0x3], $0x8000, $0x38;
	v63 =	vld [tilespmem:$0x0]  }
0x462: {  	_ = 	snop  }
0x463: {  	[tilespmem:s2], [sflag:$0x1] =	stream.linear.gather [hbm4b:s14+s2], $0x8000, $0x38;
	v63 =	vld [tilespmem:$0x0]  }
0x464: {  	_ =	swait.ge [sflag:s23], $0x8000  }
0x465: {  	[sflag:s23] =	ssyncset.done $0x0  }
0x466: {  	[sflag:s23] =	ssyncadd.s32 $0xFFFF8000  }
0x467: {  	_ =	swait.ge [sflag:s26], $0x8000  }
0x468: {  	[sflag:s26] =	ssyncset.done $0x0  }
0x469: {  	s0 =	simm.s32 $0x8140;
	[sflag:s26] =	ssyncadd.s32 $0xFFFF8000  }
0x46a: {  	v1 =	vld [tilespmem:s0+$0xFFFFFF30]  }
0x46b: {  	v2 =	vld [tilespmem:s0+$0xFFFFFFB0]  }
0x46c: {  	v3 =	vld [tilespmem:s0+$0x30]  }
0x46d: {  	v4 =	vld [tilespmem:s0+$0xB0]  }
0x46e: {  	v5 =	vld [tilespmem:s0+$0x130]  }
0x46f: {  	v10 =	vld [tilespmem:s0+$0xFFFFFF60]  }
0x470: {  	v12 =	vld [tilespmem:s0+$0xFFFFFF10]  }
0x471: {  	v14 =	vld [tilespmem:s0+$0xFFFFFF90]  }
0x472: {  	v16 =	vld [tilespmem:s0+$0xFFFFFFC0]  }
0x473: {  	v17 =	vld [tilespmem:s0+$0xFFFFFFD0]  }
0x474: {  	v18 =	vld [tilespmem:s0+$0xFFFFFFE0]  }
0x475: {  	v21 =	vld [tilespmem:s0+$0x10]  }
0x476: {  	v6 =	vld [tilespmem:s0+$0xFFFFFF40];
	v1 =	vmul.u32 $0x3, v1;
	v2 =	vmul.u32 $0x3, v2  }
0x477: {  	v7 =	vld [tilespmem:s0+$0xFFFFFED0];
	v3 =	vmul.u32 $0x3, v3;
	v4 =	vmul.u32 $0x3, v4;
	v10 =	vmul.u32 $0x3, v10  }
0x478: {  	v8 =	vld [tilespmem:s0+$0xFFFFFF50];
	v12 =	vmul.u32 $0x3, v12;
	v14 =	vmul.u32 $0x3, v14;
	v16 =	vmul.u32 $0x3, v16  }
0x479: {  	v9 =	vld [tilespmem:s0+$0xFFFFFEE0];
	v17 =	vmul.u32 $0x3, v17;
	v1 =	vshll.u32 v0, v1;
	v2 =	vshll.u32 v0, v2  }
0x47a: {  	v18 =	vmul.u32 $0x3, v18;
	v21 =	vmul.u32 $0x3, v21;
	v1 =	vadd.s32 v1, v2  }
0x47b: {  	v2 =	vshll.u32 v0, v3;
	v3 =	vmul.u32 $0x3, v5;
	v5 =	vmul.u32 $0x3, v6  }
0x47c: {  	v6 =	vld [tilespmem:s0+$0xFFFFFEF0];
	v1 =	vadd.s32 v2, v1;
	v2 =	vshll.u32 v0, v4;
	v4 =	vmul.u32 $0x3, v7  }
0x47d: {  	v1 =	vadd.s32 v2, v1;
	v2 =	vshll.u32 v0, v3;
	v11 =	vshll.u32 v0, v5;
	v5 =	vld [tilespmem:s0+$0xFFFFFF00]  }
0x47e: {  	v3 =	vmul.u32 $0x3, v8;
	v8 =	vld [tilespmem:s0+$0xFFFFFF80];
	v1 =	vadd.s32 v2, v1;
	v2 =	vmul.u32 $0x3, v9  }
0x47f: {  	v14 =	vshll.u32 v0, v14;
	v7 =	vld [tilespmem:s0+$0xFFFFFF70];
	v4 =	vshll.u32 v0, v4;
	v9 =	vshrl.u32 v1, $0xF  }
0x480: {  	v22 =	vld [tilespmem:s0+$0x20];
	v3 =	vshll.u32 v0, v3;
	v9 =	vand.u32 $0x7, v9;
	v13 =	vshll.u32 v0, v2  }
0x481: {  	v6 =	vmul.u32 $0x3, v6;
	v2 =	vcvt.s32.f32 v9;
	v9 =	vshll.u32 v0, v10;
	v10 =	vld [tilespmem:s0+$0xFFFFFF20]  }
0x482: {  	v17 =	vshll.u32 v0, v17;
	v15 =	vadd.s32 v4, v3;
	v9 =	vadd.s32 v13, v9;
	v13 =	vld [tilespmem:s0+$0xFFFFFEC0]  }
0x483: {  	v4 =	vshll.u32 v0, v6;
	v6 =	vld [tilespmem:s0+$0xFFFFFFA0];
	v5 =	vmul.u32 $0x3, v5;
	v8 =	vmul.u32 $0x3, v8  }
0x484: {  	v18 =	vshll.u32 v0, v18;
	v21 =	vshll.u32 v0, v21;
	v7 =	vmul.u32 $0x3, v7  }
0x485: {  	v3 =	vshrl.u32 v1, $0x3;
	v5 =	vshll.u32 v0, v5;
	v8 =	vshll.u32 v0, v8  }
0x486: {  	v7 =	vshll.u32 v0, v7;
	v8 =	vadd.s32 v5, v8;
	v5 =	vshll.u32 v0, v12;
	v12 =	vld [tilespmem:s0+$0xFFFFFFF0]  }
0x487: {  	v20 =	vld [tilespmem:s0+$0x0];
	v9 =	vadd.s32 v18, v9;
	v10 =	vmul.u32 $0x3, v10;
	v13 =	vmul.u32 $0x3, v13  }
0x488: {  	v18 =	vmul.u32 $0x3, v22;
	v7 =	vadd.s32 v4, v7;
	v19 =	vmul.u32 $0x3, v6  }
0x489: {  	v22 =	vld [tilespmem:s0+$0x90];
	v4 =	vshrl.u32 v1, $0x6;
	v10 =	vshll.u32 v0, v10;
	v13 =	vshll.u32 v0, v13  }
0x48a: {  	v19 =	vshll.u32 v0, v19;
	v11 =	vadd.s32 v13, v11;
	v13 =	vshll.u32 v0, v16;
	v16 =	vld [tilespmem:s0+$0x40]  }
0x48b: {  	v18 =	vshll.u32 v0, v18;
	v10 =	vadd.s32 v10, v19;
	v19 =	vld [tilespmem:s0+$0x50];
	v12 =	vmul.u32 $0x3, v12  }
0x48c: {  	v11 =	vadd.s32 v13, v11;
	v13 =	vadd.s32 v17, v15;
	v15 =	vld [tilespmem:s0+$0x60];
	v17 =	vmul.u32 $0x3, v20  }
0x48d: {  	v14 =	vadd.s32 v5, v14;
	v5 =	vshrl.u32 v1, $0xC;
	v20 =	vld [tilespmem:s0+$0x70];
	v12 =	vshll.u32 v0, v12  }
0x48e: {  	v6 =	vshrl.u32 v1, $0x9;
	v7 =	vadd.s32 v12, v7;
	v12 =	vshll.u32 v0, v17;
	v17 =	vld [tilespmem:s0+$0x80]  }
0x48f: {  	v14 =	vadd.s32 v21, v14;
	v1 =	vand.u32 $0x7, v1;
	v16 =	vmul.u32 $0x3, v16  }
0x490: {  	v22 =	vmul.u32 $0x3, v22;
	v8 =	vadd.s32 v12, v8;
	v12 =	vmul.u32 $0x3, v19;
	v19 =	vld [tilespmem:s0+$0xA0]  }
0x491: {  	v21 =	vld [tilespmem:s0+$0xC0];
	v10 =	vadd.s32 v18, v10;
	v15 =	vmul.u32 $0x3, v15;
	v16 =	vshll.u32 v0, v16  }
0x492: {  	v18 =	vld [tilespmem:s0+$0xD0];
	v20 =	vmul.u32 $0x3, v20;
	v12 =	vshll.u32 v0, v12;
	v11 =	vadd.s32 v16, v11  }
0x493: {  	v12 =	vadd.s32 v12, v13;
	v13 =	vld [tilespmem:s0+$0xE0];
	v16 =	vmul.u32 $0x3, v17;
	v15 =	vshll.u32 v0, v15  }
0x494: {  	v6 =	vand.u32 $0x7, v6;
	v17 =	vshll.u32 v0, v20;
	v20 =	vld [tilespmem:s0+$0xF0];
	v9 =	vadd.s32 v15, v9  }
0x495: {  	v7 =	vadd.s32 v17, v7;
	v15 =	vshll.u32 v0, v16;
	v16 =	vld [tilespmem:s0+$0x100];
	v17 =	vmul.u32 $0x3, v19  }
0x496: {  	v19 =	vmul.u32 $0x3, v21;
	v21 =	vshll.u32 v0, v22;
	v22 =	vld [tilespmem:s0+$0x110];
	v8 =	vadd.s32 v15, v8  }
0x497: {  	v15 =	vmul.u32 $0x3, v18;
	v14 =	vadd.s32 v21, v14;
	v17 =	vshll.u32 v0, v17  }
0x498: {  	v18 =	vld [tilespmem:s0+$0x120];
	v19 =	vshll.u32 v0, v19;
	v13 =	vmul.u32 $0x3, v13;
	v10 =	vadd.s32 v17, v10  }
0x499: {  	v15 =	vshll.u32 v0, v15;
	v17 =	vmul.u32 $0x3, v20;
	v11 =	vadd.s32 v19, v11  }
0x49a: {  	v12 =	vadd.s32 v15, v12;
	v15 =	vmul.u32 $0x3, v16;
	v13 =	vshll.u32 v0, v13  }
0x49b: {  	v16 =	vshll.u32 v0, v17;
	v17 =	vmul.u32 $0x3, v22;
	v19 =	vshrl.u32 v12, $0xC  }
0x49c: {  	v23 =	vshrl.u32 v12, $0xF;
	v13 =	vadd.s32 v13, v9;
	v20 =	vadd.s32 v16, v7  }
0x49d: {  	v9 =	vmul.u32 $0x3, v18;
	v18 =	vshrl.u32 v12, $0x9;
	v19 =	vand.u32 $0x7, v19  }
0x49e: {  	v23 =	vand.u32 $0x7, v23;
	v7 =	vshll.u32 v0, v15;
	v15 =	vshrl.u32 v11, $0x3  }
0x49f: {  	v16 =	vshll.u32 v0, v17;
	v24 =	vshrl.u32 v13, $0x3;
	v25 =	vshrl.u32 v13, $0x6  }
0x4a0: {  	v26 =	vshrl.u32 v13, $0x9;
	v27 =	vshrl.u32 v13, $0xC;
	v28 =	vshrl.u32 v13, $0xF  }
0x4a1: {  	v29 =	vshrl.u32 v20, $0x3;
	v30 =	vshrl.u32 v20, $0x6;
	v31 =	vshrl.u32 v20, $0x9  }
0x4a2: {  	v56 =	vshrl.u32 v20, $0xC;
	v57 =	vshrl.u32 v20, $0xF;
	v18 =	vand.u32 $0x7, v18  }
0x4a3: {  	v61 =	vcvt.s32.f32 v19;
	v23 =	vcvt.s32.f32 v23;
	v13 =	vand.u32 $0x7, v13  }
0x4a4: {  	v17 =	vadd.s32 v7, v8;
	v7 =	vshrl.u32 v11, $0x6;
	v21 =	vadd.s32 v16, v14  }
0x4a5: {  	v8 =	vshll.u32 v0, v9;
	v9 =	vshrl.u32 v11, $0x9;
	v14 =	vshrl.u32 v11, $0xC  }
0x4a6: {  	v16 =	vshrl.u32 v12, $0x6;
	v15 =	vand.u32 $0x7, v15;
	v24 =	vand.u32 $0x7, v24  }
0x4a7: {  	v25 =	vand.u32 $0x7, v25;
	v26 =	vand.u32 $0x7, v26;
	v27 =	vand.u32 $0x7, v27  }
0x4a8: {  	v28 =	vand.u32 $0x7, v28;
	v29 =	vand.u32 $0x7, v29;
	v30 =	vand.u32 $0x7, v30  }
0x4a9: {  	v31 =	vand.u32 $0x7, v31;
	v32 =	vand.u32 $0x7, v56;
	v50 =	vand.u32 $0x7, v57  }
0x4aa: {  	v60 =	vcvt.s32.f32 v18;
	v22 =	vadd.s32 v8, v10;
	v8 =	vshrl.u32 v11, $0xF  }
0x4ab: {  	v10 =	vshrl.u32 v12, $0x3;
	v34 =	vshrl.u32 v17, $0x3;
	v35 =	vshrl.u32 v17, $0x6  }
0x4ac: {  	v36 =	vshrl.u32 v17, $0x9;
	v37 =	vshrl.u32 v17, $0xC;
	v38 =	vshrl.u32 v17, $0xF  }
0x4ad: {  	v39 =	vshrl.u32 v21, $0x3;
	v40 =	vshrl.u32 v21, $0x6;
	v41 =	vshrl.u32 v21, $0x9  }
0x4ae: {  	v42 =	vshrl.u32 v21, $0xC;
	v43 =	vshrl.u32 v21, $0xF;
	v15 =	vcvt.s32.f32 v15  }
0x4af: {  	v7 =	vand.u32 $0x7, v7;
	v24 =	vcvt.s32.f32 v24;
	v62 =	vcvt.s32.f32 v25  }
0x4b0: {  	v9 =	vand.u32 $0x7, v9;
	v51 =	vcvt.s32.f32 v26;
	v52 =	vcvt.s32.f32 v27  }
0x4b1: {  	v14 =	vand.u32 $0x7, v14;
	v33 =	vcvt.s32.f32 v28;
	v19 =	vcvt.s32.f32 v29  }
0x4b2: {  	v16 =	vand.u32 $0x7, v16;
	v18 =	vcvt.s32.f32 v31;
	v32 =	vcvt.s32.f32 v32  }
0x4b3: {  	v31 =	vcvt.s32.f32 v50;
	v44 =	vshrl.u32 v22, $0x3;
	v45 =	vshrl.u32 v22, $0x6  }
0x4b4: {  	s29 =	simm.s32 $0x18180;
	v46 =	vshrl.u32 v22, $0x9;
	v47 =	vshrl.u32 v22, $0xC;
	v48 =	vshrl.u32 v22, $0xF  }
0x4b5: {  	[tilespmem:s29+$0x170] =	vst v2;
	v49 =	vand.u32 $0x7, v8;
	v10 =	vand.u32 $0x7, v10;
	v34 =	vand.u32 $0x7, v34  }
0x4b6: {  	[tilespmem:s29+$0x90] =	vst v61;
	v35 =	vand.u32 $0x7, v35;
	v36 =	vand.u32 $0x7, v36;
	v37 =	vand.u32 $0x7, v37  }
0x4b7: {  	[tilespmem:s29+$0x110] =	vst v23;
	v38 =	vand.u32 $0x7, v38;
	v39 =	vand.u32 $0x7, v39;
	v40 =	vand.u32 $0x7, v40  }
0x4b8: {  	v41 =	vand.u32 $0x7, v41;
	v42 =	vand.u32 $0x7, v42;
	v58 =	vcvt.s32.f32 v7;
	[tilespmem:s29+$0x10] =	vst v60  }
0x4b9: {  	v43 =	vand.u32 $0x7, v43;
	v2 =	vcvt.s32.f32 v9;
	v14 =	vcvt.s32.f32 v14;
	[tilespmem:s29+$0xFFFFFF00] =	vst v15  }
0x4ba: {  	v16 =	vcvt.s32.f32 v16;
	v44 =	vand.u32 $0x7, v44;
	v45 =	vand.u32 $0x7, v45;
	[tilespmem:s29+$0xFFFFFF20] =	vst v24  }
0x4bb: {  	v8 =	vand.u32 $0x7, v46;
	v9 =	vand.u32 $0x7, v47;
	v15 =	vcvt.s32.f32 v49;
	[tilespmem:s29+$0xFFFFFFA0] =	vst v62  }
0x4bc: {  	v59 =	vcvt.s32.f32 v10;
	v7 =	vand.u32 $0x7, v48;
	v10 =	vand.u32 $0x7, v3;
	[tilespmem:s29+$0x20] =	vst v51  }
0x4bd: {  	v3 =	vand.u32 $0x7, v4;
	v29 =	vcvt.s32.f32 v35;
	v28 =	vcvt.s32.f32 v36;
	[tilespmem:s29+$0xA0] =	vst v52  }
0x4be: {  	v4 =	vand.u32 $0x7, v11;
	v27 =	vcvt.s32.f32 v37;
	v26 =	vcvt.s32.f32 v38;
	[tilespmem:s29+$0xFFFFFF80] =	vst v58  }
0x4bf: {  	v25 =	vcvt.s32.f32 v39;
	v11 =	vand.u32 $0x7, v21;
	v24 =	vcvt.s32.f32 v40;
	[tilespmem:s29+$0x0] =	vst v2  }
0x4c0: {  	v23 =	vcvt.s32.f32 v41;
	v21 =	vcvt.s32.f32 v43;
	[tilespmem:s29+$0x80] =	vst v14;
	v2 =	vand.u32 $0x7, v12  }
0x4c1: {  	[tilespmem:s29+$0xFFFFFF90] =	vst v16;
	v16 =	vcvt.s32.f32 v30;
	v30 =	vcvt.s32.f32 v34;
	v12 =	vand.u32 $0x7, v20  }
0x4c2: {  	v14 =	vand.u32 $0x7, v17;
	v20 =	vcvt.s32.f32 v44;
	v17 =	vcvt.s32.f32 v45;
	[tilespmem:s29+$0x100] =	vst v15  }
0x4c3: {  	s31 =	simm.s32 $0x0;
	s30 =	simm.s32 $0x18180;
	s0 =	simm.s32 $0x8540;
	[tilespmem:s29+$0xFFFFFF10] =	vst v59;
	v15 =	vand.u32 $0x7, v5;
	v5 =	vand.u32 $0x7, v22;
	v22 =	vcvt.s32.f32 v42  }
.LBB2_12:
0x4c4: {  	v34 =	vld [tilespmem:s0+$0xFFFFFF30];
	[tilespmem:s29+$0x120] =	vst v33;
	v33 =	vcvt.s32.f32 v8;
	v35 =	vcvt.s32.f32 v9  }
0x4c5: {  	s31 =	sadd.s32 $0x80, s31;
	v36 =	vcvt.s32.f32 v7;
	v37 =	vcvt.s32.f32 v10;
	v9 =	vld [tilespmem:s0+$0xFFFFFFB0];
	[tilespmem:s29+$0xFFFFFF30] =	vst v19  }
0x4c6: {  	v38 =	vcvt.s32.f32 v3;
	p0 =	slt.u32 s31, $0xF80;
	v19 =	vcvt.s32.f32 v6;
	v7 =	vld [tilespmem:s0+$0x30];
	[tilespmem:s29+$0xFFFFFFB0] =	vst v16  }
0x4c7: {  	v16 =	vcvt.s32.f32 v4;
	v3 =	vld [tilespmem:s0+$0xB0];
	[tilespmem:s29+$0x30] =	vst v18;
	v18 =	vcvt.s32.f32 v15  }
0x4c8: {  	v13 =	vcvt.s32.f32 v13;
	v15 =	vcvt.s32.f32 v2;
	v4 =	vld [tilespmem:s0+$0x130];
	[tilespmem:s29+$0xB0] =	vst v32  }
0x4c9: {  	v10 =	vcvt.s32.f32 v12;
	v8 =	vcvt.s32.f32 v14;
	v2 =	vld [tilespmem:s0+$0xFFFFFF40];
	[tilespmem:s29+$0x130] =	vst v31  }
0x4ca: {  	v14 =	vmul.u32 $0x3, v34;
	v12 =	vld [tilespmem:s0+$0xFFFFFED0];
	v31 =	vmul.u32 $0x3, v9;
	[tilespmem:s29+$0xFFFFFF40] =	vst v30;
	v9 =	vcvt.s32.f32 v11  }
0x4cb: {  	v6 =	vcvt.s32.f32 v1;
	v11 =	vld [tilespmem:s0+$0xFFFFFF50];
	v30 =	vmul.u32 $0x3, v7;
	[tilespmem:s29+$0xFFFFFFC0] =	vst v29;
	v7 =	vcvt.s32.f32 v5  }
0x4cc: {  	v1 =	vshll.u32 v0, v14;
	v5 =	vld [tilespmem:s0+$0xFFFFFEE0];
	v14 =	vshll.u32 v0, v31;
	v3 =	vmul.u32 $0x3, v3;
	[tilespmem:s29+$0x40] =	vst v28  }
0x4cd: {  	v28 =	vld [tilespmem:s0+$0xFFFFFF60];
	v1 =	vadd.s32 v1, v14;
	v14 =	vshll.u32 v0, v30;
	v4 =	vmul.u32 $0x3, v4;
	[tilespmem:s29+$0xC0] =	vst v27  }
0x4ce: {  	v2 =	vmul.u32 $0x3, v2;
	v27 =	vld [tilespmem:s0+$0xFFFFFEF0];
	v1 =	vadd.s32 v14, v1;
	v3 =	vshll.u32 v0, v3;
	[tilespmem:s29+$0x140] =	vst v26  }
0x4cf: {  	v12 =	vmul.u32 $0x3, v12;
	v14 =	vld [tilespmem:s0+$0xFFFFFF70];
	v1 =	vadd.s32 v3, v1;
	v3 =	vshll.u32 v0, v4;
	[tilespmem:s29+$0xFFFFFF50] =	vst v25  }
0x4d0: {  	v25 =	vshll.u32 v0, v2;
	v2 =	vmul.u32 $0x3, v11;
	v4 =	vld [tilespmem:s0+$0xFFFFFF00];
	v1 =	vadd.s32 v3, v1;
	[tilespmem:s29+$0xFFFFFFD0] =	vst v24  }
0x4d1: {  	v3 =	vshll.u32 v0, v12;
	v5 =	vmul.u32 $0x3, v5;
	v11 =	vld [tilespmem:s0+$0xFFFFFF80];
	v12 =	vshrl.u32 v1, $0xF;
	[tilespmem:s29+$0x50] =	vst v23  }
0x4d2: {  	v2 =	vshll.u32 v0, v2;
	v23 =	vmul.u32 $0x3, v28;
	v24 =	vld [tilespmem:s0+$0xFFFFFF10];
	v12 =	vand.u32 $0x7, v12;
	[tilespmem:s29+$0xD0] =	vst v22  }
0x4d3: {  	v5 =	vshll.u32 v0, v5;
	v22 =	vmul.u32 $0x3, v27;
	v26 =	vld [tilespmem:s0+$0xFFFFFF90];
	v12 =	vcvt.s32.f32 v12;
	[tilespmem:s29+$0x150] =	vst v21  }
0x4d4: {  	v21 =	vadd.s32 v3, v2;
	s29 =	sadd.s32 $0x400, s29;
	v2 =	vshll.u32 v0, v23;
	v3 =	vmul.u32 $0x3, v14;
	v14 =	vld [tilespmem:s0+$0xFFFFFF20];
	[tilespmem:s30+$0xFFFFFF60] =	vst v20  }
0x4d5: {  	v20 =	vadd.s32 v5, v2;
	v5 =	vshll.u32 v0, v22;
	v4 =	vmul.u32 $0x3, v4;
	v22 =	vld [tilespmem:s0+$0xFFFFFFA0];
	[tilespmem:s29+$0x170] =	vst v12  }
0x4d6: {  	v2 =	vshrl.u32 v1, $0x3;
	v12 =	vld [tilespmem:s0+$0xFFFFFEC0];
	v3 =	vshll.u32 v0, v3;
	v11 =	vmul.u32 $0x3, v11;
	[tilespmem:s30+$0xFFFFFFE0] =	vst v17  }
0x4d7: {  	v17 =	vld [tilespmem:s0+$0xFFFFFFC0];
	v23 =	vadd.s32 v5, v3;
	v4 =	vshll.u32 v0, v4;
	v5 =	vmul.u32 $0x3, v24;
	[tilespmem:s30+$0x60] =	vst v33  }
0x4d8: {  	v3 =	vshrl.u32 v1, $0x6;
	v24 =	vld [tilespmem:s0+$0xFFFFFFD0];
	v11 =	vshll.u32 v0, v11;
	v26 =	vmul.u32 $0x3, v26;
	[tilespmem:s30+$0xE0] =	vst v35  }
0x4d9: {  	v27 =	vld [tilespmem:s0+$0xFFFFFFE0];
	v11 =	vadd.s32 v4, v11;
	v5 =	vshll.u32 v0, v5;
	v14 =	vmul.u32 $0x3, v14;
	[tilespmem:s30+$0x160] =	vst v36  }
0x4da: {  	v4 =	vshrl.u32 v1, $0x9;
	v28 =	vld [tilespmem:s0+$0xFFFFFFF0];
	v26 =	vshll.u32 v0, v26;
	v22 =	vmul.u32 $0x3, v22;
	[tilespmem:s30+$0xFFFFFF70] =	vst v37  }
0x4db: {  	v12 =	vmul.u32 $0x3, v12;
	v29 =	vld [tilespmem:s0+$0x0];
	v26 =	vadd.s32 v5, v26;
	v14 =	vshll.u32 v0, v14;
	[tilespmem:s30+$0xFFFFFFF0] =	vst v38  }
0x4dc: {  	v5 =	vshrl.u32 v1, $0xC;
	v17 =	vmul.u32 $0x3, v17;
	v30 =	vld [tilespmem:s0+$0x10];
	v22 =	vshll.u32 v0, v22;
	[tilespmem:s30+$0x70] =	vst v19  }
0x4dd: {  	v12 =	vshll.u32 v0, v12;
	v19 =	vmul.u32 $0x3, v24;
	v14 =	vadd.s32 v14, v22;
	v22 =	vld [tilespmem:s0+$0x20];
	[tilespmem:s30+$0xF0] =	vst v18  }
0x4de: {  	v12 =	vadd.s32 v12, v25;
	v17 =	vshll.u32 v0, v17;
	v18 =	vld [tilespmem:s0+$0x40];
	v24 =	vmul.u32 $0x3, v27;
	[tilespmem:s30+$0xFFFFFE80] =	vst v16  }
0x4df: {  	v12 =	vadd.s32 v17, v12;
	v16 =	vshll.u32 v0, v19;
	v17 =	vld [tilespmem:s0+$0x50];
	v19 =	vmul.u32 $0x3, v28;
	[tilespmem:s30+$0xFFFFFE90] =	vst v15  }
0x4e0: {  	v15 =	vadd.s32 v16, v21;
	v16 =	vshll.u32 v0, v24;
	v21 =	vld [tilespmem:s0+$0x60];
	v24 =	vmul.u32 $0x3, v29;
	[tilespmem:s30+$0xFFFFFEA0] =	vst v13  }
0x4e1: {  	v13 =	vadd.s32 v16, v20;
	v16 =	vshll.u32 v0, v19;
	v19 =	vld [tilespmem:s0+$0x70];
	v20 =	vmul.u32 $0x3, v30;
	[tilespmem:s30+$0xFFFFFEB0] =	vst v10  }
0x4e2: {  	v10 =	vadd.s32 v16, v23;
	v16 =	vshll.u32 v0, v24;
	v23 =	vld [tilespmem:s0+$0x80];
	v22 =	vmul.u32 $0x3, v22;
	[tilespmem:s30+$0xFFFFFEC0] =	vst v8  }
0x4e3: {  	v8 =	vmul.u32 $0x3, v18;
	v11 =	vadd.s32 v16, v11;
	v16 =	vshll.u32 v0, v20;
	v18 =	vld [tilespmem:s0+$0x90];
	[tilespmem:s30+$0xFFFFFED0] =	vst v9  }
0x4e4: {  	v9 =	vmul.u32 $0x3, v17;
	v16 =	vadd.s32 v16, v26;
	v17 =	vshll.u32 v0, v22;
	v20 =	vld [tilespmem:s0+$0xA0];
	[tilespmem:s30+$0xFFFFFEE0] =	vst v7  }
0x4e5: {  	v7 =	vshll.u32 v0, v8;
	v8 =	vld [tilespmem:s0+$0xC0];
	v21 =	vmul.u32 $0x3, v21;
	v14 =	vadd.s32 v17, v14;
	[tilespmem:s30+$0xFFFFFEF0] =	vst v6;
	s30 =	smov.u32 s29  }
0x4e6: {  	v6 =	vadd.s32 v7, v12;
	v7 =	vshll.u32 v0, v9;
	v9 =	vld [tilespmem:s0+$0xD0];
	v12 =	vmul.u32 $0x3, v19  }
0x4e7: {  	v7 =	vadd.s32 v7, v15;
	v15 =	vshll.u32 v0, v21;
	v17 =	vld [tilespmem:s0+$0xE0];
	v19 =	vmul.u32 $0x3, v23  }
0x4e8: {  	v13 =	vadd.s32 v15, v13;
	v12 =	vshll.u32 v0, v12;
	v15 =	vld [tilespmem:s0+$0xF0];
	v18 =	vmul.u32 $0x3, v18  }
0x4e9: {  	v10 =	vadd.s32 v12, v10;
	v12 =	vshll.u32 v0, v19;
	v19 =	vld [tilespmem:s0+$0x100];
	v20 =	vmul.u32 $0x3, v20  }
0x4ea: {  	v8 =	vmul.u32 $0x3, v8;
	v11 =	vadd.s32 v12, v11;
	v12 =	vshll.u32 v0, v18;
	v18 =	vld [tilespmem:s0+$0x110]  }
0x4eb: {  	v9 =	vmul.u32 $0x3, v9;
	v12 =	vadd.s32 v12, v16;
	v16 =	vshll.u32 v0, v20;
	v20 =	vld [tilespmem:s0+$0x120]  }
0x4ec: {  	v8 =	vshll.u32 v0, v8;
	v17 =	vmul.u32 $0x3, v17;
	v14 =	vadd.s32 v16, v14  }
0x4ed: {  	v16 =	vadd.s32 v8, v6;
	v6 =	vshll.u32 v0, v9;
	v8 =	vmul.u32 $0x3, v15  }
0x4ee: {  	v15 =	vadd.s32 v6, v7;
	v6 =	vshll.u32 v0, v17;
	v7 =	vmul.u32 $0x3, v19  }
0x4ef: {  	v13 =	vadd.s32 v6, v13;
	v6 =	vshll.u32 v0, v8;
	v8 =	vmul.u32 $0x3, v18  }
0x4f0: {  	v17 =	vadd.s32 v6, v10;
	v6 =	vshll.u32 v0, v7;
	v7 =	vmul.u32 $0x3, v20  }
0x4f1: {  	v9 =	vshrl.u32 v16, $0x3;
	v11 =	vadd.s32 v6, v11;
	v6 =	vshll.u32 v0, v8  }
0x4f2: {  	v8 =	vshrl.u32 v16, $0x6;
	v18 =	vadd.s32 v6, v12;
	v6 =	vshll.u32 v0, v7  }
0x4f3: {  	v10 =	vshrl.u32 v16, $0xC;
	v7 =	vshrl.u32 v16, $0x9;
	v19 =	vadd.s32 v6, v14  }
0x4f4: {  	v12 =	vshrl.u32 v15, $0x3;
	v6 =	vshrl.u32 v16, $0xF;
	v14 =	vshrl.u32 v15, $0x6  }
0x4f5: {  	v21 =	vshrl.u32 v15, $0xC;
	v22 =	vshrl.u32 v15, $0xF;
	v20 =	vshrl.u32 v15, $0x9  }
0x4f6: {  	v23 =	vshrl.u32 v13, $0x3;
	v24 =	vshrl.u32 v13, $0x6;
	v25 =	vshrl.u32 v13, $0x9  }
0x4f7: {  	v26 =	vshrl.u32 v13, $0xC;
	v27 =	vshrl.u32 v13, $0xF;
	v28 =	vshrl.u32 v17, $0x3  }
0x4f8: {  	v29 =	vshrl.u32 v17, $0x6;
	v30 =	vshrl.u32 v17, $0x9;
	v31 =	vshrl.u32 v17, $0xC  }
0x4f9: {  	v32 =	vshrl.u32 v17, $0xF;
	v33 =	vshrl.u32 v11, $0x3;
	v34 =	vshrl.u32 v11, $0x6  }
0x4fa: {  	v35 =	vshrl.u32 v11, $0x9;
	v36 =	vshrl.u32 v11, $0xC;
	v37 =	vshrl.u32 v11, $0xF  }
0x4fb: {  	v38 =	vshrl.u32 v18, $0x3;
	v39 =	vshrl.u32 v18, $0x6;
	v40 =	vshrl.u32 v18, $0x9  }
0x4fc: {  	v41 =	vshrl.u32 v18, $0xC;
	v42 =	vshrl.u32 v18, $0xF;
	v43 =	vshrl.u32 v19, $0x3  }
0x4fd: {  	v44 =	vshrl.u32 v19, $0x6;
	v45 =	vshrl.u32 v19, $0x9;
	v46 =	vshrl.u32 v19, $0xC  }
0x4fe: {  	v47 =	vand.u32 $0x7, v9;
	v48 =	vand.u32 $0x7, v8;
	v49 =	vshrl.u32 v19, $0xF  }
0x4ff: {  	v51 =	vand.u32 $0x7, v10;
	v50 =	vand.u32 $0x7, v7;
	v52 =	vand.u32 $0x7, v6  }
0x500: {  	v20 =	vand.u32 $0x7, v20;
	v53 =	vand.u32 $0x7, v12;
	v54 =	vand.u32 $0x7, v14  }
0x501: {  	v21 =	vand.u32 $0x7, v21;
	v22 =	vand.u32 $0x7, v22;
	v23 =	vand.u32 $0x7, v23  }
0x502: {  	v24 =	vand.u32 $0x7, v24;
	v25 =	vand.u32 $0x7, v25;
	v26 =	vand.u32 $0x7, v26  }
0x503: {  	v27 =	vand.u32 $0x7, v27;
	v28 =	vand.u32 $0x7, v28;
	v29 =	vand.u32 $0x7, v29  }
0x504: {  	v30 =	vand.u32 $0x7, v30;
	v31 =	vand.u32 $0x7, v31;
	v55 =	vand.u32 $0x7, v32  }
0x505: {  	v56 =	vand.u32 $0x7, v33;
	v34 =	vand.u32 $0x7, v34;
	v35 =	vand.u32 $0x7, v35  }
0x506: {  	v36 =	vand.u32 $0x7, v36;
	v37 =	vand.u32 $0x7, v37;
	v38 =	vand.u32 $0x7, v38  }
0x507: {  	v39 =	vand.u32 $0x7, v39;
	v40 =	vand.u32 $0x7, v40;
	v41 =	vand.u32 $0x7, v41  }
0x508: {  	v42 =	vand.u32 $0x7, v42;
	v43 =	vand.u32 $0x7, v43;
	v44 =	vand.u32 $0x7, v44  }
0x509: {  	v8 =	vand.u32 $0x7, v45;
	v9 =	vand.u32 $0x7, v46;
	v7 =	vand.u32 $0x7, v49  }
0x50a: {  	v3 =	vand.u32 $0x7, v3;
	v10 =	vand.u32 $0x7, v2;
	v6 =	vand.u32 $0x7, v4  }
0x50b: {  	v2 =	vand.u32 $0x7, v15;
	v15 =	vand.u32 $0x7, v5;
	v4 =	vand.u32 $0x7, v16  }
0x50c: {  	v13 =	vand.u32 $0x7, v13;
	v12 =	vand.u32 $0x7, v17;
	v14 =	vand.u32 $0x7, v11  }
0x50d: {  	v1 =	vand.u32 $0x7, v1;
	v11 =	vand.u32 $0x7, v18;
	v5 =	vand.u32 $0x7, v19  }
0x50e: {  	v17 =	vcvt.s32.f32 v48;
	v16 =	vcvt.s32.f32 v47  }
0x50f: {  	v18 =	vcvt.s32.f32 v50;
	v19 =	vcvt.s32.f32 v51  }
0x510: {  	v32 =	vcvt.s32.f32 v53;
	[tilespmem:s29+$0xFFFFFF00] =	vst v16;
	v16 =	vcvt.s32.f32 v52  }
0x511: {  	v20 =	vcvt.s32.f32 v20;
	[tilespmem:s29+$0xFFFFFF80] =	vst v17;
	v17 =	vcvt.s32.f32 v54  }
0x512: {  	v21 =	vcvt.s32.f32 v21;
	v22 =	vcvt.s32.f32 v22;
	[tilespmem:s29+$0x0] =	vst v18  }
0x513: {  	v23 =	vcvt.s32.f32 v23;
	v24 =	vcvt.s32.f32 v24;
	[tilespmem:s29+$0x80] =	vst v19  }
0x514: {  	v45 =	vcvt.s32.f32 v25;
	v46 =	vcvt.s32.f32 v26;
	[tilespmem:s29+$0x100] =	vst v16  }
0x515: {  	v33 =	vcvt.s32.f32 v27;
	v19 =	vcvt.s32.f32 v28;
	[tilespmem:s29+$0xFFFFFF10] =	vst v32  }
0x516: {  	v18 =	vcvt.s32.f32 v30;
	v16 =	vcvt.s32.f32 v29;
	[tilespmem:s29+$0xFFFFFF90] =	vst v17  }
0x517: {  	v32 =	vcvt.s32.f32 v31;
	v31 =	vcvt.s32.f32 v55;
	[tilespmem:s29+$0x10] =	vst v20  }
0x518: {  	v30 =	vcvt.s32.f32 v56;
	v29 =	vcvt.s32.f32 v34;
	[tilespmem:s29+$0x90] =	vst v21  }
.Ltmp5:
0x519: {  	v27 =	vcvt.s32.f32 v36;
	v28 =	vcvt.s32.f32 v35;
	[tilespmem:s29+$0x110] =	vst v22;
	(pc) =	sbr.rel @p0 .LBB2_12-.Ltmp5, $4  }
0x51a: {  	v26 =	vcvt.s32.f32 v37;
	v25 =	vcvt.s32.f32 v38;
	[tilespmem:s29+$0xFFFFFF20] =	vst v23  }
0x51b: {  	v23 =	vcvt.s32.f32 v40;
	[tilespmem:s29+$0xFFFFFFA0] =	vst v24;
	v24 =	vcvt.s32.f32 v39  }
0x51c: {  	v21 =	vcvt.s32.f32 v42;
	v22 =	vcvt.s32.f32 v41;
	[tilespmem:s29+$0x20] =	vst v45  }
0x51d: {  	s0 =	sadd.s32 $0x400, s0;
	v17 =	vcvt.s32.f32 v44;
	v20 =	vcvt.s32.f32 v43;
	[tilespmem:s29+$0xA0] =	vst v46  }
0x51e: {  	[tilespmem:s29+$0x120] =	vst v33  }
0x51f: {  	[tilespmem:s29+$0xFFFFFF30] =	vst v19  }
0x520: {  	[tilespmem:s29+$0xFFFFFFB0] =	vst v16  }
0x521: {  	[tilespmem:s29+$0x30] =	vst v18  }
0x522: {  	[tilespmem:s29+$0xB0] =	vst v32  }
0x523: {  	[tilespmem:s29+$0x130] =	vst v31  }
0x524: {  	[tilespmem:s29+$0xFFFFFF40] =	vst v30  }
0x525: {  	[tilespmem:s29+$0xFFFFFFC0] =	vst v29  }
0x526: {  	[tilespmem:s29+$0x40] =	vst v28  }
0x527: {  	[tilespmem:s29+$0xC0] =	vst v27  }
0x528: {  	[tilespmem:s29+$0x140] =	vst v26  }
0x529: {  	[tilespmem:s29+$0xFFFFFF50] =	vst v25  }
0x52a: {  	[tilespmem:s29+$0xFFFFFFD0] =	vst v24  }
0x52b: {  	[tilespmem:s29+$0x50] =	vst v23  }
0x52c: {  	[tilespmem:s29+$0xD0] =	vst v22  }
0x52d: {  	[tilespmem:s29+$0x150] =	vst v21  }
0x52e: {  	v8 =	vcvt.s32.f32 v8;
	[tilespmem:s30+$0xFFFFFF60] =	vst v20  }
0x52f: {  	v9 =	vcvt.s32.f32 v9;
	[tilespmem:s30+$0xFFFFFFE0] =	vst v17  }
0x530: {  	v7 =	vcvt.s32.f32 v7;
	[tilespmem:s30+$0x60] =	vst v8  }
0x531: {  	v3 =	vcvt.s32.f32 v3;
	[tilespmem:s30+$0xE0] =	vst v9  }
0x532: {  	v6 =	vcvt.s32.f32 v6;
	[tilespmem:s30+$0x160] =	vst v7  }
0x533: {  	v2 =	vcvt.s32.f32 v2;
	[tilespmem:s30+$0xFFFFFFF0] =	vst v3  }
0x534: {  	v1 =	vcvt.s32.f32 v1;
	[tilespmem:s30+$0x70] =	vst v6  }
0x535: {  	v8 =	vcvt.s32.f32 v10;
	[tilespmem:s30+$0xFFFFFE90] =	vst v2  }
0x536: {  	v7 =	vcvt.s32.f32 v15;
	[tilespmem:s30+$0xFFFFFEF0] =	vst v1  }
0x537: {  	v3 =	vcvt.s32.f32 v4;
	[tilespmem:s30+$0xFFFFFF70] =	vst v8  }
0x538: {  	v4 =	vcvt.s32.f32 v13;
	[tilespmem:s30+$0xF0] =	vst v7  }
0x539: {  	v2 =	vcvt.s32.f32 v14;
	[tilespmem:s30+$0xFFFFFE80] =	vst v3  }
0x53a: {  	v3 =	vcvt.s32.f32 v12;
	[tilespmem:s30+$0xFFFFFEA0] =	vst v4  }
0x53b: {  	v4 =	vcvt.s32.f32 v11;
	[tilespmem:s30+$0xFFFFFEC0] =	vst v2  }
0x53c: {  	[tilespmem:s30+$0xFFFFFEB0] =	vst v3;
	v3 =	vcvt.s32.f32 v5  }
0x53d: {  	[tilespmem:s30+$0xFFFFFED0] =	vst v4  }
0x53e: {  	[tilespmem:s30+$0xFFFFFEE0] =	vst v3  }
0x53f: {  	[hbm4b:s15+s2] =	stream.linear.scatter [tilespmem:s24], [sflag:$0x4], $0x8000, $0x38;
	v63 =	vld [tilespmem:$0x0]  }
0x540: {  	_ = 	snop  }
0x541: {  	[tilespmem:s20], [sflag:$0x2] =	stream.linear.gather [hbm4b:s16+s2], $0x8000, $0x38;
	v63 =	vld [tilespmem:$0x0]  }
0x542: {  	_ =	swait.ge [sflag:s21], $0x8000  }
0x543: {  	[sflag:s21] =	ssyncset.done $0x0  }
0x544: {  	[sflag:s21] =	ssyncadd.s32 $0xFFFF8000  }
0x545: {  	_ =	swait.ge [sflag:s25], $0x8000  }
0x546: {  	[sflag:s25] =	ssyncset.done $0x0  }
0x547: {  	s0 =	simm.s32 $0x140;
	[sflag:s25] =	ssyncadd.s32 $0xFFFF8000  }
0x548: {  	v1 =	vld [tilespmem:s0+$0xFFFFFF30]  }
0x549: {  	v2 =	vld [tilespmem:s0+$0xFFFFFFB0]  }
0x54a: {  	v3 =	vld [tilespmem:s0+$0x30]  }
0x54b: {  	v4 =	vld [tilespmem:s0+$0xB0]  }
0x54c: {  	v5 =	vld [tilespmem:s0+$0x130]  }
0x54d: {  	v10 =	vld [tilespmem:s0+$0xFFFFFF60]  }
0x54e: {  	v12 =	vld [tilespmem:s0+$0xFFFFFF10]  }
0x54f: {  	v14 =	vld [tilespmem:s0+$0xFFFFFF90]  }
0x550: {  	v16 =	vld [tilespmem:s0+$0xFFFFFFC0]  }
0x551: {  	v17 =	vld [tilespmem:s0+$0xFFFFFFD0]  }
0x552: {  	v18 =	vld [tilespmem:s0+$0xFFFFFFE0]  }
0x553: {  	v21 =	vld [tilespmem:s0+$0x10]  }
0x554: {  	v6 =	vld [tilespmem:s0+$0xFFFFFF40];
	v1 =	vmul.u32 $0x3, v1;
	v2 =	vmul.u32 $0x3, v2  }
0x555: {  	v7 =	vld [tilespmem:s0+$0xFFFFFED0];
	v3 =	vmul.u32 $0x3, v3;
	v4 =	vmul.u32 $0x3, v4;
	v10 =	vmul.u32 $0x3, v10  }
0x556: {  	v8 =	vld [tilespmem:s0+$0xFFFFFF50];
	v12 =	vmul.u32 $0x3, v12;
	v14 =	vmul.u32 $0x3, v14;
	v16 =	vmul.u32 $0x3, v16  }
0x557: {  	v9 =	vld [tilespmem:s0+$0xFFFFFEE0];
	v17 =	vmul.u32 $0x3, v17;
	v1 =	vshll.u32 v0, v1;
	v2 =	vshll.u32 v0, v2  }
0x558: {  	v18 =	vmul.u32 $0x3, v18;
	v21 =	vmul.u32 $0x3, v21;
	v1 =	vadd.s32 v1, v2  }
0x559: {  	v2 =	vshll.u32 v0, v3;
	v3 =	vmul.u32 $0x3, v5;
	v5 =	vmul.u32 $0x3, v6  }
0x55a: {  	v6 =	vld [tilespmem:s0+$0xFFFFFEF0];
	v1 =	vadd.s32 v2, v1;
	v2 =	vshll.u32 v0, v4;
	v4 =	vmul.u32 $0x3, v7  }
0x55b: {  	v1 =	vadd.s32 v2, v1;
	v2 =	vshll.u32 v0, v3;
	v11 =	vshll.u32 v0, v5;
	v5 =	vld [tilespmem:s0+$0xFFFFFF00]  }
0x55c: {  	v3 =	vmul.u32 $0x3, v8;
	v8 =	vld [tilespmem:s0+$0xFFFFFF80];
	v1 =	vadd.s32 v2, v1;
	v2 =	vmul.u32 $0x3, v9  }
0x55d: {  	v14 =	vshll.u32 v0, v14;
	v7 =	vld [tilespmem:s0+$0xFFFFFF70];
	v4 =	vshll.u32 v0, v4;
	v9 =	vshrl.u32 v1, $0xF  }
0x55e: {  	v22 =	vld [tilespmem:s0+$0x20];
	v3 =	vshll.u32 v0, v3;
	v9 =	vand.u32 $0x7, v9;
	v13 =	vshll.u32 v0, v2  }
0x55f: {  	v6 =	vmul.u32 $0x3, v6;
	v2 =	vcvt.s32.f32 v9;
	v9 =	vshll.u32 v0, v10;
	v10 =	vld [tilespmem:s0+$0xFFFFFF20]  }
0x560: {  	v17 =	vshll.u32 v0, v17;
	v15 =	vadd.s32 v4, v3;
	v9 =	vadd.s32 v13, v9;
	v13 =	vld [tilespmem:s0+$0xFFFFFEC0]  }
0x561: {  	v4 =	vshll.u32 v0, v6;
	v6 =	vld [tilespmem:s0+$0xFFFFFFA0];
	v5 =	vmul.u32 $0x3, v5;
	v8 =	vmul.u32 $0x3, v8  }
0x562: {  	v18 =	vshll.u32 v0, v18;
	v21 =	vshll.u32 v0, v21;
	v7 =	vmul.u32 $0x3, v7  }
0x563: {  	v3 =	vshrl.u32 v1, $0x3;
	v5 =	vshll.u32 v0, v5;
	v8 =	vshll.u32 v0, v8  }
0x564: {  	v7 =	vshll.u32 v0, v7;
	v8 =	vadd.s32 v5, v8;
	v5 =	vshll.u32 v0, v12;
	v12 =	vld [tilespmem:s0+$0xFFFFFFF0]  }
0x565: {  	v20 =	vld [tilespmem:s0+$0x0];
	v9 =	vadd.s32 v18, v9;
	v10 =	vmul.u32 $0x3, v10;
	v13 =	vmul.u32 $0x3, v13  }
0x566: {  	v18 =	vmul.u32 $0x3, v22;
	v7 =	vadd.s32 v4, v7;
	v19 =	vmul.u32 $0x3, v6  }
0x567: {  	v22 =	vld [tilespmem:s0+$0x90];
	v4 =	vshrl.u32 v1, $0x6;
	v10 =	vshll.u32 v0, v10;
	v13 =	vshll.u32 v0, v13  }
0x568: {  	v19 =	vshll.u32 v0, v19;
	v11 =	vadd.s32 v13, v11;
	v13 =	vshll.u32 v0, v16;
	v16 =	vld [tilespmem:s0+$0x40]  }
0x569: {  	v18 =	vshll.u32 v0, v18;
	v10 =	vadd.s32 v10, v19;
	v19 =	vld [tilespmem:s0+$0x50];
	v12 =	vmul.u32 $0x3, v12  }
0x56a: {  	v11 =	vadd.s32 v13, v11;
	v13 =	vadd.s32 v17, v15;
	v15 =	vld [tilespmem:s0+$0x60];
	v17 =	vmul.u32 $0x3, v20  }
0x56b: {  	v14 =	vadd.s32 v5, v14;
	v5 =	vshrl.u32 v1, $0xC;
	v20 =	vld [tilespmem:s0+$0x70];
	v12 =	vshll.u32 v0, v12  }
0x56c: {  	v6 =	vshrl.u32 v1, $0x9;
	v7 =	vadd.s32 v12, v7;
	v12 =	vshll.u32 v0, v17;
	v17 =	vld [tilespmem:s0+$0x80]  }
0x56d: {  	v14 =	vadd.s32 v21, v14;
	v1 =	vand.u32 $0x7, v1;
	v16 =	vmul.u32 $0x3, v16  }
0x56e: {  	v22 =	vmul.u32 $0x3, v22;
	v8 =	vadd.s32 v12, v8;
	v12 =	vmul.u32 $0x3, v19;
	v19 =	vld [tilespmem:s0+$0xA0]  }
0x56f: {  	v21 =	vld [tilespmem:s0+$0xC0];
	v10 =	vadd.s32 v18, v10;
	v15 =	vmul.u32 $0x3, v15;
	v16 =	vshll.u32 v0, v16  }
0x570: {  	v18 =	vld [tilespmem:s0+$0xD0];
	v20 =	vmul.u32 $0x3, v20;
	v12 =	vshll.u32 v0, v12;
	v11 =	vadd.s32 v16, v11  }
0x571: {  	v12 =	vadd.s32 v12, v13;
	v13 =	vld [tilespmem:s0+$0xE0];
	v16 =	vmul.u32 $0x3, v17;
	v15 =	vshll.u32 v0, v15  }
0x572: {  	v6 =	vand.u32 $0x7, v6;
	v17 =	vshll.u32 v0, v20;
	v20 =	vld [tilespmem:s0+$0xF0];
	v9 =	vadd.s32 v15, v9  }
0x573: {  	v7 =	vadd.s32 v17, v7;
	v15 =	vshll.u32 v0, v16;
	v16 =	vld [tilespmem:s0+$0x100];
	v17 =	vmul.u32 $0x3, v19  }
0x574: {  	v19 =	vmul.u32 $0x3, v21;
	v21 =	vshll.u32 v0, v22;
	v22 =	vld [tilespmem:s0+$0x110];
	v8 =	vadd.s32 v15, v8  }
0x575: {  	v15 =	vmul.u32 $0x3, v18;
	v14 =	vadd.s32 v21, v14;
	v17 =	vshll.u32 v0, v17  }
0x576: {  	v18 =	vld [tilespmem:s0+$0x120];
	v19 =	vshll.u32 v0, v19;
	v13 =	vmul.u32 $0x3, v13;
	v10 =	vadd.s32 v17, v10  }
0x577: {  	v15 =	vshll.u32 v0, v15;
	v17 =	vmul.u32 $0x3, v20;
	v11 =	vadd.s32 v19, v11  }
0x578: {  	v12 =	vadd.s32 v15, v12;
	v15 =	vmul.u32 $0x3, v16;
	v13 =	vshll.u32 v0, v13  }
0x579: {  	v16 =	vshll.u32 v0, v17;
	v17 =	vmul.u32 $0x3, v22;
	v19 =	vshrl.u32 v12, $0xC  }
0x57a: {  	v23 =	vshrl.u32 v12, $0xF;
	v13 =	vadd.s32 v13, v9;
	v20 =	vadd.s32 v16, v7  }
0x57b: {  	v9 =	vmul.u32 $0x3, v18;
	v18 =	vshrl.u32 v12, $0x9;
	v19 =	vand.u32 $0x7, v19  }
0x57c: {  	v23 =	vand.u32 $0x7, v23;
	v7 =	vshll.u32 v0, v15;
	v15 =	vshrl.u32 v11, $0x3  }
0x57d: {  	v16 =	vshll.u32 v0, v17;
	v24 =	vshrl.u32 v13, $0x3;
	v25 =	vshrl.u32 v13, $0x6  }
0x57e: {  	v26 =	vshrl.u32 v13, $0x9;
	v27 =	vshrl.u32 v13, $0xC;
	v28 =	vshrl.u32 v13, $0xF  }
0x57f: {  	v29 =	vshrl.u32 v20, $0x3;
	v30 =	vshrl.u32 v20, $0x6;
	v31 =	vshrl.u32 v20, $0x9  }
0x580: {  	v56 =	vshrl.u32 v20, $0xC;
	v57 =	vshrl.u32 v20, $0xF;
	v18 =	vand.u32 $0x7, v18  }
0x581: {  	v61 =	vcvt.s32.f32 v19;
	v23 =	vcvt.s32.f32 v23;
	v13 =	vand.u32 $0x7, v13  }
0x582: {  	v17 =	vadd.s32 v7, v8;
	v7 =	vshrl.u32 v11, $0x6;
	v21 =	vadd.s32 v16, v14  }
0x583: {  	v8 =	vshll.u32 v0, v9;
	v9 =	vshrl.u32 v11, $0x9;
	v14 =	vshrl.u32 v11, $0xC  }
0x584: {  	v16 =	vshrl.u32 v12, $0x6;
	v15 =	vand.u32 $0x7, v15;
	v24 =	vand.u32 $0x7, v24  }
0x585: {  	v25 =	vand.u32 $0x7, v25;
	v26 =	vand.u32 $0x7, v26;
	v27 =	vand.u32 $0x7, v27  }
0x586: {  	v28 =	vand.u32 $0x7, v28;
	v29 =	vand.u32 $0x7, v29;
	v30 =	vand.u32 $0x7, v30  }
0x587: {  	v31 =	vand.u32 $0x7, v31;
	v32 =	vand.u32 $0x7, v56;
	v50 =	vand.u32 $0x7, v57  }
0x588: {  	v60 =	vcvt.s32.f32 v18;
	v22 =	vadd.s32 v8, v10;
	v8 =	vshrl.u32 v11, $0xF  }
0x589: {  	v10 =	vshrl.u32 v12, $0x3;
	v34 =	vshrl.u32 v17, $0x3;
	v35 =	vshrl.u32 v17, $0x6  }
0x58a: {  	v36 =	vshrl.u32 v17, $0x9;
	v37 =	vshrl.u32 v17, $0xC;
	v38 =	vshrl.u32 v17, $0xF  }
0x58b: {  	v39 =	vshrl.u32 v21, $0x3;
	v40 =	vshrl.u32 v21, $0x6;
	v41 =	vshrl.u32 v21, $0x9  }
0x58c: {  	v42 =	vshrl.u32 v21, $0xC;
	v43 =	vshrl.u32 v21, $0xF;
	v15 =	vcvt.s32.f32 v15  }
0x58d: {  	v7 =	vand.u32 $0x7, v7;
	v24 =	vcvt.s32.f32 v24;
	v62 =	vcvt.s32.f32 v25  }
0x58e: {  	v9 =	vand.u32 $0x7, v9;
	v51 =	vcvt.s32.f32 v26;
	v52 =	vcvt.s32.f32 v27  }
0x58f: {  	v14 =	vand.u32 $0x7, v14;
	v33 =	vcvt.s32.f32 v28;
	v19 =	vcvt.s32.f32 v29  }
0x590: {  	v16 =	vand.u32 $0x7, v16;
	v18 =	vcvt.s32.f32 v31;
	v32 =	vcvt.s32.f32 v32  }
0x591: {  	v31 =	vcvt.s32.f32 v50;
	v44 =	vshrl.u32 v22, $0x3;
	v45 =	vshrl.u32 v22, $0x6  }
0x592: {  	s29 =	simm.s32 $0x10180;
	v46 =	vshrl.u32 v22, $0x9;
	v47 =	vshrl.u32 v22, $0xC;
	v48 =	vshrl.u32 v22, $0xF  }
0x593: {  	[tilespmem:s29+$0x170] =	vst v2;
	v49 =	vand.u32 $0x7, v8;
	v10 =	vand.u32 $0x7, v10;
	v34 =	vand.u32 $0x7, v34  }
0x594: {  	[tilespmem:s29+$0x90] =	vst v61;
	v35 =	vand.u32 $0x7, v35;
	v36 =	vand.u32 $0x7, v36;
	v37 =	vand.u32 $0x7, v37  }
0x595: {  	[tilespmem:s29+$0x110] =	vst v23;
	v38 =	vand.u32 $0x7, v38;
	v39 =	vand.u32 $0x7, v39;
	v40 =	vand.u32 $0x7, v40  }
0x596: {  	v41 =	vand.u32 $0x7, v41;
	v42 =	vand.u32 $0x7, v42;
	v58 =	vcvt.s32.f32 v7;
	[tilespmem:s29+$0x10] =	vst v60  }
0x597: {  	v43 =	vand.u32 $0x7, v43;
	v2 =	vcvt.s32.f32 v9;
	v14 =	vcvt.s32.f32 v14;
	[tilespmem:s29+$0xFFFFFF00] =	vst v15  }
0x598: {  	v16 =	vcvt.s32.f32 v16;
	v44 =	vand.u32 $0x7, v44;
	v45 =	vand.u32 $0x7, v45;
	[tilespmem:s29+$0xFFFFFF20] =	vst v24  }
0x599: {  	v8 =	vand.u32 $0x7, v46;
	v9 =	vand.u32 $0x7, v47;
	v15 =	vcvt.s32.f32 v49;
	[tilespmem:s29+$0xFFFFFFA0] =	vst v62  }
0x59a: {  	v59 =	vcvt.s32.f32 v10;
	v7 =	vand.u32 $0x7, v48;
	v10 =	vand.u32 $0x7, v3;
	[tilespmem:s29+$0x20] =	vst v51  }
0x59b: {  	v3 =	vand.u32 $0x7, v4;
	v29 =	vcvt.s32.f32 v35;
	v28 =	vcvt.s32.f32 v36;
	[tilespmem:s29+$0xA0] =	vst v52  }
0x59c: {  	v4 =	vand.u32 $0x7, v11;
	v27 =	vcvt.s32.f32 v37;
	v26 =	vcvt.s32.f32 v38;
	[tilespmem:s29+$0xFFFFFF80] =	vst v58  }
0x59d: {  	v25 =	vcvt.s32.f32 v39;
	v11 =	vand.u32 $0x7, v21;
	v24 =	vcvt.s32.f32 v40;
	[tilespmem:s29+$0x0] =	vst v2  }
0x59e: {  	v23 =	vcvt.s32.f32 v41;
	v21 =	vcvt.s32.f32 v43;
	[tilespmem:s29+$0x80] =	vst v14;
	v2 =	vand.u32 $0x7, v12  }
0x59f: {  	[tilespmem:s29+$0xFFFFFF90] =	vst v16;
	v16 =	vcvt.s32.f32 v30;
	v30 =	vcvt.s32.f32 v34;
	v12 =	vand.u32 $0x7, v20  }
0x5a0: {  	v14 =	vand.u32 $0x7, v17;
	v20 =	vcvt.s32.f32 v44;
	v17 =	vcvt.s32.f32 v45;
	[tilespmem:s29+$0x100] =	vst v15  }
0x5a1: {  	s31 =	simm.s32 $0x0;
	s30 =	simm.s32 $0x10180;
	s0 =	simm.s32 $0x540;
	[tilespmem:s29+$0xFFFFFF10] =	vst v59;
	v15 =	vand.u32 $0x7, v5;
	v5 =	vand.u32 $0x7, v22;
	v22 =	vcvt.s32.f32 v42  }
.LBB2_14:
0x5a2: {  	v34 =	vld [tilespmem:s0+$0xFFFFFF30];
	[tilespmem:s29+$0x120] =	vst v33;
	v33 =	vcvt.s32.f32 v8;
	v35 =	vcvt.s32.f32 v9  }
0x5a3: {  	s31 =	sadd.s32 $0x80, s31;
	v36 =	vcvt.s32.f32 v7;
	v37 =	vcvt.s32.f32 v10;
	v9 =	vld [tilespmem:s0+$0xFFFFFFB0];
	[tilespmem:s29+$0xFFFFFF30] =	vst v19  }
0x5a4: {  	v38 =	vcvt.s32.f32 v3;
	p0 =	slt.u32 s31, $0xF80;
	v19 =	vcvt.s32.f32 v6;
	v7 =	vld [tilespmem:s0+$0x30];
	[tilespmem:s29+$0xFFFFFFB0] =	vst v16  }
0x5a5: {  	v16 =	vcvt.s32.f32 v4;
	v3 =	vld [tilespmem:s0+$0xB0];
	[tilespmem:s29+$0x30] =	vst v18;
	v18 =	vcvt.s32.f32 v15  }
0x5a6: {  	v13 =	vcvt.s32.f32 v13;
	v15 =	vcvt.s32.f32 v2;
	v4 =	vld [tilespmem:s0+$0x130];
	[tilespmem:s29+$0xB0] =	vst v32  }
0x5a7: {  	v10 =	vcvt.s32.f32 v12;
	v8 =	vcvt.s32.f32 v14;
	v2 =	vld [tilespmem:s0+$0xFFFFFF40];
	[tilespmem:s29+$0x130] =	vst v31  }
0x5a8: {  	v14 =	vmul.u32 $0x3, v34;
	v12 =	vld [tilespmem:s0+$0xFFFFFED0];
	v31 =	vmul.u32 $0x3, v9;
	[tilespmem:s29+$0xFFFFFF40] =	vst v30;
	v9 =	vcvt.s32.f32 v11  }
0x5a9: {  	v6 =	vcvt.s32.f32 v1;
	v11 =	vld [tilespmem:s0+$0xFFFFFF50];
	v30 =	vmul.u32 $0x3, v7;
	[tilespmem:s29+$0xFFFFFFC0] =	vst v29;
	v7 =	vcvt.s32.f32 v5  }
0x5aa: {  	v1 =	vshll.u32 v0, v14;
	v5 =	vld [tilespmem:s0+$0xFFFFFEE0];
	v14 =	vshll.u32 v0, v31;
	v3 =	vmul.u32 $0x3, v3;
	[tilespmem:s29+$0x40] =	vst v28  }
0x5ab: {  	v28 =	vld [tilespmem:s0+$0xFFFFFF60];
	v1 =	vadd.s32 v1, v14;
	v14 =	vshll.u32 v0, v30;
	v4 =	vmul.u32 $0x3, v4;
	[tilespmem:s29+$0xC0] =	vst v27  }
0x5ac: {  	v2 =	vmul.u32 $0x3, v2;
	v27 =	vld [tilespmem:s0+$0xFFFFFEF0];
	v1 =	vadd.s32 v14, v1;
	v3 =	vshll.u32 v0, v3;
	[tilespmem:s29+$0x140] =	vst v26  }
0x5ad: {  	v12 =	vmul.u32 $0x3, v12;
	v14 =	vld [tilespmem:s0+$0xFFFFFF70];
	v1 =	vadd.s32 v3, v1;
	v3 =	vshll.u32 v0, v4;
	[tilespmem:s29+$0xFFFFFF50] =	vst v25  }
0x5ae: {  	v25 =	vshll.u32 v0, v2;
	v2 =	vmul.u32 $0x3, v11;
	v4 =	vld [tilespmem:s0+$0xFFFFFF00];
	v1 =	vadd.s32 v3, v1;
	[tilespmem:s29+$0xFFFFFFD0] =	vst v24  }
0x5af: {  	v3 =	vshll.u32 v0, v12;
	v5 =	vmul.u32 $0x3, v5;
	v11 =	vld [tilespmem:s0+$0xFFFFFF80];
	v12 =	vshrl.u32 v1, $0xF;
	[tilespmem:s29+$0x50] =	vst v23  }
0x5b0: {  	v2 =	vshll.u32 v0, v2;
	v23 =	vmul.u32 $0x3, v28;
	v24 =	vld [tilespmem:s0+$0xFFFFFF10];
	v12 =	vand.u32 $0x7, v12;
	[tilespmem:s29+$0xD0] =	vst v22  }
0x5b1: {  	v5 =	vshll.u32 v0, v5;
	v22 =	vmul.u32 $0x3, v27;
	v26 =	vld [tilespmem:s0+$0xFFFFFF90];
	v12 =	vcvt.s32.f32 v12;
	[tilespmem:s29+$0x150] =	vst v21  }
0x5b2: {  	v21 =	vadd.s32 v3, v2;
	s29 =	sadd.s32 $0x400, s29;
	v2 =	vshll.u32 v0, v23;
	v3 =	vmul.u32 $0x3, v14;
	v14 =	vld [tilespmem:s0+$0xFFFFFF20];
	[tilespmem:s30+$0xFFFFFF60] =	vst v20  }
0x5b3: {  	v20 =	vadd.s32 v5, v2;
	v5 =	vshll.u32 v0, v22;
	v4 =	vmul.u32 $0x3, v4;
	v22 =	vld [tilespmem:s0+$0xFFFFFFA0];
	[tilespmem:s29+$0x170] =	vst v12  }
0x5b4: {  	v2 =	vshrl.u32 v1, $0x3;
	v12 =	vld [tilespmem:s0+$0xFFFFFEC0];
	v3 =	vshll.u32 v0, v3;
	v11 =	vmul.u32 $0x3, v11;
	[tilespmem:s30+$0xFFFFFFE0] =	vst v17  }
0x5b5: {  	v17 =	vld [tilespmem:s0+$0xFFFFFFC0];
	v23 =	vadd.s32 v5, v3;
	v4 =	vshll.u32 v0, v4;
	v5 =	vmul.u32 $0x3, v24;
	[tilespmem:s30+$0x60] =	vst v33  }
0x5b6: {  	v3 =	vshrl.u32 v1, $0x6;
	v24 =	vld [tilespmem:s0+$0xFFFFFFD0];
	v11 =	vshll.u32 v0, v11;
	v26 =	vmul.u32 $0x3, v26;
	[tilespmem:s30+$0xE0] =	vst v35  }
0x5b7: {  	v27 =	vld [tilespmem:s0+$0xFFFFFFE0];
	v11 =	vadd.s32 v4, v11;
	v5 =	vshll.u32 v0, v5;
	v14 =	vmul.u32 $0x3, v14;
	[tilespmem:s30+$0x160] =	vst v36  }
0x5b8: {  	v4 =	vshrl.u32 v1, $0x9;
	v28 =	vld [tilespmem:s0+$0xFFFFFFF0];
	v26 =	vshll.u32 v0, v26;
	v22 =	vmul.u32 $0x3, v22;
	[tilespmem:s30+$0xFFFFFF70] =	vst v37  }
0x5b9: {  	v12 =	vmul.u32 $0x3, v12;
	v29 =	vld [tilespmem:s0+$0x0];
	v26 =	vadd.s32 v5, v26;
	v14 =	vshll.u32 v0, v14;
	[tilespmem:s30+$0xFFFFFFF0] =	vst v38  }
0x5ba: {  	v5 =	vshrl.u32 v1, $0xC;
	v17 =	vmul.u32 $0x3, v17;
	v30 =	vld [tilespmem:s0+$0x10];
	v22 =	vshll.u32 v0, v22;
	[tilespmem:s30+$0x70] =	vst v19  }
0x5bb: {  	v12 =	vshll.u32 v0, v12;
	v19 =	vmul.u32 $0x3, v24;
	v14 =	vadd.s32 v14, v22;
	v22 =	vld [tilespmem:s0+$0x20];
	[tilespmem:s30+$0xF0] =	vst v18  }
0x5bc: {  	v12 =	vadd.s32 v12, v25;
	v17 =	vshll.u32 v0, v17;
	v18 =	vld [tilespmem:s0+$0x40];
	v24 =	vmul.u32 $0x3, v27;
	[tilespmem:s30+$0xFFFFFE80] =	vst v16  }
0x5bd: {  	v12 =	vadd.s32 v17, v12;
	v16 =	vshll.u32 v0, v19;
	v17 =	vld [tilespmem:s0+$0x50];
	v19 =	vmul.u32 $0x3, v28;
	[tilespmem:s30+$0xFFFFFE90] =	vst v15  }
0x5be: {  	v15 =	vadd.s32 v16, v21;
	v16 =	vshll.u32 v0, v24;
	v21 =	vld [tilespmem:s0+$0x60];
	v24 =	vmul.u32 $0x3, v29;
	[tilespmem:s30+$0xFFFFFEA0] =	vst v13  }
0x5bf: {  	v13 =	vadd.s32 v16, v20;
	v16 =	vshll.u32 v0, v19;
	v19 =	vld [tilespmem:s0+$0x70];
	v20 =	vmul.u32 $0x3, v30;
	[tilespmem:s30+$0xFFFFFEB0] =	vst v10  }
0x5c0: {  	v10 =	vadd.s32 v16, v23;
	v16 =	vshll.u32 v0, v24;
	v23 =	vld [tilespmem:s0+$0x80];
	v22 =	vmul.u32 $0x3, v22;
	[tilespmem:s30+$0xFFFFFEC0] =	vst v8  }
0x5c1: {  	v8 =	vmul.u32 $0x3, v18;
	v11 =	vadd.s32 v16, v11;
	v16 =	vshll.u32 v0, v20;
	v18 =	vld [tilespmem:s0+$0x90];
	[tilespmem:s30+$0xFFFFFED0] =	vst v9  }
0x5c2: {  	v9 =	vmul.u32 $0x3, v17;
	v16 =	vadd.s32 v16, v26;
	v17 =	vshll.u32 v0, v22;
	v20 =	vld [tilespmem:s0+$0xA0];
	[tilespmem:s30+$0xFFFFFEE0] =	vst v7  }
0x5c3: {  	v7 =	vshll.u32 v0, v8;
	v8 =	vld [tilespmem:s0+$0xC0];
	v21 =	vmul.u32 $0x3, v21;
	v14 =	vadd.s32 v17, v14;
	[tilespmem:s30+$0xFFFFFEF0] =	vst v6;
	s30 =	smov.u32 s29  }
0x5c4: {  	v6 =	vadd.s32 v7, v12;
	v7 =	vshll.u32 v0, v9;
	v9 =	vld [tilespmem:s0+$0xD0];
	v12 =	vmul.u32 $0x3, v19  }
0x5c5: {  	v7 =	vadd.s32 v7, v15;
	v15 =	vshll.u32 v0, v21;
	v17 =	vld [tilespmem:s0+$0xE0];
	v19 =	vmul.u32 $0x3, v23  }
0x5c6: {  	v13 =	vadd.s32 v15, v13;
	v12 =	vshll.u32 v0, v12;
	v15 =	vld [tilespmem:s0+$0xF0];
	v18 =	vmul.u32 $0x3, v18  }
0x5c7: {  	v10 =	vadd.s32 v12, v10;
	v12 =	vshll.u32 v0, v19;
	v19 =	vld [tilespmem:s0+$0x100];
	v20 =	vmul.u32 $0x3, v20  }
0x5c8: {  	v8 =	vmul.u32 $0x3, v8;
	v11 =	vadd.s32 v12, v11;
	v12 =	vshll.u32 v0, v18;
	v18 =	vld [tilespmem:s0+$0x110]  }
0x5c9: {  	v9 =	vmul.u32 $0x3, v9;
	v12 =	vadd.s32 v12, v16;
	v16 =	vshll.u32 v0, v20;
	v20 =	vld [tilespmem:s0+$0x120]  }
0x5ca: {  	v8 =	vshll.u32 v0, v8;
	v17 =	vmul.u32 $0x3, v17;
	v14 =	vadd.s32 v16, v14  }
0x5cb: {  	v16 =	vadd.s32 v8, v6;
	v6 =	vshll.u32 v0, v9;
	v8 =	vmul.u32 $0x3, v15  }
0x5cc: {  	v15 =	vadd.s32 v6, v7;
	v6 =	vshll.u32 v0, v17;
	v7 =	vmul.u32 $0x3, v19  }
0x5cd: {  	v13 =	vadd.s32 v6, v13;
	v6 =	vshll.u32 v0, v8;
	v8 =	vmul.u32 $0x3, v18  }
0x5ce: {  	v17 =	vadd.s32 v6, v10;
	v6 =	vshll.u32 v0, v7;
	v7 =	vmul.u32 $0x3, v20  }
0x5cf: {  	v9 =	vshrl.u32 v16, $0x3;
	v11 =	vadd.s32 v6, v11;
	v6 =	vshll.u32 v0, v8  }
0x5d0: {  	v8 =	vshrl.u32 v16, $0x6;
	v18 =	vadd.s32 v6, v12;
	v6 =	vshll.u32 v0, v7  }
0x5d1: {  	v10 =	vshrl.u32 v16, $0xC;
	v7 =	vshrl.u32 v16, $0x9;
	v19 =	vadd.s32 v6, v14  }
0x5d2: {  	v12 =	vshrl.u32 v15, $0x3;
	v6 =	vshrl.u32 v16, $0xF;
	v14 =	vshrl.u32 v15, $0x6  }
0x5d3: {  	v21 =	vshrl.u32 v15, $0xC;
	v22 =	vshrl.u32 v15, $0xF;
	v20 =	vshrl.u32 v15, $0x9  }
0x5d4: {  	v23 =	vshrl.u32 v13, $0x3;
	v24 =	vshrl.u32 v13, $0x6;
	v25 =	vshrl.u32 v13, $0x9  }
0x5d5: {  	v26 =	vshrl.u32 v13, $0xC;
	v27 =	vshrl.u32 v13, $0xF;
	v28 =	vshrl.u32 v17, $0x3  }
0x5d6: {  	v29 =	vshrl.u32 v17, $0x6;
	v30 =	vshrl.u32 v17, $0x9;
	v31 =	vshrl.u32 v17, $0xC  }
0x5d7: {  	v32 =	vshrl.u32 v17, $0xF;
	v33 =	vshrl.u32 v11, $0x3;
	v34 =	vshrl.u32 v11, $0x6  }
0x5d8: {  	v35 =	vshrl.u32 v11, $0x9;
	v36 =	vshrl.u32 v11, $0xC;
	v37 =	vshrl.u32 v11, $0xF  }
0x5d9: {  	v38 =	vshrl.u32 v18, $0x3;
	v39 =	vshrl.u32 v18, $0x6;
	v40 =	vshrl.u32 v18, $0x9  }
0x5da: {  	v41 =	vshrl.u32 v18, $0xC;
	v42 =	vshrl.u32 v18, $0xF;
	v43 =	vshrl.u32 v19, $0x3  }
0x5db: {  	v44 =	vshrl.u32 v19, $0x6;
	v45 =	vshrl.u32 v19, $0x9;
	v46 =	vshrl.u32 v19, $0xC  }
0x5dc: {  	v47 =	vand.u32 $0x7, v9;
	v48 =	vand.u32 $0x7, v8;
	v49 =	vshrl.u32 v19, $0xF  }
0x5dd: {  	v51 =	vand.u32 $0x7, v10;
	v50 =	vand.u32 $0x7, v7;
	v52 =	vand.u32 $0x7, v6  }
0x5de: {  	v20 =	vand.u32 $0x7, v20;
	v53 =	vand.u32 $0x7, v12;
	v54 =	vand.u32 $0x7, v14  }
0x5df: {  	v21 =	vand.u32 $0x7, v21;
	v22 =	vand.u32 $0x7, v22;
	v23 =	vand.u32 $0x7, v23  }
0x5e0: {  	v24 =	vand.u32 $0x7, v24;
	v25 =	vand.u32 $0x7, v25;
	v26 =	vand.u32 $0x7, v26  }
0x5e1: {  	v27 =	vand.u32 $0x7, v27;
	v28 =	vand.u32 $0x7, v28;
	v29 =	vand.u32 $0x7, v29  }
0x5e2: {  	v30 =	vand.u32 $0x7, v30;
	v31 =	vand.u32 $0x7, v31;
	v55 =	vand.u32 $0x7, v32  }
0x5e3: {  	v56 =	vand.u32 $0x7, v33;
	v34 =	vand.u32 $0x7, v34;
	v35 =	vand.u32 $0x7, v35  }
0x5e4: {  	v36 =	vand.u32 $0x7, v36;
	v37 =	vand.u32 $0x7, v37;
	v38 =	vand.u32 $0x7, v38  }
0x5e5: {  	v39 =	vand.u32 $0x7, v39;
	v40 =	vand.u32 $0x7, v40;
	v41 =	vand.u32 $0x7, v41  }
0x5e6: {  	v42 =	vand.u32 $0x7, v42;
	v43 =	vand.u32 $0x7, v43;
	v44 =	vand.u32 $0x7, v44  }
0x5e7: {  	v8 =	vand.u32 $0x7, v45;
	v9 =	vand.u32 $0x7, v46;
	v7 =	vand.u32 $0x7, v49  }
0x5e8: {  	v3 =	vand.u32 $0x7, v3;
	v10 =	vand.u32 $0x7, v2;
	v6 =	vand.u32 $0x7, v4  }
0x5e9: {  	v2 =	vand.u32 $0x7, v15;
	v15 =	vand.u32 $0x7, v5;
	v4 =	vand.u32 $0x7, v16  }
0x5ea: {  	v13 =	vand.u32 $0x7, v13;
	v12 =	vand.u32 $0x7, v17;
	v14 =	vand.u32 $0x7, v11  }
0x5eb: {  	v1 =	vand.u32 $0x7, v1;
	v11 =	vand.u32 $0x7, v18;
	v5 =	vand.u32 $0x7, v19  }
0x5ec: {  	v17 =	vcvt.s32.f32 v48;
	v16 =	vcvt.s32.f32 v47  }
0x5ed: {  	v18 =	vcvt.s32.f32 v50;
	v19 =	vcvt.s32.f32 v51  }
0x5ee: {  	v32 =	vcvt.s32.f32 v53;
	[tilespmem:s29+$0xFFFFFF00] =	vst v16;
	v16 =	vcvt.s32.f32 v52  }
0x5ef: {  	v20 =	vcvt.s32.f32 v20;
	[tilespmem:s29+$0xFFFFFF80] =	vst v17;
	v17 =	vcvt.s32.f32 v54  }
0x5f0: {  	v21 =	vcvt.s32.f32 v21;
	v22 =	vcvt.s32.f32 v22;
	[tilespmem:s29+$0x0] =	vst v18  }
0x5f1: {  	v23 =	vcvt.s32.f32 v23;
	v24 =	vcvt.s32.f32 v24;
	[tilespmem:s29+$0x80] =	vst v19  }
0x5f2: {  	v45 =	vcvt.s32.f32 v25;
	v46 =	vcvt.s32.f32 v26;
	[tilespmem:s29+$0x100] =	vst v16  }
0x5f3: {  	v33 =	vcvt.s32.f32 v27;
	v19 =	vcvt.s32.f32 v28;
	[tilespmem:s29+$0xFFFFFF10] =	vst v32  }
0x5f4: {  	v18 =	vcvt.s32.f32 v30;
	v16 =	vcvt.s32.f32 v29;
	[tilespmem:s29+$0xFFFFFF90] =	vst v17  }
0x5f5: {  	v32 =	vcvt.s32.f32 v31;
	v31 =	vcvt.s32.f32 v55;
	[tilespmem:s29+$0x10] =	vst v20  }
0x5f6: {  	v30 =	vcvt.s32.f32 v56;
	v29 =	vcvt.s32.f32 v34;
	[tilespmem:s29+$0x90] =	vst v21  }
.Ltmp6:
0x5f7: {  	v27 =	vcvt.s32.f32 v36;
	v28 =	vcvt.s32.f32 v35;
	[tilespmem:s29+$0x110] =	vst v22;
	(pc) =	sbr.rel @p0 .LBB2_14-.Ltmp6, $4  }
0x5f8: {  	v26 =	vcvt.s32.f32 v37;
	v25 =	vcvt.s32.f32 v38;
	[tilespmem:s29+$0xFFFFFF20] =	vst v23  }
0x5f9: {  	v23 =	vcvt.s32.f32 v40;
	[tilespmem:s29+$0xFFFFFFA0] =	vst v24;
	v24 =	vcvt.s32.f32 v39  }
0x5fa: {  	v21 =	vcvt.s32.f32 v42;
	v22 =	vcvt.s32.f32 v41;
	[tilespmem:s29+$0x20] =	vst v45  }
0x5fb: {  	s0 =	sadd.s32 $0x400, s0;
	v17 =	vcvt.s32.f32 v44;
	v20 =	vcvt.s32.f32 v43;
	[tilespmem:s29+$0xA0] =	vst v46  }
0x5fc: {  	[tilespmem:s29+$0x120] =	vst v33  }
0x5fd: {  	[tilespmem:s29+$0xFFFFFF30] =	vst v19  }
0x5fe: {  	[tilespmem:s29+$0xFFFFFFB0] =	vst v16  }
0x5ff: {  	[tilespmem:s29+$0x30] =	vst v18  }
0x600: {  	[tilespmem:s29+$0xB0] =	vst v32  }
0x601: {  	[tilespmem:s29+$0x130] =	vst v31  }
0x602: {  	[tilespmem:s29+$0xFFFFFF40] =	vst v30  }
0x603: {  	[tilespmem:s29+$0xFFFFFFC0] =	vst v29  }
0x604: {  	[tilespmem:s29+$0x40] =	vst v28  }
0x605: {  	[tilespmem:s29+$0xC0] =	vst v27  }
0x606: {  	[tilespmem:s29+$0x140] =	vst v26  }
0x607: {  	[tilespmem:s29+$0xFFFFFF50] =	vst v25  }
0x608: {  	[tilespmem:s29+$0xFFFFFFD0] =	vst v24  }
0x609: {  	[tilespmem:s29+$0x50] =	vst v23  }
0x60a: {  	[tilespmem:s29+$0xD0] =	vst v22  }
0x60b: {  	[tilespmem:s29+$0x150] =	vst v21  }
0x60c: {  	v8 =	vcvt.s32.f32 v8;
	[tilespmem:s30+$0xFFFFFF60] =	vst v20  }
0x60d: {  	v9 =	vcvt.s32.f32 v9;
	[tilespmem:s30+$0xFFFFFFE0] =	vst v17  }
0x60e: {  	v7 =	vcvt.s32.f32 v7;
	[tilespmem:s30+$0x60] =	vst v8  }
0x60f: {  	v3 =	vcvt.s32.f32 v3;
	[tilespmem:s30+$0xE0] =	vst v9  }
0x610: {  	v6 =	vcvt.s32.f32 v6;
	[tilespmem:s30+$0x160] =	vst v7  }
0x611: {  	v2 =	vcvt.s32.f32 v2;
	[tilespmem:s30+$0xFFFFFFF0] =	vst v3  }
0x612: {  	v1 =	vcvt.s32.f32 v1;
	[tilespmem:s30+$0x70] =	vst v6  }
0x613: {  	v8 =	vcvt.s32.f32 v10;
	[tilespmem:s30+$0xFFFFFE90] =	vst v2  }
0x614: {  	v7 =	vcvt.s32.f32 v15;
	[tilespmem:s30+$0xFFFFFEF0] =	vst v1  }
0x615: {  	v3 =	vcvt.s32.f32 v4;
	[tilespmem:s30+$0xFFFFFF70] =	vst v8  }
0x616: {  	v4 =	vcvt.s32.f32 v13;
	[tilespmem:s30+$0xF0] =	vst v7  }
0x617: {  	v2 =	vcvt.s32.f32 v14;
	[tilespmem:s30+$0xFFFFFE80] =	vst v3  }
0x618: {  	v3 =	vcvt.s32.f32 v12;
	[tilespmem:s30+$0xFFFFFEA0] =	vst v4  }
0x619: {  	v4 =	vcvt.s32.f32 v11;
	[tilespmem:s30+$0xFFFFFEC0] =	vst v2  }
0x61a: {  	[tilespmem:s30+$0xFFFFFEB0] =	vst v3;
	v3 =	vcvt.s32.f32 v5  }
0x61b: {  	[tilespmem:s30+$0xFFFFFED0] =	vst v4  }
0x61c: {  	[tilespmem:s30+$0xFFFFFEE0] =	vst v3  }
0x61d: {  	[hbm4b:s17+s2] =	stream.linear.scatter [tilespmem:s22], [sflag:$0x3], $0x8000, $0x38;
	v63 =	vld [tilespmem:$0x0]  }
0x61e: {  	_ =	swait.ge [sflag:s23], $0x8000  }
0x61f: {  	[sflag:s23] =	ssyncset.done $0x0  }
0x620: {  	[sflag:s23] =	ssyncadd.s32 $0xFFFF8000  }
0x621: {  	_ =	swait.ge [sflag:s26], $0x8000  }
0x622: {  	[sflag:s26] =	ssyncset.done $0x0  }
0x623: {  	s0 =	simm.s32 $0x8140;
	[sflag:s26] =	ssyncadd.s32 $0xFFFF8000  }
0x624: {  	v1 =	vld [tilespmem:s0+$0xFFFFFF30]  }
0x625: {  	v2 =	vld [tilespmem:s0+$0xFFFFFFB0]  }
0x626: {  	v3 =	vld [tilespmem:s0+$0x30]  }
0x627: {  	v4 =	vld [tilespmem:s0+$0xB0]  }
0x628: {  	v5 =	vld [tilespmem:s0+$0x130]  }
0x629: {  	v10 =	vld [tilespmem:s0+$0xFFFFFF60]  }
0x62a: {  	v12 =	vld [tilespmem:s0+$0xFFFFFF10]  }
0x62b: {  	v14 =	vld [tilespmem:s0+$0xFFFFFF90]  }
0x62c: {  	v16 =	vld [tilespmem:s0+$0xFFFFFFC0]  }
0x62d: {  	v17 =	vld [tilespmem:s0+$0xFFFFFFD0]  }
0x62e: {  	v18 =	vld [tilespmem:s0+$0xFFFFFFE0]  }
0x62f: {  	v21 =	vld [tilespmem:s0+$0x10]  }
0x630: {  	v6 =	vld [tilespmem:s0+$0xFFFFFF40];
	v1 =	vmul.u32 $0x3, v1;
	v2 =	vmul.u32 $0x3, v2  }
0x631: {  	v7 =	vld [tilespmem:s0+$0xFFFFFED0];
	v3 =	vmul.u32 $0x3, v3;
	v4 =	vmul.u32 $0x3, v4;
	v10 =	vmul.u32 $0x3, v10  }
0x632: {  	v8 =	vld [tilespmem:s0+$0xFFFFFF50];
	v12 =	vmul.u32 $0x3, v12;
	v14 =	vmul.u32 $0x3, v14;
	v16 =	vmul.u32 $0x3, v16  }
0x633: {  	v9 =	vld [tilespmem:s0+$0xFFFFFEE0];
	v17 =	vmul.u32 $0x3, v17;
	v1 =	vshll.u32 v0, v1;
	v2 =	vshll.u32 v0, v2  }
0x634: {  	v18 =	vmul.u32 $0x3, v18;
	v21 =	vmul.u32 $0x3, v21;
	v1 =	vadd.s32 v1, v2  }
0x635: {  	v2 =	vshll.u32 v0, v3;
	v3 =	vmul.u32 $0x3, v5;
	v5 =	vmul.u32 $0x3, v6  }
0x636: {  	v6 =	vld [tilespmem:s0+$0xFFFFFEF0];
	v1 =	vadd.s32 v2, v1;
	v2 =	vshll.u32 v0, v4;
	v4 =	vmul.u32 $0x3, v7  }
0x637: {  	v1 =	vadd.s32 v2, v1;
	v2 =	vshll.u32 v0, v3;
	v11 =	vshll.u32 v0, v5;
	v5 =	vld [tilespmem:s0+$0xFFFFFF00]  }
0x638: {  	v3 =	vmul.u32 $0x3, v8;
	v8 =	vld [tilespmem:s0+$0xFFFFFF80];
	v1 =	vadd.s32 v2, v1;
	v2 =	vmul.u32 $0x3, v9  }
0x639: {  	v14 =	vshll.u32 v0, v14;
	v7 =	vld [tilespmem:s0+$0xFFFFFF70];
	v4 =	vshll.u32 v0, v4;
	v9 =	vshrl.u32 v1, $0xF  }
0x63a: {  	v22 =	vld [tilespmem:s0+$0x20];
	v3 =	vshll.u32 v0, v3;
	v9 =	vand.u32 $0x7, v9;
	v13 =	vshll.u32 v0, v2  }
0x63b: {  	v6 =	vmul.u32 $0x3, v6;
	v2 =	vcvt.s32.f32 v9;
	v9 =	vshll.u32 v0, v10;
	v10 =	vld [tilespmem:s0+$0xFFFFFF20]  }
0x63c: {  	v17 =	vshll.u32 v0, v17;
	v15 =	vadd.s32 v4, v3;
	v9 =	vadd.s32 v13, v9;
	v13 =	vld [tilespmem:s0+$0xFFFFFEC0]  }
0x63d: {  	v4 =	vshll.u32 v0, v6;
	v6 =	vld [tilespmem:s0+$0xFFFFFFA0];
	v5 =	vmul.u32 $0x3, v5;
	v8 =	vmul.u32 $0x3, v8  }
0x63e: {  	v18 =	vshll.u32 v0, v18;
	v21 =	vshll.u32 v0, v21;
	v7 =	vmul.u32 $0x3, v7  }
0x63f: {  	v3 =	vshrl.u32 v1, $0x3;
	v5 =	vshll.u32 v0, v5;
	v8 =	vshll.u32 v0, v8  }
0x640: {  	v7 =	vshll.u32 v0, v7;
	v8 =	vadd.s32 v5, v8;
	v5 =	vshll.u32 v0, v12;
	v12 =	vld [tilespmem:s0+$0xFFFFFFF0]  }
0x641: {  	v20 =	vld [tilespmem:s0+$0x0];
	v9 =	vadd.s32 v18, v9;
	v10 =	vmul.u32 $0x3, v10;
	v13 =	vmul.u32 $0x3, v13  }
0x642: {  	v18 =	vmul.u32 $0x3, v22;
	v7 =	vadd.s32 v4, v7;
	v19 =	vmul.u32 $0x3, v6  }
0x643: {  	v22 =	vld [tilespmem:s0+$0x90];
	v4 =	vshrl.u32 v1, $0x6;
	v10 =	vshll.u32 v0, v10;
	v13 =	vshll.u32 v0, v13  }
0x644: {  	v19 =	vshll.u32 v0, v19;
	v11 =	vadd.s32 v13, v11;
	v13 =	vshll.u32 v0, v16;
	v16 =	vld [tilespmem:s0+$0x40]  }
0x645: {  	v18 =	vshll.u32 v0, v18;
	v10 =	vadd.s32 v10, v19;
	v19 =	vld [tilespmem:s0+$0x50];
	v12 =	vmul.u32 $0x3, v12  }
0x646: {  	v11 =	vadd.s32 v13, v11;
	v13 =	vadd.s32 v17, v15;
	v15 =	vld [tilespmem:s0+$0x60];
	v17 =	vmul.u32 $0x3, v20  }
0x647: {  	v14 =	vadd.s32 v5, v14;
	v5 =	vshrl.u32 v1, $0xC;
	v20 =	vld [tilespmem:s0+$0x70];
	v12 =	vshll.u32 v0, v12  }
0x648: {  	v6 =	vshrl.u32 v1, $0x9;
	v7 =	vadd.s32 v12, v7;
	v12 =	vshll.u32 v0, v17;
	v17 =	vld [tilespmem:s0+$0x80]  }
0x649: {  	v14 =	vadd.s32 v21, v14;
	v1 =	vand.u32 $0x7, v1;
	v16 =	vmul.u32 $0x3, v16  }
0x64a: {  	v22 =	vmul.u32 $0x3, v22;
	v8 =	vadd.s32 v12, v8;
	v12 =	vmul.u32 $0x3, v19;
	v19 =	vld [tilespmem:s0+$0xA0]  }
0x64b: {  	v21 =	vld [tilespmem:s0+$0xC0];
	v10 =	vadd.s32 v18, v10;
	v15 =	vmul.u32 $0x3, v15;
	v16 =	vshll.u32 v0, v16  }
0x64c: {  	v18 =	vld [tilespmem:s0+$0xD0];
	v20 =	vmul.u32 $0x3, v20;
	v12 =	vshll.u32 v0, v12;
	v11 =	vadd.s32 v16, v11  }
0x64d: {  	v12 =	vadd.s32 v12, v13;
	v13 =	vld [tilespmem:s0+$0xE0];
	v16 =	vmul.u32 $0x3, v17;
	v15 =	vshll.u32 v0, v15  }
0x64e: {  	v6 =	vand.u32 $0x7, v6;
	v17 =	vshll.u32 v0, v20;
	v20 =	vld [tilespmem:s0+$0xF0];
	v9 =	vadd.s32 v15, v9  }
0x64f: {  	v7 =	vadd.s32 v17, v7;
	v15 =	vshll.u32 v0, v16;
	v16 =	vld [tilespmem:s0+$0x100];
	v17 =	vmul.u32 $0x3, v19  }
0x650: {  	v19 =	vmul.u32 $0x3, v21;
	v21 =	vshll.u32 v0, v22;
	v22 =	vld [tilespmem:s0+$0x110];
	v8 =	vadd.s32 v15, v8  }
0x651: {  	v15 =	vmul.u32 $0x3, v18;
	v14 =	vadd.s32 v21, v14;
	v17 =	vshll.u32 v0, v17  }
0x652: {  	v18 =	vld [tilespmem:s0+$0x120];
	v19 =	vshll.u32 v0, v19;
	v13 =	vmul.u32 $0x3, v13;
	v10 =	vadd.s32 v17, v10  }
0x653: {  	v15 =	vshll.u32 v0, v15;
	v17 =	vmul.u32 $0x3, v20;
	v11 =	vadd.s32 v19, v11  }
0x654: {  	v12 =	vadd.s32 v15, v12;
	v15 =	vmul.u32 $0x3, v16;
	v13 =	vshll.u32 v0, v13  }
0x655: {  	v16 =	vshll.u32 v0, v17;
	v17 =	vmul.u32 $0x3, v22;
	v19 =	vshrl.u32 v12, $0xC  }
0x656: {  	v23 =	vshrl.u32 v12, $0xF;
	v13 =	vadd.s32 v13, v9;
	v20 =	vadd.s32 v16, v7  }
0x657: {  	v9 =	vmul.u32 $0x3, v18;
	v18 =	vshrl.u32 v12, $0x9;
	v19 =	vand.u32 $0x7, v19  }
0x658: {  	v23 =	vand.u32 $0x7, v23;
	v7 =	vshll.u32 v0, v15;
	v15 =	vshrl.u32 v11, $0x3  }
0x659: {  	v16 =	vshll.u32 v0, v17;
	v24 =	vshrl.u32 v13, $0x3;
	v25 =	vshrl.u32 v13, $0x6  }
0x65a: {  	v26 =	vshrl.u32 v13, $0x9;
	v27 =	vshrl.u32 v13, $0xC;
	v28 =	vshrl.u32 v13, $0xF  }
0x65b: {  	v29 =	vshrl.u32 v20, $0x3;
	v30 =	vshrl.u32 v20, $0x6;
	v31 =	vshrl.u32 v20, $0x9  }
0x65c: {  	v56 =	vshrl.u32 v20, $0xC;
	v57 =	vshrl.u32 v20, $0xF;
	v18 =	vand.u32 $0x7, v18  }
0x65d: {  	v61 =	vcvt.s32.f32 v19;
	v23 =	vcvt.s32.f32 v23;
	v13 =	vand.u32 $0x7, v13  }
0x65e: {  	v17 =	vadd.s32 v7, v8;
	v7 =	vshrl.u32 v11, $0x6;
	v21 =	vadd.s32 v16, v14  }
0x65f: {  	v8 =	vshll.u32 v0, v9;
	v9 =	vshrl.u32 v11, $0x9;
	v14 =	vshrl.u32 v11, $0xC  }
0x660: {  	v16 =	vshrl.u32 v12, $0x6;
	v15 =	vand.u32 $0x7, v15;
	v24 =	vand.u32 $0x7, v24  }
0x661: {  	v25 =	vand.u32 $0x7, v25;
	v26 =	vand.u32 $0x7, v26;
	v27 =	vand.u32 $0x7, v27  }
0x662: {  	v28 =	vand.u32 $0x7, v28;
	v29 =	vand.u32 $0x7, v29;
	v30 =	vand.u32 $0x7, v30  }
0x663: {  	v31 =	vand.u32 $0x7, v31;
	v32 =	vand.u32 $0x7, v56;
	v50 =	vand.u32 $0x7, v57  }
0x664: {  	v60 =	vcvt.s32.f32 v18;
	v22 =	vadd.s32 v8, v10;
	v8 =	vshrl.u32 v11, $0xF  }
0x665: {  	v10 =	vshrl.u32 v12, $0x3;
	v34 =	vshrl.u32 v17, $0x3;
	v35 =	vshrl.u32 v17, $0x6  }
0x666: {  	v36 =	vshrl.u32 v17, $0x9;
	v37 =	vshrl.u32 v17, $0xC;
	v38 =	vshrl.u32 v17, $0xF  }
0x667: {  	v39 =	vshrl.u32 v21, $0x3;
	v40 =	vshrl.u32 v21, $0x6;
	v41 =	vshrl.u32 v21, $0x9  }
0x668: {  	v42 =	vshrl.u32 v21, $0xC;
	v43 =	vshrl.u32 v21, $0xF;
	v15 =	vcvt.s32.f32 v15  }
0x669: {  	v7 =	vand.u32 $0x7, v7;
	v24 =	vcvt.s32.f32 v24;
	v62 =	vcvt.s32.f32 v25  }
0x66a: {  	v9 =	vand.u32 $0x7, v9;
	v51 =	vcvt.s32.f32 v26;
	v52 =	vcvt.s32.f32 v27  }
0x66b: {  	v14 =	vand.u32 $0x7, v14;
	v33 =	vcvt.s32.f32 v28;
	v19 =	vcvt.s32.f32 v29  }
0x66c: {  	v16 =	vand.u32 $0x7, v16;
	v18 =	vcvt.s32.f32 v31;
	v32 =	vcvt.s32.f32 v32  }
0x66d: {  	v31 =	vcvt.s32.f32 v50;
	v44 =	vshrl.u32 v22, $0x3;
	v45 =	vshrl.u32 v22, $0x6  }
0x66e: {  	s29 =	simm.s32 $0x18180;
	v46 =	vshrl.u32 v22, $0x9;
	v47 =	vshrl.u32 v22, $0xC;
	v48 =	vshrl.u32 v22, $0xF  }
0x66f: {  	[tilespmem:s29+$0x170] =	vst v2;
	v49 =	vand.u32 $0x7, v8;
	v10 =	vand.u32 $0x7, v10;
	v34 =	vand.u32 $0x7, v34  }
0x670: {  	[tilespmem:s29+$0x90] =	vst v61;
	v35 =	vand.u32 $0x7, v35;
	v36 =	vand.u32 $0x7, v36;
	v37 =	vand.u32 $0x7, v37  }
0x671: {  	[tilespmem:s29+$0x110] =	vst v23;
	v38 =	vand.u32 $0x7, v38;
	v39 =	vand.u32 $0x7, v39;
	v40 =	vand.u32 $0x7, v40  }
0x672: {  	v41 =	vand.u32 $0x7, v41;
	v42 =	vand.u32 $0x7, v42;
	v58 =	vcvt.s32.f32 v7;
	[tilespmem:s29+$0x10] =	vst v60  }
0x673: {  	v43 =	vand.u32 $0x7, v43;
	v2 =	vcvt.s32.f32 v9;
	v14 =	vcvt.s32.f32 v14;
	[tilespmem:s29+$0xFFFFFF00] =	vst v15  }
0x674: {  	v16 =	vcvt.s32.f32 v16;
	v44 =	vand.u32 $0x7, v44;
	v45 =	vand.u32 $0x7, v45;
	[tilespmem:s29+$0xFFFFFF20] =	vst v24  }
0x675: {  	v8 =	vand.u32 $0x7, v46;
	v9 =	vand.u32 $0x7, v47;
	v15 =	vcvt.s32.f32 v49;
	[tilespmem:s29+$0xFFFFFFA0] =	vst v62  }
0x676: {  	v59 =	vcvt.s32.f32 v10;
	v7 =	vand.u32 $0x7, v48;
	v10 =	vand.u32 $0x7, v3;
	[tilespmem:s29+$0x20] =	vst v51  }
0x677: {  	v3 =	vand.u32 $0x7, v4;
	v29 =	vcvt.s32.f32 v35;
	v28 =	vcvt.s32.f32 v36;
	[tilespmem:s29+$0xA0] =	vst v52  }
0x678: {  	v4 =	vand.u32 $0x7, v11;
	v27 =	vcvt.s32.f32 v37;
	v26 =	vcvt.s32.f32 v38;
	[tilespmem:s29+$0xFFFFFF80] =	vst v58  }
0x679: {  	v25 =	vcvt.s32.f32 v39;
	v11 =	vand.u32 $0x7, v21;
	v24 =	vcvt.s32.f32 v40;
	[tilespmem:s29+$0x0] =	vst v2  }
0x67a: {  	v23 =	vcvt.s32.f32 v41;
	v21 =	vcvt.s32.f32 v43;
	[tilespmem:s29+$0x80] =	vst v14;
	v2 =	vand.u32 $0x7, v12  }
0x67b: {  	[tilespmem:s29+$0xFFFFFF90] =	vst v16;
	v16 =	vcvt.s32.f32 v30;
	v30 =	vcvt.s32.f32 v34;
	v12 =	vand.u32 $0x7, v20  }
0x67c: {  	v14 =	vand.u32 $0x7, v17;
	v20 =	vcvt.s32.f32 v44;
	v17 =	vcvt.s32.f32 v45;
	[tilespmem:s29+$0x100] =	vst v15  }
0x67d: {  	s31 =	simm.s32 $0x0;
	s30 =	simm.s32 $0x18180;
	s0 =	simm.s32 $0x8540;
	[tilespmem:s29+$0xFFFFFF10] =	vst v59;
	v15 =	vand.u32 $0x7, v5;
	v5 =	vand.u32 $0x7, v22;
	v22 =	vcvt.s32.f32 v42  }
.LBB2_16:
0x67e: {  	v34 =	vld [tilespmem:s0+$0xFFFFFF30];
	[tilespmem:s29+$0x120] =	vst v33;
	v33 =	vcvt.s32.f32 v8;
	v35 =	vcvt.s32.f32 v9  }
0x67f: {  	s31 =	sadd.s32 $0x80, s31;
	v36 =	vcvt.s32.f32 v7;
	v37 =	vcvt.s32.f32 v10;
	v9 =	vld [tilespmem:s0+$0xFFFFFFB0];
	[tilespmem:s29+$0xFFFFFF30] =	vst v19  }
0x680: {  	v38 =	vcvt.s32.f32 v3;
	p0 =	slt.u32 s31, $0xF80;
	v19 =	vcvt.s32.f32 v6;
	v7 =	vld [tilespmem:s0+$0x30];
	[tilespmem:s29+$0xFFFFFFB0] =	vst v16  }
0x681: {  	v16 =	vcvt.s32.f32 v4;
	v3 =	vld [tilespmem:s0+$0xB0];
	[tilespmem:s29+$0x30] =	vst v18;
	v18 =	vcvt.s32.f32 v15  }
0x682: {  	v13 =	vcvt.s32.f32 v13;
	v15 =	vcvt.s32.f32 v2;
	v4 =	vld [tilespmem:s0+$0x130];
	[tilespmem:s29+$0xB0] =	vst v32  }
0x683: {  	v10 =	vcvt.s32.f32 v12;
	v8 =	vcvt.s32.f32 v14;
	v2 =	vld [tilespmem:s0+$0xFFFFFF40];
	[tilespmem:s29+$0x130] =	vst v31  }
0x684: {  	v14 =	vmul.u32 $0x3, v34;
	v12 =	vld [tilespmem:s0+$0xFFFFFED0];
	v31 =	vmul.u32 $0x3, v9;
	[tilespmem:s29+$0xFFFFFF40] =	vst v30;
	v9 =	vcvt.s32.f32 v11  }
0x685: {  	v6 =	vcvt.s32.f32 v1;
	v11 =	vld [tilespmem:s0+$0xFFFFFF50];
	v30 =	vmul.u32 $0x3, v7;
	[tilespmem:s29+$0xFFFFFFC0] =	vst v29;
	v7 =	vcvt.s32.f32 v5  }
0x686: {  	v1 =	vshll.u32 v0, v14;
	v5 =	vld [tilespmem:s0+$0xFFFFFEE0];
	v14 =	vshll.u32 v0, v31;
	v3 =	vmul.u32 $0x3, v3;
	[tilespmem:s29+$0x40] =	vst v28  }
0x687: {  	v28 =	vld [tilespmem:s0+$0xFFFFFF60];
	v1 =	vadd.s32 v1, v14;
	v14 =	vshll.u32 v0, v30;
	v4 =	vmul.u32 $0x3, v4;
	[tilespmem:s29+$0xC0] =	vst v27  }
0x688: {  	v2 =	vmul.u32 $0x3, v2;
	v27 =	vld [tilespmem:s0+$0xFFFFFEF0];
	v1 =	vadd.s32 v14, v1;
	v3 =	vshll.u32 v0, v3;
	[tilespmem:s29+$0x140] =	vst v26  }
0x689: {  	v12 =	vmul.u32 $0x3, v12;
	v14 =	vld [tilespmem:s0+$0xFFFFFF70];
	v1 =	vadd.s32 v3, v1;
	v3 =	vshll.u32 v0, v4;
	[tilespmem:s29+$0xFFFFFF50] =	vst v25  }
0x68a: {  	v25 =	vshll.u32 v0, v2;
	v2 =	vmul.u32 $0x3, v11;
	v4 =	vld [tilespmem:s0+$0xFFFFFF00];
	v1 =	vadd.s32 v3, v1;
	[tilespmem:s29+$0xFFFFFFD0] =	vst v24  }
0x68b: {  	v3 =	vshll.u32 v0, v12;
	v5 =	vmul.u32 $0x3, v5;
	v11 =	vld [tilespmem:s0+$0xFFFFFF80];
	v12 =	vshrl.u32 v1, $0xF;
	[tilespmem:s29+$0x50] =	vst v23  }
0x68c: {  	v2 =	vshll.u32 v0, v2;
	v23 =	vmul.u32 $0x3, v28;
	v24 =	vld [tilespmem:s0+$0xFFFFFF10];
	v12 =	vand.u32 $0x7, v12;
	[tilespmem:s29+$0xD0] =	vst v22  }
0x68d: {  	v5 =	vshll.u32 v0, v5;
	v22 =	vmul.u32 $0x3, v27;
	v26 =	vld [tilespmem:s0+$0xFFFFFF90];
	v12 =	vcvt.s32.f32 v12;
	[tilespmem:s29+$0x150] =	vst v21  }
0x68e: {  	v21 =	vadd.s32 v3, v2;
	s29 =	sadd.s32 $0x400, s29;
	v2 =	vshll.u32 v0, v23;
	v3 =	vmul.u32 $0x3, v14;
	v14 =	vld [tilespmem:s0+$0xFFFFFF20];
	[tilespmem:s30+$0xFFFFFF60] =	vst v20  }
0x68f: {  	v20 =	vadd.s32 v5, v2;
	v5 =	vshll.u32 v0, v22;
	v4 =	vmul.u32 $0x3, v4;
	v22 =	vld [tilespmem:s0+$0xFFFFFFA0];
	[tilespmem:s29+$0x170] =	vst v12  }
0x690: {  	v2 =	vshrl.u32 v1, $0x3;
	v12 =	vld [tilespmem:s0+$0xFFFFFEC0];
	v3 =	vshll.u32 v0, v3;
	v11 =	vmul.u32 $0x3, v11;
	[tilespmem:s30+$0xFFFFFFE0] =	vst v17  }
0x691: {  	v17 =	vld [tilespmem:s0+$0xFFFFFFC0];
	v23 =	vadd.s32 v5, v3;
	v4 =	vshll.u32 v0, v4;
	v5 =	vmul.u32 $0x3, v24;
	[tilespmem:s30+$0x60] =	vst v33  }
0x692: {  	v3 =	vshrl.u32 v1, $0x6;
	v24 =	vld [tilespmem:s0+$0xFFFFFFD0];
	v11 =	vshll.u32 v0, v11;
	v26 =	vmul.u32 $0x3, v26;
	[tilespmem:s30+$0xE0] =	vst v35  }
0x693: {  	v27 =	vld [tilespmem:s0+$0xFFFFFFE0];
	v11 =	vadd.s32 v4, v11;
	v5 =	vshll.u32 v0, v5;
	v14 =	vmul.u32 $0x3, v14;
	[tilespmem:s30+$0x160] =	vst v36  }
0x694: {  	v4 =	vshrl.u32 v1, $0x9;
	v28 =	vld [tilespmem:s0+$0xFFFFFFF0];
	v26 =	vshll.u32 v0, v26;
	v22 =	vmul.u32 $0x3, v22;
	[tilespmem:s30+$0xFFFFFF70] =	vst v37  }
0x695: {  	v12 =	vmul.u32 $0x3, v12;
	v29 =	vld [tilespmem:s0+$0x0];
	v26 =	vadd.s32 v5, v26;
	v14 =	vshll.u32 v0, v14;
	[tilespmem:s30+$0xFFFFFFF0] =	vst v38  }
0x696: {  	v5 =	vshrl.u32 v1, $0xC;
	v17 =	vmul.u32 $0x3, v17;
	v30 =	vld [tilespmem:s0+$0x10];
	v22 =	vshll.u32 v0, v22;
	[tilespmem:s30+$0x70] =	vst v19  }
0x697: {  	v12 =	vshll.u32 v0, v12;
	v19 =	vmul.u32 $0x3, v24;
	v14 =	vadd.s32 v14, v22;
	v22 =	vld [tilespmem:s0+$0x20];
	[tilespmem:s30+$0xF0] =	vst v18  }
0x698: {  	v12 =	vadd.s32 v12, v25;
	v17 =	vshll.u32 v0, v17;
	v18 =	vld [tilespmem:s0+$0x40];
	v24 =	vmul.u32 $0x3, v27;
	[tilespmem:s30+$0xFFFFFE80] =	vst v16  }
0x699: {  	v12 =	vadd.s32 v17, v12;
	v16 =	vshll.u32 v0, v19;
	v17 =	vld [tilespmem:s0+$0x50];
	v19 =	vmul.u32 $0x3, v28;
	[tilespmem:s30+$0xFFFFFE90] =	vst v15  }
0x69a: {  	v15 =	vadd.s32 v16, v21;
	v16 =	vshll.u32 v0, v24;
	v21 =	vld [tilespmem:s0+$0x60];
	v24 =	vmul.u32 $0x3, v29;
	[tilespmem:s30+$0xFFFFFEA0] =	vst v13  }
0x69b: {  	v13 =	vadd.s32 v16, v20;
	v16 =	vshll.u32 v0, v19;
	v19 =	vld [tilespmem:s0+$0x70];
	v20 =	vmul.u32 $0x3, v30;
	[tilespmem:s30+$0xFFFFFEB0] =	vst v10  }
0x69c: {  	v10 =	vadd.s32 v16, v23;
	v16 =	vshll.u32 v0, v24;
	v23 =	vld [tilespmem:s0+$0x80];
	v22 =	vmul.u32 $0x3, v22;
	[tilespmem:s30+$0xFFFFFEC0] =	vst v8  }
0x69d: {  	v8 =	vmul.u32 $0x3, v18;
	v11 =	vadd.s32 v16, v11;
	v16 =	vshll.u32 v0, v20;
	v18 =	vld [tilespmem:s0+$0x90];
	[tilespmem:s30+$0xFFFFFED0] =	vst v9  }
0x69e: {  	v9 =	vmul.u32 $0x3, v17;
	v16 =	vadd.s32 v16, v26;
	v17 =	vshll.u32 v0, v22;
	v20 =	vld [tilespmem:s0+$0xA0];
	[tilespmem:s30+$0xFFFFFEE0] =	vst v7  }
0x69f: {  	v7 =	vshll.u32 v0, v8;
	v8 =	vld [tilespmem:s0+$0xC0];
	v21 =	vmul.u32 $0x3, v21;
	v14 =	vadd.s32 v17, v14;
	[tilespmem:s30+$0xFFFFFEF0] =	vst v6;
	s30 =	smov.u32 s29  }
0x6a0: {  	v6 =	vadd.s32 v7, v12;
	v7 =	vshll.u32 v0, v9;
	v9 =	vld [tilespmem:s0+$0xD0];
	v12 =	vmul.u32 $0x3, v19  }
0x6a1: {  	v7 =	vadd.s32 v7, v15;
	v15 =	vshll.u32 v0, v21;
	v17 =	vld [tilespmem:s0+$0xE0];
	v19 =	vmul.u32 $0x3, v23  }
0x6a2: {  	v13 =	vadd.s32 v15, v13;
	v12 =	vshll.u32 v0, v12;
	v15 =	vld [tilespmem:s0+$0xF0];
	v18 =	vmul.u32 $0x3, v18  }
0x6a3: {  	v10 =	vadd.s32 v12, v10;
	v12 =	vshll.u32 v0, v19;
	v19 =	vld [tilespmem:s0+$0x100];
	v20 =	vmul.u32 $0x3, v20  }
0x6a4: {  	v8 =	vmul.u32 $0x3, v8;
	v11 =	vadd.s32 v12, v11;
	v12 =	vshll.u32 v0, v18;
	v18 =	vld [tilespmem:s0+$0x110]  }
0x6a5: {  	v9 =	vmul.u32 $0x3, v9;
	v12 =	vadd.s32 v12, v16;
	v16 =	vshll.u32 v0, v20;
	v20 =	vld [tilespmem:s0+$0x120]  }
0x6a6: {  	v8 =	vshll.u32 v0, v8;
	v17 =	vmul.u32 $0x3, v17;
	v14 =	vadd.s32 v16, v14  }
0x6a7: {  	v16 =	vadd.s32 v8, v6;
	v6 =	vshll.u32 v0, v9;
	v8 =	vmul.u32 $0x3, v15  }
0x6a8: {  	v15 =	vadd.s32 v6, v7;
	v6 =	vshll.u32 v0, v17;
	v7 =	vmul.u32 $0x3, v19  }
0x6a9: {  	v13 =	vadd.s32 v6, v13;
	v6 =	vshll.u32 v0, v8;
	v8 =	vmul.u32 $0x3, v18  }
0x6aa: {  	v17 =	vadd.s32 v6, v10;
	v6 =	vshll.u32 v0, v7;
	v7 =	vmul.u32 $0x3, v20  }
0x6ab: {  	v9 =	vshrl.u32 v16, $0x3;
	v11 =	vadd.s32 v6, v11;
	v6 =	vshll.u32 v0, v8  }
0x6ac: {  	v8 =	vshrl.u32 v16, $0x6;
	v18 =	vadd.s32 v6, v12;
	v6 =	vshll.u32 v0, v7  }
0x6ad: {  	v10 =	vshrl.u32 v16, $0xC;
	v7 =	vshrl.u32 v16, $0x9;
	v19 =	vadd.s32 v6, v14  }
0x6ae: {  	v12 =	vshrl.u32 v15, $0x3;
	v6 =	vshrl.u32 v16, $0xF;
	v14 =	vshrl.u32 v15, $0x6  }
0x6af: {  	v21 =	vshrl.u32 v15, $0xC;
	v22 =	vshrl.u32 v15, $0xF;
	v20 =	vshrl.u32 v15, $0x9  }
0x6b0: {  	v23 =	vshrl.u32 v13, $0x3;
	v24 =	vshrl.u32 v13, $0x6;
	v25 =	vshrl.u32 v13, $0x9  }
0x6b1: {  	v26 =	vshrl.u32 v13, $0xC;
	v27 =	vshrl.u32 v13, $0xF;
	v28 =	vshrl.u32 v17, $0x3  }
0x6b2: {  	v29 =	vshrl.u32 v17, $0x6;
	v30 =	vshrl.u32 v17, $0x9;
	v31 =	vshrl.u32 v17, $0xC  }
0x6b3: {  	v32 =	vshrl.u32 v17, $0xF;
	v33 =	vshrl.u32 v11, $0x3;
	v34 =	vshrl.u32 v11, $0x6  }
0x6b4: {  	v35 =	vshrl.u32 v11, $0x9;
	v36 =	vshrl.u32 v11, $0xC;
	v37 =	vshrl.u32 v11, $0xF  }
0x6b5: {  	v38 =	vshrl.u32 v18, $0x3;
	v39 =	vshrl.u32 v18, $0x6;
	v40 =	vshrl.u32 v18, $0x9  }
0x6b6: {  	v41 =	vshrl.u32 v18, $0xC;
	v42 =	vshrl.u32 v18, $0xF;
	v43 =	vshrl.u32 v19, $0x3  }
0x6b7: {  	v44 =	vshrl.u32 v19, $0x6;
	v45 =	vshrl.u32 v19, $0x9;
	v46 =	vshrl.u32 v19, $0xC  }
0x6b8: {  	v47 =	vand.u32 $0x7, v9;
	v48 =	vand.u32 $0x7, v8;
	v49 =	vshrl.u32 v19, $0xF  }
0x6b9: {  	v51 =	vand.u32 $0x7, v10;
	v50 =	vand.u32 $0x7, v7;
	v52 =	vand.u32 $0x7, v6  }
0x6ba: {  	v20 =	vand.u32 $0x7, v20;
	v53 =	vand.u32 $0x7, v12;
	v54 =	vand.u32 $0x7, v14  }
0x6bb: {  	v21 =	vand.u32 $0x7, v21;
	v22 =	vand.u32 $0x7, v22;
	v23 =	vand.u32 $0x7, v23  }
0x6bc: {  	v24 =	vand.u32 $0x7, v24;
	v25 =	vand.u32 $0x7, v25;
	v26 =	vand.u32 $0x7, v26  }
0x6bd: {  	v27 =	vand.u32 $0x7, v27;
	v28 =	vand.u32 $0x7, v28;
	v29 =	vand.u32 $0x7, v29  }
0x6be: {  	v30 =	vand.u32 $0x7, v30;
	v31 =	vand.u32 $0x7, v31;
	v55 =	vand.u32 $0x7, v32  }
0x6bf: {  	v56 =	vand.u32 $0x7, v33;
	v34 =	vand.u32 $0x7, v34;
	v35 =	vand.u32 $0x7, v35  }
0x6c0: {  	v36 =	vand.u32 $0x7, v36;
	v37 =	vand.u32 $0x7, v37;
	v38 =	vand.u32 $0x7, v38  }
0x6c1: {  	v39 =	vand.u32 $0x7, v39;
	v40 =	vand.u32 $0x7, v40;
	v41 =	vand.u32 $0x7, v41  }
0x6c2: {  	v42 =	vand.u32 $0x7, v42;
	v43 =	vand.u32 $0x7, v43;
	v44 =	vand.u32 $0x7, v44  }
0x6c3: {  	v8 =	vand.u32 $0x7, v45;
	v9 =	vand.u32 $0x7, v46;
	v7 =	vand.u32 $0x7, v49  }
0x6c4: {  	v3 =	vand.u32 $0x7, v3;
	v10 =	vand.u32 $0x7, v2;
	v6 =	vand.u32 $0x7, v4  }
0x6c5: {  	v2 =	vand.u32 $0x7, v15;
	v15 =	vand.u32 $0x7, v5;
	v4 =	vand.u32 $0x7, v16  }
0x6c6: {  	v13 =	vand.u32 $0x7, v13;
	v12 =	vand.u32 $0x7, v17;
	v14 =	vand.u32 $0x7, v11  }
0x6c7: {  	v1 =	vand.u32 $0x7, v1;
	v11 =	vand.u32 $0x7, v18;
	v5 =	vand.u32 $0x7, v19  }
0x6c8: {  	v17 =	vcvt.s32.f32 v48;
	v16 =	vcvt.s32.f32 v47  }
0x6c9: {  	v18 =	vcvt.s32.f32 v50;
	v19 =	vcvt.s32.f32 v51  }
0x6ca: {  	v32 =	vcvt.s32.f32 v53;
	[tilespmem:s29+$0xFFFFFF00] =	vst v16;
	v16 =	vcvt.s32.f32 v52  }
0x6cb: {  	v20 =	vcvt.s32.f32 v20;
	[tilespmem:s29+$0xFFFFFF80] =	vst v17;
	v17 =	vcvt.s32.f32 v54  }
0x6cc: {  	v21 =	vcvt.s32.f32 v21;
	v22 =	vcvt.s32.f32 v22;
	[tilespmem:s29+$0x0] =	vst v18  }
0x6cd: {  	v23 =	vcvt.s32.f32 v23;
	v24 =	vcvt.s32.f32 v24;
	[tilespmem:s29+$0x80] =	vst v19  }
0x6ce: {  	v45 =	vcvt.s32.f32 v25;
	v46 =	vcvt.s32.f32 v26;
	[tilespmem:s29+$0x100] =	vst v16  }
0x6cf: {  	v33 =	vcvt.s32.f32 v27;
	v19 =	vcvt.s32.f32 v28;
	[tilespmem:s29+$0xFFFFFF10] =	vst v32  }
0x6d0: {  	v18 =	vcvt.s32.f32 v30;
	v16 =	vcvt.s32.f32 v29;
	[tilespmem:s29+$0xFFFFFF90] =	vst v17  }
0x6d1: {  	v32 =	vcvt.s32.f32 v31;
	v31 =	vcvt.s32.f32 v55;
	[tilespmem:s29+$0x10] =	vst v20  }
0x6d2: {  	v30 =	vcvt.s32.f32 v56;
	v29 =	vcvt.s32.f32 v34;
	[tilespmem:s29+$0x90] =	vst v21  }
.Ltmp7:
0x6d3: {  	v27 =	vcvt.s32.f32 v36;
	v28 =	vcvt.s32.f32 v35;
	[tilespmem:s29+$0x110] =	vst v22;
	(pc) =	sbr.rel @p0 .LBB2_16-.Ltmp7, $4  }
0x6d4: {  	v26 =	vcvt.s32.f32 v37;
	v25 =	vcvt.s32.f32 v38;
	[tilespmem:s29+$0xFFFFFF20] =	vst v23  }
0x6d5: {  	v23 =	vcvt.s32.f32 v40;
	[tilespmem:s29+$0xFFFFFFA0] =	vst v24;
	v24 =	vcvt.s32.f32 v39  }
0x6d6: {  	v21 =	vcvt.s32.f32 v42;
	v22 =	vcvt.s32.f32 v41;
	[tilespmem:s29+$0x20] =	vst v45  }
0x6d7: {  	s0 =	sadd.s32 $0x400, s0;
	v17 =	vcvt.s32.f32 v44;
	v20 =	vcvt.s32.f32 v43;
	[tilespmem:s29+$0xA0] =	vst v46  }
0x6d8: {  	[tilespmem:s29+$0x120] =	vst v33  }
0x6d9: {  	[tilespmem:s29+$0xFFFFFF30] =	vst v19  }
0x6da: {  	[tilespmem:s29+$0xFFFFFFB0] =	vst v16  }
0x6db: {  	[tilespmem:s29+$0x30] =	vst v18  }
0x6dc: {  	[tilespmem:s29+$0xB0] =	vst v32  }
0x6dd: {  	[tilespmem:s29+$0x130] =	vst v31  }
0x6de: {  	[tilespmem:s29+$0xFFFFFF40] =	vst v30  }
0x6df: {  	[tilespmem:s29+$0xFFFFFFC0] =	vst v29  }
0x6e0: {  	[tilespmem:s29+$0x40] =	vst v28  }
0x6e1: {  	[tilespmem:s29+$0xC0] =	vst v27  }
0x6e2: {  	[tilespmem:s29+$0x140] =	vst v26  }
0x6e3: {  	[tilespmem:s29+$0xFFFFFF50] =	vst v25  }
0x6e4: {  	[tilespmem:s29+$0xFFFFFFD0] =	vst v24  }
0x6e5: {  	[tilespmem:s29+$0x50] =	vst v23  }
0x6e6: {  	[tilespmem:s29+$0xD0] =	vst v22  }
0x6e7: {  	[tilespmem:s29+$0x150] =	vst v21  }
0x6e8: {  	v8 =	vcvt.s32.f32 v8;
	[tilespmem:s30+$0xFFFFFF60] =	vst v20  }
0x6e9: {  	v9 =	vcvt.s32.f32 v9;
	[tilespmem:s30+$0xFFFFFFE0] =	vst v17  }
0x6ea: {  	v7 =	vcvt.s32.f32 v7;
	[tilespmem:s30+$0x60] =	vst v8  }
0x6eb: {  	v59 =	vcvt.s32.f32 v10;
	[tilespmem:s30+$0xE0] =	vst v9  }
0x6ec: {  	v3 =	vcvt.s32.f32 v3;
	[tilespmem:s30+$0x160] =	vst v7  }
0x6ed: {  	v6 =	vcvt.s32.f32 v6;
	[tilespmem:s30+$0xFFFFFF70] =	vst v59  }
0x6ee: {  	v60 =	vcvt.s32.f32 v15;
	[tilespmem:s30+$0xFFFFFFF0] =	vst v3  }
0x6ef: {  	v2 =	vcvt.s32.f32 v2;
	[tilespmem:s30+$0x70] =	vst v6  }
0x6f0: {  	v61 =	vcvt.s32.f32 v13;
	[tilespmem:s30+$0xF0] =	vst v60  }
0x6f1: {  	v62 =	vcvt.s32.f32 v11;
	[tilespmem:s30+$0xFFFFFE90] =	vst v2  }
0x6f2: {  	v3 =	vcvt.s32.f32 v4;
	[tilespmem:s30+$0xFFFFFEA0] =	vst v61  }
0x6f3: {  	v1 =	vcvt.s32.f32 v1;
	[tilespmem:s30+$0xFFFFFED0] =	vst v62  }
0x6f4: {  	[tilespmem:s30+$0xFFFFFE80] =	vst v3;
	v3 =	vcvt.s32.f32 v12  }
0x6f5: {  	v2 =	vcvt.s32.f32 v14;
	[tilespmem:s30+$0xFFFFFEF0] =	vst v1  }
0x6f6: {  	[tilespmem:s30+$0xFFFFFEB0] =	vst v3;
	v3 =	vcvt.s32.f32 v5  }
0x6f7: {  	[tilespmem:s30+$0xFFFFFEC0] =	vst v2  }
0x6f8: {  	s28 =	sadd.s32 $0x1, s28;
	[tilespmem:s30+$0xFFFFFEE0] =	vst v3  }
0x6f9: {  	[hbm4b:s18+s2] =	stream.linear.scatter [tilespmem:s24], [sflag:$0x4], $0x8000, $0x38;
	v63 =	vld [tilespmem:$0x0]  }
0x6fa: {  	p0 =	sne.s32 s28, s19;
	_ =	swait.ge [sflag:s25], $0x8000  }
.Ltmp8:
0x6fb: {  	[sflag:s25] =	ssyncset.done $0x0;
	(pc) =	sbr.rel @p0 .LBB2_1-.Ltmp8, $4  }
0x6fc: {  	[sflag:s25] =	ssyncadd.s32 $0xFFFF8000  }
0x6fd: {  	_ =	swait.ge [sflag:s26], $0x8000  }
0x6fe: {  	[sflag:s26] =	ssyncset.done $0x0  }
0x6ff: {  	[sflag:s26] =	ssyncadd.s32 $0xFFFF8000  }
0x700: {  	_ =	sfence.sel $0x180000  }
0x701: {  	[bflag:$0x0] =	sbarrier.arrive $0xFFFF  }
0x702: {  	_ =	strace $0x90000047  }
0x703: {  	[bflag:$0x2] =	sbarrier.arrive $0xFFFF  }
0x704: {  	p0 =	sne.s32 s1, $0x0;
	s0 =	rddreg [dreg:$0x2]  }
0x705: {  	s0 =	sadd.s32 @!p0 $0x100000, s0  }
0x706: {  	[sflag:s0] =	ssyncadd.tile.s32 @!p0 $0x1;
	_ =	shalt  }
.Lfunc_end2:
_tile_overlayer_lowered:
.L_overlay_start_2:
0x707: {  	(tag) =	ssettag $0x2  }
0x708: {  	s0 =	rddreg [dreg:$0x0];
	s2 =	stileid.u32  }
0x709: {  	s1 =	rddreg [dreg:$0x1];
	p0 =	sne.s32 s2, $0x0  }
0x70a: {  	s3 =	rddreg [dreg:$0x2];
	[bflag:$0x3] =	sbarrier.arrive $0xFFFF;
	s2 =	simm.s32 @!p0 $0x1C05  }
0x70b: {  	[timem:s3], [sflag:s2] =	dma.local @!p0 [hbm:s0], s1  }
0x70c: {  	s0 =	simm.s32 @!p0 $0x5  }
0x70d: {  	_ =	swait.ge @!p0 [sflag:s0], s1  }
0x70e: {  	s1 =	ssub.s32 @!p0 $0x0, s1;
	[sflag:s0] =	ssyncset.done @!p0 $0x0  }
0x70f: {  	[sflag:s0] =	ssyncadd.s32 @!p0 s1  }
0x710: {  	[bflag:$0x3] =	sbarrier.arrive $0xFFFF  }
0x711: {  	_ =	shalt  }

</sc_bundles>
